<compile_context>
chip_gen: v7x
topology: tpu7x:2x2x1
jax: 0.10.2.dev20260603
libtpu: 0.0.44.dev20260713+nightly
codegen_flags: <defaults>
</compile_context>

<pallas_src>
import functools

import jax
import jax.numpy as jnp
from jax import lax
from jax.experimental import pallas as pl
from jax.experimental.pallas import tpu as pltpu
from jax.experimental.pallas import tpu_sc as plsc

_N = 10000
_E = 320000
_DIN = 128
_DH = 256
_G = 64

_NC = 2
_NS = 16
_CH = 128
_CHS = 80
_EPAD = 327680
_EPT = _EPAD // _NS
_EPT2 = _EPAD // (_NC * _NS)
_RPT = 624
_RLAST = _N - 15 * _RPT
_TRASH = _N
_NACC = _N + 8

_BLK = 1000

_f32 = jnp.float32


def _sc_mesh():
    return plsc.VectorSubcoreMesh(
        core_axis_name="c", subcore_axis_name="s",
        num_cores=_NC, num_subcores=_NS)


def _zero_acc(zeros_hbm, acc_sh, s):
    @pl.when(s < 15)
    def _():
        pltpu.sync_copy(zeros_hbm.at[pl.ds(0, _RPT)],
                        acc_sh.at[pl.ds(s * _RPT, _RPT)])

    @pl.when(s == 15)
    def _():
        pltpu.sync_copy(zeros_hbm, acc_sh.at[pl.ds(15 * _RPT, _RLAST)])


def _write_out(acc_sh, out_hbm, c, s):
    @pl.when(s < 15)
    def _():
        pltpu.sync_copy(acc_sh.at[pl.ds(s * _RPT, _RPT)],
                        out_hbm.at[pl.ds(c * _N + s * _RPT, _RPT)])

    @pl.when(s == 15)
    def _():
        pltpu.sync_copy(acc_sh.at[pl.ds(15 * _RPT, _RLAST)],
                        out_hbm.at[pl.ds(c * _N + 15 * _RPT, _RLAST)])


def _deg_body(dst_hbm, ones_hbm, zeros_hbm,
              deg_hbm,
              dst_v, ones_v, acc_sh, sem):
    c = lax.axis_index("c")
    s = lax.axis_index("s")
    _zero_acc(zeros_hbm, acc_sh, s)
    pltpu.sync_copy(ones_hbm, ones_v)
    plsc.subcore_barrier()

    base = (c * _NS + s) * _EPT2

    def step(g, carry):
        off = base + g * _CH
        pltpu.sync_copy(dst_hbm.at[pl.ds(off, _CH)], dst_v)
        pltpu.sync_copy(ones_v, acc_sh.at[dst_v], add=True)
        return carry

    lax.fori_loop(0, _EPT2 // _CH, step, 0)
    plsc.subcore_barrier()
    _write_out(acc_sh, deg_hbm, c, s)


def _deg_call(dst_pad, ones128, zeros128):
    fn = pl.kernel(
        _deg_body,
        out_type=jax.ShapeDtypeStruct((2 * _N, 128), _f32),
        mesh=_sc_mesh(),
        scratch_types=[
            pltpu.VMEM((_CH,), jnp.int32),
            pltpu.VMEM((_CH, 128), _f32),
            pltpu.VMEM_SHARED((_NACC, 128), _f32),
            pltpu.SemaphoreType.DMA,
        ],
    )
    return fn(dst_pad, ones128, zeros128)


def _seg_body(src2_hbm, dst_hbm, y_hbm, zeros_hbm,
              out_hbm,
              src_v, dst_v, rows_v, si, sg, ss, acc_sh):
    c = lax.axis_index("c")
    s = lax.axis_index("s")
    _zero_acc(zeros_hbm, acc_sh, s)
    plsc.subcore_barrier()

    n_chunks = _EPT // _CHS
    base = c * _EPAD + s * _EPT
    dbase = s * _EPT

    def load_idx(g, ib, sem):
        pltpu.async_copy(src2_hbm.at[pl.ds(base + g * _CHS, _CHS)],
                         src_v[ib], sem)
        pltpu.async_copy(dst_hbm.at[pl.ds(dbase + g * _CHS, _CHS)],
                         dst_v[ib], sem)

    def drain_idx(ib, sem):
        pltpu.make_async_copy(src2_hbm.at[pl.ds(0, _CHS)], src_v[ib], sem).wait()
        pltpu.make_async_copy(dst_hbm.at[pl.ds(0, _CHS)], dst_v[ib], sem).wait()

    def drain_gather(rb):
        pltpu.make_async_copy(y_hbm.at[pl.ds(0, _CHS)], rows_v[rb], sg[rb]).wait()

    def drain_scatter(rb):
        pltpu.make_async_copy(y_hbm.at[pl.ds(0, _CHS)], rows_v[rb], ss[rb]).wait()

    def scatter(g_static_b, rb):
        pltpu.async_copy(rows_v[rb], acc_sh.at[dst_v[g_static_b]],
                         ss[rb], add=True)

    for g0 in range(4):
        pltpu.sync_copy(src2_hbm.at[pl.ds(base + g0 * _CHS, _CHS)], src_v[g0])
        pltpu.sync_copy(dst_hbm.at[pl.ds(dbase + g0 * _CHS, _CHS)], dst_v[g0])

    def octet(p, carry):
        for b in range(8):
            g = 8 * p + b
            rb = b % 4

            @pl.when(g >= 4)
            def _():
                drain_idx(b, si[rb])

            @pl.when(g + 4 < n_chunks)
            def _():
                load_idx(g + 4, (b + 4) % 8, si[rb])

            pltpu.async_copy(y_hbm.at[src_v[b]], rows_v[rb], sg[rb])

            @pl.when(g >= 3)
            def _():
                drain_gather((rb + 1) % 4)
                pltpu.sync_copy(rows_v[(rb + 1) % 4],
                                acc_sh.at[dst_v[(b + 5) % 8]], add=True)
        return carry

    lax.fori_loop(0, n_chunks // 8, octet, 0)

    drain_gather(1)
    pltpu.sync_copy(rows_v[1], acc_sh.at[dst_v[5]], add=True)
    drain_gather(2)
    pltpu.sync_copy(rows_v[2], acc_sh.at[dst_v[6]], add=True)
    drain_gather(3)
    pltpu.sync_copy(rows_v[3], acc_sh.at[dst_v[7]], add=True)

    plsc.subcore_barrier()
    _write_out(acc_sh, out_hbm, c, s)


def _seg_call(src2, dst_pad, y_s, zeros128):
    fn = pl.kernel(
        _seg_body,
        out_type=jax.ShapeDtypeStruct((2 * _N, 128), _f32),
        mesh=_sc_mesh(),
        scratch_types=[
            [pltpu.VMEM((_CHS,), jnp.int32) for _ in range(8)],
            [pltpu.VMEM((_CHS,), jnp.int32) for _ in range(8)],
            [pltpu.VMEM((_CHS, 128), _f32) for _ in range(4)],
            [pltpu.SemaphoreType.DMA for _ in range(4)],
            [pltpu.SemaphoreType.DMA for _ in range(4)],
            [pltpu.SemaphoreType.DMA for _ in range(4)],
            pltpu.VMEM_SHARED((_NACC, 128), _f32),
        ],
    )
    return fn(src2, dst_pad, y_s, zeros128)


def _dis_block(d_ref):
    deg = d_ref[...][0, :, 0:1] + d_ref[...][1, :, 0:1] + 1.0
    return lax.rsqrt(deg)


def _halves(st):
    return jnp.concatenate([st[0], st[1]], axis=1)


def _k1_body(x_ref, w1_ref, d_ref, y_ref):
    dis = _dis_block(d_ref)
    xw = jnp.dot(x_ref[...], w1_ref[...], preferred_element_type=_f32)
    y = xw * dis
    y_ref[...] = jnp.stack([y[:, :128], y[:, 128:]])


def _k1_call(x, W1, deg_st):
    grid = (_N // _BLK,)
    return pl.pallas_call(
        _k1_body,
        grid=grid,
        in_specs=[
            pl.BlockSpec((_BLK, _DIN), lambda i: (i, 0)),
            pl.BlockSpec((_DIN, _DH), lambda i: (0, 0)),
            pl.BlockSpec((2, _BLK, 128), lambda i: (0, i, 0)),
        ],
        out_specs=pl.BlockSpec((2, _BLK, 128), lambda i: (0, i, 0)),
        out_shape=jax.ShapeDtypeStruct((2, _N, 128), _f32),
    )(x, W1, deg_st)


def _k2_body(a_ref, y_ref, d_ref, b1_ref, w2_ref, o_ref):
    dis = _dis_block(d_ref)
    su = _halves(a_ref[...] + y_ref[...])
    h = jnp.maximum(su * dis + b1_ref[...][0:1, :], 0.0)
    y2 = jnp.dot(h, w2_ref[...], preferred_element_type=_f32) * dis
    o_ref[...] = jnp.stack([y2[:, :128], y2[:, 128:]])


def _k2_call(a_st, y_st, deg_st, b1r, W2):
    grid = (_N // _BLK,)
    st = pl.BlockSpec((2, _BLK, 128), lambda i: (0, i, 0))
    return pl.pallas_call(
        _k2_body,
        grid=grid,
        in_specs=[
            st, st,
            pl.BlockSpec((2, _BLK, 128), lambda i: (0, i, 0)),
            pl.BlockSpec((8, _DH), lambda i: (0, 0)),
            pl.BlockSpec((_DH, _DH), lambda i: (0, 0)),
        ],
        out_specs=st,
        out_shape=jax.ShapeDtypeStruct((2, _N, 128), _f32),
    )(a_st, y_st, deg_st, b1r, W2)


def _k3_body(a_ref, y_ref, d_ref, b2_ref, bat_ref, sums_ref, cnts_ref):
    i = pl.program_id(0)
    dis = _dis_block(d_ref)
    su = _halves(a_ref[...] + y_ref[...])
    h2 = su * dis + b2_ref[...][0:1, :]
    bb = bat_ref[...][:, 0:1]
    gio = lax.broadcasted_iota(jnp.int32, (_BLK, _G), 1)
    oh = (bb == gio).astype(_f32)
    psum = lax.dot_general(oh, h2, (((0,), (0,)), ((), ())),
                           preferred_element_type=_f32)
    pcnt = jnp.broadcast_to(jnp.sum(oh, axis=0)[:, None], (_G, 128))

    @pl.when(i == 0)
    def _():
        sums_ref[...] = psum
        cnts_ref[...] = pcnt

    @pl.when(i > 0)
    def _():
        sums_ref[...] = sums_ref[...] + psum
        cnts_ref[...] = cnts_ref[...] + pcnt


def _k3_call(a_st, y_st, deg_st, b2r, batch_r):
    grid = (_N // _BLK,)
    st = pl.BlockSpec((2, _BLK, 128), lambda i: (0, i, 0))
    return pl.pallas_call(
        _k3_body,
        grid=grid,
        in_specs=[
            st, st,
            pl.BlockSpec((2, _BLK, 128), lambda i: (0, i, 0)),
            pl.BlockSpec((8, _DH), lambda i: (0, 0)),
            pl.BlockSpec((_BLK, 128), lambda i: (i, 0)),
        ],
        out_specs=[
            pl.BlockSpec((_G, _DH), lambda i: (0, 0)),
            pl.BlockSpec((_G, 128), lambda i: (0, 0)),
        ],
        out_shape=[jax.ShapeDtypeStruct((_G, _DH), _f32),
                   jax.ShapeDtypeStruct((_G, 128), _f32)],
    )(a_st, y_st, deg_st, b2r, batch_r)


def _k4_body(sums_ref, cnts_ref, w_ref, b_ref, out_ref):
    pooled = sums_ref[...] / cnts_ref[...][:, 0:1]
    logits = jnp.dot(pooled, w_ref[...], preferred_element_type=_f32)
    out_ref[...] = jax.nn.sigmoid(logits + b_ref[...][0:1, 0:1])


def _k4_call(sums, cnts, fcw_pad, fcb_r):
    return pl.pallas_call(
        _k4_body,
        grid=(1,),
        in_specs=[
            pl.BlockSpec((_G, _DH), lambda i: (0, 0)),
            pl.BlockSpec((_G, 128), lambda i: (0, 0)),
            pl.BlockSpec((_DH, 128), lambda i: (0, 0)),
            pl.BlockSpec((8, 128), lambda i: (0, 0)),
        ],
        out_specs=pl.BlockSpec((_G, 128), lambda i: (0, 0)),
        out_shape=jax.ShapeDtypeStruct((_G, 128), _f32),
    )(sums, cnts, fcw_pad, fcb_r)


def kernel(x, edge_index, batch, W1, b1, W2, b2, fc_w, fc_b):
    npad = _EPAD - _E
    ei = edge_index.astype(jnp.int32)
    src_pad = jnp.concatenate([ei[0], jnp.zeros((npad,), jnp.int32)])
    dst_pad = jnp.concatenate([ei[1], jnp.full((npad,), _TRASH, jnp.int32)])
    src2 = jnp.concatenate([src_pad, src_pad + _N])

    ones128 = jnp.ones((_CH, 128), _f32)
    zeros128 = jnp.zeros((_RLAST, 128), _f32)

    b1r = jnp.broadcast_to(b1[None, :], (8, _DH))
    b2r = jnp.broadcast_to(b2[None, :], (8, _DH))
    fcw_pad = jnp.pad(fc_w, ((0, 0), (0, 127)))
    fcb_r = jnp.broadcast_to(fc_b[None, :], (8, 128))
    batch_r = jnp.broadcast_to(batch.astype(jnp.int32)[:, None], (_N, 128))

    deg_st = _deg_call(dst_pad, ones128, zeros128).reshape(2, _N, 128)
    y1_st = _k1_call(x, W1, deg_st)
    a1_st = _seg_call(src2, dst_pad, y1_st.reshape(2 * _N, 128),
                      zeros128).reshape(2, _N, 128)
    y2_st = _k2_call(a1_st, y1_st, deg_st, b1r, W2)
    a2_st = _seg_call(src2, dst_pad, y2_st.reshape(2 * _N, 128),
                      zeros128).reshape(2, _N, 128)
    sums, cnts = _k3_call(a2_st, y2_st, deg_st, b2r, batch_r)
    out = _k4_call(sums, cnts, fcw_pad, fcb_r)
    return out[:, 0:1]

# --- scband reference (transcript-rebuilt; emitter-appended) ---
"""Pipeline reference for scband-behavior-analyzer-39986145526514 (READ-ONLY COPY).

The authoritative reference and input builder live on the scoring server;
editing this copy changes nothing except your own understanding.
"""

import jax, jax.numpy as jnp
import numpy as np

N_NODES = 10000
N_EDGES = 320000
D_IN = 128
D_HID = 256
N_GRAPHS = 64


def setup_inputs(seed: int = 0) -> dict:
    key = jax.random.key(seed)
    ks = jax.random.split(key, 10)
    x = jax.random.normal(ks[0], (N_NODES, D_IN), dtype=jnp.float32)
    edge_index = jax.random.randint(ks[1], (2, N_EDGES), 0, N_NODES, dtype=jnp.int64)
    batch = jnp.sort(jax.random.randint(ks[2], (N_NODES,), 0, N_GRAPHS, dtype=jnp.int64))
    # GCNConv weights (glorot-like) and biases
    W1 = jax.random.normal(ks[3], (D_IN, D_HID), dtype=jnp.float32) * (1.0 / np.sqrt(D_IN))
    b1 = jnp.zeros((D_HID,), dtype=jnp.float32)
    W2 = jax.random.normal(ks[4], (D_HID, D_HID), dtype=jnp.float32) * (1.0 / np.sqrt(D_HID))
    b2 = jnp.zeros((D_HID,), dtype=jnp.float32)
    fc_w = jax.random.normal(ks[5], (D_HID, 1), dtype=jnp.float32) * (1.0 / np.sqrt(D_HID))
    fc_b = jnp.zeros((1,), dtype=jnp.float32)
    return {"x": x, "edge_index": edge_index, "batch": batch,
            "W1": W1, "b1": b1, "W2": W2, "b2": b2, "fc_w": fc_w, "fc_b": fc_b}


def _gcn_conv(x, W, b, src, dst, n_nodes):
    # x' = D^{-1/2} (A + I) D^{-1/2} X W + b  (PyG GCNConv with self-loops)
    xw = x @ W
    ones = jnp.ones(src.shape[0], dtype=x.dtype)
    deg = jax.ops.segment_sum(ones, dst, num_segments=n_nodes)
    deg_inv_sqrt = jnp.where(deg > 0, jax.lax.rsqrt(jnp.maximum(deg, 1e-12)), 0.0)
    norm = deg_inv_sqrt[src] * deg_inv_sqrt[dst]
    msg = xw[src] * norm[:, None]
    out = jax.ops.segment_sum(msg, dst, num_segments=n_nodes)
    return out + b


def reference(x, edge_index, batch, W1, b1, W2, b2, fc_w, fc_b):
    n = x.shape[0]
    loops = jnp.arange(n, dtype=edge_index.dtype)
    src = jnp.concatenate([edge_index[0], loops])
    dst = jnp.concatenate([edge_index[1], loops])
    h = _gcn_conv(x, W1, b1, src, dst, n)
    h = jax.nn.relu(h)
    # dropout p=0.5 is identity in eval mode (training=False)
    h = _gcn_conv(h, W2, b2, src, dst, n)
    # global_mean_pool over batch assignment
    sums = jax.ops.segment_sum(h, batch, num_segments=N_GRAPHS)
    counts = jax.ops.segment_sum(jnp.ones((n,), dtype=h.dtype), batch, num_segments=N_GRAPHS)
    pooled = sums / jnp.maximum(counts, 1.0)[:, None]
    logits = pooled @ fc_w + fc_b
    return jax.nn.sigmoid(logits)

if __name__ == "__main__":
    import jax
    _d = setup_inputs()
    print(jax.jit(kernel)(*tuple(_d.values())))

</pallas_src>

<mosaic_0001>
#map = affine_map<(d0, d1) -> (0)>
#map1 = affine_map<(d0, d1) -> (0, 0)>
module attributes {stable_mosaic.version = 14 : i64} {
  func.func @_seg_body(%arg0: i32, %arg1: i32, %arg2: memref<655360xi32, #tpu.memory_space<hbm>>, %arg3: memref<327680xi32, #tpu.memory_space<hbm>>, %arg4: memref<20000x128xf32, #tpu.memory_space<hbm>>, %arg5: memref<640x128xf32, #tpu.memory_space<hbm>>, %arg6: memref<20000x128xf32, #tpu.memory_space<hbm>>, %arg7: memref<80xi32, #tpu.memory_space<vmem>>, %arg8: memref<80xi32, #tpu.memory_space<vmem>>, %arg9: memref<80xi32, #tpu.memory_space<vmem>>, %arg10: memref<80xi32, #tpu.memory_space<vmem>>, %arg11: memref<80xi32, #tpu.memory_space<vmem>>, %arg12: memref<80xi32, #tpu.memory_space<vmem>>, %arg13: memref<80xi32, #tpu.memory_space<vmem>>, %arg14: memref<80xi32, #tpu.memory_space<vmem>>, %arg15: memref<80xi32, #tpu.memory_space<vmem>>, %arg16: memref<80xi32, #tpu.memory_space<vmem>>, %arg17: memref<80xi32, #tpu.memory_space<vmem>>, %arg18: memref<80xi32, #tpu.memory_space<vmem>>, %arg19: memref<80xi32, #tpu.memory_space<vmem>>, %arg20: memref<80xi32, #tpu.memory_space<vmem>>, %arg21: memref<80xi32, #tpu.memory_space<vmem>>, %arg22: memref<80xi32, #tpu.memory_space<vmem>>, %arg23: memref<80x128xf32, #tpu.memory_space<vmem>>, %arg24: memref<80x128xf32, #tpu.memory_space<vmem>>, %arg25: memref<80x128xf32, #tpu.memory_space<vmem>>, %arg26: memref<80x128xf32, #tpu.memory_space<vmem>>, %arg27: memref<!tpu.dma_semaphore, #tpu.memory_space<semaphore_mem>>, %arg28: memref<!tpu.dma_semaphore, #tpu.memory_space<semaphore_mem>>, %arg29: memref<!tpu.dma_semaphore, #tpu.memory_space<semaphore_mem>>, %arg30: memref<!tpu.dma_semaphore, #tpu.memory_space<semaphore_mem>>, %arg31: memref<!tpu.dma_semaphore, #tpu.memory_space<semaphore_mem>>, %arg32: memref<!tpu.dma_semaphore, #tpu.memory_space<semaphore_mem>>, %arg33: memref<!tpu.dma_semaphore, #tpu.memory_space<semaphore_mem>>, %arg34: memref<!tpu.dma_semaphore, #tpu.memory_space<semaphore_mem>>, %arg35: memref<!tpu.dma_semaphore, #tpu.memory_space<semaphore_mem>>, %arg36: memref<!tpu.dma_semaphore, #tpu.memory_space<semaphore_mem>>, %arg37: memref<!tpu.dma_semaphore, #tpu.memory_space<semaphore_mem>>, %arg38: memref<!tpu.dma_semaphore, #tpu.memory_space<semaphore_mem>>, %arg39: memref<10008x128xf32, #tpu.memory_space<vmem_shared>>) attributes {dimension_semantics = [#tpu.dimension_semantics<core_parallel>, #tpu.dimension_semantics<subcore_parallel>], iteration_bounds = array<i64: 2, 16>, scalar_prefetch = 0 : i64, scratch_operands = 33 : i64, tpu.core_type = #tpu.core_type<sc_vector_subcore>, window_params = [{transform_indices = #map}, {transform_indices = #map}, {transform_indices = #map1}, {transform_indices = #map1}, {transform_indices = #map1}]} {
    %lt3A = arith.constant 15 : i32
    %lt3A_0 = arith.cmpi slt, %arg1, %lt3A : i32
    %convert_element_type3A = arith.extui %lt3A_0 : i1 to i32
    %cond3A = arith.constant 0 : i32
    %cond3A_1 = arith.cmpi ne, %convert_element_type3A, %cond3A : i32
    scf.if %cond3A_1 {
      %mul3A_60 = arith.constant 624 : i32
      %mul3A_61 = arith.muli %arg1, %mul3A_60 : i32
      "tpu.region"() ({
        %run_scoped3A = tpu.sem_alloc : memref<!tpu.dma_semaphore, #tpu.memory_space<semaphore_mem>>
        %dma_start3A = arith.constant 0 : i32
        %dma_start3A_62 = tpu.memref_slice %arg39[%mul3A_61, %dma_start3A] : memref<10008x128xf32, #tpu.memory_space<vmem_shared>> -> memref<624x128xf32, #tpu.memory_space<vmem_shared>>
        %dma_start3A_63 = arith.constant 0 : i32
        %dma_start3A_64 = arith.constant 0 : i32
        %dma_start3A_65 = tpu.memref_slice %arg5[%dma_start3A_63, %dma_start3A_64] : memref<640x128xf32, #tpu.memory_space<hbm>> -> memref<624x128xf32, #tpu.memory_space<hbm>>
        tpu.enqueue_dma source(%dma_start3A_65 : memref<624x128xf32, #tpu.memory_space<hbm>>) target(%dma_start3A_62 : memref<624x128xf32, #tpu.memory_space<vmem_shared>>) target_semaphore(%run_scoped3A : memref<!tpu.dma_semaphore, #tpu.memory_space<semaphore_mem>>)
        %dma_wait3A_66 = arith.constant 0 : i32
        %dma_wait3A_67 = tpu.memref_slice %arg39[%mul3A_61, %dma_wait3A_66] : memref<10008x128xf32, #tpu.memory_space<vmem_shared>> -> memref<624x128xf32, #tpu.memory_space<vmem_shared>>
        %dma_wait3A_68 = arith.constant 0 : i32
        %dma_wait3A_69 = arith.constant 0 : i32
        %dma_wait3A_70 = tpu.memref_slice %arg5[%dma_wait3A_68, %dma_wait3A_69] : memref<640x128xf32, #tpu.memory_space<hbm>> -> memref<624x128xf32, #tpu.memory_space<hbm>>
        tpu.wait_dma2 semaphore(%run_scoped3A : memref<!tpu.dma_semaphore, #tpu.memory_space<semaphore_mem>>) src(%dma_wait3A_70 : memref<624x128xf32, #tpu.memory_space<hbm>>) dst(%dma_wait3A_67 : memref<624x128xf32, #tpu.memory_space<vmem_shared>>)
        tpu.yield
      }) : () -> ()
    } else {
    }
    %eq3A = arith.constant 15 : i32
    %eq3A_2 = arith.cmpi eq, %arg1, %eq3A : i32
    %convert_element_type3A_3 = arith.extui %eq3A_2 : i1 to i32
    %cond3A_4 = arith.constant 0 : i32
    %cond3A_5 = arith.cmpi ne, %convert_element_type3A_3, %cond3A_4 : i32
    scf.if %cond3A_5 {
      "tpu.region"() ({
        %run_scoped3A = tpu.sem_alloc : memref<!tpu.dma_semaphore, #tpu.memory_space<semaphore_mem>>
        %dma_start3A = arith.constant 9360 : i32
        %dma_start3A_60 = arith.constant 0 : i32
        %dma_start3A_61 = tpu.memref_slice %arg39[%dma_start3A, %dma_start3A_60] : memref<10008x128xf32, #tpu.memory_space<vmem_shared>> -> memref<640x128xf32, #tpu.memory_space<vmem_shared>>
        tpu.enqueue_dma source(%arg5 : memref<640x128xf32, #tpu.memory_space<hbm>>) target(%dma_start3A_61 : memref<640x128xf32, #tpu.memory_space<vmem_shared>>) target_semaphore(%run_scoped3A : memref<!tpu.dma_semaphore, #tpu.memory_space<semaphore_mem>>)
        %dma_wait3A_62 = arith.constant 9360 : i32
        %dma_wait3A_63 = arith.constant 0 : i32
        %dma_wait3A_64 = tpu.memref_slice %arg39[%dma_wait3A_62, %dma_wait3A_63] : memref<10008x128xf32, #tpu.memory_space<vmem_shared>> -> memref<640x128xf32, #tpu.memory_space<vmem_shared>>
        tpu.wait_dma2 semaphore(%run_scoped3A : memref<!tpu.dma_semaphore, #tpu.memory_space<semaphore_mem>>) src(%arg5 : memref<640x128xf32, #tpu.memory_space<hbm>>) dst(%dma_wait3A_64 : memref<640x128xf32, #tpu.memory_space<vmem_shared>>)
        tpu.yield
      }) : () -> ()
    } else {
    }
    %barrier3A = arith.constant 0 : index
    tpu.barrier barrier_id(%barrier3A)
    %mul3A = arith.constant 327680 : i32
    %mul3A_6 = arith.muli %arg0, %mul3A : i32
    %mul3A_7 = arith.constant 20480 : i32
    %mul3A_8 = arith.muli %arg1, %mul3A_7 : i32
    %add3A = arith.addi %mul3A_6, %mul3A_8 : i32
    %mul3A_9 = arith.constant 20480 : i32
    %mul3A_10 = arith.muli %arg1, %mul3A_9 : i32
    %add3A_11 = arith.constant 0 : i32
    %add3A_12 = arith.addi %add3A, %add3A_11 : i32
    "tpu.region"() ({
      %run_scoped3A = tpu.sem_alloc : memref<!tpu.dma_semaphore, #tpu.memory_space<semaphore_mem>>
      %dma_start3A = tpu.memref_slice %arg2[%add3A_12] : memref<655360xi32, #tpu.memory_space<hbm>> -> memref<80xi32, #tpu.memory_space<hbm>>
      %dma_start3A_60 = tpu.memref_slice %arg2[%add3A_12] : memref<655360xi32, #tpu.memory_space<hbm>> -> memref<80xi32, #tpu.memory_space<hbm>>
      tpu.enqueue_dma source(%dma_start3A_60 : memref<80xi32, #tpu.memory_space<hbm>>) target(%arg7 : memref<80xi32, #tpu.memory_space<vmem>>) target_semaphore(%run_scoped3A : memref<!tpu.dma_semaphore, #tpu.memory_space<semaphore_mem>>)
      %dma_wait3A_61 = tpu.memref_slice %arg2[%add3A_12] : memref<655360xi32, #tpu.memory_space<hbm>> -> memref<80xi32, #tpu.memory_space<hbm>>
      %dma_wait3A_62 = tpu.memref_slice %arg2[%add3A_12] : memref<655360xi32, #tpu.memory_space<hbm>> -> memref<80xi32, #tpu.memory_space<hbm>>
      tpu.wait_dma2 semaphore(%run_scoped3A : memref<!tpu.dma_semaphore, #tpu.memory_space<semaphore_mem>>) src(%dma_wait3A_62 : memref<80xi32, #tpu.memory_space<hbm>>) dst(%arg7 : memref<80xi32, #tpu.memory_space<vmem>>)
      tpu.yield
    }) : () -> ()
    %add3A_13 = arith.constant 0 : i32
    %add3A_14 = arith.addi %mul3A_10, %add3A_13 : i32
    "tpu.region"() ({
      %run_scoped3A = tpu.sem_alloc : memref<!tpu.dma_semaphore, #tpu.memory_space<semaphore_mem>>
      %dma_start3A = tpu.memref_slice %arg3[%add3A_14] : memref<327680xi32, #tpu.memory_space<hbm>> -> memref<80xi32, #tpu.memory_space<hbm>>
      %dma_start3A_60 = tpu.memref_slice %arg3[%add3A_14] : memref<327680xi32, #tpu.memory_space<hbm>> -> memref<80xi32, #tpu.memory_space<hbm>>
      tpu.enqueue_dma source(%dma_start3A_60 : memref<80xi32, #tpu.memory_space<hbm>>) target(%arg15 : memref<80xi32, #tpu.memory_space<vmem>>) target_semaphore(%run_scoped3A : memref<!tpu.dma_semaphore, #tpu.memory_space<semaphore_mem>>)
      %dma_wait3A_61 = tpu.memref_slice %arg3[%add3A_14] : memref<327680xi32, #tpu.memory_space<hbm>> -> memref<80xi32, #tpu.memory_space<hbm>>
      %dma_wait3A_62 = tpu.memref_slice %arg3[%add3A_14] : memref<327680xi32, #tpu.memory_space<hbm>> -> memref<80xi32, #tpu.memory_space<hbm>>
      tpu.wait_dma2 semaphore(%run_scoped3A : memref<!tpu.dma_semaphore, #tpu.memory_space<semaphore_mem>>) src(%dma_wait3A_62 : memref<80xi32, #tpu.memory_space<hbm>>) dst(%arg15 : memref<80xi32, #tpu.memory_space<vmem>>)
      tpu.yield
    }) : () -> ()
    %add3A_15 = arith.constant 80 : i32
    %add3A_16 = arith.addi %add3A, %add3A_15 : i32
    "tpu.region"() ({
      %run_scoped3A = tpu.sem_alloc : memref<!tpu.dma_semaphore, #tpu.memory_space<semaphore_mem>>
      %dma_start3A = tpu.memref_slice %arg2[%add3A_16] : memref<655360xi32, #tpu.memory_space<hbm>> -> memref<80xi32, #tpu.memory_space<hbm>>
      %dma_start3A_60 = tpu.memref_slice %arg2[%add3A_16] : memref<655360xi32, #tpu.memory_space<hbm>> -> memref<80xi32, #tpu.memory_space<hbm>>
      tpu.enqueue_dma source(%dma_start3A_60 : memref<80xi32, #tpu.memory_space<hbm>>) target(%arg8 : memref<80xi32, #tpu.memory_space<vmem>>) target_semaphore(%run_scoped3A : memref<!tpu.dma_semaphore, #tpu.memory_space<semaphore_mem>>)
      %dma_wait3A_61 = tpu.memref_slice %arg2[%add3A_16] : memref<655360xi32, #tpu.memory_space<hbm>> -> memref<80xi32, #tpu.memory_space<hbm>>
      %dma_wait3A_62 = tpu.memref_slice %arg2[%add3A_16] : memref<655360xi32, #tpu.memory_space<hbm>> -> memref<80xi32, #tpu.memory_space<hbm>>
      tpu.wait_dma2 semaphore(%run_scoped3A : memref<!tpu.dma_semaphore, #tpu.memory_space<semaphore_mem>>) src(%dma_wait3A_62 : memref<80xi32, #tpu.memory_space<hbm>>) dst(%arg8 : memref<80xi32, #tpu.memory_space<vmem>>)
      tpu.yield
    }) : () -> ()
    %add3A_17 = arith.constant 80 : i32
    %add3A_18 = arith.addi %mul3A_10, %add3A_17 : i32
    "tpu.region"() ({
      %run_scoped3A = tpu.sem_alloc : memref<!tpu.dma_semaphore, #tpu.memory_space<semaphore_mem>>
      %dma_start3A = tpu.memref_slice %arg3[%add3A_18] : memref<327680xi32, #tpu.memory_space<hbm>> -> memref<80xi32, #tpu.memory_space<hbm>>
      %dma_start3A_60 = tpu.memref_slice %arg3[%add3A_18] : memref<327680xi32, #tpu.memory_space<hbm>> -> memref<80xi32, #tpu.memory_space<hbm>>
      tpu.enqueue_dma source(%dma_start3A_60 : memref<80xi32, #tpu.memory_space<hbm>>) target(%arg16 : memref<80xi32, #tpu.memory_space<vmem>>) target_semaphore(%run_scoped3A : memref<!tpu.dma_semaphore, #tpu.memory_space<semaphore_mem>>)
      %dma_wait3A_61 = tpu.memref_slice %arg3[%add3A_18] : memref<327680xi32, #tpu.memory_space<hbm>> -> memref<80xi32, #tpu.memory_space<hbm>>
      %dma_wait3A_62 = tpu.memref_slice %arg3[%add3A_18] : memref<327680xi32, #tpu.memory_space<hbm>> -> memref<80xi32, #tpu.memory_space<hbm>>
      tpu.wait_dma2 semaphore(%run_scoped3A : memref<!tpu.dma_semaphore, #tpu.memory_space<semaphore_mem>>) src(%dma_wait3A_62 : memref<80xi32, #tpu.memory_space<hbm>>) dst(%arg16 : memref<80xi32, #tpu.memory_space<vmem>>)
      tpu.yield
    }) : () -> ()
    %add3A_19 = arith.constant 160 : i32
    %add3A_20 = arith.addi %add3A, %add3A_19 : i32
    "tpu.region"() ({
      %run_scoped3A = tpu.sem_alloc : memref<!tpu.dma_semaphore, #tpu.memory_space<semaphore_mem>>
      %dma_start3A = tpu.memref_slice %arg2[%add3A_20] : memref<655360xi32, #tpu.memory_space<hbm>> -> memref<80xi32, #tpu.memory_space<hbm>>
      %dma_start3A_60 = tpu.memref_slice %arg2[%add3A_20] : memref<655360xi32, #tpu.memory_space<hbm>> -> memref<80xi32, #tpu.memory_space<hbm>>
      tpu.enqueue_dma source(%dma_start3A_60 : memref<80xi32, #tpu.memory_space<hbm>>) target(%arg9 : memref<80xi32, #tpu.memory_space<vmem>>) target_semaphore(%run_scoped3A : memref<!tpu.dma_semaphore, #tpu.memory_space<semaphore_mem>>)
      %dma_wait3A_61 = tpu.memref_slice %arg2[%add3A_20] : memref<655360xi32, #tpu.memory_space<hbm>> -> memref<80xi32, #tpu.memory_space<hbm>>
      %dma_wait3A_62 = tpu.memref_slice %arg2[%add3A_20] : memref<655360xi32, #tpu.memory_space<hbm>> -> memref<80xi32, #tpu.memory_space<hbm>>
      tpu.wait_dma2 semaphore(%run_scoped3A : memref<!tpu.dma_semaphore, #tpu.memory_space<semaphore_mem>>) src(%dma_wait3A_62 : memref<80xi32, #tpu.memory_space<hbm>>) dst(%arg9 : memref<80xi32, #tpu.memory_space<vmem>>)
      tpu.yield
    }) : () -> ()
    %add3A_21 = arith.constant 160 : i32
    %add3A_22 = arith.addi %mul3A_10, %add3A_21 : i32
    "tpu.region"() ({
      %run_scoped3A = tpu.sem_alloc : memref<!tpu.dma_semaphore, #tpu.memory_space<semaphore_mem>>
      %dma_start3A = tpu.memref_slice %arg3[%add3A_22] : memref<327680xi32, #tpu.memory_space<hbm>> -> memref<80xi32, #tpu.memory_space<hbm>>
      %dma_start3A_60 = tpu.memref_slice %arg3[%add3A_22] : memref<327680xi32, #tpu.memory_space<hbm>> -> memref<80xi32, #tpu.memory_space<hbm>>
      tpu.enqueue_dma source(%dma_start3A_60 : memref<80xi32, #tpu.memory_space<hbm>>) target(%arg17 : memref<80xi32, #tpu.memory_space<vmem>>) target_semaphore(%run_scoped3A : memref<!tpu.dma_semaphore, #tpu.memory_space<semaphore_mem>>)
      %dma_wait3A_61 = tpu.memref_slice %arg3[%add3A_22] : memref<327680xi32, #tpu.memory_space<hbm>> -> memref<80xi32, #tpu.memory_space<hbm>>
      %dma_wait3A_62 = tpu.memref_slice %arg3[%add3A_22] : memref<327680xi32, #tpu.memory_space<hbm>> -> memref<80xi32, #tpu.memory_space<hbm>>
      tpu.wait_dma2 semaphore(%run_scoped3A : memref<!tpu.dma_semaphore, #tpu.memory_space<semaphore_mem>>) src(%dma_wait3A_62 : memref<80xi32, #tpu.memory_space<hbm>>) dst(%arg17 : memref<80xi32, #tpu.memory_space<vmem>>)
      tpu.yield
    }) : () -> ()
    %add3A_23 = arith.constant 240 : i32
    %add3A_24 = arith.addi %add3A, %add3A_23 : i32
    "tpu.region"() ({
      %run_scoped3A = tpu.sem_alloc : memref<!tpu.dma_semaphore, #tpu.memory_space<semaphore_mem>>
      %dma_start3A = tpu.memref_slice %arg2[%add3A_24] : memref<655360xi32, #tpu.memory_space<hbm>> -> memref<80xi32, #tpu.memory_space<hbm>>
      %dma_start3A_60 = tpu.memref_slice %arg2[%add3A_24] : memref<655360xi32, #tpu.memory_space<hbm>> -> memref<80xi32, #tpu.memory_space<hbm>>
      tpu.enqueue_dma source(%dma_start3A_60 : memref<80xi32, #tpu.memory_space<hbm>>) target(%arg10 : memref<80xi32, #tpu.memory_space<vmem>>) target_semaphore(%run_scoped3A : memref<!tpu.dma_semaphore, #tpu.memory_space<semaphore_mem>>)
      %dma_wait3A_61 = tpu.memref_slice %arg2[%add3A_24] : memref<655360xi32, #tpu.memory_space<hbm>> -> memref<80xi32, #tpu.memory_space<hbm>>
      %dma_wait3A_62 = tpu.memref_slice %arg2[%add3A_24] : memref<655360xi32, #tpu.memory_space<hbm>> -> memref<80xi32, #tpu.memory_space<hbm>>
      tpu.wait_dma2 semaphore(%run_scoped3A : memref<!tpu.dma_semaphore, #tpu.memory_space<semaphore_mem>>) src(%dma_wait3A_62 : memref<80xi32, #tpu.memory_space<hbm>>) dst(%arg10 : memref<80xi32, #tpu.memory_space<vmem>>)
      tpu.yield
    }) : () -> ()
    %add3A_25 = arith.constant 240 : i32
    %add3A_26 = arith.addi %mul3A_10, %add3A_25 : i32
    "tpu.region"() ({
      %run_scoped3A = tpu.sem_alloc : memref<!tpu.dma_semaphore, #tpu.memory_space<semaphore_mem>>
      %dma_start3A = tpu.memref_slice %arg3[%add3A_26] : memref<327680xi32, #tpu.memory_space<hbm>> -> memref<80xi32, #tpu.memory_space<hbm>>
      %dma_start3A_60 = tpu.memref_slice %arg3[%add3A_26] : memref<327680xi32, #tpu.memory_space<hbm>> -> memref<80xi32, #tpu.memory_space<hbm>>
      tpu.enqueue_dma source(%dma_start3A_60 : memref<80xi32, #tpu.memory_space<hbm>>) target(%arg18 : memref<80xi32, #tpu.memory_space<vmem>>) target_semaphore(%run_scoped3A : memref<!tpu.dma_semaphore, #tpu.memory_space<semaphore_mem>>)
      %dma_wait3A_61 = tpu.memref_slice %arg3[%add3A_26] : memref<327680xi32, #tpu.memory_space<hbm>> -> memref<80xi32, #tpu.memory_space<hbm>>
      %dma_wait3A_62 = tpu.memref_slice %arg3[%add3A_26] : memref<327680xi32, #tpu.memory_space<hbm>> -> memref<80xi32, #tpu.memory_space<hbm>>
      tpu.wait_dma2 semaphore(%run_scoped3A : memref<!tpu.dma_semaphore, #tpu.memory_space<semaphore_mem>>) src(%dma_wait3A_62 : memref<80xi32, #tpu.memory_space<hbm>>) dst(%arg18 : memref<80xi32, #tpu.memory_space<vmem>>)
      tpu.yield
    }) : () -> ()
    %scan3A = arith.constant 0 : i32
    %scan3A_27 = arith.constant 0 : i32
    %scan3A_28 = arith.constant 32 : i32
    %scan3A_29 = arith.addi %scan3A_27, %scan3A_28 : i32
    %scan3A_30 = arith.constant 1 : i32
    scf.for %scan3A_60 = %scan3A_27 to %scan3A_29 step %scan3A_30  : i32 {
      %mul3A_61 = arith.constant 8 : i32
      %mul3A_62 = arith.muli %mul3A_61, %scan3A_60 : i32
      %add3A_63 = arith.constant 0 : i32
      %add3A_64 = arith.addi %mul3A_62, %add3A_63 : i32
      %ge3A = arith.constant 4 : i32
      %ge3A_65 = arith.cmpi sge, %add3A_64, %ge3A : i32
      %convert_element_type3A_66 = arith.extui %ge3A_65 : i1 to i32
      %cond3A_67 = arith.constant 0 : i32
      %cond3A_68 = arith.cmpi ne, %convert_element_type3A_66, %cond3A_67 : i32
      scf.if %cond3A_68 {
        %dma_wait3A_251 = arith.constant 0 : i32
        %dma_wait3A_252 = tpu.memref_slice %arg2[%dma_wait3A_251] : memref<655360xi32, #tpu.memory_space<hbm>> -> memref<80xi32, #tpu.memory_space<hbm>>
        %dma_wait3A_253 = arith.constant 0 : i32
        %dma_wait3A_254 = tpu.memref_slice %arg2[%dma_wait3A_253] : memref<655360xi32, #tpu.memory_space<hbm>> -> memref<80xi32, #tpu.memory_space<hbm>>
        tpu.wait_dma2 semaphore(%arg27 : memref<!tpu.dma_semaphore, #tpu.memory_space<semaphore_mem>>) src(%dma_wait3A_254 : memref<80xi32, #tpu.memory_space<hbm>>) dst(%arg7 : memref<80xi32, #tpu.memory_space<vmem>>)
        %dma_wait3A_255 = arith.constant 0 : i32
        %dma_wait3A_256 = tpu.memref_slice %arg3[%dma_wait3A_255] : memref<327680xi32, #tpu.memory_space<hbm>> -> memref<80xi32, #tpu.memory_space<hbm>>
        %dma_wait3A_257 = arith.constant 0 : i32
        %dma_wait3A_258 = tpu.memref_slice %arg3[%dma_wait3A_257] : memref<327680xi32, #tpu.memory_space<hbm>> -> memref<80xi32, #tpu.memory_space<hbm>>
        tpu.wait_dma2 semaphore(%arg27 : memref<!tpu.dma_semaphore, #tpu.memory_space<semaphore_mem>>) src(%dma_wait3A_258 : memref<80xi32, #tpu.memory_space<hbm>>) dst(%arg15 : memref<80xi32, #tpu.memory_space<vmem>>)
      } else {
      }
      %add3A_69 = arith.constant 4 : i32
      %add3A_70 = arith.addi %add3A_64, %add3A_69 : i32
      %lt3A_71 = arith.constant 256 : i32
      %lt3A_72 = arith.cmpi slt, %add3A_70, %lt3A_71 : i32
      %convert_element_type3A_73 = arith.extui %lt3A_72 : i1 to i32
      %cond3A_74 = arith.constant 0 : i32
      %cond3A_75 = arith.cmpi ne, %convert_element_type3A_73, %cond3A_74 : i32
      scf.if %cond3A_75 {
        %add3A_251 = arith.constant 4 : i32
        %add3A_252 = arith.addi %add3A_64, %add3A_251 : i32
        %mul3A_253 = arith.constant 80 : i32
        %mul3A_254 = arith.muli %add3A_252, %mul3A_253 : i32
        %add3A_255 = arith.addi %add3A, %mul3A_254 : i32
        %dma_start3A_256 = tpu.memref_slice %arg2[%add3A_255] : memref<655360xi32, #tpu.memory_space<hbm>> -> memref<80xi32, #tpu.memory_space<hbm>>
        %dma_start3A_257 = tpu.memref_slice %arg2[%add3A_255] : memref<655360xi32, #tpu.memory_space<hbm>> -> memref<80xi32, #tpu.memory_space<hbm>>
        tpu.enqueue_dma source(%dma_start3A_257 : memref<80xi32, #tpu.memory_space<hbm>>) target(%arg11 : memref<80xi32, #tpu.memory_space<vmem>>) target_semaphore(%arg27 : memref<!tpu.dma_semaphore, #tpu.memory_space<semaphore_mem>>)
        %mul3A_258 = arith.constant 80 : i32
        %mul3A_259 = arith.muli %add3A_252, %mul3A_258 : i32
        %add3A_260 = arith.addi %mul3A_10, %mul3A_259 : i32
        %dma_start3A_261 = tpu.memref_slice %arg3[%add3A_260] : memref<327680xi32, #tpu.memory_space<hbm>> -> memref<80xi32, #tpu.memory_space<hbm>>
        %dma_start3A_262 = tpu.memref_slice %arg3[%add3A_260] : memref<327680xi32, #tpu.memory_space<hbm>> -> memref<80xi32, #tpu.memory_space<hbm>>
        tpu.enqueue_dma source(%dma_start3A_262 : memref<80xi32, #tpu.memory_space<hbm>>) target(%arg19 : memref<80xi32, #tpu.memory_space<vmem>>) target_semaphore(%arg27 : memref<!tpu.dma_semaphore, #tpu.memory_space<semaphore_mem>>)
      } else {
      }
      %dma_start3A = arith.constant 0 : i32
      %dma_start3A_76 = arith.constant 0 : i32
      %dma_start3A_77 = tpu.memref_slice %arg4[%dma_start3A, %dma_start3A_76] : memref<20000x128xf32, #tpu.memory_space<hbm>> -> memref<20000x128xf32, #tpu.memory_space<hbm>>
      tpu.enqueue_indirect_dma source(%dma_start3A_77 : memref<20000x128xf32, #tpu.memory_space<hbm>>) target(%arg23 : memref<80x128xf32, #tpu.memory_space<vmem>>) offsets(%arg7 : memref<80xi32, #tpu.memory_space<vmem>>) semaphore(%arg31 : memref<!tpu.dma_semaphore, #tpu.memory_space<semaphore_mem>>)
      %ge3A_78 = arith.constant 3 : i32
      %ge3A_79 = arith.cmpi sge, %add3A_64, %ge3A_78 : i32
      %convert_element_type3A_80 = arith.extui %ge3A_79 : i1 to i32
      %cond3A_81 = arith.constant 0 : i32
      %cond3A_82 = arith.cmpi ne, %convert_element_type3A_80, %cond3A_81 : i32
      scf.if %cond3A_82 {
        %dma_wait3A_251 = arith.constant 0 : i32
        %dma_wait3A_252 = arith.constant 0 : i32
        %dma_wait3A_253 = tpu.memref_slice %arg4[%dma_wait3A_251, %dma_wait3A_252] : memref<20000x128xf32, #tpu.memory_space<hbm>> -> memref<80x128xf32, #tpu.memory_space<hbm>>
        %dma_wait3A_254 = arith.constant 0 : i32
        %dma_wait3A_255 = arith.constant 0 : i32
        %dma_wait3A_256 = tpu.memref_slice %arg4[%dma_wait3A_254, %dma_wait3A_255] : memref<20000x128xf32, #tpu.memory_space<hbm>> -> memref<80x128xf32, #tpu.memory_space<hbm>>
        tpu.wait_dma2 semaphore(%arg32 : memref<!tpu.dma_semaphore, #tpu.memory_space<semaphore_mem>>) src(%dma_wait3A_256 : memref<80x128xf32, #tpu.memory_space<hbm>>) dst(%arg24 : memref<80x128xf32, #tpu.memory_space<vmem>>)
        "tpu.region"() ({
          %run_scoped3A = tpu.sem_alloc : memref<!tpu.dma_semaphore, #tpu.memory_space<semaphore_mem>>
          %dma_start3A_257 = arith.constant 0 : i32
          %dma_start3A_258 = arith.constant 0 : i32
          %dma_start3A_259 = tpu.memref_slice %arg39[%dma_start3A_257, %dma_start3A_258] : memref<10008x128xf32, #tpu.memory_space<vmem_shared>> -> memref<10008x128xf32, #tpu.memory_space<vmem_shared>>
          tpu.enqueue_indirect_dma source(%arg24 : memref<80x128xf32, #tpu.memory_space<vmem>>) target(%dma_start3A_259 : memref<10008x128xf32, #tpu.memory_space<vmem_shared>>) offsets(%arg20 : memref<80xi32, #tpu.memory_space<vmem>>) semaphore(%run_scoped3A : memref<!tpu.dma_semaphore, #tpu.memory_space<semaphore_mem>>) {add = true}
          %dma_wait3A_260 = arith.constant 0 : i32
          %dma_wait3A_261 = arith.constant 0 : i32
          %dma_wait3A_262 = tpu.memref_slice %arg39[%dma_wait3A_260, %dma_wait3A_261] : memref<10008x128xf32, #tpu.memory_space<vmem_shared>> -> memref<10008x128xf32, #tpu.memory_space<vmem_shared>>
          tpu.wait_indirect_dma semaphore(%run_scoped3A : memref<!tpu.dma_semaphore, #tpu.memory_space<semaphore_mem>>) src(%arg24 : memref<80x128xf32, #tpu.memory_space<vmem>>) dst(%dma_wait3A_262 : memref<10008x128xf32, #tpu.memory_space<vmem_shared>>)
          tpu.yield
        }) : () -> ()
      } else {
      }
      %mul3A_83 = arith.constant 8 : i32
      %mul3A_84 = arith.muli %mul3A_83, %scan3A_60 : i32
      %add3A_85 = arith.constant 1 : i32
      %add3A_86 = arith.addi %mul3A_84, %add3A_85 : i32
      %ge3A_87 = arith.constant 4 : i32
      %ge3A_88 = arith.cmpi sge, %add3A_86, %ge3A_87 : i32
      %convert_element_type3A_89 = arith.extui %ge3A_88 : i1 to i32
      %cond3A_90 = arith.constant 0 : i32
      %cond3A_91 = arith.cmpi ne, %convert_element_type3A_89, %cond3A_90 : i32
      scf.if %cond3A_91 {
        %dma_wait3A_251 = arith.constant 0 : i32
        %dma_wait3A_252 = tpu.memref_slice %arg2[%dma_wait3A_251] : memref<655360xi32, #tpu.memory_space<hbm>> -> memref<80xi32, #tpu.memory_space<hbm>>
        %dma_wait3A_253 = arith.constant 0 : i32
        %dma_wait3A_254 = tpu.memref_slice %arg2[%dma_wait3A_253] : memref<655360xi32, #tpu.memory_space<hbm>> -> memref<80xi32, #tpu.memory_space<hbm>>
        tpu.wait_dma2 semaphore(%arg28 : memref<!tpu.dma_semaphore, #tpu.memory_space<semaphore_mem>>) src(%dma_wait3A_254 : memref<80xi32, #tpu.memory_space<hbm>>) dst(%arg8 : memref<80xi32, #tpu.memory_space<vmem>>)
        %dma_wait3A_255 = arith.constant 0 : i32
        %dma_wait3A_256 = tpu.memref_slice %arg3[%dma_wait3A_255] : memref<327680xi32, #tpu.memory_space<hbm>> -> memref<80xi32, #tpu.memory_space<hbm>>
        %dma_wait3A_257 = arith.constant 0 : i32
        %dma_wait3A_258 = tpu.memref_slice %arg3[%dma_wait3A_257] : memref<327680xi32, #tpu.memory_space<hbm>> -> memref<80xi32, #tpu.memory_space<hbm>>
        tpu.wait_dma2 semaphore(%arg28 : memref<!tpu.dma_semaphore, #tpu.memory_space<semaphore_mem>>) src(%dma_wait3A_258 : memref<80xi32, #tpu.memory_space<hbm>>) dst(%arg16 : memref<80xi32, #tpu.memory_space<vmem>>)
      } else {
      }
      %add3A_92 = arith.constant 4 : i32
      %add3A_93 = arith.addi %add3A_86, %add3A_92 : i32
      %lt3A_94 = arith.constant 256 : i32
      %lt3A_95 = arith.cmpi slt, %add3A_93, %lt3A_94 : i32
      %convert_element_type3A_96 = arith.extui %lt3A_95 : i1 to i32
      %cond3A_97 = arith.constant 0 : i32
      %cond3A_98 = arith.cmpi ne, %convert_element_type3A_96, %cond3A_97 : i32
      scf.if %cond3A_98 {
        %add3A_251 = arith.constant 4 : i32
        %add3A_252 = arith.addi %add3A_86, %add3A_251 : i32
        %mul3A_253 = arith.constant 80 : i32
        %mul3A_254 = arith.muli %add3A_252, %mul3A_253 : i32
        %add3A_255 = arith.addi %add3A, %mul3A_254 : i32
        %dma_start3A_256 = tpu.memref_slice %arg2[%add3A_255] : memref<655360xi32, #tpu.memory_space<hbm>> -> memref<80xi32, #tpu.memory_space<hbm>>
        %dma_start3A_257 = tpu.memref_slice %arg2[%add3A_255] : memref<655360xi32, #tpu.memory_space<hbm>> -> memref<80xi32, #tpu.memory_space<hbm>>
        tpu.enqueue_dma source(%dma_start3A_257 : memref<80xi32, #tpu.memory_space<hbm>>) target(%arg12 : memref<80xi32, #tpu.memory_space<vmem>>) target_semaphore(%arg28 : memref<!tpu.dma_semaphore, #tpu.memory_space<semaphore_mem>>)
        %mul3A_258 = arith.constant 80 : i32
        %mul3A_259 = arith.muli %add3A_252, %mul3A_258 : i32
        %add3A_260 = arith.addi %mul3A_10, %mul3A_259 : i32
        %dma_start3A_261 = tpu.memref_slice %arg3[%add3A_260] : memref<327680xi32, #tpu.memory_space<hbm>> -> memref<80xi32, #tpu.memory_space<hbm>>
        %dma_start3A_262 = tpu.memref_slice %arg3[%add3A_260] : memref<327680xi32, #tpu.memory_space<hbm>> -> memref<80xi32, #tpu.memory_space<hbm>>
        tpu.enqueue_dma source(%dma_start3A_262 : memref<80xi32, #tpu.memory_space<hbm>>) target(%arg20 : memref<80xi32, #tpu.memory_space<vmem>>) target_semaphore(%arg28 : memref<!tpu.dma_semaphore, #tpu.memory_space<semaphore_mem>>)
      } else {
      }
      %dma_start3A_99 = arith.constant 0 : i32
      %dma_start3A_100 = arith.constant 0 : i32
      %dma_start3A_101 = tpu.memref_slice %arg4[%dma_start3A_99, %dma_start3A_100] : memref<20000x128xf32, #tpu.memory_space<hbm>> -> memref<20000x128xf32, #tpu.memory_space<hbm>>
      tpu.enqueue_indirect_dma source(%dma_start3A_101 : memref<20000x128xf32, #tpu.memory_space<hbm>>) target(%arg24 : memref<80x128xf32, #tpu.memory_space<vmem>>) offsets(%arg8 : memref<80xi32, #tpu.memory_space<vmem>>) semaphore(%arg32 : memref<!tpu.dma_semaphore, #tpu.memory_space<semaphore_mem>>)
      %ge3A_102 = arith.constant 3 : i32
      %ge3A_103 = arith.cmpi sge, %add3A_86, %ge3A_102 : i32
      %convert_element_type3A_104 = arith.extui %ge3A_103 : i1 to i32
      %cond3A_105 = arith.constant 0 : i32
      %cond3A_106 = arith.cmpi ne, %convert_element_type3A_104, %cond3A_105 : i32
      scf.if %cond3A_106 {
        %dma_wait3A_251 = arith.constant 0 : i32
        %dma_wait3A_252 = arith.constant 0 : i32
        %dma_wait3A_253 = tpu.memref_slice %arg4[%dma_wait3A_251, %dma_wait3A_252] : memref<20000x128xf32, #tpu.memory_space<hbm>> -> memref<80x128xf32, #tpu.memory_space<hbm>>
        %dma_wait3A_254 = arith.constant 0 : i32
        %dma_wait3A_255 = arith.constant 0 : i32
        %dma_wait3A_256 = tpu.memref_slice %arg4[%dma_wait3A_254, %dma_wait3A_255] : memref<20000x128xf32, #tpu.memory_space<hbm>> -> memref<80x128xf32, #tpu.memory_space<hbm>>
        tpu.wait_dma2 semaphore(%arg33 : memref<!tpu.dma_semaphore, #tpu.memory_space<semaphore_mem>>) src(%dma_wait3A_256 : memref<80x128xf32, #tpu.memory_space<hbm>>) dst(%arg25 : memref<80x128xf32, #tpu.memory_space<vmem>>)
        "tpu.region"() ({
          %run_scoped3A = tpu.sem_alloc : memref<!tpu.dma_semaphore, #tpu.memory_space<semaphore_mem>>
          %dma_start3A_257 = arith.constant 0 : i32
          %dma_start3A_258 = arith.constant 0 : i32
          %dma_start3A_259 = tpu.memref_slice %arg39[%dma_start3A_257, %dma_start3A_258] : memref<10008x128xf32, #tpu.memory_space<vmem_shared>> -> memref<10008x128xf32, #tpu.memory_space<vmem_shared>>
          tpu.enqueue_indirect_dma source(%arg25 : memref<80x128xf32, #tpu.memory_space<vmem>>) target(%dma_start3A_259 : memref<10008x128xf32, #tpu.memory_space<vmem_shared>>) offsets(%arg21 : memref<80xi32, #tpu.memory_space<vmem>>) semaphore(%run_scoped3A : memref<!tpu.dma_semaphore, #tpu.memory_space<semaphore_mem>>) {add = true}
          %dma_wait3A_260 = arith.constant 0 : i32
          %dma_wait3A_261 = arith.constant 0 : i32
          %dma_wait3A_262 = tpu.memref_slice %arg39[%dma_wait3A_260, %dma_wait3A_261] : memref<10008x128xf32, #tpu.memory_space<vmem_shared>> -> memref<10008x128xf32, #tpu.memory_space<vmem_shared>>
          tpu.wait_indirect_dma semaphore(%run_scoped3A : memref<!tpu.dma_semaphore, #tpu.memory_space<semaphore_mem>>) src(%arg25 : memref<80x128xf32, #tpu.memory_space<vmem>>) dst(%dma_wait3A_262 : memref<10008x128xf32, #tpu.memory_space<vmem_shared>>)
          tpu.yield
        }) : () -> ()
      } else {
      }
      %mul3A_107 = arith.constant 8 : i32
      %mul3A_108 = arith.muli %mul3A_107, %scan3A_60 : i32
      %add3A_109 = arith.constant 2 : i32
      %add3A_110 = arith.addi %mul3A_108, %add3A_109 : i32
      %ge3A_111 = arith.constant 4 : i32
      %ge3A_112 = arith.cmpi sge, %add3A_110, %ge3A_111 : i32
      %convert_element_type3A_113 = arith.extui %ge3A_112 : i1 to i32
      %cond3A_114 = arith.constant 0 : i32
      %cond3A_115 = arith.cmpi ne, %convert_element_type3A_113, %cond3A_114 : i32
      scf.if %cond3A_115 {
        %dma_wait3A_251 = arith.constant 0 : i32
        %dma_wait3A_252 = tpu.memref_slice %arg2[%dma_wait3A_251] : memref<655360xi32, #tpu.memory_space<hbm>> -> memref<80xi32, #tpu.memory_space<hbm>>
        %dma_wait3A_253 = arith.constant 0 : i32
        %dma_wait3A_254 = tpu.memref_slice %arg2[%dma_wait3A_253] : memref<655360xi32, #tpu.memory_space<hbm>> -> memref<80xi32, #tpu.memory_space<hbm>>
        tpu.wait_dma2 semaphore(%arg29 : memref<!tpu.dma_semaphore, #tpu.memory_space<semaphore_mem>>) src(%dma_wait3A_254 : memref<80xi32, #tpu.memory_space<hbm>>) dst(%arg9 : memref<80xi32, #tpu.memory_space<vmem>>)
        %dma_wait3A_255 = arith.constant 0 : i32
        %dma_wait3A_256 = tpu.memref_slice %arg3[%dma_wait3A_255] : memref<327680xi32, #tpu.memory_space<hbm>> -> memref<80xi32, #tpu.memory_space<hbm>>
        %dma_wait3A_257 = arith.constant 0 : i32
        %dma_wait3A_258 = tpu.memref_slice %arg3[%dma_wait3A_257] : memref<327680xi32, #tpu.memory_space<hbm>> -> memref<80xi32, #tpu.memory_space<hbm>>
        tpu.wait_dma2 semaphore(%arg29 : memref<!tpu.dma_semaphore, #tpu.memory_space<semaphore_mem>>) src(%dma_wait3A_258 : memref<80xi32, #tpu.memory_space<hbm>>) dst(%arg17 : memref<80xi32, #tpu.memory_space<vmem>>)
      } else {
      }
      %add3A_116 = arith.constant 4 : i32
      %add3A_117 = arith.addi %add3A_110, %add3A_116 : i32
      %lt3A_118 = arith.constant 256 : i32
      %lt3A_119 = arith.cmpi slt, %add3A_117, %lt3A_118 : i32
      %convert_element_type3A_120 = arith.extui %lt3A_119 : i1 to i32
      %cond3A_121 = arith.constant 0 : i32
      %cond3A_122 = arith.cmpi ne, %convert_element_type3A_120, %cond3A_121 : i32
      scf.if %cond3A_122 {
        %add3A_251 = arith.constant 4 : i32
        %add3A_252 = arith.addi %add3A_110, %add3A_251 : i32
        %mul3A_253 = arith.constant 80 : i32
        %mul3A_254 = arith.muli %add3A_252, %mul3A_253 : i32
        %add3A_255 = arith.addi %add3A, %mul3A_254 : i32
        %dma_start3A_256 = tpu.memref_slice %arg2[%add3A_255] : memref<655360xi32, #tpu.memory_space<hbm>> -> memref<80xi32, #tpu.memory_space<hbm>>
        %dma_start3A_257 = tpu.memref_slice %arg2[%add3A_255] : memref<655360xi32, #tpu.memory_space<hbm>> -> memref<80xi32, #tpu.memory_space<hbm>>
        tpu.enqueue_dma source(%dma_start3A_257 : memref<80xi32, #tpu.memory_space<hbm>>) target(%arg13 : memref<80xi32, #tpu.memory_space<vmem>>) target_semaphore(%arg29 : memref<!tpu.dma_semaphore, #tpu.memory_space<semaphore_mem>>)
        %mul3A_258 = arith.constant 80 : i32
        %mul3A_259 = arith.muli %add3A_252, %mul3A_258 : i32
        %add3A_260 = arith.addi %mul3A_10, %mul3A_259 : i32
        %dma_start3A_261 = tpu.memref_slice %arg3[%add3A_260] : memref<327680xi32, #tpu.memory_space<hbm>> -> memref<80xi32, #tpu.memory_space<hbm>>
        %dma_start3A_262 = tpu.memref_slice %arg3[%add3A_260] : memref<327680xi32, #tpu.memory_space<hbm>> -> memref<80xi32, #tpu.memory_space<hbm>>
        tpu.enqueue_dma source(%dma_start3A_262 : memref<80xi32, #tpu.memory_space<hbm>>) target(%arg21 : memref<80xi32, #tpu.memory_space<vmem>>) target_semaphore(%arg29 : memref<!tpu.dma_semaphore, #tpu.memory_space<semaphore_mem>>)
      } else {
      }
      %dma_start3A_123 = arith.constant 0 : i32
      %dma_start3A_124 = arith.constant 0 : i32
      %dma_start3A_125 = tpu.memref_slice %arg4[%dma_start3A_123, %dma_start3A_124] : memref<20000x128xf32, #tpu.memory_space<hbm>> -> memref<20000x128xf32, #tpu.memory_space<hbm>>
      tpu.enqueue_indirect_dma source(%dma_start3A_125 : memref<20000x128xf32, #tpu.memory_space<hbm>>) target(%arg25 : memref<80x128xf32, #tpu.memory_space<vmem>>) offsets(%arg9 : memref<80xi32, #tpu.memory_space<vmem>>) semaphore(%arg33 : memref<!tpu.dma_semaphore, #tpu.memory_space<semaphore_mem>>)
      %ge3A_126 = arith.constant 3 : i32
      %ge3A_127 = arith.cmpi sge, %add3A_110, %ge3A_126 : i32
      %convert_element_type3A_128 = arith.extui %ge3A_127 : i1 to i32
      %cond3A_129 = arith.constant 0 : i32
      %cond3A_130 = arith.cmpi ne, %convert_element_type3A_128, %cond3A_129 : i32
      scf.if %cond3A_130 {
        %dma_wait3A_251 = arith.constant 0 : i32
        %dma_wait3A_252 = arith.constant 0 : i32
        %dma_wait3A_253 = tpu.memref_slice %arg4[%dma_wait3A_251, %dma_wait3A_252] : memref<20000x128xf32, #tpu.memory_space<hbm>> -> memref<80x128xf32, #tpu.memory_space<hbm>>
        %dma_wait3A_254 = arith.constant 0 : i32
        %dma_wait3A_255 = arith.constant 0 : i32
        %dma_wait3A_256 = tpu.memref_slice %arg4[%dma_wait3A_254, %dma_wait3A_255] : memref<20000x128xf32, #tpu.memory_space<hbm>> -> memref<80x128xf32, #tpu.memory_space<hbm>>
        tpu.wait_dma2 semaphore(%arg34 : memref<!tpu.dma_semaphore, #tpu.memory_space<semaphore_mem>>) src(%dma_wait3A_256 : memref<80x128xf32, #tpu.memory_space<hbm>>) dst(%arg26 : memref<80x128xf32, #tpu.memory_space<vmem>>)
        "tpu.region"() ({
          %run_scoped3A = tpu.sem_alloc : memref<!tpu.dma_semaphore, #tpu.memory_space<semaphore_mem>>
          %dma_start3A_257 = arith.constant 0 : i32
          %dma_start3A_258 = arith.constant 0 : i32
          %dma_start3A_259 = tpu.memref_slice %arg39[%dma_start3A_257, %dma_start3A_258] : memref<10008x128xf32, #tpu.memory_space<vmem_shared>> -> memref<10008x128xf32, #tpu.memory_space<vmem_shared>>
          tpu.enqueue_indirect_dma source(%arg26 : memref<80x128xf32, #tpu.memory_space<vmem>>) target(%dma_start3A_259 : memref<10008x128xf32, #tpu.memory_space<vmem_shared>>) offsets(%arg22 : memref<80xi32, #tpu.memory_space<vmem>>) semaphore(%run_scoped3A : memref<!tpu.dma_semaphore, #tpu.memory_space<semaphore_mem>>) {add = true}
          %dma_wait3A_260 = arith.constant 0 : i32
          %dma_wait3A_261 = arith.constant 0 : i32
          %dma_wait3A_262 = tpu.memref_slice %arg39[%dma_wait3A_260, %dma_wait3A_261] : memref<10008x128xf32, #tpu.memory_space<vmem_shared>> -> memref<10008x128xf32, #tpu.memory_space<vmem_shared>>
          tpu.wait_indirect_dma semaphore(%run_scoped3A : memref<!tpu.dma_semaphore, #tpu.memory_space<semaphore_mem>>) src(%arg26 : memref<80x128xf32, #tpu.memory_space<vmem>>) dst(%dma_wait3A_262 : memref<10008x128xf32, #tpu.memory_space<vmem_shared>>)
          tpu.yield
        }) : () -> ()
      } else {
      }
      %mul3A_131 = arith.constant 8 : i32
      %mul3A_132 = arith.muli %mul3A_131, %scan3A_60 : i32
      %add3A_133 = arith.constant 3 : i32
      %add3A_134 = arith.addi %mul3A_132, %add3A_133 : i32
      %ge3A_135 = arith.constant 4 : i32
      %ge3A_136 = arith.cmpi sge, %add3A_134, %ge3A_135 : i32
      %convert_element_type3A_137 = arith.extui %ge3A_136 : i1 to i32
      %cond3A_138 = arith.constant 0 : i32
      %cond3A_139 = arith.cmpi ne, %convert_element_type3A_137, %cond3A_138 : i32
      scf.if %cond3A_139 {
        %dma_wait3A_251 = arith.constant 0 : i32
        %dma_wait3A_252 = tpu.memref_slice %arg2[%dma_wait3A_251] : memref<655360xi32, #tpu.memory_space<hbm>> -> memref<80xi32, #tpu.memory_space<hbm>>
        %dma_wait3A_253 = arith.constant 0 : i32
        %dma_wait3A_254 = tpu.memref_slice %arg2[%dma_wait3A_253] : memref<655360xi32, #tpu.memory_space<hbm>> -> memref<80xi32, #tpu.memory_space<hbm>>
        tpu.wait_dma2 semaphore(%arg30 : memref<!tpu.dma_semaphore, #tpu.memory_space<semaphore_mem>>) src(%dma_wait3A_254 : memref<80xi32, #tpu.memory_space<hbm>>) dst(%arg10 : memref<80xi32, #tpu.memory_space<vmem>>)
        %dma_wait3A_255 = arith.constant 0 : i32
        %dma_wait3A_256 = tpu.memref_slice %arg3[%dma_wait3A_255] : memref<327680xi32, #tpu.memory_space<hbm>> -> memref<80xi32, #tpu.memory_space<hbm>>
        %dma_wait3A_257 = arith.constant 0 : i32
        %dma_wait3A_258 = tpu.memref_slice %arg3[%dma_wait3A_257] : memref<327680xi32, #tpu.memory_space<hbm>> -> memref<80xi32, #tpu.memory_space<hbm>>
        tpu.wait_dma2 semaphore(%arg30 : memref<!tpu.dma_semaphore, #tpu.memory_space<semaphore_mem>>) src(%dma_wait3A_258 : memref<80xi32, #tpu.memory_space<hbm>>) dst(%arg18 : memref<80xi32, #tpu.memory_space<vmem>>)
      } else {
      }
      %add3A_140 = arith.constant 4 : i32
      %add3A_141 = arith.addi %add3A_134, %add3A_140 : i32
      %lt3A_142 = arith.constant 256 : i32
      %lt3A_143 = arith.cmpi slt, %add3A_141, %lt3A_142 : i32
      %convert_element_type3A_144 = arith.extui %lt3A_143 : i1 to i32
      %cond3A_145 = arith.constant 0 : i32
      %cond3A_146 = arith.cmpi ne, %convert_element_type3A_144, %cond3A_145 : i32
      scf.if %cond3A_146 {
        %add3A_251 = arith.constant 4 : i32
        %add3A_252 = arith.addi %add3A_134, %add3A_251 : i32
        %mul3A_253 = arith.constant 80 : i32
        %mul3A_254 = arith.muli %add3A_252, %mul3A_253 : i32
        %add3A_255 = arith.addi %add3A, %mul3A_254 : i32
        %dma_start3A_256 = tpu.memref_slice %arg2[%add3A_255] : memref<655360xi32, #tpu.memory_space<hbm>> -> memref<80xi32, #tpu.memory_space<hbm>>
        %dma_start3A_257 = tpu.memref_slice %arg2[%add3A_255] : memref<655360xi32, #tpu.memory_space<hbm>> -> memref<80xi32, #tpu.memory_space<hbm>>
        tpu.enqueue_dma source(%dma_start3A_257 : memref<80xi32, #tpu.memory_space<hbm>>) target(%arg14 : memref<80xi32, #tpu.memory_space<vmem>>) target_semaphore(%arg30 : memref<!tpu.dma_semaphore, #tpu.memory_space<semaphore_mem>>)
        %mul3A_258 = arith.constant 80 : i32
        %mul3A_259 = arith.muli %add3A_252, %mul3A_258 : i32
        %add3A_260 = arith.addi %mul3A_10, %mul3A_259 : i32
        %dma_start3A_261 = tpu.memref_slice %arg3[%add3A_260] : memref<327680xi32, #tpu.memory_space<hbm>> -> memref<80xi32, #tpu.memory_space<hbm>>
        %dma_start3A_262 = tpu.memref_slice %arg3[%add3A_260] : memref<327680xi32, #tpu.memory_space<hbm>> -> memref<80xi32, #tpu.memory_space<hbm>>
        tpu.enqueue_dma source(%dma_start3A_262 : memref<80xi32, #tpu.memory_space<hbm>>) target(%arg22 : memref<80xi32, #tpu.memory_space<vmem>>) target_semaphore(%arg30 : memref<!tpu.dma_semaphore, #tpu.memory_space<semaphore_mem>>)
      } else {
      }
      %dma_start3A_147 = arith.constant 0 : i32
      %dma_start3A_148 = arith.constant 0 : i32
      %dma_start3A_149 = tpu.memref_slice %arg4[%dma_start3A_147, %dma_start3A_148] : memref<20000x128xf32, #tpu.memory_space<hbm>> -> memref<20000x128xf32, #tpu.memory_space<hbm>>
      tpu.enqueue_indirect_dma source(%dma_start3A_149 : memref<20000x128xf32, #tpu.memory_space<hbm>>) target(%arg26 : memref<80x128xf32, #tpu.memory_space<vmem>>) offsets(%arg10 : memref<80xi32, #tpu.memory_space<vmem>>) semaphore(%arg34 : memref<!tpu.dma_semaphore, #tpu.memory_space<semaphore_mem>>)
      %ge3A_150 = arith.constant 3 : i32
      %ge3A_151 = arith.cmpi sge, %add3A_134, %ge3A_150 : i32
      %convert_element_type3A_152 = arith.extui %ge3A_151 : i1 to i32
      %cond3A_153 = arith.constant 0 : i32
      %cond3A_154 = arith.cmpi ne, %convert_element_type3A_152, %cond3A_153 : i32
      scf.if %cond3A_154 {
        %dma_wait3A_251 = arith.constant 0 : i32
        %dma_wait3A_252 = arith.constant 0 : i32
        %dma_wait3A_253 = tpu.memref_slice %arg4[%dma_wait3A_251, %dma_wait3A_252] : memref<20000x128xf32, #tpu.memory_space<hbm>> -> memref<80x128xf32, #tpu.memory_space<hbm>>
        %dma_wait3A_254 = arith.constant 0 : i32
        %dma_wait3A_255 = arith.constant 0 : i32
        %dma_wait3A_256 = tpu.memref_slice %arg4[%dma_wait3A_254, %dma_wait3A_255] : memref<20000x128xf32, #tpu.memory_space<hbm>> -> memref<80x128xf32, #tpu.memory_space<hbm>>
        tpu.wait_dma2 semaphore(%arg31 : memref<!tpu.dma_semaphore, #tpu.memory_space<semaphore_mem>>) src(%dma_wait3A_256 : memref<80x128xf32, #tpu.memory_space<hbm>>) dst(%arg23 : memref<80x128xf32, #tpu.memory_space<vmem>>)
        "tpu.region"() ({
          %run_scoped3A = tpu.sem_alloc : memref<!tpu.dma_semaphore, #tpu.memory_space<semaphore_mem>>
          %dma_start3A_257 = arith.constant 0 : i32
          %dma_start3A_258 = arith.constant 0 : i32
          %dma_start3A_259 = tpu.memref_slice %arg39[%dma_start3A_257, %dma_start3A_258] : memref<10008x128xf32, #tpu.memory_space<vmem_shared>> -> memref<10008x128xf32, #tpu.memory_space<vmem_shared>>
          tpu.enqueue_indirect_dma source(%arg23 : memref<80x128xf32, #tpu.memory_space<vmem>>) target(%dma_start3A_259 : memref<10008x128xf32, #tpu.memory_space<vmem_shared>>) offsets(%arg15 : memref<80xi32, #tpu.memory_space<vmem>>) semaphore(%run_scoped3A : memref<!tpu.dma_semaphore, #tpu.memory_space<semaphore_mem>>) {add = true}
          %dma_wait3A_260 = arith.constant 0 : i32
          %dma_wait3A_261 = arith.constant 0 : i32
          %dma_wait3A_262 = tpu.memref_slice %arg39[%dma_wait3A_260, %dma_wait3A_261] : memref<10008x128xf32, #tpu.memory_space<vmem_shared>> -> memref<10008x128xf32, #tpu.memory_space<vmem_shared>>
          tpu.wait_indirect_dma semaphore(%run_scoped3A : memref<!tpu.dma_semaphore, #tpu.memory_space<semaphore_mem>>) src(%arg23 : memref<80x128xf32, #tpu.memory_space<vmem>>) dst(%dma_wait3A_262 : memref<10008x128xf32, #tpu.memory_space<vmem_shared>>)
          tpu.yield
        }) : () -> ()
      } else {
      }
      %mul3A_155 = arith.constant 8 : i32
      %mul3A_156 = arith.muli %mul3A_155, %scan3A_60 : i32
      %add3A_157 = arith.constant 4 : i32
      %add3A_158 = arith.addi %mul3A_156, %add3A_157 : i32
      %ge3A_159 = arith.constant 4 : i32
      %ge3A_160 = arith.cmpi sge, %add3A_158, %ge3A_159 : i32
      %convert_element_type3A_161 = arith.extui %ge3A_160 : i1 to i32
      %cond3A_162 = arith.constant 0 : i32
      %cond3A_163 = arith.cmpi ne, %convert_element_type3A_161, %cond3A_162 : i32
      scf.if %cond3A_163 {
        %dma_wait3A_251 = arith.constant 0 : i32
        %dma_wait3A_252 = tpu.memref_slice %arg2[%dma_wait3A_251] : memref<655360xi32, #tpu.memory_space<hbm>> -> memref<80xi32, #tpu.memory_space<hbm>>
        %dma_wait3A_253 = arith.constant 0 : i32
        %dma_wait3A_254 = tpu.memref_slice %arg2[%dma_wait3A_253] : memref<655360xi32, #tpu.memory_space<hbm>> -> memref<80xi32, #tpu.memory_space<hbm>>
        tpu.wait_dma2 semaphore(%arg27 : memref<!tpu.dma_semaphore, #tpu.memory_space<semaphore_mem>>) src(%dma_wait3A_254 : memref<80xi32, #tpu.memory_space<hbm>>) dst(%arg11 : memref<80xi32, #tpu.memory_space<vmem>>)
        %dma_wait3A_255 = arith.constant 0 : i32
        %dma_wait3A_256 = tpu.memref_slice %arg3[%dma_wait3A_255] : memref<327680xi32, #tpu.memory_space<hbm>> -> memref<80xi32, #tpu.memory_space<hbm>>
        %dma_wait3A_257 = arith.constant 0 : i32
        %dma_wait3A_258 = tpu.memref_slice %arg3[%dma_wait3A_257] : memref<327680xi32, #tpu.memory_space<hbm>> -> memref<80xi32, #tpu.memory_space<hbm>>
        tpu.wait_dma2 semaphore(%arg27 : memref<!tpu.dma_semaphore, #tpu.memory_space<semaphore_mem>>) src(%dma_wait3A_258 : memref<80xi32, #tpu.memory_space<hbm>>) dst(%arg19 : memref<80xi32, #tpu.memory_space<vmem>>)
      } else {
      }
      %add3A_164 = arith.constant 4 : i32
      %add3A_165 = arith.addi %add3A_158, %add3A_164 : i32
      %lt3A_166 = arith.constant 256 : i32
      %lt3A_167 = arith.cmpi slt, %add3A_165, %lt3A_166 : i32
      %convert_element_type3A_168 = arith.extui %lt3A_167 : i1 to i32
      %cond3A_169 = arith.constant 0 : i32
      %cond3A_170 = arith.cmpi ne, %convert_element_type3A_168, %cond3A_169 : i32
      scf.if %cond3A_170 {
        %add3A_251 = arith.constant 4 : i32
        %add3A_252 = arith.addi %add3A_158, %add3A_251 : i32
        %mul3A_253 = arith.constant 80 : i32
        %mul3A_254 = arith.muli %add3A_252, %mul3A_253 : i32
        %add3A_255 = arith.addi %add3A, %mul3A_254 : i32
        %dma_start3A_256 = tpu.memref_slice %arg2[%add3A_255] : memref<655360xi32, #tpu.memory_space<hbm>> -> memref<80xi32, #tpu.memory_space<hbm>>
        %dma_start3A_257 = tpu.memref_slice %arg2[%add3A_255] : memref<655360xi32, #tpu.memory_space<hbm>> -> memref<80xi32, #tpu.memory_space<hbm>>
        tpu.enqueue_dma source(%dma_start3A_257 : memref<80xi32, #tpu.memory_space<hbm>>) target(%arg7 : memref<80xi32, #tpu.memory_space<vmem>>) target_semaphore(%arg27 : memref<!tpu.dma_semaphore, #tpu.memory_space<semaphore_mem>>)
        %mul3A_258 = arith.constant 80 : i32
        %mul3A_259 = arith.muli %add3A_252, %mul3A_258 : i32
        %add3A_260 = arith.addi %mul3A_10, %mul3A_259 : i32
        %dma_start3A_261 = tpu.memref_slice %arg3[%add3A_260] : memref<327680xi32, #tpu.memory_space<hbm>> -> memref<80xi32, #tpu.memory_space<hbm>>
        %dma_start3A_262 = tpu.memref_slice %arg3[%add3A_260] : memref<327680xi32, #tpu.memory_space<hbm>> -> memref<80xi32, #tpu.memory_space<hbm>>
        tpu.enqueue_dma source(%dma_start3A_262 : memref<80xi32, #tpu.memory_space<hbm>>) target(%arg15 : memref<80xi32, #tpu.memory_space<vmem>>) target_semaphore(%arg27 : memref<!tpu.dma_semaphore, #tpu.memory_space<semaphore_mem>>)
      } else {
      }
      %dma_start3A_171 = arith.constant 0 : i32
      %dma_start3A_172 = arith.constant 0 : i32
      %dma_start3A_173 = tpu.memref_slice %arg4[%dma_start3A_171, %dma_start3A_172] : memref<20000x128xf32, #tpu.memory_space<hbm>> -> memref<20000x128xf32, #tpu.memory_space<hbm>>
      tpu.enqueue_indirect_dma source(%dma_start3A_173 : memref<20000x128xf32, #tpu.memory_space<hbm>>) target(%arg23 : memref<80x128xf32, #tpu.memory_space<vmem>>) offsets(%arg11 : memref<80xi32, #tpu.memory_space<vmem>>) semaphore(%arg31 : memref<!tpu.dma_semaphore, #tpu.memory_space<semaphore_mem>>)
      %ge3A_174 = arith.constant 3 : i32
      %ge3A_175 = arith.cmpi sge, %add3A_158, %ge3A_174 : i32
      %convert_element_type3A_176 = arith.extui %ge3A_175 : i1 to i32
      %cond3A_177 = arith.constant 0 : i32
      %cond3A_178 = arith.cmpi ne, %convert_element_type3A_176, %cond3A_177 : i32
      scf.if %cond3A_178 {
        %dma_wait3A_251 = arith.constant 0 : i32
        %dma_wait3A_252 = arith.constant 0 : i32
        %dma_wait3A_253 = tpu.memref_slice %arg4[%dma_wait3A_251, %dma_wait3A_252] : memref<20000x128xf32, #tpu.memory_space<hbm>> -> memref<80x128xf32, #tpu.memory_space<hbm>>
        %dma_wait3A_254 = arith.constant 0 : i32
        %dma_wait3A_255 = arith.constant 0 : i32
        %dma_wait3A_256 = tpu.memref_slice %arg4[%dma_wait3A_254, %dma_wait3A_255] : memref<20000x128xf32, #tpu.memory_space<hbm>> -> memref<80x128xf32, #tpu.memory_space<hbm>>
        tpu.wait_dma2 semaphore(%arg32 : memref<!tpu.dma_semaphore, #tpu.memory_space<semaphore_mem>>) src(%dma_wait3A_256 : memref<80x128xf32, #tpu.memory_space<hbm>>) dst(%arg24 : memref<80x128xf32, #tpu.memory_space<vmem>>)
        "tpu.region"() ({
          %run_scoped3A = tpu.sem_alloc : memref<!tpu.dma_semaphore, #tpu.memory_space<semaphore_mem>>
          %dma_start3A_257 = arith.constant 0 : i32
          %dma_start3A_258 = arith.constant 0 : i32
          %dma_start3A_259 = tpu.memref_slice %arg39[%dma_start3A_257, %dma_start3A_258] : memref<10008x128xf32, #tpu.memory_space<vmem_shared>> -> memref<10008x128xf32, #tpu.memory_space<vmem_shared>>
          tpu.enqueue_indirect_dma source(%arg24 : memref<80x128xf32, #tpu.memory_space<vmem>>) target(%dma_start3A_259 : memref<10008x128xf32, #tpu.memory_space<vmem_shared>>) offsets(%arg16 : memref<80xi32, #tpu.memory_space<vmem>>) semaphore(%run_scoped3A : memref<!tpu.dma_semaphore, #tpu.memory_space<semaphore_mem>>) {add = true}
          %dma_wait3A_260 = arith.constant 0 : i32
          %dma_wait3A_261 = arith.constant 0 : i32
          %dma_wait3A_262 = tpu.memref_slice %arg39[%dma_wait3A_260, %dma_wait3A_261] : memref<10008x128xf32, #tpu.memory_space<vmem_shared>> -> memref<10008x128xf32, #tpu.memory_space<vmem_shared>>
          tpu.wait_indirect_dma semaphore(%run_scoped3A : memref<!tpu.dma_semaphore, #tpu.memory_space<semaphore_mem>>) src(%arg24 : memref<80x128xf32, #tpu.memory_space<vmem>>) dst(%dma_wait3A_262 : memref<10008x128xf32, #tpu.memory_space<vmem_shared>>)
          tpu.yield
        }) : () -> ()
      } else {
      }
      %mul3A_179 = arith.constant 8 : i32
      %mul3A_180 = arith.muli %mul3A_179, %scan3A_60 : i32
      %add3A_181 = arith.constant 5 : i32
      %add3A_182 = arith.addi %mul3A_180, %add3A_181 : i32
      %ge3A_183 = arith.constant 4 : i32
      %ge3A_184 = arith.cmpi sge, %add3A_182, %ge3A_183 : i32
      %convert_element_type3A_185 = arith.extui %ge3A_184 : i1 to i32
      %cond3A_186 = arith.constant 0 : i32
      %cond3A_187 = arith.cmpi ne, %convert_element_type3A_185, %cond3A_186 : i32
      scf.if %cond3A_187 {
        %dma_wait3A_251 = arith.constant 0 : i32
        %dma_wait3A_252 = tpu.memref_slice %arg2[%dma_wait3A_251] : memref<655360xi32, #tpu.memory_space<hbm>> -> memref<80xi32, #tpu.memory_space<hbm>>
        %dma_wait3A_253 = arith.constant 0 : i32
        %dma_wait3A_254 = tpu.memref_slice %arg2[%dma_wait3A_253] : memref<655360xi32, #tpu.memory_space<hbm>> -> memref<80xi32, #tpu.memory_space<hbm>>
        tpu.wait_dma2 semaphore(%arg28 : memref<!tpu.dma_semaphore, #tpu.memory_space<semaphore_mem>>) src(%dma_wait3A_254 : memref<80xi32, #tpu.memory_space<hbm>>) dst(%arg12 : memref<80xi32, #tpu.memory_space<vmem>>)
        %dma_wait3A_255 = arith.constant 0 : i32
        %dma_wait3A_256 = tpu.memref_slice %arg3[%dma_wait3A_255] : memref<327680xi32, #tpu.memory_space<hbm>> -> memref<80xi32, #tpu.memory_space<hbm>>
        %dma_wait3A_257 = arith.constant 0 : i32
        %dma_wait3A_258 = tpu.memref_slice %arg3[%dma_wait3A_257] : memref<327680xi32, #tpu.memory_space<hbm>> -> memref<80xi32, #tpu.memory_space<hbm>>
        tpu.wait_dma2 semaphore(%arg28 : memref<!tpu.dma_semaphore, #tpu.memory_space<semaphore_mem>>) src(%dma_wait3A_258 : memref<80xi32, #tpu.memory_space<hbm>>) dst(%arg20 : memref<80xi32, #tpu.memory_space<vmem>>)
      } else {
      }
      %add3A_188 = arith.constant 4 : i32
      %add3A_189 = arith.addi %add3A_182, %add3A_188 : i32
      %lt3A_190 = arith.constant 256 : i32
      %lt3A_191 = arith.cmpi slt, %add3A_189, %lt3A_190 : i32
      %convert_element_type3A_192 = arith.extui %lt3A_191 : i1 to i32
      %cond3A_193 = arith.constant 0 : i32
      %cond3A_194 = arith.cmpi ne, %convert_element_type3A_192, %cond3A_193 : i32
      scf.if %cond3A_194 {
        %add3A_251 = arith.constant 4 : i32
        %add3A_252 = arith.addi %add3A_182, %add3A_251 : i32
        %mul3A_253 = arith.constant 80 : i32
        %mul3A_254 = arith.muli %add3A_252, %mul3A_253 : i32
        %add3A_255 = arith.addi %add3A, %mul3A_254 : i32
        %dma_start3A_256 = tpu.memref_slice %arg2[%add3A_255] : memref<655360xi32, #tpu.memory_space<hbm>> -> memref<80xi32, #tpu.memory_space<hbm>>
        %dma_start3A_257 = tpu.memref_slice %arg2[%add3A_255] : memref<655360xi32, #tpu.memory_space<hbm>> -> memref<80xi32, #tpu.memory_space<hbm>>
        tpu.enqueue_dma source(%dma_start3A_257 : memref<80xi32, #tpu.memory_space<hbm>>) target(%arg8 : memref<80xi32, #tpu.memory_space<vmem>>) target_semaphore(%arg28 : memref<!tpu.dma_semaphore, #tpu.memory_space<semaphore_mem>>)
        %mul3A_258 = arith.constant 80 : i32
        %mul3A_259 = arith.muli %add3A_252, %mul3A_258 : i32
        %add3A_260 = arith.addi %mul3A_10, %mul3A_259 : i32
        %dma_start3A_261 = tpu.memref_slice %arg3[%add3A_260] : memref<327680xi32, #tpu.memory_space<hbm>> -> memref<80xi32, #tpu.memory_space<hbm>>
        %dma_start3A_262 = tpu.memref_slice %arg3[%add3A_260] : memref<327680xi32, #tpu.memory_space<hbm>> -> memref<80xi32, #tpu.memory_space<hbm>>
        tpu.enqueue_dma source(%dma_start3A_262 : memref<80xi32, #tpu.memory_space<hbm>>) target(%arg16 : memref<80xi32, #tpu.memory_space<vmem>>) target_semaphore(%arg28 : memref<!tpu.dma_semaphore, #tpu.memory_space<semaphore_mem>>)
      } else {
      }
      %dma_start3A_195 = arith.constant 0 : i32
      %dma_start3A_196 = arith.constant 0 : i32
      %dma_start3A_197 = tpu.memref_slice %arg4[%dma_start3A_195, %dma_start3A_196] : memref<20000x128xf32, #tpu.memory_space<hbm>> -> memref<20000x128xf32, #tpu.memory_space<hbm>>
      tpu.enqueue_indirect_dma source(%dma_start3A_197 : memref<20000x128xf32, #tpu.memory_space<hbm>>) target(%arg24 : memref<80x128xf32, #tpu.memory_space<vmem>>) offsets(%arg12 : memref<80xi32, #tpu.memory_space<vmem>>) semaphore(%arg32 : memref<!tpu.dma_semaphore, #tpu.memory_space<semaphore_mem>>)
      %ge3A_198 = arith.constant 3 : i32
      %ge3A_199 = arith.cmpi sge, %add3A_182, %ge3A_198 : i32
      %convert_element_type3A_200 = arith.extui %ge3A_199 : i1 to i32
      %cond3A_201 = arith.constant 0 : i32
      %cond3A_202 = arith.cmpi ne, %convert_element_type3A_200, %cond3A_201 : i32
      scf.if %cond3A_202 {
        %dma_wait3A_251 = arith.constant 0 : i32
        %dma_wait3A_252 = arith.constant 0 : i32
        %dma_wait3A_253 = tpu.memref_slice %arg4[%dma_wait3A_251, %dma_wait3A_252] : memref<20000x128xf32, #tpu.memory_space<hbm>> -> memref<80x128xf32, #tpu.memory_space<hbm>>
        %dma_wait3A_254 = arith.constant 0 : i32
        %dma_wait3A_255 = arith.constant 0 : i32
        %dma_wait3A_256 = tpu.memref_slice %arg4[%dma_wait3A_254, %dma_wait3A_255] : memref<20000x128xf32, #tpu.memory_space<hbm>> -> memref<80x128xf32, #tpu.memory_space<hbm>>
        tpu.wait_dma2 semaphore(%arg33 : memref<!tpu.dma_semaphore, #tpu.memory_space<semaphore_mem>>) src(%dma_wait3A_256 : memref<80x128xf32, #tpu.memory_space<hbm>>) dst(%arg25 : memref<80x128xf32, #tpu.memory_space<vmem>>)
        "tpu.region"() ({
          %run_scoped3A = tpu.sem_alloc : memref<!tpu.dma_semaphore, #tpu.memory_space<semaphore_mem>>
          %dma_start3A_257 = arith.constant 0 : i32
          %dma_start3A_258 = arith.constant 0 : i32
          %dma_start3A_259 = tpu.memref_slice %arg39[%dma_start3A_257, %dma_start3A_258] : memref<10008x128xf32, #tpu.memory_space<vmem_shared>> -> memref<10008x128xf32, #tpu.memory_space<vmem_shared>>
          tpu.enqueue_indirect_dma source(%arg25 : memref<80x128xf32, #tpu.memory_space<vmem>>) target(%dma_start3A_259 : memref<10008x128xf32, #tpu.memory_space<vmem_shared>>) offsets(%arg17 : memref<80xi32, #tpu.memory_space<vmem>>) semaphore(%run_scoped3A : memref<!tpu.dma_semaphore, #tpu.memory_space<semaphore_mem>>) {add = true}
          %dma_wait3A_260 = arith.constant 0 : i32
          %dma_wait3A_261 = arith.constant 0 : i32
          %dma_wait3A_262 = tpu.memref_slice %arg39[%dma_wait3A_260, %dma_wait3A_261] : memref<10008x128xf32, #tpu.memory_space<vmem_shared>> -> memref<10008x128xf32, #tpu.memory_space<vmem_shared>>
          tpu.wait_indirect_dma semaphore(%run_scoped3A : memref<!tpu.dma_semaphore, #tpu.memory_space<semaphore_mem>>) src(%arg25 : memref<80x128xf32, #tpu.memory_space<vmem>>) dst(%dma_wait3A_262 : memref<10008x128xf32, #tpu.memory_space<vmem_shared>>)
          tpu.yield
        }) : () -> ()
      } else {
      }
      %mul3A_203 = arith.constant 8 : i32
      %mul3A_204 = arith.muli %mul3A_203, %scan3A_60 : i32
      %add3A_205 = arith.constant 6 : i32
      %add3A_206 = arith.addi %mul3A_204, %add3A_205 : i32
      %ge3A_207 = arith.constant 4 : i32
      %ge3A_208 = arith.cmpi sge, %add3A_206, %ge3A_207 : i32
      %convert_element_type3A_209 = arith.extui %ge3A_208 : i1 to i32
      %cond3A_210 = arith.constant 0 : i32
      %cond3A_211 = arith.cmpi ne, %convert_element_type3A_209, %cond3A_210 : i32
      scf.if %cond3A_211 {
        %dma_wait3A_251 = arith.constant 0 : i32
        %dma_wait3A_252 = tpu.memref_slice %arg2[%dma_wait3A_251] : memref<655360xi32, #tpu.memory_space<hbm>> -> memref<80xi32, #tpu.memory_space<hbm>>
        %dma_wait3A_253 = arith.constant 0 : i32
        %dma_wait3A_254 = tpu.memref_slice %arg2[%dma_wait3A_253] : memref<655360xi32, #tpu.memory_space<hbm>> -> memref<80xi32, #tpu.memory_space<hbm>>
        tpu.wait_dma2 semaphore(%arg29 : memref<!tpu.dma_semaphore, #tpu.memory_space<semaphore_mem>>) src(%dma_wait3A_254 : memref<80xi32, #tpu.memory_space<hbm>>) dst(%arg13 : memref<80xi32, #tpu.memory_space<vmem>>)
        %dma_wait3A_255 = arith.constant 0 : i32
        %dma_wait3A_256 = tpu.memref_slice %arg3[%dma_wait3A_255] : memref<327680xi32, #tpu.memory_space<hbm>> -> memref<80xi32, #tpu.memory_space<hbm>>
        %dma_wait3A_257 = arith.constant 0 : i32
        %dma_wait3A_258 = tpu.memref_slice %arg3[%dma_wait3A_257] : memref<327680xi32, #tpu.memory_space<hbm>> -> memref<80xi32, #tpu.memory_space<hbm>>
        tpu.wait_dma2 semaphore(%arg29 : memref<!tpu.dma_semaphore, #tpu.memory_space<semaphore_mem>>) src(%dma_wait3A_258 : memref<80xi32, #tpu.memory_space<hbm>>) dst(%arg21 : memref<80xi32, #tpu.memory_space<vmem>>)
      } else {
      }
      %add3A_212 = arith.constant 4 : i32
      %add3A_213 = arith.addi %add3A_206, %add3A_212 : i32
      %lt3A_214 = arith.constant 256 : i32
      %lt3A_215 = arith.cmpi slt, %add3A_213, %lt3A_214 : i32
      %convert_element_type3A_216 = arith.extui %lt3A_215 : i1 to i32
      %cond3A_217 = arith.constant 0 : i32
      %cond3A_218 = arith.cmpi ne, %convert_element_type3A_216, %cond3A_217 : i32
      scf.if %cond3A_218 {
        %add3A_251 = arith.constant 4 : i32
        %add3A_252 = arith.addi %add3A_206, %add3A_251 : i32
        %mul3A_253 = arith.constant 80 : i32
        %mul3A_254 = arith.muli %add3A_252, %mul3A_253 : i32
        %add3A_255 = arith.addi %add3A, %mul3A_254 : i32
        %dma_start3A_256 = tpu.memref_slice %arg2[%add3A_255] : memref<655360xi32, #tpu.memory_space<hbm>> -> memref<80xi32, #tpu.memory_space<hbm>>
        %dma_start3A_257 = tpu.memref_slice %arg2[%add3A_255] : memref<655360xi32, #tpu.memory_space<hbm>> -> memref<80xi32, #tpu.memory_space<hbm>>
        tpu.enqueue_dma source(%dma_start3A_257 : memref<80xi32, #tpu.memory_space<hbm>>) target(%arg9 : memref<80xi32, #tpu.memory_space<vmem>>) target_semaphore(%arg29 : memref<!tpu.dma_semaphore, #tpu.memory_space<semaphore_mem>>)
        %mul3A_258 = arith.constant 80 : i32
        %mul3A_259 = arith.muli %add3A_252, %mul3A_258 : i32
        %add3A_260 = arith.addi %mul3A_10, %mul3A_259 : i32
        %dma_start3A_261 = tpu.memref_slice %arg3[%add3A_260] : memref<327680xi32, #tpu.memory_space<hbm>> -> memref<80xi32, #tpu.memory_space<hbm>>
        %dma_start3A_262 = tpu.memref_slice %arg3[%add3A_260] : memref<327680xi32, #tpu.memory_space<hbm>> -> memref<80xi32, #tpu.memory_space<hbm>>
        tpu.enqueue_dma source(%dma_start3A_262 : memref<80xi32, #tpu.memory_space<hbm>>) target(%arg17 : memref<80xi32, #tpu.memory_space<vmem>>) target_semaphore(%arg29 : memref<!tpu.dma_semaphore, #tpu.memory_space<semaphore_mem>>)
      } else {
      }
      %dma_start3A_219 = arith.constant 0 : i32
      %dma_start3A_220 = arith.constant 0 : i32
      %dma_start3A_221 = tpu.memref_slice %arg4[%dma_start3A_219, %dma_start3A_220] : memref<20000x128xf32, #tpu.memory_space<hbm>> -> memref<20000x128xf32, #tpu.memory_space<hbm>>
      tpu.enqueue_indirect_dma source(%dma_start3A_221 : memref<20000x128xf32, #tpu.memory_space<hbm>>) target(%arg25 : memref<80x128xf32, #tpu.memory_space<vmem>>) offsets(%arg13 : memref<80xi32, #tpu.memory_space<vmem>>) semaphore(%arg33 : memref<!tpu.dma_semaphore, #tpu.memory_space<semaphore_mem>>)
      %ge3A_222 = arith.constant 3 : i32
      %ge3A_223 = arith.cmpi sge, %add3A_206, %ge3A_222 : i32
      %convert_element_type3A_224 = arith.extui %ge3A_223 : i1 to i32
      %cond3A_225 = arith.constant 0 : i32
      %cond3A_226 = arith.cmpi ne, %convert_element_type3A_224, %cond3A_225 : i32
      scf.if %cond3A_226 {
        %dma_wait3A_251 = arith.constant 0 : i32
        %dma_wait3A_252 = arith.constant 0 : i32
        %dma_wait3A_253 = tpu.memref_slice %arg4[%dma_wait3A_251, %dma_wait3A_252] : memref<20000x128xf32, #tpu.memory_space<hbm>> -> memref<80x128xf32, #tpu.memory_space<hbm>>
        %dma_wait3A_254 = arith.constant 0 : i32
        %dma_wait3A_255 = arith.constant 0 : i32
        %dma_wait3A_256 = tpu.memref_slice %arg4[%dma_wait3A_254, %dma_wait3A_255] : memref<20000x128xf32, #tpu.memory_space<hbm>> -> memref<80x128xf32, #tpu.memory_space<hbm>>
        tpu.wait_dma2 semaphore(%arg34 : memref<!tpu.dma_semaphore, #tpu.memory_space<semaphore_mem>>) src(%dma_wait3A_256 : memref<80x128xf32, #tpu.memory_space<hbm>>) dst(%arg26 : memref<80x128xf32, #tpu.memory_space<vmem>>)
        "tpu.region"() ({
          %run_scoped3A = tpu.sem_alloc : memref<!tpu.dma_semaphore, #tpu.memory_space<semaphore_mem>>
          %dma_start3A_257 = arith.constant 0 : i32
          %dma_start3A_258 = arith.constant 0 : i32
          %dma_start3A_259 = tpu.memref_slice %arg39[%dma_start3A_257, %dma_start3A_258] : memref<10008x128xf32, #tpu.memory_space<vmem_shared>> -> memref<10008x128xf32, #tpu.memory_space<vmem_shared>>
          tpu.enqueue_indirect_dma source(%arg26 : memref<80x128xf32, #tpu.memory_space<vmem>>) target(%dma_start3A_259 : memref<10008x128xf32, #tpu.memory_space<vmem_shared>>) offsets(%arg18 : memref<80xi32, #tpu.memory_space<vmem>>) semaphore(%run_scoped3A : memref<!tpu.dma_semaphore, #tpu.memory_space<semaphore_mem>>) {add = true}
          %dma_wait3A_260 = arith.constant 0 : i32
          %dma_wait3A_261 = arith.constant 0 : i32
          %dma_wait3A_262 = tpu.memref_slice %arg39[%dma_wait3A_260, %dma_wait3A_261] : memref<10008x128xf32, #tpu.memory_space<vmem_shared>> -> memref<10008x128xf32, #tpu.memory_space<vmem_shared>>
          tpu.wait_indirect_dma semaphore(%run_scoped3A : memref<!tpu.dma_semaphore, #tpu.memory_space<semaphore_mem>>) src(%arg26 : memref<80x128xf32, #tpu.memory_space<vmem>>) dst(%dma_wait3A_262 : memref<10008x128xf32, #tpu.memory_space<vmem_shared>>)
          tpu.yield
        }) : () -> ()
      } else {
      }
      %mul3A_227 = arith.constant 8 : i32
      %mul3A_228 = arith.muli %mul3A_227, %scan3A_60 : i32
      %add3A_229 = arith.constant 7 : i32
      %add3A_230 = arith.addi %mul3A_228, %add3A_229 : i32
      %ge3A_231 = arith.constant 4 : i32
      %ge3A_232 = arith.cmpi sge, %add3A_230, %ge3A_231 : i32
      %convert_element_type3A_233 = arith.extui %ge3A_232 : i1 to i32
      %cond3A_234 = arith.constant 0 : i32
      %cond3A_235 = arith.cmpi ne, %convert_element_type3A_233, %cond3A_234 : i32
      scf.if %cond3A_235 {
        %dma_wait3A_251 = arith.constant 0 : i32
        %dma_wait3A_252 = tpu.memref_slice %arg2[%dma_wait3A_251] : memref<655360xi32, #tpu.memory_space<hbm>> -> memref<80xi32, #tpu.memory_space<hbm>>
        %dma_wait3A_253 = arith.constant 0 : i32
        %dma_wait3A_254 = tpu.memref_slice %arg2[%dma_wait3A_253] : memref<655360xi32, #tpu.memory_space<hbm>> -> memref<80xi32, #tpu.memory_space<hbm>>
        tpu.wait_dma2 semaphore(%arg30 : memref<!tpu.dma_semaphore, #tpu.memory_space<semaphore_mem>>) src(%dma_wait3A_254 : memref<80xi32, #tpu.memory_space<hbm>>) dst(%arg14 : memref<80xi32, #tpu.memory_space<vmem>>)
        %dma_wait3A_255 = arith.constant 0 : i32
        %dma_wait3A_256 = tpu.memref_slice %arg3[%dma_wait3A_255] : memref<327680xi32, #tpu.memory_space<hbm>> -> memref<80xi32, #tpu.memory_space<hbm>>
        %dma_wait3A_257 = arith.constant 0 : i32
        %dma_wait3A_258 = tpu.memref_slice %arg3[%dma_wait3A_257] : memref<327680xi32, #tpu.memory_space<hbm>> -> memref<80xi32, #tpu.memory_space<hbm>>
        tpu.wait_dma2 semaphore(%arg30 : memref<!tpu.dma_semaphore, #tpu.memory_space<semaphore_mem>>) src(%dma_wait3A_258 : memref<80xi32, #tpu.memory_space<hbm>>) dst(%arg22 : memref<80xi32, #tpu.memory_space<vmem>>)
      } else {
      }
      %add3A_236 = arith.constant 4 : i32
      %add3A_237 = arith.addi %add3A_230, %add3A_236 : i32
      %lt3A_238 = arith.constant 256 : i32
      %lt3A_239 = arith.cmpi slt, %add3A_237, %lt3A_238 : i32
      %convert_element_type3A_240 = arith.extui %lt3A_239 : i1 to i32
      %cond3A_241 = arith.constant 0 : i32
      %cond3A_242 = arith.cmpi ne, %convert_element_type3A_240, %cond3A_241 : i32
      scf.if %cond3A_242 {
        %add3A_251 = arith.constant 4 : i32
        %add3A_252 = arith.addi %add3A_230, %add3A_251 : i32
        %mul3A_253 = arith.constant 80 : i32
        %mul3A_254 = arith.muli %add3A_252, %mul3A_253 : i32
        %add3A_255 = arith.addi %add3A, %mul3A_254 : i32
        %dma_start3A_256 = tpu.memref_slice %arg2[%add3A_255] : memref<655360xi32, #tpu.memory_space<hbm>> -> memref<80xi32, #tpu.memory_space<hbm>>
        %dma_start3A_257 = tpu.memref_slice %arg2[%add3A_255] : memref<655360xi32, #tpu.memory_space<hbm>> -> memref<80xi32, #tpu.memory_space<hbm>>
        tpu.enqueue_dma source(%dma_start3A_257 : memref<80xi32, #tpu.memory_space<hbm>>) target(%arg10 : memref<80xi32, #tpu.memory_space<vmem>>) target_semaphore(%arg30 : memref<!tpu.dma_semaphore, #tpu.memory_space<semaphore_mem>>)
        %mul3A_258 = arith.constant 80 : i32
        %mul3A_259 = arith.muli %add3A_252, %mul3A_258 : i32
        %add3A_260 = arith.addi %mul3A_10, %mul3A_259 : i32
        %dma_start3A_261 = tpu.memref_slice %arg3[%add3A_260] : memref<327680xi32, #tpu.memory_space<hbm>> -> memref<80xi32, #tpu.memory_space<hbm>>
        %dma_start3A_262 = tpu.memref_slice %arg3[%add3A_260] : memref<327680xi32, #tpu.memory_space<hbm>> -> memref<80xi32, #tpu.memory_space<hbm>>
        tpu.enqueue_dma source(%dma_start3A_262 : memref<80xi32, #tpu.memory_space<hbm>>) target(%arg18 : memref<80xi32, #tpu.memory_space<vmem>>) target_semaphore(%arg30 : memref<!tpu.dma_semaphore, #tpu.memory_space<semaphore_mem>>)
      } else {
      }
      %dma_start3A_243 = arith.constant 0 : i32
      %dma_start3A_244 = arith.constant 0 : i32
      %dma_start3A_245 = tpu.memref_slice %arg4[%dma_start3A_243, %dma_start3A_244] : memref<20000x128xf32, #tpu.memory_space<hbm>> -> memref<20000x128xf32, #tpu.memory_space<hbm>>
      tpu.enqueue_indirect_dma source(%dma_start3A_245 : memref<20000x128xf32, #tpu.memory_space<hbm>>) target(%arg26 : memref<80x128xf32, #tpu.memory_space<vmem>>) offsets(%arg14 : memref<80xi32, #tpu.memory_space<vmem>>) semaphore(%arg34 : memref<!tpu.dma_semaphore, #tpu.memory_space<semaphore_mem>>)
      %ge3A_246 = arith.constant 3 : i32
      %ge3A_247 = arith.cmpi sge, %add3A_230, %ge3A_246 : i32
      %convert_element_type3A_248 = arith.extui %ge3A_247 : i1 to i32
      %cond3A_249 = arith.constant 0 : i32
      %cond3A_250 = arith.cmpi ne, %convert_element_type3A_248, %cond3A_249 : i32
      scf.if %cond3A_250 {
        %dma_wait3A_251 = arith.constant 0 : i32
        %dma_wait3A_252 = arith.constant 0 : i32
        %dma_wait3A_253 = tpu.memref_slice %arg4[%dma_wait3A_251, %dma_wait3A_252] : memref<20000x128xf32, #tpu.memory_space<hbm>> -> memref<80x128xf32, #tpu.memory_space<hbm>>
        %dma_wait3A_254 = arith.constant 0 : i32
        %dma_wait3A_255 = arith.constant 0 : i32
        %dma_wait3A_256 = tpu.memref_slice %arg4[%dma_wait3A_254, %dma_wait3A_255] : memref<20000x128xf32, #tpu.memory_space<hbm>> -> memref<80x128xf32, #tpu.memory_space<hbm>>
        tpu.wait_dma2 semaphore(%arg31 : memref<!tpu.dma_semaphore, #tpu.memory_space<semaphore_mem>>) src(%dma_wait3A_256 : memref<80x128xf32, #tpu.memory_space<hbm>>) dst(%arg23 : memref<80x128xf32, #tpu.memory_space<vmem>>)
        "tpu.region"() ({
          %run_scoped3A = tpu.sem_alloc : memref<!tpu.dma_semaphore, #tpu.memory_space<semaphore_mem>>
          %dma_start3A_257 = arith.constant 0 : i32
          %dma_start3A_258 = arith.constant 0 : i32
          %dma_start3A_259 = tpu.memref_slice %arg39[%dma_start3A_257, %dma_start3A_258] : memref<10008x128xf32, #tpu.memory_space<vmem_shared>> -> memref<10008x128xf32, #tpu.memory_space<vmem_shared>>
          tpu.enqueue_indirect_dma source(%arg23 : memref<80x128xf32, #tpu.memory_space<vmem>>) target(%dma_start3A_259 : memref<10008x128xf32, #tpu.memory_space<vmem_shared>>) offsets(%arg19 : memref<80xi32, #tpu.memory_space<vmem>>) semaphore(%run_scoped3A : memref<!tpu.dma_semaphore, #tpu.memory_space<semaphore_mem>>) {add = true}
          %dma_wait3A_260 = arith.constant 0 : i32
          %dma_wait3A_261 = arith.constant 0 : i32
          %dma_wait3A_262 = tpu.memref_slice %arg39[%dma_wait3A_260, %dma_wait3A_261] : memref<10008x128xf32, #tpu.memory_space<vmem_shared>> -> memref<10008x128xf32, #tpu.memory_space<vmem_shared>>
          tpu.wait_indirect_dma semaphore(%run_scoped3A : memref<!tpu.dma_semaphore, #tpu.memory_space<semaphore_mem>>) src(%arg23 : memref<80x128xf32, #tpu.memory_space<vmem>>) dst(%dma_wait3A_262 : memref<10008x128xf32, #tpu.memory_space<vmem_shared>>)
          tpu.yield
        }) : () -> ()
      } else {
      }
    }
    %scan3A_31 = arith.constant 32 : i32
    %dma_wait3A = arith.constant 0 : i32
    %dma_wait3A_32 = arith.constant 0 : i32
    %dma_wait3A_33 = tpu.memref_slice %arg4[%dma_wait3A, %dma_wait3A_32] : memref<20000x128xf32, #tpu.memory_space<hbm>> -> memref<80x128xf32, #tpu.memory_space<hbm>>
    %dma_wait3A_34 = arith.constant 0 : i32
    %dma_wait3A_35 = arith.constant 0 : i32
    %dma_wait3A_36 = tpu.memref_slice %arg4[%dma_wait3A_34, %dma_wait3A_35] : memref<20000x128xf32, #tpu.memory_space<hbm>> -> memref<80x128xf32, #tpu.memory_space<hbm>>
    tpu.wait_dma2 semaphore(%arg32 : memref<!tpu.dma_semaphore, #tpu.memory_space<semaphore_mem>>) src(%dma_wait3A_36 : memref<80x128xf32, #tpu.memory_space<hbm>>) dst(%arg24 : memref<80x128xf32, #tpu.memory_space<vmem>>)
    "tpu.region"() ({
      %run_scoped3A = tpu.sem_alloc : memref<!tpu.dma_semaphore, #tpu.memory_space<semaphore_mem>>
      %dma_start3A = arith.constant 0 : i32
      %dma_start3A_60 = arith.constant 0 : i32
      %dma_start3A_61 = tpu.memref_slice %arg39[%dma_start3A, %dma_start3A_60] : memref<10008x128xf32, #tpu.memory_space<vmem_shared>> -> memref<10008x128xf32, #tpu.memory_space<vmem_shared>>
      tpu.enqueue_indirect_dma source(%arg24 : memref<80x128xf32, #tpu.memory_space<vmem>>) target(%dma_start3A_61 : memref<10008x128xf32, #tpu.memory_space<vmem_shared>>) offsets(%arg20 : memref<80xi32, #tpu.memory_space<vmem>>) semaphore(%run_scoped3A : memref<!tpu.dma_semaphore, #tpu.memory_space<semaphore_mem>>) {add = true}
      %dma_wait3A_62 = arith.constant 0 : i32
      %dma_wait3A_63 = arith.constant 0 : i32
      %dma_wait3A_64 = tpu.memref_slice %arg39[%dma_wait3A_62, %dma_wait3A_63] : memref<10008x128xf32, #tpu.memory_space<vmem_shared>> -> memref<10008x128xf32, #tpu.memory_space<vmem_shared>>
      tpu.wait_indirect_dma semaphore(%run_scoped3A : memref<!tpu.dma_semaphore, #tpu.memory_space<semaphore_mem>>) src(%arg24 : memref<80x128xf32, #tpu.memory_space<vmem>>) dst(%dma_wait3A_64 : memref<10008x128xf32, #tpu.memory_space<vmem_shared>>)
      tpu.yield
    }) : () -> ()
    %dma_wait3A_37 = arith.constant 0 : i32
    %dma_wait3A_38 = arith.constant 0 : i32
    %dma_wait3A_39 = tpu.memref_slice %arg4[%dma_wait3A_37, %dma_wait3A_38] : memref<20000x128xf32, #tpu.memory_space<hbm>> -> memref<80x128xf32, #tpu.memory_space<hbm>>
    %dma_wait3A_40 = arith.constant 0 : i32
    %dma_wait3A_41 = arith.constant 0 : i32
    %dma_wait3A_42 = tpu.memref_slice %arg4[%dma_wait3A_40, %dma_wait3A_41] : memref<20000x128xf32, #tpu.memory_space<hbm>> -> memref<80x128xf32, #tpu.memory_space<hbm>>
    tpu.wait_dma2 semaphore(%arg33 : memref<!tpu.dma_semaphore, #tpu.memory_space<semaphore_mem>>) src(%dma_wait3A_42 : memref<80x128xf32, #tpu.memory_space<hbm>>) dst(%arg25 : memref<80x128xf32, #tpu.memory_space<vmem>>)
    "tpu.region"() ({
      %run_scoped3A = tpu.sem_alloc : memref<!tpu.dma_semaphore, #tpu.memory_space<semaphore_mem>>
      %dma_start3A = arith.constant 0 : i32
      %dma_start3A_60 = arith.constant 0 : i32
      %dma_start3A_61 = tpu.memref_slice %arg39[%dma_start3A, %dma_start3A_60] : memref<10008x128xf32, #tpu.memory_space<vmem_shared>> -> memref<10008x128xf32, #tpu.memory_space<vmem_shared>>
      tpu.enqueue_indirect_dma source(%arg25 : memref<80x128xf32, #tpu.memory_space<vmem>>) target(%dma_start3A_61 : memref<10008x128xf32, #tpu.memory_space<vmem_shared>>) offsets(%arg21 : memref<80xi32, #tpu.memory_space<vmem>>) semaphore(%run_scoped3A : memref<!tpu.dma_semaphore, #tpu.memory_space<semaphore_mem>>) {add = true}
      %dma_wait3A_62 = arith.constant 0 : i32
      %dma_wait3A_63 = arith.constant 0 : i32
      %dma_wait3A_64 = tpu.memref_slice %arg39[%dma_wait3A_62, %dma_wait3A_63] : memref<10008x128xf32, #tpu.memory_space<vmem_shared>> -> memref<10008x128xf32, #tpu.memory_space<vmem_shared>>
      tpu.wait_indirect_dma semaphore(%run_scoped3A : memref<!tpu.dma_semaphore, #tpu.memory_space<semaphore_mem>>) src(%arg25 : memref<80x128xf32, #tpu.memory_space<vmem>>) dst(%dma_wait3A_64 : memref<10008x128xf32, #tpu.memory_space<vmem_shared>>)
      tpu.yield
    }) : () -> ()
    %dma_wait3A_43 = arith.constant 0 : i32
    %dma_wait3A_44 = arith.constant 0 : i32
    %dma_wait3A_45 = tpu.memref_slice %arg4[%dma_wait3A_43, %dma_wait3A_44] : memref<20000x128xf32, #tpu.memory_space<hbm>> -> memref<80x128xf32, #tpu.memory_space<hbm>>
    %dma_wait3A_46 = arith.constant 0 : i32
    %dma_wait3A_47 = arith.constant 0 : i32
    %dma_wait3A_48 = tpu.memref_slice %arg4[%dma_wait3A_46, %dma_wait3A_47] : memref<20000x128xf32, #tpu.memory_space<hbm>> -> memref<80x128xf32, #tpu.memory_space<hbm>>
    tpu.wait_dma2 semaphore(%arg34 : memref<!tpu.dma_semaphore, #tpu.memory_space<semaphore_mem>>) src(%dma_wait3A_48 : memref<80x128xf32, #tpu.memory_space<hbm>>) dst(%arg26 : memref<80x128xf32, #tpu.memory_space<vmem>>)
    "tpu.region"() ({
      %run_scoped3A = tpu.sem_alloc : memref<!tpu.dma_semaphore, #tpu.memory_space<semaphore_mem>>
      %dma_start3A = arith.constant 0 : i32
      %dma_start3A_60 = arith.constant 0 : i32
      %dma_start3A_61 = tpu.memref_slice %arg39[%dma_start3A, %dma_start3A_60] : memref<10008x128xf32, #tpu.memory_space<vmem_shared>> -> memref<10008x128xf32, #tpu.memory_space<vmem_shared>>
      tpu.enqueue_indirect_dma source(%arg26 : memref<80x128xf32, #tpu.memory_space<vmem>>) target(%dma_start3A_61 : memref<10008x128xf32, #tpu.memory_space<vmem_shared>>) offsets(%arg22 : memref<80xi32, #tpu.memory_space<vmem>>) semaphore(%run_scoped3A : memref<!tpu.dma_semaphore, #tpu.memory_space<semaphore_mem>>) {add = true}
      %dma_wait3A_62 = arith.constant 0 : i32
      %dma_wait3A_63 = arith.constant 0 : i32
      %dma_wait3A_64 = tpu.memref_slice %arg39[%dma_wait3A_62, %dma_wait3A_63] : memref<10008x128xf32, #tpu.memory_space<vmem_shared>> -> memref<10008x128xf32, #tpu.memory_space<vmem_shared>>
      tpu.wait_indirect_dma semaphore(%run_scoped3A : memref<!tpu.dma_semaphore, #tpu.memory_space<semaphore_mem>>) src(%arg26 : memref<80x128xf32, #tpu.memory_space<vmem>>) dst(%dma_wait3A_64 : memref<10008x128xf32, #tpu.memory_space<vmem_shared>>)
      tpu.yield
    }) : () -> ()
    %barrier3A_49 = arith.constant 0 : index
    tpu.barrier barrier_id(%barrier3A_49)
    %lt3A_50 = arith.constant 15 : i32
    %lt3A_51 = arith.cmpi slt, %arg1, %lt3A_50 : i32
    %convert_element_type3A_52 = arith.extui %lt3A_51 : i1 to i32
    %cond3A_53 = arith.constant 0 : i32
    %cond3A_54 = arith.cmpi ne, %convert_element_type3A_52, %cond3A_53 : i32
    scf.if %cond3A_54 {
      %mul3A_60 = arith.constant 624 : i32
      %mul3A_61 = arith.muli %arg1, %mul3A_60 : i32
      %mul3A_62 = arith.constant 10000 : i32
      %mul3A_63 = arith.muli %arg0, %mul3A_62 : i32
      %mul3A_64 = arith.constant 624 : i32
      %mul3A_65 = arith.muli %arg1, %mul3A_64 : i32
      %add3A_66 = arith.addi %mul3A_63, %mul3A_65 : i32
      "tpu.region"() ({
        %run_scoped3A = tpu.sem_alloc : memref<!tpu.dma_semaphore, #tpu.memory_space<semaphore_mem>>
        %dma_start3A = arith.constant 0 : i32
        %dma_start3A_67 = tpu.memref_slice %arg6[%add3A_66, %dma_start3A] : memref<20000x128xf32, #tpu.memory_space<hbm>> -> memref<624x128xf32, #tpu.memory_space<hbm>>
        %dma_start3A_68 = arith.constant 0 : i32
        %dma_start3A_69 = tpu.memref_slice %arg39[%mul3A_61, %dma_start3A_68] : memref<10008x128xf32, #tpu.memory_space<vmem_shared>> -> memref<624x128xf32, #tpu.memory_space<vmem_shared>>
        tpu.enqueue_dma source(%dma_start3A_69 : memref<624x128xf32, #tpu.memory_space<vmem_shared>>) target(%dma_start3A_67 : memref<624x128xf32, #tpu.memory_space<hbm>>) target_semaphore(%run_scoped3A : memref<!tpu.dma_semaphore, #tpu.memory_space<semaphore_mem>>)
        %dma_wait3A_70 = arith.constant 0 : i32
        %dma_wait3A_71 = tpu.memref_slice %arg6[%add3A_66, %dma_wait3A_70] : memref<20000x128xf32, #tpu.memory_space<hbm>> -> memref<624x128xf32, #tpu.memory_space<hbm>>
        %dma_wait3A_72 = arith.constant 0 : i32
        %dma_wait3A_73 = tpu.memref_slice %arg39[%mul3A_61, %dma_wait3A_72] : memref<10008x128xf32, #tpu.memory_space<vmem_shared>> -> memref<624x128xf32, #tpu.memory_space<vmem_shared>>
        tpu.wait_dma2 semaphore(%run_scoped3A : memref<!tpu.dma_semaphore, #tpu.memory_space<semaphore_mem>>) src(%dma_wait3A_73 : memref<624x128xf32, #tpu.memory_space<vmem_shared>>) dst(%dma_wait3A_71 : memref<624x128xf32, #tpu.memory_space<hbm>>)
        tpu.yield
      }) : () -> ()
    } else {
    }
    %eq3A_55 = arith.constant 15 : i32
    %eq3A_56 = arith.cmpi eq, %arg1, %eq3A_55 : i32
    %convert_element_type3A_57 = arith.extui %eq3A_56 : i1 to i32
    %cond3A_58 = arith.constant 0 : i32
    %cond3A_59 = arith.cmpi ne, %convert_element_type3A_57, %cond3A_58 : i32
    scf.if %cond3A_59 {
      %mul3A_60 = arith.constant 10000 : i32
      %mul3A_61 = arith.muli %arg0, %mul3A_60 : i32
      %add3A_62 = arith.constant 9360 : i32
      %add3A_63 = arith.addi %mul3A_61, %add3A_62 : i32
      "tpu.region"() ({
        %run_scoped3A = tpu.sem_alloc : memref<!tpu.dma_semaphore, #tpu.memory_space<semaphore_mem>>
        %dma_start3A = arith.constant 0 : i32
        %dma_start3A_64 = tpu.memref_slice %arg6[%add3A_63, %dma_start3A] : memref<20000x128xf32, #tpu.memory_space<hbm>> -> memref<640x128xf32, #tpu.memory_space<hbm>>
        %dma_start3A_65 = arith.constant 9360 : i32
        %dma_start3A_66 = arith.constant 0 : i32
        %dma_start3A_67 = tpu.memref_slice %arg39[%dma_start3A_65, %dma_start3A_66] : memref<10008x128xf32, #tpu.memory_space<vmem_shared>> -> memref<640x128xf32, #tpu.memory_space<vmem_shared>>
        tpu.enqueue_dma source(%dma_start3A_67 : memref<640x128xf32, #tpu.memory_space<vmem_shared>>) target(%dma_start3A_64 : memref<640x128xf32, #tpu.memory_space<hbm>>) target_semaphore(%run_scoped3A : memref<!tpu.dma_semaphore, #tpu.memory_space<semaphore_mem>>)
        %dma_wait3A_68 = arith.constant 0 : i32
        %dma_wait3A_69 = tpu.memref_slice %arg6[%add3A_63, %dma_wait3A_68] : memref<20000x128xf32, #tpu.memory_space<hbm>> -> memref<640x128xf32, #tpu.memory_space<hbm>>
        %dma_wait3A_70 = arith.constant 9360 : i32
        %dma_wait3A_71 = arith.constant 0 : i32
        %dma_wait3A_72 = tpu.memref_slice %arg39[%dma_wait3A_70, %dma_wait3A_71] : memref<10008x128xf32, #tpu.memory_space<vmem_shared>> -> memref<640x128xf32, #tpu.memory_space<vmem_shared>>
        tpu.wait_dma2 semaphore(%run_scoped3A : memref<!tpu.dma_semaphore, #tpu.memory_space<semaphore_mem>>) src(%dma_wait3A_72 : memref<640x128xf32, #tpu.memory_space<vmem_shared>>) dst(%dma_wait3A_69 : memref<640x128xf32, #tpu.memory_space<hbm>>)
        tpu.yield
      }) : () -> ()
    } else {
    }
    return
  }
}

#map = affine_map<(d0, d1) -> (0)>
#map1 = affine_map<(d0, d1) -> (0, 0)>
module attributes {stable_mosaic.version = 14 : i64} {
  func.func @_deg_body(%arg0: i32, %arg1: i32, %arg2: memref<327680xi32, #tpu.memory_space<hbm>>, %arg3: memref<128x128xf32, #tpu.memory_space<hbm>>, %arg4: memref<640x128xf32, #tpu.memory_space<hbm>>, %arg5: memref<20000x128xf32, #tpu.memory_space<hbm>>, %arg6: memref<128xi32, #tpu.memory_space<vmem>>, %arg7: memref<128x128xf32, #tpu.memory_space<vmem>>, %arg8: memref<10008x128xf32, #tpu.memory_space<vmem_shared>>, %arg9: memref<!tpu.dma_semaphore, #tpu.memory_space<semaphore_mem>>) attributes {dimension_semantics = [#tpu.dimension_semantics<core_parallel>, #tpu.dimension_semantics<subcore_parallel>], iteration_bounds = array<i64: 2, 16>, scalar_prefetch = 0 : i64, scratch_operands = 4 : i64, tpu.core_type = #tpu.core_type<sc_vector_subcore>, window_params = [{transform_indices = #map}, {transform_indices = #map1}, {transform_indices = #map1}, {transform_indices = #map1}]} {
    %lt3A = arith.constant 15 : i32
    %lt3A_0 = arith.cmpi slt, %arg1, %lt3A : i32
    %convert_element_type3A = arith.extui %lt3A_0 : i1 to i32
    %cond3A = arith.constant 0 : i32
    %cond3A_1 = arith.cmpi ne, %convert_element_type3A, %cond3A : i32
    scf.if %cond3A_1 {
      %mul3A_25 = arith.constant 624 : i32
      %mul3A_26 = arith.muli %arg1, %mul3A_25 : i32
      "tpu.region"() ({
        %run_scoped3A = tpu.sem_alloc : memref<!tpu.dma_semaphore, #tpu.memory_space<semaphore_mem>>
        %dma_start3A = arith.constant 0 : i32
        %dma_start3A_27 = tpu.memref_slice %arg8[%mul3A_26, %dma_start3A] : memref<10008x128xf32, #tpu.memory_space<vmem_shared>> -> memref<624x128xf32, #tpu.memory_space<vmem_shared>>
        %dma_start3A_28 = arith.constant 0 : i32
        %dma_start3A_29 = arith.constant 0 : i32
        %dma_start3A_30 = tpu.memref_slice %arg4[%dma_start3A_28, %dma_start3A_29] : memref<640x128xf32, #tpu.memory_space<hbm>> -> memref<624x128xf32, #tpu.memory_space<hbm>>
        tpu.enqueue_dma source(%dma_start3A_30 : memref<624x128xf32, #tpu.memory_space<hbm>>) target(%dma_start3A_27 : memref<624x128xf32, #tpu.memory_space<vmem_shared>>) target_semaphore(%run_scoped3A : memref<!tpu.dma_semaphore, #tpu.memory_space<semaphore_mem>>)
        %dma_wait3A = arith.constant 0 : i32
        %dma_wait3A_31 = tpu.memref_slice %arg8[%mul3A_26, %dma_wait3A] : memref<10008x128xf32, #tpu.memory_space<vmem_shared>> -> memref<624x128xf32, #tpu.memory_space<vmem_shared>>
        %dma_wait3A_32 = arith.constant 0 : i32
        %dma_wait3A_33 = arith.constant 0 : i32
        %dma_wait3A_34 = tpu.memref_slice %arg4[%dma_wait3A_32, %dma_wait3A_33] : memref<640x128xf32, #tpu.memory_space<hbm>> -> memref<624x128xf32, #tpu.memory_space<hbm>>
        tpu.wait_dma2 semaphore(%run_scoped3A : memref<!tpu.dma_semaphore, #tpu.memory_space<semaphore_mem>>) src(%dma_wait3A_34 : memref<624x128xf32, #tpu.memory_space<hbm>>) dst(%dma_wait3A_31 : memref<624x128xf32, #tpu.memory_space<vmem_shared>>)
        tpu.yield
      }) : () -> ()
    } else {
    }
    %eq3A = arith.constant 15 : i32
    %eq3A_2 = arith.cmpi eq, %arg1, %eq3A : i32
    %convert_element_type3A_3 = arith.extui %eq3A_2 : i1 to i32
    %cond3A_4 = arith.constant 0 : i32
    %cond3A_5 = arith.cmpi ne, %convert_element_type3A_3, %cond3A_4 : i32
    scf.if %cond3A_5 {
      "tpu.region"() ({
        %run_scoped3A = tpu.sem_alloc : memref<!tpu.dma_semaphore, #tpu.memory_space<semaphore_mem>>
        %dma_start3A = arith.constant 9360 : i32
        %dma_start3A_25 = arith.constant 0 : i32
        %dma_start3A_26 = tpu.memref_slice %arg8[%dma_start3A, %dma_start3A_25] : memref<10008x128xf32, #tpu.memory_space<vmem_shared>> -> memref<640x128xf32, #tpu.memory_space<vmem_shared>>
        tpu.enqueue_dma source(%arg4 : memref<640x128xf32, #tpu.memory_space<hbm>>) target(%dma_start3A_26 : memref<640x128xf32, #tpu.memory_space<vmem_shared>>) target_semaphore(%run_scoped3A : memref<!tpu.dma_semaphore, #tpu.memory_space<semaphore_mem>>)
        %dma_wait3A = arith.constant 9360 : i32
        %dma_wait3A_27 = arith.constant 0 : i32
        %dma_wait3A_28 = tpu.memref_slice %arg8[%dma_wait3A, %dma_wait3A_27] : memref<10008x128xf32, #tpu.memory_space<vmem_shared>> -> memref<640x128xf32, #tpu.memory_space<vmem_shared>>
        tpu.wait_dma2 semaphore(%run_scoped3A : memref<!tpu.dma_semaphore, #tpu.memory_space<semaphore_mem>>) src(%arg4 : memref<640x128xf32, #tpu.memory_space<hbm>>) dst(%dma_wait3A_28 : memref<640x128xf32, #tpu.memory_space<vmem_shared>>)
        tpu.yield
      }) : () -> ()
    } else {
    }
    "tpu.region"() ({
      %run_scoped3A = tpu.sem_alloc : memref<!tpu.dma_semaphore, #tpu.memory_space<semaphore_mem>>
      tpu.enqueue_dma source(%arg3 : memref<128x128xf32, #tpu.memory_space<hbm>>) target(%arg7 : memref<128x128xf32, #tpu.memory_space<vmem>>) target_semaphore(%run_scoped3A : memref<!tpu.dma_semaphore, #tpu.memory_space<semaphore_mem>>)
      tpu.wait_dma2 semaphore(%run_scoped3A : memref<!tpu.dma_semaphore, #tpu.memory_space<semaphore_mem>>) src(%arg3 : memref<128x128xf32, #tpu.memory_space<hbm>>) dst(%arg7 : memref<128x128xf32, #tpu.memory_space<vmem>>)
      tpu.yield
    }) : () -> ()
    %barrier3A = arith.constant 0 : index
    tpu.barrier barrier_id(%barrier3A)
    %mul3A = arith.constant 16 : i32
    %mul3A_6 = arith.muli %arg0, %mul3A : i32
    %add3A = arith.addi %mul3A_6, %arg1 : i32
    %mul3A_7 = arith.constant 10240 : i32
    %mul3A_8 = arith.muli %add3A, %mul3A_7 : i32
    %scan3A = arith.constant 0 : i32
    %scan3A_9 = arith.constant 0 : i32
    %scan3A_10 = arith.constant 80 : i32
    %scan3A_11 = arith.addi %scan3A_9, %scan3A_10 : i32
    %scan3A_12 = arith.constant 1 : i32
    scf.for %scan3A_25 = %scan3A_9 to %scan3A_11 step %scan3A_12  : i32 {
      %mul3A_26 = arith.constant 128 : i32
      %mul3A_27 = arith.muli %scan3A_25, %mul3A_26 : i32
      %add3A_28 = arith.addi %mul3A_8, %mul3A_27 : i32
      "tpu.region"() ({
        %run_scoped3A = tpu.sem_alloc : memref<!tpu.dma_semaphore, #tpu.memory_space<semaphore_mem>>
        %dma_start3A = tpu.memref_slice %arg2[%add3A_28] : memref<327680xi32, #tpu.memory_space<hbm>> -> memref<128xi32, #tpu.memory_space<hbm>>
        %dma_start3A_29 = tpu.memref_slice %arg2[%add3A_28] : memref<327680xi32, #tpu.memory_space<hbm>> -> memref<128xi32, #tpu.memory_space<hbm>>
        tpu.enqueue_dma source(%dma_start3A_29 : memref<128xi32, #tpu.memory_space<hbm>>) target(%arg6 : memref<128xi32, #tpu.memory_space<vmem>>) target_semaphore(%run_scoped3A : memref<!tpu.dma_semaphore, #tpu.memory_space<semaphore_mem>>)
        %dma_wait3A = tpu.memref_slice %arg2[%add3A_28] : memref<327680xi32, #tpu.memory_space<hbm>> -> memref<128xi32, #tpu.memory_space<hbm>>
        %dma_wait3A_30 = tpu.memref_slice %arg2[%add3A_28] : memref<327680xi32, #tpu.memory_space<hbm>> -> memref<128xi32, #tpu.memory_space<hbm>>
        tpu.wait_dma2 semaphore(%run_scoped3A : memref<!tpu.dma_semaphore, #tpu.memory_space<semaphore_mem>>) src(%dma_wait3A_30 : memref<128xi32, #tpu.memory_space<hbm>>) dst(%arg6 : memref<128xi32, #tpu.memory_space<vmem>>)
        tpu.yield
      }) : () -> ()
      "tpu.region"() ({
        %run_scoped3A = tpu.sem_alloc : memref<!tpu.dma_semaphore, #tpu.memory_space<semaphore_mem>>
        %dma_start3A = arith.constant 0 : i32
        %dma_start3A_29 = arith.constant 0 : i32
        %dma_start3A_30 = tpu.memref_slice %arg8[%dma_start3A, %dma_start3A_29] : memref<10008x128xf32, #tpu.memory_space<vmem_shared>> -> memref<10008x128xf32, #tpu.memory_space<vmem_shared>>
        tpu.enqueue_indirect_dma source(%arg7 : memref<128x128xf32, #tpu.memory_space<vmem>>) target(%dma_start3A_30 : memref<10008x128xf32, #tpu.memory_space<vmem_shared>>) offsets(%arg6 : memref<128xi32, #tpu.memory_space<vmem>>) semaphore(%run_scoped3A : memref<!tpu.dma_semaphore, #tpu.memory_space<semaphore_mem>>) {add = true}
        %dma_wait3A = arith.constant 0 : i32
        %dma_wait3A_31 = arith.constant 0 : i32
        %dma_wait3A_32 = tpu.memref_slice %arg8[%dma_wait3A, %dma_wait3A_31] : memref<10008x128xf32, #tpu.memory_space<vmem_shared>> -> memref<10008x128xf32, #tpu.memory_space<vmem_shared>>
        tpu.wait_indirect_dma semaphore(%run_scoped3A : memref<!tpu.dma_semaphore, #tpu.memory_space<semaphore_mem>>) src(%arg7 : memref<128x128xf32, #tpu.memory_space<vmem>>) dst(%dma_wait3A_32 : memref<10008x128xf32, #tpu.memory_space<vmem_shared>>)
        tpu.yield
      }) : () -> ()
    }
    %scan3A_13 = arith.constant 80 : i32
    %barrier3A_14 = arith.constant 0 : index
    tpu.barrier barrier_id(%barrier3A_14)
    %lt3A_15 = arith.constant 15 : i32
    %lt3A_16 = arith.cmpi slt, %arg1, %lt3A_15 : i32
    %convert_element_type3A_17 = arith.extui %lt3A_16 : i1 to i32
    %cond3A_18 = arith.constant 0 : i32
    %cond3A_19 = arith.cmpi ne, %convert_element_type3A_17, %cond3A_18 : i32
    scf.if %cond3A_19 {
      %mul3A_25 = arith.constant 624 : i32
      %mul3A_26 = arith.muli %arg1, %mul3A_25 : i32
      %mul3A_27 = arith.constant 10000 : i32
      %mul3A_28 = arith.muli %arg0, %mul3A_27 : i32
      %mul3A_29 = arith.constant 624 : i32
      %mul3A_30 = arith.muli %arg1, %mul3A_29 : i32
      %add3A_31 = arith.addi %mul3A_28, %mul3A_30 : i32
      "tpu.region"() ({
        %run_scoped3A = tpu.sem_alloc : memref<!tpu.dma_semaphore, #tpu.memory_space<semaphore_mem>>
        %dma_start3A = arith.constant 0 : i32
        %dma_start3A_32 = tpu.memref_slice %arg5[%add3A_31, %dma_start3A] : memref<20000x128xf32, #tpu.memory_space<hbm>> -> memref<624x128xf32, #tpu.memory_space<hbm>>
        %dma_start3A_33 = arith.constant 0 : i32
        %dma_start3A_34 = tpu.memref_slice %arg8[%mul3A_26, %dma_start3A_33] : memref<10008x128xf32, #tpu.memory_space<vmem_shared>> -> memref<624x128xf32, #tpu.memory_space<vmem_shared>>
        tpu.enqueue_dma source(%dma_start3A_34 : memref<624x128xf32, #tpu.memory_space<vmem_shared>>) target(%dma_start3A_32 : memref<624x128xf32, #tpu.memory_space<hbm>>) target_semaphore(%run_scoped3A : memref<!tpu.dma_semaphore, #tpu.memory_space<semaphore_mem>>)
        %dma_wait3A = arith.constant 0 : i32
        %dma_wait3A_35 = tpu.memref_slice %arg5[%add3A_31, %dma_wait3A] : memref<20000x128xf32, #tpu.memory_space<hbm>> -> memref<624x128xf32, #tpu.memory_space<hbm>>
        %dma_wait3A_36 = arith.constant 0 : i32
        %dma_wait3A_37 = tpu.memref_slice %arg8[%mul3A_26, %dma_wait3A_36] : memref<10008x128xf32, #tpu.memory_space<vmem_shared>> -> memref<624x128xf32, #tpu.memory_space<vmem_shared>>
        tpu.wait_dma2 semaphore(%run_scoped3A : memref<!tpu.dma_semaphore, #tpu.memory_space<semaphore_mem>>) src(%dma_wait3A_37 : memref<624x128xf32, #tpu.memory_space<vmem_shared>>) dst(%dma_wait3A_35 : memref<624x128xf32, #tpu.memory_space<hbm>>)
        tpu.yield
      }) : () -> ()
    } else {
    }
    %eq3A_20 = arith.constant 15 : i32
    %eq3A_21 = arith.cmpi eq, %arg1, %eq3A_20 : i32
    %convert_element_type3A_22 = arith.extui %eq3A_21 : i1 to i32
    %cond3A_23 = arith.constant 0 : i32
    %cond3A_24 = arith.cmpi ne, %convert_element_type3A_22, %cond3A_23 : i32
    scf.if %cond3A_24 {
      %mul3A_25 = arith.constant 10000 : i32
      %mul3A_26 = arith.muli %arg0, %mul3A_25 : i32
      %add3A_27 = arith.constant 9360 : i32
      %add3A_28 = arith.addi %mul3A_26, %add3A_27 : i32
      "tpu.region"() ({
        %run_scoped3A = tpu.sem_alloc : memref<!tpu.dma_semaphore, #tpu.memory_space<semaphore_mem>>
        %dma_start3A = arith.constant 0 : i32
        %dma_start3A_29 = tpu.memref_slice %arg5[%add3A_28, %dma_start3A] : memref<20000x128xf32, #tpu.memory_space<hbm>> -> memref<640x128xf32, #tpu.memory_space<hbm>>
        %dma_start3A_30 = arith.constant 9360 : i32
        %dma_start3A_31 = arith.constant 0 : i32
        %dma_start3A_32 = tpu.memref_slice %arg8[%dma_start3A_30, %dma_start3A_31] : memref<10008x128xf32, #tpu.memory_space<vmem_shared>> -> memref<640x128xf32, #tpu.memory_space<vmem_shared>>
        tpu.enqueue_dma source(%dma_start3A_32 : memref<640x128xf32, #tpu.memory_space<vmem_shared>>) target(%dma_start3A_29 : memref<640x128xf32, #tpu.memory_space<hbm>>) target_semaphore(%run_scoped3A : memref<!tpu.dma_semaphore, #tpu.memory_space<semaphore_mem>>)
        %dma_wait3A = arith.constant 0 : i32
        %dma_wait3A_33 = tpu.memref_slice %arg5[%add3A_28, %dma_wait3A] : memref<20000x128xf32, #tpu.memory_space<hbm>> -> memref<640x128xf32, #tpu.memory_space<hbm>>
        %dma_wait3A_34 = arith.constant 9360 : i32
        %dma_wait3A_35 = arith.constant 0 : i32
        %dma_wait3A_36 = tpu.memref_slice %arg8[%dma_wait3A_34, %dma_wait3A_35] : memref<10008x128xf32, #tpu.memory_space<vmem_shared>> -> memref<640x128xf32, #tpu.memory_space<vmem_shared>>
        tpu.wait_dma2 semaphore(%run_scoped3A : memref<!tpu.dma_semaphore, #tpu.memory_space<semaphore_mem>>) src(%dma_wait3A_36 : memref<640x128xf32, #tpu.memory_space<vmem_shared>>) dst(%dma_wait3A_33 : memref<640x128xf32, #tpu.memory_space<hbm>>)
        tpu.yield
      }) : () -> ()
    } else {
    }
    return
  }
}

#map = affine_map<(d0, d1) -> (0)>
#map1 = affine_map<(d0, d1) -> (0, 0)>
module attributes {stable_mosaic.version = 14 : i64} {
  func.func @_seg_body(%arg0: i32, %arg1: i32, %arg2: memref<655360xi32, #tpu.memory_space<hbm>>, %arg3: memref<327680xi32, #tpu.memory_space<hbm>>, %arg4: memref<20000x128xf32, #tpu.memory_space<hbm>>, %arg5: memref<640x128xf32, #tpu.memory_space<hbm>>, %arg6: memref<20000x128xf32, #tpu.memory_space<hbm>>, %arg7: memref<80xi32, #tpu.memory_space<vmem>>, %arg8: memref<80xi32, #tpu.memory_space<vmem>>, %arg9: memref<80xi32, #tpu.memory_space<vmem>>, %arg10: memref<80xi32, #tpu.memory_space<vmem>>, %arg11: memref<80xi32, #tpu.memory_space<vmem>>, %arg12: memref<80xi32, #tpu.memory_space<vmem>>, %arg13: memref<80xi32, #tpu.memory_space<vmem>>, %arg14: memref<80xi32, #tpu.memory_space<vmem>>, %arg15: memref<80xi32, #tpu.memory_space<vmem>>, %arg16: memref<80xi32, #tpu.memory_space<vmem>>, %arg17: memref<80xi32, #tpu.memory_space<vmem>>, %arg18: memref<80xi32, #tpu.memory_space<vmem>>, %arg19: memref<80xi32, #tpu.memory_space<vmem>>, %arg20: memref<80xi32, #tpu.memory_space<vmem>>, %arg21: memref<80xi32, #tpu.memory_space<vmem>>, %arg22: memref<80xi32, #tpu.memory_space<vmem>>, %arg23: memref<80x128xf32, #tpu.memory_space<vmem>>, %arg24: memref<80x128xf32, #tpu.memory_space<vmem>>, %arg25: memref<80x128xf32, #tpu.memory_space<vmem>>, %arg26: memref<80x128xf32, #tpu.memory_space<vmem>>, %arg27: memref<!tpu.dma_semaphore, #tpu.memory_space<semaphore_mem>>, %arg28: memref<!tpu.dma_semaphore, #tpu.memory_space<semaphore_mem>>, %arg29: memref<!tpu.dma_semaphore, #tpu.memory_space<semaphore_mem>>, %arg30: memref<!tpu.dma_semaphore, #tpu.memory_space<semaphore_mem>>, %arg31: memref<!tpu.dma_semaphore, #tpu.memory_space<semaphore_mem>>, %arg32: memref<!tpu.dma_semaphore, #tpu.memory_space<semaphore_mem>>, %arg33: memref<!tpu.dma_semaphore, #tpu.memory_space<semaphore_mem>>, %arg34: memref<!tpu.dma_semaphore, #tpu.memory_space<semaphore_mem>>, %arg35: memref<!tpu.dma_semaphore, #tpu.memory_space<semaphore_mem>>, %arg36: memref<!tpu.dma_semaphore, #tpu.memory_space<semaphore_mem>>, %arg37: memref<!tpu.dma_semaphore, #tpu.memory_space<semaphore_mem>>, %arg38: memref<!tpu.dma_semaphore, #tpu.memory_space<semaphore_mem>>, %arg39: memref<10008x128xf32, #tpu.memory_space<vmem_shared>>) attributes {dimension_semantics = [#tpu.dimension_semantics<core_parallel>, #tpu.dimension_semantics<subcore_parallel>], iteration_bounds = array<i64: 2, 16>, scalar_prefetch = 0 : i64, scratch_operands = 33 : i64, tpu.core_type = #tpu.core_type<sc_vector_subcore>, window_params = [{transform_indices = #map}, {transform_indices = #map}, {transform_indices = #map1}, {transform_indices = #map1}, {transform_indices = #map1}]} {
    %lt3A = arith.constant 15 : i32
    %lt3A_0 = arith.cmpi slt, %arg1, %lt3A : i32
    %convert_element_type3A = arith.extui %lt3A_0 : i1 to i32
    %cond3A = arith.constant 0 : i32
    %cond3A_1 = arith.cmpi ne, %convert_element_type3A, %cond3A : i32
    scf.if %cond3A_1 {
      %mul3A_60 = arith.constant 624 : i32
      %mul3A_61 = arith.muli %arg1, %mul3A_60 : i32
      "tpu.region"() ({
        %run_scoped3A = tpu.sem_alloc : memref<!tpu.dma_semaphore, #tpu.memory_space<semaphore_mem>>
        %dma_start3A = arith.constant 0 : i32
        %dma_start3A_62 = tpu.memref_slice %arg39[%mul3A_61, %dma_start3A] : memref<10008x128xf32, #tpu.memory_space<vmem_shared>> -> memref<624x128xf32, #tpu.memory_space<vmem_shared>>
        %dma_start3A_63 = arith.constant 0 : i32
        %dma_start3A_64 = arith.constant 0 : i32
        %dma_start3A_65 = tpu.memref_slice %arg5[%dma_start3A_63, %dma_start3A_64] : memref<640x128xf32, #tpu.memory_space<hbm>> -> memref<624x128xf32, #tpu.memory_space<hbm>>
        tpu.enqueue_dma source(%dma_start3A_65 : memref<624x128xf32, #tpu.memory_space<hbm>>) target(%dma_start3A_62 : memref<624x128xf32, #tpu.memory_space<vmem_shared>>) target_semaphore(%run_scoped3A : memref<!tpu.dma_semaphore, #tpu.memory_space<semaphore_mem>>)
        %dma_wait3A_66 = arith.constant 0 : i32
        %dma_wait3A_67 = tpu.memref_slice %arg39[%mul3A_61, %dma_wait3A_66] : memref<10008x128xf32, #tpu.memory_space<vmem_shared>> -> memref<624x128xf32, #tpu.memory_space<vmem_shared>>
        %dma_wait3A_68 = arith.constant 0 : i32
        %dma_wait3A_69 = arith.constant 0 : i32
        %dma_wait3A_70 = tpu.memref_slice %arg5[%dma_wait3A_68, %dma_wait3A_69] : memref<640x128xf32, #tpu.memory_space<hbm>> -> memref<624x128xf32, #tpu.memory_space<hbm>>
        tpu.wait_dma2 semaphore(%run_scoped3A : memref<!tpu.dma_semaphore, #tpu.memory_space<semaphore_mem>>) src(%dma_wait3A_70 : memref<624x128xf32, #tpu.memory_space<hbm>>) dst(%dma_wait3A_67 : memref<624x128xf32, #tpu.memory_space<vmem_shared>>)
        tpu.yield
      }) : () -> ()
    } else {
    }
    %eq3A = arith.constant 15 : i32
    %eq3A_2 = arith.cmpi eq, %arg1, %eq3A : i32
    %convert_element_type3A_3 = arith.extui %eq3A_2 : i1 to i32
    %cond3A_4 = arith.constant 0 : i32
    %cond3A_5 = arith.cmpi ne, %convert_element_type3A_3, %cond3A_4 : i32
    scf.if %cond3A_5 {
      "tpu.region"() ({
        %run_scoped3A = tpu.sem_alloc : memref<!tpu.dma_semaphore, #tpu.memory_space<semaphore_mem>>
        %dma_start3A = arith.constant 9360 : i32
        %dma_start3A_60 = arith.constant 0 : i32
        %dma_start3A_61 = tpu.memref_slice %arg39[%dma_start3A, %dma_start3A_60] : memref<10008x128xf32, #tpu.memory_space<vmem_shared>> -> memref<640x128xf32, #tpu.memory_space<vmem_shared>>
        tpu.enqueue_dma source(%arg5 : memref<640x128xf32, #tpu.memory_space<hbm>>) target(%dma_start3A_61 : memref<640x128xf32, #tpu.memory_space<vmem_shared>>) target_semaphore(%run_scoped3A : memref<!tpu.dma_semaphore, #tpu.memory_space<semaphore_mem>>)
        %dma_wait3A_62 = arith.constant 9360 : i32
        %dma_wait3A_63 = arith.constant 0 : i32
        %dma_wait3A_64 = tpu.memref_slice %arg39[%dma_wait3A_62, %dma_wait3A_63] : memref<10008x128xf32, #tpu.memory_space<vmem_shared>> -> memref<640x128xf32, #tpu.memory_space<vmem_shared>>
        tpu.wait_dma2 semaphore(%run_scoped3A : memref<!tpu.dma_semaphore, #tpu.memory_space<semaphore_mem>>) src(%arg5 : memref<640x128xf32, #tpu.memory_space<hbm>>) dst(%dma_wait3A_64 : memref<640x128xf32, #tpu.memory_space<vmem_shared>>)
        tpu.yield
      }) : () -> ()
    } else {
    }
    %barrier3A = arith.constant 0 : index
    tpu.barrier barrier_id(%barrier3A)
    %mul3A = arith.constant 327680 : i32
    %mul3A_6 = arith.muli %arg0, %mul3A : i32
    %mul3A_7 = arith.constant 20480 : i32
    %mul3A_8 = arith.muli %arg1, %mul3A_7 : i32
    %add3A = arith.addi %mul3A_6, %mul3A_8 : i32
    %mul3A_9 = arith.constant 20480 : i32
    %mul3A_10 = arith.muli %arg1, %mul3A_9 : i32
    %add3A_11 = arith.constant 0 : i32
    %add3A_12 = arith.addi %add3A, %add3A_11 : i32
    "tpu.region"() ({
      %run_scoped3A = tpu.sem_alloc : memref<!tpu.dma_semaphore, #tpu.memory_space<semaphore_mem>>
      %dma_start3A = tpu.memref_slice %arg2[%add3A_12] : memref<655360xi32, #tpu.memory_space<hbm>> -> memref<80xi32, #tpu.memory_space<hbm>>
      %dma_start3A_60 = tpu.memref_slice %arg2[%add3A_12] : memref<655360xi32, #tpu.memory_space<hbm>> -> memref<80xi32, #tpu.memory_space<hbm>>
      tpu.enqueue_dma source(%dma_start3A_60 : memref<80xi32, #tpu.memory_space<hbm>>) target(%arg7 : memref<80xi32, #tpu.memory_space<vmem>>) target_semaphore(%run_scoped3A : memref<!tpu.dma_semaphore, #tpu.memory_space<semaphore_mem>>)
      %dma_wait3A_61 = tpu.memref_slice %arg2[%add3A_12] : memref<655360xi32, #tpu.memory_space<hbm>> -> memref<80xi32, #tpu.memory_space<hbm>>
      %dma_wait3A_62 = tpu.memref_slice %arg2[%add3A_12] : memref<655360xi32, #tpu.memory_space<hbm>> -> memref<80xi32, #tpu.memory_space<hbm>>
      tpu.wait_dma2 semaphore(%run_scoped3A : memref<!tpu.dma_semaphore, #tpu.memory_space<semaphore_mem>>) src(%dma_wait3A_62 : memref<80xi32, #tpu.memory_space<hbm>>) dst(%arg7 : memref<80xi32, #tpu.memory_space<vmem>>)
      tpu.yield
    }) : () -> ()
    %add3A_13 = arith.constant 0 : i32
    %add3A_14 = arith.addi %mul3A_10, %add3A_13 : i32
    "tpu.region"() ({
      %run_scoped3A = tpu.sem_alloc : memref<!tpu.dma_semaphore, #tpu.memory_space<semaphore_mem>>
      %dma_start3A = tpu.memref_slice %arg3[%add3A_14] : memref<327680xi32, #tpu.memory_space<hbm>> -> memref<80xi32, #tpu.memory_space<hbm>>
      %dma_start3A_60 = tpu.memref_slice %arg3[%add3A_14] : memref<327680xi32, #tpu.memory_space<hbm>> -> memref<80xi32, #tpu.memory_space<hbm>>
      tpu.enqueue_dma source(%dma_start3A_60 : memref<80xi32, #tpu.memory_space<hbm>>) target(%arg15 : memref<80xi32, #tpu.memory_space<vmem>>) target_semaphore(%run_scoped3A : memref<!tpu.dma_semaphore, #tpu.memory_space<semaphore_mem>>)
      %dma_wait3A_61 = tpu.memref_slice %arg3[%add3A_14] : memref<327680xi32, #tpu.memory_space<hbm>> -> memref<80xi32, #tpu.memory_space<hbm>>
      %dma_wait3A_62 = tpu.memref_slice %arg3[%add3A_14] : memref<327680xi32, #tpu.memory_space<hbm>> -> memref<80xi32, #tpu.memory_space<hbm>>
      tpu.wait_dma2 semaphore(%run_scoped3A : memref<!tpu.dma_semaphore, #tpu.memory_space<semaphore_mem>>) src(%dma_wait3A_62 : memref<80xi32, #tpu.memory_space<hbm>>) dst(%arg15 : memref<80xi32, #tpu.memory_space<vmem>>)
      tpu.yield
    }) : () -> ()
    %add3A_15 = arith.constant 80 : i32
    %add3A_16 = arith.addi %add3A, %add3A_15 : i32
    "tpu.region"() ({
      %run_scoped3A = tpu.sem_alloc : memref<!tpu.dma_semaphore, #tpu.memory_space<semaphore_mem>>
      %dma_start3A = tpu.memref_slice %arg2[%add3A_16] : memref<655360xi32, #tpu.memory_space<hbm>> -> memref<80xi32, #tpu.memory_space<hbm>>
      %dma_start3A_60 = tpu.memref_slice %arg2[%add3A_16] : memref<655360xi32, #tpu.memory_space<hbm>> -> memref<80xi32, #tpu.memory_space<hbm>>
      tpu.enqueue_dma source(%dma_start3A_60 : memref<80xi32, #tpu.memory_space<hbm>>) target(%arg8 : memref<80xi32, #tpu.memory_space<vmem>>) target_semaphore(%run_scoped3A : memref<!tpu.dma_semaphore, #tpu.memory_space<semaphore_mem>>)
      %dma_wait3A_61 = tpu.memref_slice %arg2[%add3A_16] : memref<655360xi32, #tpu.memory_space<hbm>> -> memref<80xi32, #tpu.memory_space<hbm>>
      %dma_wait3A_62 = tpu.memref_slice %arg2[%add3A_16] : memref<655360xi32, #tpu.memory_space<hbm>> -> memref<80xi32, #tpu.memory_space<hbm>>
      tpu.wait_dma2 semaphore(%run_scoped3A : memref<!tpu.dma_semaphore, #tpu.memory_space<semaphore_mem>>) src(%dma_wait3A_62 : memref<80xi32, #tpu.memory_space<hbm>>) dst(%arg8 : memref<80xi32, #tpu.memory_space<vmem>>)
      tpu.yield
    }) : () -> ()
    %add3A_17 = arith.constant 80 : i32
    %add3A_18 = arith.addi %mul3A_10, %add3A_17 : i32
    "tpu.region"() ({
      %run_scoped3A = tpu.sem_alloc : memref<!tpu.dma_semaphore, #tpu.memory_space<semaphore_mem>>
      %dma_start3A = tpu.memref_slice %arg3[%add3A_18] : memref<327680xi32, #tpu.memory_space<hbm>> -> memref<80xi32, #tpu.memory_space<hbm>>
      %dma_start3A_60 = tpu.memref_slice %arg3[%add3A_18] : memref<327680xi32, #tpu.memory_space<hbm>> -> memref<80xi32, #tpu.memory_space<hbm>>
      tpu.enqueue_dma source(%dma_start3A_60 : memref<80xi32, #tpu.memory_space<hbm>>) target(%arg16 : memref<80xi32, #tpu.memory_space<vmem>>) target_semaphore(%run_scoped3A : memref<!tpu.dma_semaphore, #tpu.memory_space<semaphore_mem>>)
      %dma_wait3A_61 = tpu.memref_slice %arg3[%add3A_18] : memref<327680xi32, #tpu.memory_space<hbm>> -> memref<80xi32, #tpu.memory_space<hbm>>
      %dma_wait3A_62 = tpu.memref_slice %arg3[%add3A_18] : memref<327680xi32, #tpu.memory_space<hbm>> -> memref<80xi32, #tpu.memory_space<hbm>>
      tpu.wait_dma2 semaphore(%run_scoped3A : memref<!tpu.dma_semaphore, #tpu.memory_space<semaphore_mem>>) src(%dma_wait3A_62 : memref<80xi32, #tpu.memory_space<hbm>>) dst(%arg16 : memref<80xi32, #tpu.memory_space<vmem>>)
      tpu.yield
    }) : () -> ()
    %add3A_19 = arith.constant 160 : i32
    %add3A_20 = arith.addi %add3A, %add3A_19 : i32
    "tpu.region"() ({
      %run_scoped3A = tpu.sem_alloc : memref<!tpu.dma_semaphore, #tpu.memory_space<semaphore_mem>>
      %dma_start3A = tpu.memref_slice %arg2[%add3A_20] : memref<655360xi32, #tpu.memory_space<hbm>> -> memref<80xi32, #tpu.memory_space<hbm>>
      %dma_start3A_60 = tpu.memref_slice %arg2[%add3A_20] : memref<655360xi32, #tpu.memory_space<hbm>> -> memref<80xi32, #tpu.memory_space<hbm>>
      tpu.enqueue_dma source(%dma_start3A_60 : memref<80xi32, #tpu.memory_space<hbm>>) target(%arg9 : memref<80xi32, #tpu.memory_space<vmem>>) target_semaphore(%run_scoped3A : memref<!tpu.dma_semaphore, #tpu.memory_space<semaphore_mem>>)
      %dma_wait3A_61 = tpu.memref_slice %arg2[%add3A_20] : memref<655360xi32, #tpu.memory_space<hbm>> -> memref<80xi32, #tpu.memory_space<hbm>>
      %dma_wait3A_62 = tpu.memref_slice %arg2[%add3A_20] : memref<655360xi32, #tpu.memory_space<hbm>> -> memref<80xi32, #tpu.memory_space<hbm>>
      tpu.wait_dma2 semaphore(%run_scoped3A : memref<!tpu.dma_semaphore, #tpu.memory_space<semaphore_mem>>) src(%dma_wait3A_62 : memref<80xi32, #tpu.memory_space<hbm>>) dst(%arg9 : memref<80xi32, #tpu.memory_space<vmem>>)
      tpu.yield
    }) : () -> ()
    %add3A_21 = arith.constant 160 : i32
    %add3A_22 = arith.addi %mul3A_10, %add3A_21 : i32
    "tpu.region"() ({
      %run_scoped3A = tpu.sem_alloc : memref<!tpu.dma_semaphore, #tpu.memory_space<semaphore_mem>>
      %dma_start3A = tpu.memref_slice %arg3[%add3A_22] : memref<327680xi32, #tpu.memory_space<hbm>> -> memref<80xi32, #tpu.memory_space<hbm>>
      %dma_start3A_60 = tpu.memref_slice %arg3[%add3A_22] : memref<327680xi32, #tpu.memory_space<hbm>> -> memref<80xi32, #tpu.memory_space<hbm>>
      tpu.enqueue_dma source(%dma_start3A_60 : memref<80xi32, #tpu.memory_space<hbm>>) target(%arg17 : memref<80xi32, #tpu.memory_space<vmem>>) target_semaphore(%run_scoped3A : memref<!tpu.dma_semaphore, #tpu.memory_space<semaphore_mem>>)
      %dma_wait3A_61 = tpu.memref_slice %arg3[%add3A_22] : memref<327680xi32, #tpu.memory_space<hbm>> -> memref<80xi32, #tpu.memory_space<hbm>>
      %dma_wait3A_62 = tpu.memref_slice %arg3[%add3A_22] : memref<327680xi32, #tpu.memory_space<hbm>> -> memref<80xi32, #tpu.memory_space<hbm>>
      tpu.wait_dma2 semaphore(%run_scoped3A : memref<!tpu.dma_semaphore, #tpu.memory_space<semaphore_mem>>) src(%dma_wait3A_62 : memref<80xi32, #tpu.memory_space<hbm>>) dst(%arg17 : memref<80xi32, #tpu.memory_space<vmem>>)
      tpu.yield
    }) : () -> ()
    %add3A_23 = arith.constant 240 : i32
    %add3A_24 = arith.addi %add3A, %add3A_23 : i32
    "tpu.region"() ({
      %run_scoped3A = tpu.sem_alloc : memref<!tpu.dma_semaphore, #tpu.memory_space<semaphore_mem>>
      %dma_start3A = tpu.memref_slice %arg2[%add3A_24] : memref<655360xi32, #tpu.memory_space<hbm>> -> memref<80xi32, #tpu.memory_space<hbm>>
      %dma_start3A_60 = tpu.memref_slice %arg2[%add3A_24] : memref<655360xi32, #tpu.memory_space<hbm>> -> memref<80xi32, #tpu.memory_space<hbm>>
      tpu.enqueue_dma source(%dma_start3A_60 : memref<80xi32, #tpu.memory_space<hbm>>) target(%arg10 : memref<80xi32, #tpu.memory_space<vmem>>) target_semaphore(%run_scoped3A : memref<!tpu.dma_semaphore, #tpu.memory_space<semaphore_mem>>)
      %dma_wait3A_61 = tpu.memref_slice %arg2[%add3A_24] : memref<655360xi32, #tpu.memory_space<hbm>> -> memref<80xi32, #tpu.memory_space<hbm>>
      %dma_wait3A_62 = tpu.memref_slice %arg2[%add3A_24] : memref<655360xi32, #tpu.memory_space<hbm>> -> memref<80xi32, #tpu.memory_space<hbm>>
      tpu.wait_dma2 semaphore(%run_scoped3A : memref<!tpu.dma_semaphore, #tpu.memory_space<semaphore_mem>>) src(%dma_wait3A_62 : memref<80xi32, #tpu.memory_space<hbm>>) dst(%arg10 : memref<80xi32, #tpu.memory_space<vmem>>)
      tpu.yield
    }) : () -> ()
    %add3A_25 = arith.constant 240 : i32
    %add3A_26 = arith.addi %mul3A_10, %add3A_25 : i32
    "tpu.region"() ({
      %run_scoped3A = tpu.sem_alloc : memref<!tpu.dma_semaphore, #tpu.memory_space<semaphore_mem>>
      %dma_start3A = tpu.memref_slice %arg3[%add3A_26] : memref<327680xi32, #tpu.memory_space<hbm>> -> memref<80xi32, #tpu.memory_space<hbm>>
      %dma_start3A_60 = tpu.memref_slice %arg3[%add3A_26] : memref<327680xi32, #tpu.memory_space<hbm>> -> memref<80xi32, #tpu.memory_space<hbm>>
      tpu.enqueue_dma source(%dma_start3A_60 : memref<80xi32, #tpu.memory_space<hbm>>) target(%arg18 : memref<80xi32, #tpu.memory_space<vmem>>) target_semaphore(%run_scoped3A : memref<!tpu.dma_semaphore, #tpu.memory_space<semaphore_mem>>)
      %dma_wait3A_61 = tpu.memref_slice %arg3[%add3A_26] : memref<327680xi32, #tpu.memory_space<hbm>> -> memref<80xi32, #tpu.memory_space<hbm>>
      %dma_wait3A_62 = tpu.memref_slice %arg3[%add3A_26] : memref<327680xi32, #tpu.memory_space<hbm>> -> memref<80xi32, #tpu.memory_space<hbm>>
      tpu.wait_dma2 semaphore(%run_scoped3A : memref<!tpu.dma_semaphore, #tpu.memory_space<semaphore_mem>>) src(%dma_wait3A_62 : memref<80xi32, #tpu.memory_space<hbm>>) dst(%arg18 : memref<80xi32, #tpu.memory_space<vmem>>)
      tpu.yield
    }) : () -> ()
    %scan3A = arith.constant 0 : i32
    %scan3A_27 = arith.constant 0 : i32
    %scan3A_28 = arith.constant 32 : i32
    %scan3A_29 = arith.addi %scan3A_27, %scan3A_28 : i32
    %scan3A_30 = arith.constant 1 : i32
    scf.for %scan3A_60 = %scan3A_27 to %scan3A_29 step %scan3A_30  : i32 {
      %mul3A_61 = arith.constant 8 : i32
      %mul3A_62 = arith.muli %mul3A_61, %scan3A_60 : i32
      %add3A_63 = arith.constant 0 : i32
      %add3A_64 = arith.addi %mul3A_62, %add3A_63 : i32
      %ge3A = arith.constant 4 : i32
      %ge3A_65 = arith.cmpi sge, %add3A_64, %ge3A : i32
      %convert_element_type3A_66 = arith.extui %ge3A_65 : i1 to i32
      %cond3A_67 = arith.constant 0 : i32
      %cond3A_68 = arith.cmpi ne, %convert_element_type3A_66, %cond3A_67 : i32
      scf.if %cond3A_68 {
        %dma_wait3A_251 = arith.constant 0 : i32
        %dma_wait3A_252 = tpu.memref_slice %arg2[%dma_wait3A_251] : memref<655360xi32, #tpu.memory_space<hbm>> -> memref<80xi32, #tpu.memory_space<hbm>>
        %dma_wait3A_253 = arith.constant 0 : i32
        %dma_wait3A_254 = tpu.memref_slice %arg2[%dma_wait3A_253] : memref<655360xi32, #tpu.memory_space<hbm>> -> memref<80xi32, #tpu.memory_space<hbm>>
        tpu.wait_dma2 semaphore(%arg27 : memref<!tpu.dma_semaphore, #tpu.memory_space<semaphore_mem>>) src(%dma_wait3A_254 : memref<80xi32, #tpu.memory_space<hbm>>) dst(%arg7 : memref<80xi32, #tpu.memory_space<vmem>>)
        %dma_wait3A_255 = arith.constant 0 : i32
        %dma_wait3A_256 = tpu.memref_slice %arg3[%dma_wait3A_255] : memref<327680xi32, #tpu.memory_space<hbm>> -> memref<80xi32, #tpu.memory_space<hbm>>
        %dma_wait3A_257 = arith.constant 0 : i32
        %dma_wait3A_258 = tpu.memref_slice %arg3[%dma_wait3A_257] : memref<327680xi32, #tpu.memory_space<hbm>> -> memref<80xi32, #tpu.memory_space<hbm>>
        tpu.wait_dma2 semaphore(%arg27 : memref<!tpu.dma_semaphore, #tpu.memory_space<semaphore_mem>>) src(%dma_wait3A_258 : memref<80xi32, #tpu.memory_space<hbm>>) dst(%arg15 : memref<80xi32, #tpu.memory_space<vmem>>)
      } else {
      }
      %add3A_69 = arith.constant 4 : i32
      %add3A_70 = arith.addi %add3A_64, %add3A_69 : i32
      %lt3A_71 = arith.constant 256 : i32
      %lt3A_72 = arith.cmpi slt, %add3A_70, %lt3A_71 : i32
      %convert_element_type3A_73 = arith.extui %lt3A_72 : i1 to i32
      %cond3A_74 = arith.constant 0 : i32
      %cond3A_75 = arith.cmpi ne, %convert_element_type3A_73, %cond3A_74 : i32
      scf.if %cond3A_75 {
        %add3A_251 = arith.constant 4 : i32
        %add3A_252 = arith.addi %add3A_64, %add3A_251 : i32
        %mul3A_253 = arith.constant 80 : i32
        %mul3A_254 = arith.muli %add3A_252, %mul3A_253 : i32
        %add3A_255 = arith.addi %add3A, %mul3A_254 : i32
        %dma_start3A_256 = tpu.memref_slice %arg2[%add3A_255] : memref<655360xi32, #tpu.memory_space<hbm>> -> memref<80xi32, #tpu.memory_space<hbm>>
        %dma_start3A_257 = tpu.memref_slice %arg2[%add3A_255] : memref<655360xi32, #tpu.memory_space<hbm>> -> memref<80xi32, #tpu.memory_space<hbm>>
        tpu.enqueue_dma source(%dma_start3A_257 : memref<80xi32, #tpu.memory_space<hbm>>) target(%arg11 : memref<80xi32, #tpu.memory_space<vmem>>) target_semaphore(%arg27 : memref<!tpu.dma_semaphore, #tpu.memory_space<semaphore_mem>>)
        %mul3A_258 = arith.constant 80 : i32
        %mul3A_259 = arith.muli %add3A_252, %mul3A_258 : i32
        %add3A_260 = arith.addi %mul3A_10, %mul3A_259 : i32
        %dma_start3A_261 = tpu.memref_slice %arg3[%add3A_260] : memref<327680xi32, #tpu.memory_space<hbm>> -> memref<80xi32, #tpu.memory_space<hbm>>
        %dma_start3A_262 = tpu.memref_slice %arg3[%add3A_260] : memref<327680xi32, #tpu.memory_space<hbm>> -> memref<80xi32, #tpu.memory_space<hbm>>
        tpu.enqueue_dma source(%dma_start3A_262 : memref<80xi32, #tpu.memory_space<hbm>>) target(%arg19 : memref<80xi32, #tpu.memory_space<vmem>>) target_semaphore(%arg27 : memref<!tpu.dma_semaphore, #tpu.memory_space<semaphore_mem>>)
      } else {
      }
      %dma_start3A = arith.constant 0 : i32
      %dma_start3A_76 = arith.constant 0 : i32
      %dma_start3A_77 = tpu.memref_slice %arg4[%dma_start3A, %dma_start3A_76] : memref<20000x128xf32, #tpu.memory_space<hbm>> -> memref<20000x128xf32, #tpu.memory_space<hbm>>
      tpu.enqueue_indirect_dma source(%dma_start3A_77 : memref<20000x128xf32, #tpu.memory_space<hbm>>) target(%arg23 : memref<80x128xf32, #tpu.memory_space<vmem>>) offsets(%arg7 : memref<80xi32, #tpu.memory_space<vmem>>) semaphore(%arg31 : memref<!tpu.dma_semaphore, #tpu.memory_space<semaphore_mem>>)
      %ge3A_78 = arith.constant 3 : i32
      %ge3A_79 = arith.cmpi sge, %add3A_64, %ge3A_78 : i32
      %convert_element_type3A_80 = arith.extui %ge3A_79 : i1 to i32
      %cond3A_81 = arith.constant 0 : i32
      %cond3A_82 = arith.cmpi ne, %convert_element_type3A_80, %cond3A_81 : i32
      scf.if %cond3A_82 {
        %dma_wait3A_251 = arith.constant 0 : i32
        %dma_wait3A_252 = arith.constant 0 : i32
        %dma_wait3A_253 = tpu.memref_slice %arg4[%dma_wait3A_251, %dma_wait3A_252] : memref<20000x128xf32, #tpu.memory_space<hbm>> -> memref<80x128xf32, #tpu.memory_space<hbm>>
        %dma_wait3A_254 = arith.constant 0 : i32
        %dma_wait3A_255 = arith.constant 0 : i32
        %dma_wait3A_256 = tpu.memref_slice %arg4[%dma_wait3A_254, %dma_wait3A_255] : memref<20000x128xf32, #tpu.memory_space<hbm>> -> memref<80x128xf32, #tpu.memory_space<hbm>>
        tpu.wait_dma2 semaphore(%arg32 : memref<!tpu.dma_semaphore, #tpu.memory_space<semaphore_mem>>) src(%dma_wait3A_256 : memref<80x128xf32, #tpu.memory_space<hbm>>) dst(%arg24 : memref<80x128xf32, #tpu.memory_space<vmem>>)
        "tpu.region"() ({
          %run_scoped3A = tpu.sem_alloc : memref<!tpu.dma_semaphore, #tpu.memory_space<semaphore_mem>>
          %dma_start3A_257 = arith.constant 0 : i32
          %dma_start3A_258 = arith.constant 0 : i32
          %dma_start3A_259 = tpu.memref_slice %arg39[%dma_start3A_257, %dma_start3A_258] : memref<10008x128xf32, #tpu.memory_space<vmem_shared>> -> memref<10008x128xf32, #tpu.memory_space<vmem_shared>>
          tpu.enqueue_indirect_dma source(%arg24 : memref<80x128xf32, #tpu.memory_space<vmem>>) target(%dma_start3A_259 : memref<10008x128xf32, #tpu.memory_space<vmem_shared>>) offsets(%arg20 : memref<80xi32, #tpu.memory_space<vmem>>) semaphore(%run_scoped3A : memref<!tpu.dma_semaphore, #tpu.memory_space<semaphore_mem>>) {add = true}
          %dma_wait3A_260 = arith.constant 0 : i32
          %dma_wait3A_261 = arith.constant 0 : i32
          %dma_wait3A_262 = tpu.memref_slice %arg39[%dma_wait3A_260, %dma_wait3A_261] : memref<10008x128xf32, #tpu.memory_space<vmem_shared>> -> memref<10008x128xf32, #tpu.memory_space<vmem_shared>>
          tpu.wait_indirect_dma semaphore(%run_scoped3A : memref<!tpu.dma_semaphore, #tpu.memory_space<semaphore_mem>>) src(%arg24 : memref<80x128xf32, #tpu.memory_space<vmem>>) dst(%dma_wait3A_262 : memref<10008x128xf32, #tpu.memory_space<vmem_shared>>)
          tpu.yield
        }) : () -> ()
      } else {
      }
      %mul3A_83 = arith.constant 8 : i32
      %mul3A_84 = arith.muli %mul3A_83, %scan3A_60 : i32
      %add3A_85 = arith.constant 1 : i32
      %add3A_86 = arith.addi %mul3A_84, %add3A_85 : i32
      %ge3A_87 = arith.constant 4 : i32
      %ge3A_88 = arith.cmpi sge, %add3A_86, %ge3A_87 : i32
      %convert_element_type3A_89 = arith.extui %ge3A_88 : i1 to i32
      %cond3A_90 = arith.constant 0 : i32
      %cond3A_91 = arith.cmpi ne, %convert_element_type3A_89, %cond3A_90 : i32
      scf.if %cond3A_91 {
        %dma_wait3A_251 = arith.constant 0 : i32
        %dma_wait3A_252 = tpu.memref_slice %arg2[%dma_wait3A_251] : memref<655360xi32, #tpu.memory_space<hbm>> -> memref<80xi32, #tpu.memory_space<hbm>>
        %dma_wait3A_253 = arith.constant 0 : i32
        %dma_wait3A_254 = tpu.memref_slice %arg2[%dma_wait3A_253] : memref<655360xi32, #tpu.memory_space<hbm>> -> memref<80xi32, #tpu.memory_space<hbm>>
        tpu.wait_dma2 semaphore(%arg28 : memref<!tpu.dma_semaphore, #tpu.memory_space<semaphore_mem>>) src(%dma_wait3A_254 : memref<80xi32, #tpu.memory_space<hbm>>) dst(%arg8 : memref<80xi32, #tpu.memory_space<vmem>>)
        %dma_wait3A_255 = arith.constant 0 : i32
        %dma_wait3A_256 = tpu.memref_slice %arg3[%dma_wait3A_255] : memref<327680xi32, #tpu.memory_space<hbm>> -> memref<80xi32, #tpu.memory_space<hbm>>
        %dma_wait3A_257 = arith.constant 0 : i32
        %dma_wait3A_258 = tpu.memref_slice %arg3[%dma_wait3A_257] : memref<327680xi32, #tpu.memory_space<hbm>> -> memref<80xi32, #tpu.memory_space<hbm>>
        tpu.wait_dma2 semaphore(%arg28 : memref<!tpu.dma_semaphore, #tpu.memory_space<semaphore_mem>>) src(%dma_wait3A_258 : memref<80xi32, #tpu.memory_space<hbm>>) dst(%arg16 : memref<80xi32, #tpu.memory_space<vmem>>)
      } else {
      }
      %add3A_92 = arith.constant 4 : i32
      %add3A_93 = arith.addi %add3A_86, %add3A_92 : i32
      %lt3A_94 = arith.constant 256 : i32
      %lt3A_95 = arith.cmpi slt, %add3A_93, %lt3A_94 : i32
      %convert_element_type3A_96 = arith.extui %lt3A_95 : i1 to i32
      %cond3A_97 = arith.constant 0 : i32
      %cond3A_98 = arith.cmpi ne, %convert_element_type3A_96, %cond3A_97 : i32
      scf.if %cond3A_98 {
        %add3A_251 = arith.constant 4 : i32
        %add3A_252 = arith.addi %add3A_86, %add3A_251 : i32
        %mul3A_253 = arith.constant 80 : i32
        %mul3A_254 = arith.muli %add3A_252, %mul3A_253 : i32
        %add3A_255 = arith.addi %add3A, %mul3A_254 : i32
        %dma_start3A_256 = tpu.memref_slice %arg2[%add3A_255] : memref<655360xi32, #tpu.memory_space<hbm>> -> memref<80xi32, #tpu.memory_space<hbm>>
        %dma_start3A_257 = tpu.memref_slice %arg2[%add3A_255] : memref<655360xi32, #tpu.memory_space<hbm>> -> memref<80xi32, #tpu.memory_space<hbm>>
        tpu.enqueue_dma source(%dma_start3A_257 : memref<80xi32, #tpu.memory_space<hbm>>) target(%arg12 : memref<80xi32, #tpu.memory_space<vmem>>) target_semaphore(%arg28 : memref<!tpu.dma_semaphore, #tpu.memory_space<semaphore_mem>>)
        %mul3A_258 = arith.constant 80 : i32
        %mul3A_259 = arith.muli %add3A_252, %mul3A_258 : i32
        %add3A_260 = arith.addi %mul3A_10, %mul3A_259 : i32
        %dma_start3A_261 = tpu.memref_slice %arg3[%add3A_260] : memref<327680xi32, #tpu.memory_space<hbm>> -> memref<80xi32, #tpu.memory_space<hbm>>
        %dma_start3A_262 = tpu.memref_slice %arg3[%add3A_260] : memref<327680xi32, #tpu.memory_space<hbm>> -> memref<80xi32, #tpu.memory_space<hbm>>
        tpu.enqueue_dma source(%dma_start3A_262 : memref<80xi32, #tpu.memory_space<hbm>>) target(%arg20 : memref<80xi32, #tpu.memory_space<vmem>>) target_semaphore(%arg28 : memref<!tpu.dma_semaphore, #tpu.memory_space<semaphore_mem>>)
      } else {
      }
      %dma_start3A_99 = arith.constant 0 : i32
      %dma_start3A_100 = arith.constant 0 : i32
      %dma_start3A_101 = tpu.memref_slice %arg4[%dma_start3A_99, %dma_start3A_100] : memref<20000x128xf32, #tpu.memory_space<hbm>> -> memref<20000x128xf32, #tpu.memory_space<hbm>>
      tpu.enqueue_indirect_dma source(%dma_start3A_101 : memref<20000x128xf32, #tpu.memory_space<hbm>>) target(%arg24 : memref<80x128xf32, #tpu.memory_space<vmem>>) offsets(%arg8 : memref<80xi32, #tpu.memory_space<vmem>>) semaphore(%arg32 : memref<!tpu.dma_semaphore, #tpu.memory_space<semaphore_mem>>)
      %ge3A_102 = arith.constant 3 : i32
      %ge3A_103 = arith.cmpi sge, %add3A_86, %ge3A_102 : i32
      %convert_element_type3A_104 = arith.extui %ge3A_103 : i1 to i32
      %cond3A_105 = arith.constant 0 : i32
      %cond3A_106 = arith.cmpi ne, %convert_element_type3A_104, %cond3A_105 : i32
      scf.if %cond3A_106 {
        %dma_wait3A_251 = arith.constant 0 : i32
        %dma_wait3A_252 = arith.constant 0 : i32
        %dma_wait3A_253 = tpu.memref_slice %arg4[%dma_wait3A_251, %dma_wait3A_252] : memref<20000x128xf32, #tpu.memory_space<hbm>> -> memref<80x128xf32, #tpu.memory_space<hbm>>
        %dma_wait3A_254 = arith.constant 0 : i32
        %dma_wait3A_255 = arith.constant 0 : i32
        %dma_wait3A_256 = tpu.memref_slice %arg4[%dma_wait3A_254, %dma_wait3A_255] : memref<20000x128xf32, #tpu.memory_space<hbm>> -> memref<80x128xf32, #tpu.memory_space<hbm>>
        tpu.wait_dma2 semaphore(%arg33 : memref<!tpu.dma_semaphore, #tpu.memory_space<semaphore_mem>>) src(%dma_wait3A_256 : memref<80x128xf32, #tpu.memory_space<hbm>>) dst(%arg25 : memref<80x128xf32, #tpu.memory_space<vmem>>)
        "tpu.region"() ({
          %run_scoped3A = tpu.sem_alloc : memref<!tpu.dma_semaphore, #tpu.memory_space<semaphore_mem>>
          %dma_start3A_257 = arith.constant 0 : i32
          %dma_start3A_258 = arith.constant 0 : i32
          %dma_start3A_259 = tpu.memref_slice %arg39[%dma_start3A_257, %dma_start3A_258] : memref<10008x128xf32, #tpu.memory_space<vmem_shared>> -> memref<10008x128xf32, #tpu.memory_space<vmem_shared>>
          tpu.enqueue_indirect_dma source(%arg25 : memref<80x128xf32, #tpu.memory_space<vmem>>) target(%dma_start3A_259 : memref<10008x128xf32, #tpu.memory_space<vmem_shared>>) offsets(%arg21 : memref<80xi32, #tpu.memory_space<vmem>>) semaphore(%run_scoped3A : memref<!tpu.dma_semaphore, #tpu.memory_space<semaphore_mem>>) {add = true}
          %dma_wait3A_260 = arith.constant 0 : i32
          %dma_wait3A_261 = arith.constant 0 : i32
          %dma_wait3A_262 = tpu.memref_slice %arg39[%dma_wait3A_260, %dma_wait3A_261] : memref<10008x128xf32, #tpu.memory_space<vmem_shared>> -> memref<10008x128xf32, #tpu.memory_space<vmem_shared>>
          tpu.wait_indirect_dma semaphore(%run_scoped3A : memref<!tpu.dma_semaphore, #tpu.memory_space<semaphore_mem>>) src(%arg25 : memref<80x128xf32, #tpu.memory_space<vmem>>) dst(%dma_wait3A_262 : memref<10008x128xf32, #tpu.memory_space<vmem_shared>>)
          tpu.yield
        }) : () -> ()
      } else {
      }
      %mul3A_107 = arith.constant 8 : i32
      %mul3A_108 = arith.muli %mul3A_107, %scan3A_60 : i32
      %add3A_109 = arith.constant 2 : i32
      %add3A_110 = arith.addi %mul3A_108, %add3A_109 : i32
      %ge3A_111 = arith.constant 4 : i32
      %ge3A_112 = arith.cmpi sge, %add3A_110, %ge3A_111 : i32
      %convert_element_type3A_113 = arith.extui %ge3A_112 : i1 to i32
      %cond3A_114 = arith.constant 0 : i32
      %cond3A_115 = arith.cmpi ne, %convert_element_type3A_113, %cond3A_114 : i32
      scf.if %cond3A_115 {
        %dma_wait3A_251 = arith.constant 0 : i32
        %dma_wait3A_252 = tpu.memref_slice %arg2[%dma_wait3A_251] : memref<655360xi32, #tpu.memory_space<hbm>> -> memref<80xi32, #tpu.memory_space<hbm>>
        %dma_wait3A_253 = arith.constant 0 : i32
        %dma_wait3A_254 = tpu.memref_slice %arg2[%dma_wait3A_253] : memref<655360xi32, #tpu.memory_space<hbm>> -> memref<80xi32, #tpu.memory_space<hbm>>
        tpu.wait_dma2 semaphore(%arg29 : memref<!tpu.dma_semaphore, #tpu.memory_space<semaphore_mem>>) src(%dma_wait3A_254 : memref<80xi32, #tpu.memory_space<hbm>>) dst(%arg9 : memref<80xi32, #tpu.memory_space<vmem>>)
        %dma_wait3A_255 = arith.constant 0 : i32
        %dma_wait3A_256 = tpu.memref_slice %arg3[%dma_wait3A_255] : memref<327680xi32, #tpu.memory_space<hbm>> -> memref<80xi32, #tpu.memory_space<hbm>>
        %dma_wait3A_257 = arith.constant 0 : i32
        %dma_wait3A_258 = tpu.memref_slice %arg3[%dma_wait3A_257] : memref<327680xi32, #tpu.memory_space<hbm>> -> memref<80xi32, #tpu.memory_space<hbm>>
        tpu.wait_dma2 semaphore(%arg29 : memref<!tpu.dma_semaphore, #tpu.memory_space<semaphore_mem>>) src(%dma_wait3A_258 : memref<80xi32, #tpu.memory_space<hbm>>) dst(%arg17 : memref<80xi32, #tpu.memory_space<vmem>>)
      } else {
      }
      %add3A_116 = arith.constant 4 : i32
      %add3A_117 = arith.addi %add3A_110, %add3A_116 : i32
      %lt3A_118 = arith.constant 256 : i32
      %lt3A_119 = arith.cmpi slt, %add3A_117, %lt3A_118 : i32
      %convert_element_type3A_120 = arith.extui %lt3A_119 : i1 to i32
      %cond3A_121 = arith.constant 0 : i32
      %cond3A_122 = arith.cmpi ne, %convert_element_type3A_120, %cond3A_121 : i32
      scf.if %cond3A_122 {
        %add3A_251 = arith.constant 4 : i32
        %add3A_252 = arith.addi %add3A_110, %add3A_251 : i32
        %mul3A_253 = arith.constant 80 : i32
        %mul3A_254 = arith.muli %add3A_252, %mul3A_253 : i32
        %add3A_255 = arith.addi %add3A, %mul3A_254 : i32
        %dma_start3A_256 = tpu.memref_slice %arg2[%add3A_255] : memref<655360xi32, #tpu.memory_space<hbm>> -> memref<80xi32, #tpu.memory_space<hbm>>
        %dma_start3A_257 = tpu.memref_slice %arg2[%add3A_255] : memref<655360xi32, #tpu.memory_space<hbm>> -> memref<80xi32, #tpu.memory_space<hbm>>
        tpu.enqueue_dma source(%dma_start3A_257 : memref<80xi32, #tpu.memory_space<hbm>>) target(%arg13 : memref<80xi32, #tpu.memory_space<vmem>>) target_semaphore(%arg29 : memref<!tpu.dma_semaphore, #tpu.memory_space<semaphore_mem>>)
        %mul3A_258 = arith.constant 80 : i32
        %mul3A_259 = arith.muli %add3A_252, %mul3A_258 : i32
        %add3A_260 = arith.addi %mul3A_10, %mul3A_259 : i32
        %dma_start3A_261 = tpu.memref_slice %arg3[%add3A_260] : memref<327680xi32, #tpu.memory_space<hbm>> -> memref<80xi32, #tpu.memory_space<hbm>>
        %dma_start3A_262 = tpu.memref_slice %arg3[%add3A_260] : memref<327680xi32, #tpu.memory_space<hbm>> -> memref<80xi32, #tpu.memory_space<hbm>>
        tpu.enqueue_dma source(%dma_start3A_262 : memref<80xi32, #tpu.memory_space<hbm>>) target(%arg21 : memref<80xi32, #tpu.memory_space<vmem>>) target_semaphore(%arg29 : memref<!tpu.dma_semaphore, #tpu.memory_space<semaphore_mem>>)
      } else {
      }
      %dma_start3A_123 = arith.constant 0 : i32
      %dma_start3A_124 = arith.constant 0 : i32
      %dma_start3A_125 = tpu.memref_slice %arg4[%dma_start3A_123, %dma_start3A_124] : memref<20000x128xf32, #tpu.memory_space<hbm>> -> memref<20000x128xf32, #tpu.memory_space<hbm>>
      tpu.enqueue_indirect_dma source(%dma_start3A_125 : memref<20000x128xf32, #tpu.memory_space<hbm>>) target(%arg25 : memref<80x128xf32, #tpu.memory_space<vmem>>) offsets(%arg9 : memref<80xi32, #tpu.memory_space<vmem>>) semaphore(%arg33 : memref<!tpu.dma_semaphore, #tpu.memory_space<semaphore_mem>>)
      %ge3A_126 = arith.constant 3 : i32
      %ge3A_127 = arith.cmpi sge, %add3A_110, %ge3A_126 : i32
      %convert_element_type3A_128 = arith.extui %ge3A_127 : i1 to i32
      %cond3A_129 = arith.constant 0 : i32
      %cond3A_130 = arith.cmpi ne, %convert_element_type3A_128, %cond3A_129 : i32
      scf.if %cond3A_130 {
        %dma_wait3A_251 = arith.constant 0 : i32
        %dma_wait3A_252 = arith.constant 0 : i32
        %dma_wait3A_253 = tpu.memref_slice %arg4[%dma_wait3A_251, %dma_wait3A_252] : memref<20000x128xf32, #tpu.memory_space<hbm>> -> memref<80x128xf32, #tpu.memory_space<hbm>>
        %dma_wait3A_254 = arith.constant 0 : i32
        %dma_wait3A_255 = arith.constant 0 : i32
        %dma_wait3A_256 = tpu.memref_slice %arg4[%dma_wait3A_254, %dma_wait3A_255] : memref<20000x128xf32, #tpu.memory_space<hbm>> -> memref<80x128xf32, #tpu.memory_space<hbm>>
        tpu.wait_dma2 semaphore(%arg34 : memref<!tpu.dma_semaphore, #tpu.memory_space<semaphore_mem>>) src(%dma_wait3A_256 : memref<80x128xf32, #tpu.memory_space<hbm>>) dst(%arg26 : memref<80x128xf32, #tpu.memory_space<vmem>>)
        "tpu.region"() ({
          %run_scoped3A = tpu.sem_alloc : memref<!tpu.dma_semaphore, #tpu.memory_space<semaphore_mem>>
          %dma_start3A_257 = arith.constant 0 : i32
          %dma_start3A_258 = arith.constant 0 : i32
          %dma_start3A_259 = tpu.memref_slice %arg39[%dma_start3A_257, %dma_start3A_258] : memref<10008x128xf32, #tpu.memory_space<vmem_shared>> -> memref<10008x128xf32, #tpu.memory_space<vmem_shared>>
          tpu.enqueue_indirect_dma source(%arg26 : memref<80x128xf32, #tpu.memory_space<vmem>>) target(%dma_start3A_259 : memref<10008x128xf32, #tpu.memory_space<vmem_shared>>) offsets(%arg22 : memref<80xi32, #tpu.memory_space<vmem>>) semaphore(%run_scoped3A : memref<!tpu.dma_semaphore, #tpu.memory_space<semaphore_mem>>) {add = true}
          %dma_wait3A_260 = arith.constant 0 : i32
          %dma_wait3A_261 = arith.constant 0 : i32
          %dma_wait3A_262 = tpu.memref_slice %arg39[%dma_wait3A_260, %dma_wait3A_261] : memref<10008x128xf32, #tpu.memory_space<vmem_shared>> -> memref<10008x128xf32, #tpu.memory_space<vmem_shared>>
          tpu.wait_indirect_dma semaphore(%run_scoped3A : memref<!tpu.dma_semaphore, #tpu.memory_space<semaphore_mem>>) src(%arg26 : memref<80x128xf32, #tpu.memory_space<vmem>>) dst(%dma_wait3A_262 : memref<10008x128xf32, #tpu.memory_space<vmem_shared>>)
          tpu.yield
        }) : () -> ()
      } else {
      }
      %mul3A_131 = arith.constant 8 : i32
      %mul3A_132 = arith.muli %mul3A_131, %scan3A_60 : i32
      %add3A_133 = arith.constant 3 : i32
      %add3A_134 = arith.addi %mul3A_132, %add3A_133 : i32
      %ge3A_135 = arith.constant 4 : i32
      %ge3A_136 = arith.cmpi sge, %add3A_134, %ge3A_135 : i32
      %convert_element_type3A_137 = arith.extui %ge3A_136 : i1 to i32
      %cond3A_138 = arith.constant 0 : i32
      %cond3A_139 = arith.cmpi ne, %convert_element_type3A_137, %cond3A_138 : i32
      scf.if %cond3A_139 {
        %dma_wait3A_251 = arith.constant 0 : i32
        %dma_wait3A_252 = tpu.memref_slice %arg2[%dma_wait3A_251] : memref<655360xi32, #tpu.memory_space<hbm>> -> memref<80xi32, #tpu.memory_space<hbm>>
        %dma_wait3A_253 = arith.constant 0 : i32
        %dma_wait3A_254 = tpu.memref_slice %arg2[%dma_wait3A_253] : memref<655360xi32, #tpu.memory_space<hbm>> -> memref<80xi32, #tpu.memory_space<hbm>>
        tpu.wait_dma2 semaphore(%arg30 : memref<!tpu.dma_semaphore, #tpu.memory_space<semaphore_mem>>) src(%dma_wait3A_254 : memref<80xi32, #tpu.memory_space<hbm>>) dst(%arg10 : memref<80xi32, #tpu.memory_space<vmem>>)
        %dma_wait3A_255 = arith.constant 0 : i32
        %dma_wait3A_256 = tpu.memref_slice %arg3[%dma_wait3A_255] : memref<327680xi32, #tpu.memory_space<hbm>> -> memref<80xi32, #tpu.memory_space<hbm>>
        %dma_wait3A_257 = arith.constant 0 : i32
        %dma_wait3A_258 = tpu.memref_slice %arg3[%dma_wait3A_257] : memref<327680xi32, #tpu.memory_space<hbm>> -> memref<80xi32, #tpu.memory_space<hbm>>
        tpu.wait_dma2 semaphore(%arg30 : memref<!tpu.dma_semaphore, #tpu.memory_space<semaphore_mem>>) src(%dma_wait3A_258 : memref<80xi32, #tpu.memory_space<hbm>>) dst(%arg18 : memref<80xi32, #tpu.memory_space<vmem>>)
      } else {
      }
      %add3A_140 = arith.constant 4 : i32
      %add3A_141 = arith.addi %add3A_134, %add3A_140 : i32
      %lt3A_142 = arith.constant 256 : i32
      %lt3A_143 = arith.cmpi slt, %add3A_141, %lt3A_142 : i32
      %convert_element_type3A_144 = arith.extui %lt3A_143 : i1 to i32
      %cond3A_145 = arith.constant 0 : i32
      %cond3A_146 = arith.cmpi ne, %convert_element_type3A_144, %cond3A_145 : i32
      scf.if %cond3A_146 {
        %add3A_251 = arith.constant 4 : i32
        %add3A_252 = arith.addi %add3A_134, %add3A_251 : i32
        %mul3A_253 = arith.constant 80 : i32
        %mul3A_254 = arith.muli %add3A_252, %mul3A_253 : i32
        %add3A_255 = arith.addi %add3A, %mul3A_254 : i32
        %dma_start3A_256 = tpu.memref_slice %arg2[%add3A_255] : memref<655360xi32, #tpu.memory_space<hbm>> -> memref<80xi32, #tpu.memory_space<hbm>>
        %dma_start3A_257 = tpu.memref_slice %arg2[%add3A_255] : memref<655360xi32, #tpu.memory_space<hbm>> -> memref<80xi32, #tpu.memory_space<hbm>>
        tpu.enqueue_dma source(%dma_start3A_257 : memref<80xi32, #tpu.memory_space<hbm>>) target(%arg14 : memref<80xi32, #tpu.memory_space<vmem>>) target_semaphore(%arg30 : memref<!tpu.dma_semaphore, #tpu.memory_space<semaphore_mem>>)
        %mul3A_258 = arith.constant 80 : i32
        %mul3A_259 = arith.muli %add3A_252, %mul3A_258 : i32
        %add3A_260 = arith.addi %mul3A_10, %mul3A_259 : i32
        %dma_start3A_261 = tpu.memref_slice %arg3[%add3A_260] : memref<327680xi32, #tpu.memory_space<hbm>> -> memref<80xi32, #tpu.memory_space<hbm>>
        %dma_start3A_262 = tpu.memref_slice %arg3[%add3A_260] : memref<327680xi32, #tpu.memory_space<hbm>> -> memref<80xi32, #tpu.memory_space<hbm>>
        tpu.enqueue_dma source(%dma_start3A_262 : memref<80xi32, #tpu.memory_space<hbm>>) target(%arg22 : memref<80xi32, #tpu.memory_space<vmem>>) target_semaphore(%arg30 : memref<!tpu.dma_semaphore, #tpu.memory_space<semaphore_mem>>)
      } else {
      }
      %dma_start3A_147 = arith.constant 0 : i32
      %dma_start3A_148 = arith.constant 0 : i32
      %dma_start3A_149 = tpu.memref_slice %arg4[%dma_start3A_147, %dma_start3A_148] : memref<20000x128xf32, #tpu.memory_space<hbm>> -> memref<20000x128xf32, #tpu.memory_space<hbm>>
      tpu.enqueue_indirect_dma source(%dma_start3A_149 : memref<20000x128xf32, #tpu.memory_space<hbm>>) target(%arg26 : memref<80x128xf32, #tpu.memory_space<vmem>>) offsets(%arg10 : memref<80xi32, #tpu.memory_space<vmem>>) semaphore(%arg34 : memref<!tpu.dma_semaphore, #tpu.memory_space<semaphore_mem>>)
      %ge3A_150 = arith.constant 3 : i32
      %ge3A_151 = arith.cmpi sge, %add3A_134, %ge3A_150 : i32
      %convert_element_type3A_152 = arith.extui %ge3A_151 : i1 to i32
      %cond3A_153 = arith.constant 0 : i32
      %cond3A_154 = arith.cmpi ne, %convert_element_type3A_152, %cond3A_153 : i32
      scf.if %cond3A_154 {
        %dma_wait3A_251 = arith.constant 0 : i32
        %dma_wait3A_252 = arith.constant 0 : i32
        %dma_wait3A_253 = tpu.memref_slice %arg4[%dma_wait3A_251, %dma_wait3A_252] : memref<20000x128xf32, #tpu.memory_space<hbm>> -> memref<80x128xf32, #tpu.memory_space<hbm>>
        %dma_wait3A_254 = arith.constant 0 : i32
        %dma_wait3A_255 = arith.constant 0 : i32
        %dma_wait3A_256 = tpu.memref_slice %arg4[%dma_wait3A_254, %dma_wait3A_255] : memref<20000x128xf32, #tpu.memory_space<hbm>> -> memref<80x128xf32, #tpu.memory_space<hbm>>
        tpu.wait_dma2 semaphore(%arg31 : memref<!tpu.dma_semaphore, #tpu.memory_space<semaphore_mem>>) src(%dma_wait3A_256 : memref<80x128xf32, #tpu.memory_space<hbm>>) dst(%arg23 : memref<80x128xf32, #tpu.memory_space<vmem>>)
        "tpu.region"() ({
          %run_scoped3A = tpu.sem_alloc : memref<!tpu.dma_semaphore, #tpu.memory_space<semaphore_mem>>
          %dma_start3A_257 = arith.constant 0 : i32
          %dma_start3A_258 = arith.constant 0 : i32
          %dma_start3A_259 = tpu.memref_slice %arg39[%dma_start3A_257, %dma_start3A_258] : memref<10008x128xf32, #tpu.memory_space<vmem_shared>> -> memref<10008x128xf32, #tpu.memory_space<vmem_shared>>
          tpu.enqueue_indirect_dma source(%arg23 : memref<80x128xf32, #tpu.memory_space<vmem>>) target(%dma_start3A_259 : memref<10008x128xf32, #tpu.memory_space<vmem_shared>>) offsets(%arg15 : memref<80xi32, #tpu.memory_space<vmem>>) semaphore(%run_scoped3A : memref<!tpu.dma_semaphore, #tpu.memory_space<semaphore_mem>>) {add = true}
          %dma_wait3A_260 = arith.constant 0 : i32
          %dma_wait3A_261 = arith.constant 0 : i32
          %dma_wait3A_262 = tpu.memref_slice %arg39[%dma_wait3A_260, %dma_wait3A_261] : memref<10008x128xf32, #tpu.memory_space<vmem_shared>> -> memref<10008x128xf32, #tpu.memory_space<vmem_shared>>
          tpu.wait_indirect_dma semaphore(%run_scoped3A : memref<!tpu.dma_semaphore, #tpu.memory_space<semaphore_mem>>) src(%arg23 : memref<80x128xf32, #tpu.memory_space<vmem>>) dst(%dma_wait3A_262 : memref<10008x128xf32, #tpu.memory_space<vmem_shared>>)
          tpu.yield
        }) : () -> ()
      } else {
      }
      %mul3A_155 = arith.constant 8 : i32
      %mul3A_156 = arith.muli %mul3A_155, %scan3A_60 : i32
      %add3A_157 = arith.constant 4 : i32
      %add3A_158 = arith.addi %mul3A_156, %add3A_157 : i32
      %ge3A_159 = arith.constant 4 : i32
      %ge3A_160 = arith.cmpi sge, %add3A_158, %ge3A_159 : i32
      %convert_element_type3A_161 = arith.extui %ge3A_160 : i1 to i32
      %cond3A_162 = arith.constant 0 : i32
      %cond3A_163 = arith.cmpi ne, %convert_element_type3A_161, %cond3A_162 : i32
      scf.if %cond3A_163 {
        %dma_wait3A_251 = arith.constant 0 : i32
        %dma_wait3A_252 = tpu.memref_slice %arg2[%dma_wait3A_251] : memref<655360xi32, #tpu.memory_space<hbm>> -> memref<80xi32, #tpu.memory_space<hbm>>
        %dma_wait3A_253 = arith.constant 0 : i32
        %dma_wait3A_254 = tpu.memref_slice %arg2[%dma_wait3A_253] : memref<655360xi32, #tpu.memory_space<hbm>> -> memref<80xi32, #tpu.memory_space<hbm>>
        tpu.wait_dma2 semaphore(%arg27 : memref<!tpu.dma_semaphore, #tpu.memory_space<semaphore_mem>>) src(%dma_wait3A_254 : memref<80xi32, #tpu.memory_space<hbm>>) dst(%arg11 : memref<80xi32, #tpu.memory_space<vmem>>)
        %dma_wait3A_255 = arith.constant 0 : i32
        %dma_wait3A_256 = tpu.memref_slice %arg3[%dma_wait3A_255] : memref<327680xi32, #tpu.memory_space<hbm>> -> memref<80xi32, #tpu.memory_space<hbm>>
        %dma_wait3A_257 = arith.constant 0 : i32
        %dma_wait3A_258 = tpu.memref_slice %arg3[%dma_wait3A_257] : memref<327680xi32, #tpu.memory_space<hbm>> -> memref<80xi32, #tpu.memory_space<hbm>>
        tpu.wait_dma2 semaphore(%arg27 : memref<!tpu.dma_semaphore, #tpu.memory_space<semaphore_mem>>) src(%dma_wait3A_258 : memref<80xi32, #tpu.memory_space<hbm>>) dst(%arg19 : memref<80xi32, #tpu.memory_space<vmem>>)
      } else {
      }
      %add3A_164 = arith.constant 4 : i32
      %add3A_165 = arith.addi %add3A_158, %add3A_164 : i32
      %lt3A_166 = arith.constant 256 : i32
      %lt3A_167 = arith.cmpi slt, %add3A_165, %lt3A_166 : i32
      %convert_element_type3A_168 = arith.extui %lt3A_167 : i1 to i32
      %cond3A_169 = arith.constant 0 : i32
      %cond3A_170 = arith.cmpi ne, %convert_element_type3A_168, %cond3A_169 : i32
      scf.if %cond3A_170 {
        %add3A_251 = arith.constant 4 : i32
        %add3A_252 = arith.addi %add3A_158, %add3A_251 : i32
        %mul3A_253 = arith.constant 80 : i32
        %mul3A_254 = arith.muli %add3A_252, %mul3A_253 : i32
        %add3A_255 = arith.addi %add3A, %mul3A_254 : i32
        %dma_start3A_256 = tpu.memref_slice %arg2[%add3A_255] : memref<655360xi32, #tpu.memory_space<hbm>> -> memref<80xi32, #tpu.memory_space<hbm>>
        %dma_start3A_257 = tpu.memref_slice %arg2[%add3A_255] : memref<655360xi32, #tpu.memory_space<hbm>> -> memref<80xi32, #tpu.memory_space<hbm>>
        tpu.enqueue_dma source(%dma_start3A_257 : memref<80xi32, #tpu.memory_space<hbm>>) target(%arg7 : memref<80xi32, #tpu.memory_space<vmem>>) target_semaphore(%arg27 : memref<!tpu.dma_semaphore, #tpu.memory_space<semaphore_mem>>)
        %mul3A_258 = arith.constant 80 : i32
        %mul3A_259 = arith.muli %add3A_252, %mul3A_258 : i32
        %add3A_260 = arith.addi %mul3A_10, %mul3A_259 : i32
        %dma_start3A_261 = tpu.memref_slice %arg3[%add3A_260] : memref<327680xi32, #tpu.memory_space<hbm>> -> memref<80xi32, #tpu.memory_space<hbm>>
        %dma_start3A_262 = tpu.memref_slice %arg3[%add3A_260] : memref<327680xi32, #tpu.memory_space<hbm>> -> memref<80xi32, #tpu.memory_space<hbm>>
        tpu.enqueue_dma source(%dma_start3A_262 : memref<80xi32, #tpu.memory_space<hbm>>) target(%arg15 : memref<80xi32, #tpu.memory_space<vmem>>) target_semaphore(%arg27 : memref<!tpu.dma_semaphore, #tpu.memory_space<semaphore_mem>>)
      } else {
      }
      %dma_start3A_171 = arith.constant 0 : i32
      %dma_start3A_172 = arith.constant 0 : i32
      %dma_start3A_173 = tpu.memref_slice %arg4[%dma_start3A_171, %dma_start3A_172] : memref<20000x128xf32, #tpu.memory_space<hbm>> -> memref<20000x128xf32, #tpu.memory_space<hbm>>
      tpu.enqueue_indirect_dma source(%dma_start3A_173 : memref<20000x128xf32, #tpu.memory_space<hbm>>) target(%arg23 : memref<80x128xf32, #tpu.memory_space<vmem>>) offsets(%arg11 : memref<80xi32, #tpu.memory_space<vmem>>) semaphore(%arg31 : memref<!tpu.dma_semaphore, #tpu.memory_space<semaphore_mem>>)
      %ge3A_174 = arith.constant 3 : i32
      %ge3A_175 = arith.cmpi sge, %add3A_158, %ge3A_174 : i32
      %convert_element_type3A_176 = arith.extui %ge3A_175 : i1 to i32
      %cond3A_177 = arith.constant 0 : i32
      %cond3A_178 = arith.cmpi ne, %convert_element_type3A_176, %cond3A_177 : i32
      scf.if %cond3A_178 {
        %dma_wait3A_251 = arith.constant 0 : i32
        %dma_wait3A_252 = arith.constant 0 : i32
        %dma_wait3A_253 = tpu.memref_slice %arg4[%dma_wait3A_251, %dma_wait3A_252] : memref<20000x128xf32, #tpu.memory_space<hbm>> -> memref<80x128xf32, #tpu.memory_space<hbm>>
        %dma_wait3A_254 = arith.constant 0 : i32
        %dma_wait3A_255 = arith.constant 0 : i32
        %dma_wait3A_256 = tpu.memref_slice %arg4[%dma_wait3A_254, %dma_wait3A_255] : memref<20000x128xf32, #tpu.memory_space<hbm>> -> memref<80x128xf32, #tpu.memory_space<hbm>>
        tpu.wait_dma2 semaphore(%arg32 : memref<!tpu.dma_semaphore, #tpu.memory_space<semaphore_mem>>) src(%dma_wait3A_256 : memref<80x128xf32, #tpu.memory_space<hbm>>) dst(%arg24 : memref<80x128xf32, #tpu.memory_space<vmem>>)
        "tpu.region"() ({
          %run_scoped3A = tpu.sem_alloc : memref<!tpu.dma_semaphore, #tpu.memory_space<semaphore_mem>>
          %dma_start3A_257 = arith.constant 0 : i32
          %dma_start3A_258 = arith.constant 0 : i32
          %dma_start3A_259 = tpu.memref_slice %arg39[%dma_start3A_257, %dma_start3A_258] : memref<10008x128xf32, #tpu.memory_space<vmem_shared>> -> memref<10008x128xf32, #tpu.memory_space<vmem_shared>>
          tpu.enqueue_indirect_dma source(%arg24 : memref<80x128xf32, #tpu.memory_space<vmem>>) target(%dma_start3A_259 : memref<10008x128xf32, #tpu.memory_space<vmem_shared>>) offsets(%arg16 : memref<80xi32, #tpu.memory_space<vmem>>) semaphore(%run_scoped3A : memref<!tpu.dma_semaphore, #tpu.memory_space<semaphore_mem>>) {add = true}
          %dma_wait3A_260 = arith.constant 0 : i32
          %dma_wait3A_261 = arith.constant 0 : i32
          %dma_wait3A_262 = tpu.memref_slice %arg39[%dma_wait3A_260, %dma_wait3A_261] : memref<10008x128xf32, #tpu.memory_space<vmem_shared>> -> memref<10008x128xf32, #tpu.memory_space<vmem_shared>>
          tpu.wait_indirect_dma semaphore(%run_scoped3A : memref<!tpu.dma_semaphore, #tpu.memory_space<semaphore_mem>>) src(%arg24 : memref<80x128xf32, #tpu.memory_space<vmem>>) dst(%dma_wait3A_262 : memref<10008x128xf32, #tpu.memory_space<vmem_shared>>)
          tpu.yield
        }) : () -> ()
      } else {
      }
      %mul3A_179 = arith.constant 8 : i32
      %mul3A_180 = arith.muli %mul3A_179, %scan3A_60 : i32
      %add3A_181 = arith.constant 5 : i32
      %add3A_182 = arith.addi %mul3A_180, %add3A_181 : i32
      %ge3A_183 = arith.constant 4 : i32
      %ge3A_184 = arith.cmpi sge, %add3A_182, %ge3A_183 : i32
      %convert_element_type3A_185 = arith.extui %ge3A_184 : i1 to i32
      %cond3A_186 = arith.constant 0 : i32
      %cond3A_187 = arith.cmpi ne, %convert_element_type3A_185, %cond3A_186 : i32
      scf.if %cond3A_187 {
        %dma_wait3A_251 = arith.constant 0 : i32
        %dma_wait3A_252 = tpu.memref_slice %arg2[%dma_wait3A_251] : memref<655360xi32, #tpu.memory_space<hbm>> -> memref<80xi32, #tpu.memory_space<hbm>>
        %dma_wait3A_253 = arith.constant 0 : i32
        %dma_wait3A_254 = tpu.memref_slice %arg2[%dma_wait3A_253] : memref<655360xi32, #tpu.memory_space<hbm>> -> memref<80xi32, #tpu.memory_space<hbm>>
        tpu.wait_dma2 semaphore(%arg28 : memref<!tpu.dma_semaphore, #tpu.memory_space<semaphore_mem>>) src(%dma_wait3A_254 : memref<80xi32, #tpu.memory_space<hbm>>) dst(%arg12 : memref<80xi32, #tpu.memory_space<vmem>>)
        %dma_wait3A_255 = arith.constant 0 : i32
        %dma_wait3A_256 = tpu.memref_slice %arg3[%dma_wait3A_255] : memref<327680xi32, #tpu.memory_space<hbm>> -> memref<80xi32, #tpu.memory_space<hbm>>
        %dma_wait3A_257 = arith.constant 0 : i32
        %dma_wait3A_258 = tpu.memref_slice %arg3[%dma_wait3A_257] : memref<327680xi32, #tpu.memory_space<hbm>> -> memref<80xi32, #tpu.memory_space<hbm>>
        tpu.wait_dma2 semaphore(%arg28 : memref<!tpu.dma_semaphore, #tpu.memory_space<semaphore_mem>>) src(%dma_wait3A_258 : memref<80xi32, #tpu.memory_space<hbm>>) dst(%arg20 : memref<80xi32, #tpu.memory_space<vmem>>)
      } else {
      }
      %add3A_188 = arith.constant 4 : i32
      %add3A_189 = arith.addi %add3A_182, %add3A_188 : i32
      %lt3A_190 = arith.constant 256 : i32
      %lt3A_191 = arith.cmpi slt, %add3A_189, %lt3A_190 : i32
      %convert_element_type3A_192 = arith.extui %lt3A_191 : i1 to i32
      %cond3A_193 = arith.constant 0 : i32
      %cond3A_194 = arith.cmpi ne, %convert_element_type3A_192, %cond3A_193 : i32
      scf.if %cond3A_194 {
        %add3A_251 = arith.constant 4 : i32
        %add3A_252 = arith.addi %add3A_182, %add3A_251 : i32
        %mul3A_253 = arith.constant 80 : i32
        %mul3A_254 = arith.muli %add3A_252, %mul3A_253 : i32
        %add3A_255 = arith.addi %add3A, %mul3A_254 : i32
        %dma_start3A_256 = tpu.memref_slice %arg2[%add3A_255] : memref<655360xi32, #tpu.memory_space<hbm>> -> memref<80xi32, #tpu.memory_space<hbm>>
        %dma_start3A_257 = tpu.memref_slice %arg2[%add3A_255] : memref<655360xi32, #tpu.memory_space<hbm>> -> memref<80xi32, #tpu.memory_space<hbm>>
        tpu.enqueue_dma source(%dma_start3A_257 : memref<80xi32, #tpu.memory_space<hbm>>) target(%arg8 : memref<80xi32, #tpu.memory_space<vmem>>) target_semaphore(%arg28 : memref<!tpu.dma_semaphore, #tpu.memory_space<semaphore_mem>>)
        %mul3A_258 = arith.constant 80 : i32
        %mul3A_259 = arith.muli %add3A_252, %mul3A_258 : i32
        %add3A_260 = arith.addi %mul3A_10, %mul3A_259 : i32
        %dma_start3A_261 = tpu.memref_slice %arg3[%add3A_260] : memref<327680xi32, #tpu.memory_space<hbm>> -> memref<80xi32, #tpu.memory_space<hbm>>
        %dma_start3A_262 = tpu.memref_slice %arg3[%add3A_260] : memref<327680xi32, #tpu.memory_space<hbm>> -> memref<80xi32, #tpu.memory_space<hbm>>
        tpu.enqueue_dma source(%dma_start3A_262 : memref<80xi32, #tpu.memory_space<hbm>>) target(%arg16 : memref<80xi32, #tpu.memory_space<vmem>>) target_semaphore(%arg28 : memref<!tpu.dma_semaphore, #tpu.memory_space<semaphore_mem>>)
      } else {
      }
      %dma_start3A_195 = arith.constant 0 : i32
      %dma_start3A_196 = arith.constant 0 : i32
      %dma_start3A_197 = tpu.memref_slice %arg4[%dma_start3A_195, %dma_start3A_196] : memref<20000x128xf32, #tpu.memory_space<hbm>> -> memref<20000x128xf32, #tpu.memory_space<hbm>>
      tpu.enqueue_indirect_dma source(%dma_start3A_197 : memref<20000x128xf32, #tpu.memory_space<hbm>>) target(%arg24 : memref<80x128xf32, #tpu.memory_space<vmem>>) offsets(%arg12 : memref<80xi32, #tpu.memory_space<vmem>>) semaphore(%arg32 : memref<!tpu.dma_semaphore, #tpu.memory_space<semaphore_mem>>)
      %ge3A_198 = arith.constant 3 : i32
      %ge3A_199 = arith.cmpi sge, %add3A_182, %ge3A_198 : i32
      %convert_element_type3A_200 = arith.extui %ge3A_199 : i1 to i32
      %cond3A_201 = arith.constant 0 : i32
      %cond3A_202 = arith.cmpi ne, %convert_element_type3A_200, %cond3A_201 : i32
      scf.if %cond3A_202 {
        %dma_wait3A_251 = arith.constant 0 : i32
        %dma_wait3A_252 = arith.constant 0 : i32
        %dma_wait3A_253 = tpu.memref_slice %arg4[%dma_wait3A_251, %dma_wait3A_252] : memref<20000x128xf32, #tpu.memory_space<hbm>> -> memref<80x128xf32, #tpu.memory_space<hbm>>
        %dma_wait3A_254 = arith.constant 0 : i32
        %dma_wait3A_255 = arith.constant 0 : i32
        %dma_wait3A_256 = tpu.memref_slice %arg4[%dma_wait3A_254, %dma_wait3A_255] : memref<20000x128xf32, #tpu.memory_space<hbm>> -> memref<80x128xf32, #tpu.memory_space<hbm>>
        tpu.wait_dma2 semaphore(%arg33 : memref<!tpu.dma_semaphore, #tpu.memory_space<semaphore_mem>>) src(%dma_wait3A_256 : memref<80x128xf32, #tpu.memory_space<hbm>>) dst(%arg25 : memref<80x128xf32, #tpu.memory_space<vmem>>)
        "tpu.region"() ({
          %run_scoped3A = tpu.sem_alloc : memref<!tpu.dma_semaphore, #tpu.memory_space<semaphore_mem>>
          %dma_start3A_257 = arith.constant 0 : i32
          %dma_start3A_258 = arith.constant 0 : i32
          %dma_start3A_259 = tpu.memref_slice %arg39[%dma_start3A_257, %dma_start3A_258] : memref<10008x128xf32, #tpu.memory_space<vmem_shared>> -> memref<10008x128xf32, #tpu.memory_space<vmem_shared>>
          tpu.enqueue_indirect_dma source(%arg25 : memref<80x128xf32, #tpu.memory_space<vmem>>) target(%dma_start3A_259 : memref<10008x128xf32, #tpu.memory_space<vmem_shared>>) offsets(%arg17 : memref<80xi32, #tpu.memory_space<vmem>>) semaphore(%run_scoped3A : memref<!tpu.dma_semaphore, #tpu.memory_space<semaphore_mem>>) {add = true}
          %dma_wait3A_260 = arith.constant 0 : i32
          %dma_wait3A_261 = arith.constant 0 : i32
          %dma_wait3A_262 = tpu.memref_slice %arg39[%dma_wait3A_260, %dma_wait3A_261] : memref<10008x128xf32, #tpu.memory_space<vmem_shared>> -> memref<10008x128xf32, #tpu.memory_space<vmem_shared>>
          tpu.wait_indirect_dma semaphore(%run_scoped3A : memref<!tpu.dma_semaphore, #tpu.memory_space<semaphore_mem>>) src(%arg25 : memref<80x128xf32, #tpu.memory_space<vmem>>) dst(%dma_wait3A_262 : memref<10008x128xf32, #tpu.memory_space<vmem_shared>>)
          tpu.yield
        }) : () -> ()
      } else {
      }
      %mul3A_203 = arith.constant 8 : i32
      %mul3A_204 = arith.muli %mul3A_203, %scan3A_60 : i32
      %add3A_205 = arith.constant 6 : i32
      %add3A_206 = arith.addi %mul3A_204, %add3A_205 : i32
      %ge3A_207 = arith.constant 4 : i32
      %ge3A_208 = arith.cmpi sge, %add3A_206, %ge3A_207 : i32
      %convert_element_type3A_209 = arith.extui %ge3A_208 : i1 to i32
      %cond3A_210 = arith.constant 0 : i32
      %cond3A_211 = arith.cmpi ne, %convert_element_type3A_209, %cond3A_210 : i32
      scf.if %cond3A_211 {
        %dma_wait3A_251 = arith.constant 0 : i32
        %dma_wait3A_252 = tpu.memref_slice %arg2[%dma_wait3A_251] : memref<655360xi32, #tpu.memory_space<hbm>> -> memref<80xi32, #tpu.memory_space<hbm>>
        %dma_wait3A_253 = arith.constant 0 : i32
        %dma_wait3A_254 = tpu.memref_slice %arg2[%dma_wait3A_253] : memref<655360xi32, #tpu.memory_space<hbm>> -> memref<80xi32, #tpu.memory_space<hbm>>
        tpu.wait_dma2 semaphore(%arg29 : memref<!tpu.dma_semaphore, #tpu.memory_space<semaphore_mem>>) src(%dma_wait3A_254 : memref<80xi32, #tpu.memory_space<hbm>>) dst(%arg13 : memref<80xi32, #tpu.memory_space<vmem>>)
        %dma_wait3A_255 = arith.constant 0 : i32
        %dma_wait3A_256 = tpu.memref_slice %arg3[%dma_wait3A_255] : memref<327680xi32, #tpu.memory_space<hbm>> -> memref<80xi32, #tpu.memory_space<hbm>>
        %dma_wait3A_257 = arith.constant 0 : i32
        %dma_wait3A_258 = tpu.memref_slice %arg3[%dma_wait3A_257] : memref<327680xi32, #tpu.memory_space<hbm>> -> memref<80xi32, #tpu.memory_space<hbm>>
        tpu.wait_dma2 semaphore(%arg29 : memref<!tpu.dma_semaphore, #tpu.memory_space<semaphore_mem>>) src(%dma_wait3A_258 : memref<80xi32, #tpu.memory_space<hbm>>) dst(%arg21 : memref<80xi32, #tpu.memory_space<vmem>>)
      } else {
      }
      %add3A_212 = arith.constant 4 : i32
      %add3A_213 = arith.addi %add3A_206, %add3A_212 : i32
      %lt3A_214 = arith.constant 256 : i32
      %lt3A_215 = arith.cmpi slt, %add3A_213, %lt3A_214 : i32
      %convert_element_type3A_216 = arith.extui %lt3A_215 : i1 to i32
      %cond3A_217 = arith.constant 0 : i32
      %cond3A_218 = arith.cmpi ne, %convert_element_type3A_216, %cond3A_217 : i32
      scf.if %cond3A_218 {
        %add3A_251 = arith.constant 4 : i32
        %add3A_252 = arith.addi %add3A_206, %add3A_251 : i32
        %mul3A_253 = arith.constant 80 : i32
        %mul3A_254 = arith.muli %add3A_252, %mul3A_253 : i32
        %add3A_255 = arith.addi %add3A, %mul3A_254 : i32
        %dma_start3A_256 = tpu.memref_slice %arg2[%add3A_255] : memref<655360xi32, #tpu.memory_space<hbm>> -> memref<80xi32, #tpu.memory_space<hbm>>
        %dma_start3A_257 = tpu.memref_slice %arg2[%add3A_255] : memref<655360xi32, #tpu.memory_space<hbm>> -> memref<80xi32, #tpu.memory_space<hbm>>
        tpu.enqueue_dma source(%dma_start3A_257 : memref<80xi32, #tpu.memory_space<hbm>>) target(%arg9 : memref<80xi32, #tpu.memory_space<vmem>>) target_semaphore(%arg29 : memref<!tpu.dma_semaphore, #tpu.memory_space<semaphore_mem>>)
        %mul3A_258 = arith.constant 80 : i32
        %mul3A_259 = arith.muli %add3A_252, %mul3A_258 : i32
        %add3A_260 = arith.addi %mul3A_10, %mul3A_259 : i32
        %dma_start3A_261 = tpu.memref_slice %arg3[%add3A_260] : memref<327680xi32, #tpu.memory_space<hbm>> -> memref<80xi32, #tpu.memory_space<hbm>>
        %dma_start3A_262 = tpu.memref_slice %arg3[%add3A_260] : memref<327680xi32, #tpu.memory_space<hbm>> -> memref<80xi32, #tpu.memory_space<hbm>>
        tpu.enqueue_dma source(%dma_start3A_262 : memref<80xi32, #tpu.memory_space<hbm>>) target(%arg17 : memref<80xi32, #tpu.memory_space<vmem>>) target_semaphore(%arg29 : memref<!tpu.dma_semaphore, #tpu.memory_space<semaphore_mem>>)
      } else {
      }
      %dma_start3A_219 = arith.constant 0 : i32
      %dma_start3A_220 = arith.constant 0 : i32
      %dma_start3A_221 = tpu.memref_slice %arg4[%dma_start3A_219, %dma_start3A_220] : memref<20000x128xf32, #tpu.memory_space<hbm>> -> memref<20000x128xf32, #tpu.memory_space<hbm>>
      tpu.enqueue_indirect_dma source(%dma_start3A_221 : memref<20000x128xf32, #tpu.memory_space<hbm>>) target(%arg25 : memref<80x128xf32, #tpu.memory_space<vmem>>) offsets(%arg13 : memref<80xi32, #tpu.memory_space<vmem>>) semaphore(%arg33 : memref<!tpu.dma_semaphore, #tpu.memory_space<semaphore_mem>>)
      %ge3A_222 = arith.constant 3 : i32
      %ge3A_223 = arith.cmpi sge, %add3A_206, %ge3A_222 : i32
      %convert_element_type3A_224 = arith.extui %ge3A_223 : i1 to i32
      %cond3A_225 = arith.constant 0 : i32
      %cond3A_226 = arith.cmpi ne, %convert_element_type3A_224, %cond3A_225 : i32
      scf.if %cond3A_226 {
        %dma_wait3A_251 = arith.constant 0 : i32
        %dma_wait3A_252 = arith.constant 0 : i32
        %dma_wait3A_253 = tpu.memref_slice %arg4[%dma_wait3A_251, %dma_wait3A_252] : memref<20000x128xf32, #tpu.memory_space<hbm>> -> memref<80x128xf32, #tpu.memory_space<hbm>>
        %dma_wait3A_254 = arith.constant 0 : i32
        %dma_wait3A_255 = arith.constant 0 : i32
        %dma_wait3A_256 = tpu.memref_slice %arg4[%dma_wait3A_254, %dma_wait3A_255] : memref<20000x128xf32, #tpu.memory_space<hbm>> -> memref<80x128xf32, #tpu.memory_space<hbm>>
        tpu.wait_dma2 semaphore(%arg34 : memref<!tpu.dma_semaphore, #tpu.memory_space<semaphore_mem>>) src(%dma_wait3A_256 : memref<80x128xf32, #tpu.memory_space<hbm>>) dst(%arg26 : memref<80x128xf32, #tpu.memory_space<vmem>>)
        "tpu.region"() ({
          %run_scoped3A = tpu.sem_alloc : memref<!tpu.dma_semaphore, #tpu.memory_space<semaphore_mem>>
          %dma_start3A_257 = arith.constant 0 : i32
          %dma_start3A_258 = arith.constant 0 : i32
          %dma_start3A_259 = tpu.memref_slice %arg39[%dma_start3A_257, %dma_start3A_258] : memref<10008x128xf32, #tpu.memory_space<vmem_shared>> -> memref<10008x128xf32, #tpu.memory_space<vmem_shared>>
          tpu.enqueue_indirect_dma source(%arg26 : memref<80x128xf32, #tpu.memory_space<vmem>>) target(%dma_start3A_259 : memref<10008x128xf32, #tpu.memory_space<vmem_shared>>) offsets(%arg18 : memref<80xi32, #tpu.memory_space<vmem>>) semaphore(%run_scoped3A : memref<!tpu.dma_semaphore, #tpu.memory_space<semaphore_mem>>) {add = true}
          %dma_wait3A_260 = arith.constant 0 : i32
          %dma_wait3A_261 = arith.constant 0 : i32
          %dma_wait3A_262 = tpu.memref_slice %arg39[%dma_wait3A_260, %dma_wait3A_261] : memref<10008x128xf32, #tpu.memory_space<vmem_shared>> -> memref<10008x128xf32, #tpu.memory_space<vmem_shared>>
          tpu.wait_indirect_dma semaphore(%run_scoped3A : memref<!tpu.dma_semaphore, #tpu.memory_space<semaphore_mem>>) src(%arg26 : memref<80x128xf32, #tpu.memory_space<vmem>>) dst(%dma_wait3A_262 : memref<10008x128xf32, #tpu.memory_space<vmem_shared>>)
          tpu.yield
        }) : () -> ()
      } else {
      }
      %mul3A_227 = arith.constant 8 : i32
      %mul3A_228 = arith.muli %mul3A_227, %scan3A_60 : i32
      %add3A_229 = arith.constant 7 : i32
      %add3A_230 = arith.addi %mul3A_228, %add3A_229 : i32
      %ge3A_231 = arith.constant 4 : i32
      %ge3A_232 = arith.cmpi sge, %add3A_230, %ge3A_231 : i32
      %convert_element_type3A_233 = arith.extui %ge3A_232 : i1 to i32
      %cond3A_234 = arith.constant 0 : i32
      %cond3A_235 = arith.cmpi ne, %convert_element_type3A_233, %cond3A_234 : i32
      scf.if %cond3A_235 {
        %dma_wait3A_251 = arith.constant 0 : i32
        %dma_wait3A_252 = tpu.memref_slice %arg2[%dma_wait3A_251] : memref<655360xi32, #tpu.memory_space<hbm>> -> memref<80xi32, #tpu.memory_space<hbm>>
        %dma_wait3A_253 = arith.constant 0 : i32
        %dma_wait3A_254 = tpu.memref_slice %arg2[%dma_wait3A_253] : memref<655360xi32, #tpu.memory_space<hbm>> -> memref<80xi32, #tpu.memory_space<hbm>>
        tpu.wait_dma2 semaphore(%arg30 : memref<!tpu.dma_semaphore, #tpu.memory_space<semaphore_mem>>) src(%dma_wait3A_254 : memref<80xi32, #tpu.memory_space<hbm>>) dst(%arg14 : memref<80xi32, #tpu.memory_space<vmem>>)
        %dma_wait3A_255 = arith.constant 0 : i32
        %dma_wait3A_256 = tpu.memref_slice %arg3[%dma_wait3A_255] : memref<327680xi32, #tpu.memory_space<hbm>> -> memref<80xi32, #tpu.memory_space<hbm>>
        %dma_wait3A_257 = arith.constant 0 : i32
        %dma_wait3A_258 = tpu.memref_slice %arg3[%dma_wait3A_257] : memref<327680xi32, #tpu.memory_space<hbm>> -> memref<80xi32, #tpu.memory_space<hbm>>
        tpu.wait_dma2 semaphore(%arg30 : memref<!tpu.dma_semaphore, #tpu.memory_space<semaphore_mem>>) src(%dma_wait3A_258 : memref<80xi32, #tpu.memory_space<hbm>>) dst(%arg22 : memref<80xi32, #tpu.memory_space<vmem>>)
      } else {
      }
      %add3A_236 = arith.constant 4 : i32
      %add3A_237 = arith.addi %add3A_230, %add3A_236 : i32
      %lt3A_238 = arith.constant 256 : i32
      %lt3A_239 = arith.cmpi slt, %add3A_237, %lt3A_238 : i32
      %convert_element_type3A_240 = arith.extui %lt3A_239 : i1 to i32
      %cond3A_241 = arith.constant 0 : i32
      %cond3A_242 = arith.cmpi ne, %convert_element_type3A_240, %cond3A_241 : i32
      scf.if %cond3A_242 {
        %add3A_251 = arith.constant 4 : i32
        %add3A_252 = arith.addi %add3A_230, %add3A_251 : i32
        %mul3A_253 = arith.constant 80 : i32
        %mul3A_254 = arith.muli %add3A_252, %mul3A_253 : i32
        %add3A_255 = arith.addi %add3A, %mul3A_254 : i32
        %dma_start3A_256 = tpu.memref_slice %arg2[%add3A_255] : memref<655360xi32, #tpu.memory_space<hbm>> -> memref<80xi32, #tpu.memory_space<hbm>>
        %dma_start3A_257 = tpu.memref_slice %arg2[%add3A_255] : memref<655360xi32, #tpu.memory_space<hbm>> -> memref<80xi32, #tpu.memory_space<hbm>>
        tpu.enqueue_dma source(%dma_start3A_257 : memref<80xi32, #tpu.memory_space<hbm>>) target(%arg10 : memref<80xi32, #tpu.memory_space<vmem>>) target_semaphore(%arg30 : memref<!tpu.dma_semaphore, #tpu.memory_space<semaphore_mem>>)
        %mul3A_258 = arith.constant 80 : i32
        %mul3A_259 = arith.muli %add3A_252, %mul3A_258 : i32
        %add3A_260 = arith.addi %mul3A_10, %mul3A_259 : i32
        %dma_start3A_261 = tpu.memref_slice %arg3[%add3A_260] : memref<327680xi32, #tpu.memory_space<hbm>> -> memref<80xi32, #tpu.memory_space<hbm>>
        %dma_start3A_262 = tpu.memref_slice %arg3[%add3A_260] : memref<327680xi32, #tpu.memory_space<hbm>> -> memref<80xi32, #tpu.memory_space<hbm>>
        tpu.enqueue_dma source(%dma_start3A_262 : memref<80xi32, #tpu.memory_space<hbm>>) target(%arg18 : memref<80xi32, #tpu.memory_space<vmem>>) target_semaphore(%arg30 : memref<!tpu.dma_semaphore, #tpu.memory_space<semaphore_mem>>)
      } else {
      }
      %dma_start3A_243 = arith.constant 0 : i32
      %dma_start3A_244 = arith.constant 0 : i32
      %dma_start3A_245 = tpu.memref_slice %arg4[%dma_start3A_243, %dma_start3A_244] : memref<20000x128xf32, #tpu.memory_space<hbm>> -> memref<20000x128xf32, #tpu.memory_space<hbm>>
      tpu.enqueue_indirect_dma source(%dma_start3A_245 : memref<20000x128xf32, #tpu.memory_space<hbm>>) target(%arg26 : memref<80x128xf32, #tpu.memory_space<vmem>>) offsets(%arg14 : memref<80xi32, #tpu.memory_space<vmem>>) semaphore(%arg34 : memref<!tpu.dma_semaphore, #tpu.memory_space<semaphore_mem>>)
      %ge3A_246 = arith.constant 3 : i32
      %ge3A_247 = arith.cmpi sge, %add3A_230, %ge3A_246 : i32
      %convert_element_type3A_248 = arith.extui %ge3A_247 : i1 to i32
      %cond3A_249 = arith.constant 0 : i32
      %cond3A_250 = arith.cmpi ne, %convert_element_type3A_248, %cond3A_249 : i32
      scf.if %cond3A_250 {
        %dma_wait3A_251 = arith.constant 0 : i32
        %dma_wait3A_252 = arith.constant 0 : i32
        %dma_wait3A_253 = tpu.memref_slice %arg4[%dma_wait3A_251, %dma_wait3A_252] : memref<20000x128xf32, #tpu.memory_space<hbm>> -> memref<80x128xf32, #tpu.memory_space<hbm>>
        %dma_wait3A_254 = arith.constant 0 : i32
        %dma_wait3A_255 = arith.constant 0 : i32
        %dma_wait3A_256 = tpu.memref_slice %arg4[%dma_wait3A_254, %dma_wait3A_255] : memref<20000x128xf32, #tpu.memory_space<hbm>> -> memref<80x128xf32, #tpu.memory_space<hbm>>
        tpu.wait_dma2 semaphore(%arg31 : memref<!tpu.dma_semaphore, #tpu.memory_space<semaphore_mem>>) src(%dma_wait3A_256 : memref<80x128xf32, #tpu.memory_space<hbm>>) dst(%arg23 : memref<80x128xf32, #tpu.memory_space<vmem>>)
        "tpu.region"() ({
          %run_scoped3A = tpu.sem_alloc : memref<!tpu.dma_semaphore, #tpu.memory_space<semaphore_mem>>
          %dma_start3A_257 = arith.constant 0 : i32
          %dma_start3A_258 = arith.constant 0 : i32
          %dma_start3A_259 = tpu.memref_slice %arg39[%dma_start3A_257, %dma_start3A_258] : memref<10008x128xf32, #tpu.memory_space<vmem_shared>> -> memref<10008x128xf32, #tpu.memory_space<vmem_shared>>
          tpu.enqueue_indirect_dma source(%arg23 : memref<80x128xf32, #tpu.memory_space<vmem>>) target(%dma_start3A_259 : memref<10008x128xf32, #tpu.memory_space<vmem_shared>>) offsets(%arg19 : memref<80xi32, #tpu.memory_space<vmem>>) semaphore(%run_scoped3A : memref<!tpu.dma_semaphore, #tpu.memory_space<semaphore_mem>>) {add = true}
          %dma_wait3A_260 = arith.constant 0 : i32
          %dma_wait3A_261 = arith.constant 0 : i32
          %dma_wait3A_262 = tpu.memref_slice %arg39[%dma_wait3A_260, %dma_wait3A_261] : memref<10008x128xf32, #tpu.memory_space<vmem_shared>> -> memref<10008x128xf32, #tpu.memory_space<vmem_shared>>
          tpu.wait_indirect_dma semaphore(%run_scoped3A : memref<!tpu.dma_semaphore, #tpu.memory_space<semaphore_mem>>) src(%arg23 : memref<80x128xf32, #tpu.memory_space<vmem>>) dst(%dma_wait3A_262 : memref<10008x128xf32, #tpu.memory_space<vmem_shared>>)
          tpu.yield
        }) : () -> ()
      } else {
      }
    }
    %scan3A_31 = arith.constant 32 : i32
    %dma_wait3A = arith.constant 0 : i32
    %dma_wait3A_32 = arith.constant 0 : i32
    %dma_wait3A_33 = tpu.memref_slice %arg4[%dma_wait3A, %dma_wait3A_32] : memref<20000x128xf32, #tpu.memory_space<hbm>> -> memref<80x128xf32, #tpu.memory_space<hbm>>
    %dma_wait3A_34 = arith.constant 0 : i32
    %dma_wait3A_35 = arith.constant 0 : i32
    %dma_wait3A_36 = tpu.memref_slice %arg4[%dma_wait3A_34, %dma_wait3A_35] : memref<20000x128xf32, #tpu.memory_space<hbm>> -> memref<80x128xf32, #tpu.memory_space<hbm>>
    tpu.wait_dma2 semaphore(%arg32 : memref<!tpu.dma_semaphore, #tpu.memory_space<semaphore_mem>>) src(%dma_wait3A_36 : memref<80x128xf32, #tpu.memory_space<hbm>>) dst(%arg24 : memref<80x128xf32, #tpu.memory_space<vmem>>)
    "tpu.region"() ({
      %run_scoped3A = tpu.sem_alloc : memref<!tpu.dma_semaphore, #tpu.memory_space<semaphore_mem>>
      %dma_start3A = arith.constant 0 : i32
      %dma_start3A_60 = arith.constant 0 : i32
      %dma_start3A_61 = tpu.memref_slice %arg39[%dma_start3A, %dma_start3A_60] : memref<10008x128xf32, #tpu.memory_space<vmem_shared>> -> memref<10008x128xf32, #tpu.memory_space<vmem_shared>>
      tpu.enqueue_indirect_dma source(%arg24 : memref<80x128xf32, #tpu.memory_space<vmem>>) target(%dma_start3A_61 : memref<10008x128xf32, #tpu.memory_space<vmem_shared>>) offsets(%arg20 : memref<80xi32, #tpu.memory_space<vmem>>) semaphore(%run_scoped3A : memref<!tpu.dma_semaphore, #tpu.memory_space<semaphore_mem>>) {add = true}
      %dma_wait3A_62 = arith.constant 0 : i32
      %dma_wait3A_63 = arith.constant 0 : i32
      %dma_wait3A_64 = tpu.memref_slice %arg39[%dma_wait3A_62, %dma_wait3A_63] : memref<10008x128xf32, #tpu.memory_space<vmem_shared>> -> memref<10008x128xf32, #tpu.memory_space<vmem_shared>>
      tpu.wait_indirect_dma semaphore(%run_scoped3A : memref<!tpu.dma_semaphore, #tpu.memory_space<semaphore_mem>>) src(%arg24 : memref<80x128xf32, #tpu.memory_space<vmem>>) dst(%dma_wait3A_64 : memref<10008x128xf32, #tpu.memory_space<vmem_shared>>)
      tpu.yield
    }) : () -> ()
    %dma_wait3A_37 = arith.constant 0 : i32
    %dma_wait3A_38 = arith.constant 0 : i32
    %dma_wait3A_39 = tpu.memref_slice %arg4[%dma_wait3A_37, %dma_wait3A_38] : memref<20000x128xf32, #tpu.memory_space<hbm>> -> memref<80x128xf32, #tpu.memory_space<hbm>>
    %dma_wait3A_40 = arith.constant 0 : i32
    %dma_wait3A_41 = arith.constant 0 : i32
    %dma_wait3A_42 = tpu.memref_slice %arg4[%dma_wait3A_40, %dma_wait3A_41] : memref<20000x128xf32, #tpu.memory_space<hbm>> -> memref<80x128xf32, #tpu.memory_space<hbm>>
    tpu.wait_dma2 semaphore(%arg33 : memref<!tpu.dma_semaphore, #tpu.memory_space<semaphore_mem>>) src(%dma_wait3A_42 : memref<80x128xf32, #tpu.memory_space<hbm>>) dst(%arg25 : memref<80x128xf32, #tpu.memory_space<vmem>>)
    "tpu.region"() ({
      %run_scoped3A = tpu.sem_alloc : memref<!tpu.dma_semaphore, #tpu.memory_space<semaphore_mem>>
      %dma_start3A = arith.constant 0 : i32
      %dma_start3A_60 = arith.constant 0 : i32
      %dma_start3A_61 = tpu.memref_slice %arg39[%dma_start3A, %dma_start3A_60] : memref<10008x128xf32, #tpu.memory_space<vmem_shared>> -> memref<10008x128xf32, #tpu.memory_space<vmem_shared>>
      tpu.enqueue_indirect_dma source(%arg25 : memref<80x128xf32, #tpu.memory_space<vmem>>) target(%dma_start3A_61 : memref<10008x128xf32, #tpu.memory_space<vmem_shared>>) offsets(%arg21 : memref<80xi32, #tpu.memory_space<vmem>>) semaphore(%run_scoped3A : memref<!tpu.dma_semaphore, #tpu.memory_space<semaphore_mem>>) {add = true}
      %dma_wait3A_62 = arith.constant 0 : i32
      %dma_wait3A_63 = arith.constant 0 : i32
      %dma_wait3A_64 = tpu.memref_slice %arg39[%dma_wait3A_62, %dma_wait3A_63] : memref<10008x128xf32, #tpu.memory_space<vmem_shared>> -> memref<10008x128xf32, #tpu.memory_space<vmem_shared>>
      tpu.wait_indirect_dma semaphore(%run_scoped3A : memref<!tpu.dma_semaphore, #tpu.memory_space<semaphore_mem>>) src(%arg25 : memref<80x128xf32, #tpu.memory_space<vmem>>) dst(%dma_wait3A_64 : memref<10008x128xf32, #tpu.memory_space<vmem_shared>>)
      tpu.yield
    }) : () -> ()
    %dma_wait3A_43 = arith.constant 0 : i32
    %dma_wait3A_44 = arith.constant 0 : i32
    %dma_wait3A_45 = tpu.memref_slice %arg4[%dma_wait3A_43, %dma_wait3A_44] : memref<20000x128xf32, #tpu.memory_space<hbm>> -> memref<80x128xf32, #tpu.memory_space<hbm>>
    %dma_wait3A_46 = arith.constant 0 : i32
    %dma_wait3A_47 = arith.constant 0 : i32
    %dma_wait3A_48 = tpu.memref_slice %arg4[%dma_wait3A_46, %dma_wait3A_47] : memref<20000x128xf32, #tpu.memory_space<hbm>> -> memref<80x128xf32, #tpu.memory_space<hbm>>
    tpu.wait_dma2 semaphore(%arg34 : memref<!tpu.dma_semaphore, #tpu.memory_space<semaphore_mem>>) src(%dma_wait3A_48 : memref<80x128xf32, #tpu.memory_space<hbm>>) dst(%arg26 : memref<80x128xf32, #tpu.memory_space<vmem>>)
    "tpu.region"() ({
      %run_scoped3A = tpu.sem_alloc : memref<!tpu.dma_semaphore, #tpu.memory_space<semaphore_mem>>
      %dma_start3A = arith.constant 0 : i32
      %dma_start3A_60 = arith.constant 0 : i32
      %dma_start3A_61 = tpu.memref_slice %arg39[%dma_start3A, %dma_start3A_60] : memref<10008x128xf32, #tpu.memory_space<vmem_shared>> -> memref<10008x128xf32, #tpu.memory_space<vmem_shared>>
      tpu.enqueue_indirect_dma source(%arg26 : memref<80x128xf32, #tpu.memory_space<vmem>>) target(%dma_start3A_61 : memref<10008x128xf32, #tpu.memory_space<vmem_shared>>) offsets(%arg22 : memref<80xi32, #tpu.memory_space<vmem>>) semaphore(%run_scoped3A : memref<!tpu.dma_semaphore, #tpu.memory_space<semaphore_mem>>) {add = true}
      %dma_wait3A_62 = arith.constant 0 : i32
      %dma_wait3A_63 = arith.constant 0 : i32
      %dma_wait3A_64 = tpu.memref_slice %arg39[%dma_wait3A_62, %dma_wait3A_63] : memref<10008x128xf32, #tpu.memory_space<vmem_shared>> -> memref<10008x128xf32, #tpu.memory_space<vmem_shared>>
      tpu.wait_indirect_dma semaphore(%run_scoped3A : memref<!tpu.dma_semaphore, #tpu.memory_space<semaphore_mem>>) src(%arg26 : memref<80x128xf32, #tpu.memory_space<vmem>>) dst(%dma_wait3A_64 : memref<10008x128xf32, #tpu.memory_space<vmem_shared>>)
      tpu.yield
    }) : () -> ()
    %barrier3A_49 = arith.constant 0 : index
    tpu.barrier barrier_id(%barrier3A_49)
    %lt3A_50 = arith.constant 15 : i32
    %lt3A_51 = arith.cmpi slt, %arg1, %lt3A_50 : i32
    %convert_element_type3A_52 = arith.extui %lt3A_51 : i1 to i32
    %cond3A_53 = arith.constant 0 : i32
    %cond3A_54 = arith.cmpi ne, %convert_element_type3A_52, %cond3A_53 : i32
    scf.if %cond3A_54 {
      %mul3A_60 = arith.constant 624 : i32
      %mul3A_61 = arith.muli %arg1, %mul3A_60 : i32
      %mul3A_62 = arith.constant 10000 : i32
      %mul3A_63 = arith.muli %arg0, %mul3A_62 : i32
      %mul3A_64 = arith.constant 624 : i32
      %mul3A_65 = arith.muli %arg1, %mul3A_64 : i32
      %add3A_66 = arith.addi %mul3A_63, %mul3A_65 : i32
      "tpu.region"() ({
        %run_scoped3A = tpu.sem_alloc : memref<!tpu.dma_semaphore, #tpu.memory_space<semaphore_mem>>
        %dma_start3A = arith.constant 0 : i32
        %dma_start3A_67 = tpu.memref_slice %arg6[%add3A_66, %dma_start3A] : memref<20000x128xf32, #tpu.memory_space<hbm>> -> memref<624x128xf32, #tpu.memory_space<hbm>>
        %dma_start3A_68 = arith.constant 0 : i32
        %dma_start3A_69 = tpu.memref_slice %arg39[%mul3A_61, %dma_start3A_68] : memref<10008x128xf32, #tpu.memory_space<vmem_shared>> -> memref<624x128xf32, #tpu.memory_space<vmem_shared>>
        tpu.enqueue_dma source(%dma_start3A_69 : memref<624x128xf32, #tpu.memory_space<vmem_shared>>) target(%dma_start3A_67 : memref<624x128xf32, #tpu.memory_space<hbm>>) target_semaphore(%run_scoped3A : memref<!tpu.dma_semaphore, #tpu.memory_space<semaphore_mem>>)
        %dma_wait3A_70 = arith.constant 0 : i32
        %dma_wait3A_71 = tpu.memref_slice %arg6[%add3A_66, %dma_wait3A_70] : memref<20000x128xf32, #tpu.memory_space<hbm>> -> memref<624x128xf32, #tpu.memory_space<hbm>>
        %dma_wait3A_72 = arith.constant 0 : i32
        %dma_wait3A_73 = tpu.memref_slice %arg39[%mul3A_61, %dma_wait3A_72] : memref<10008x128xf32, #tpu.memory_space<vmem_shared>> -> memref<624x128xf32, #tpu.memory_space<vmem_shared>>
        tpu.wait_dma2 semaphore(%run_scoped3A : memref<!tpu.dma_semaphore, #tpu.memory_space<semaphore_mem>>) src(%dma_wait3A_73 : memref<624x128xf32, #tpu.memory_space<vmem_shared>>) dst(%dma_wait3A_71 : memref<624x128xf32, #tpu.memory_space<hbm>>)
        tpu.yield
      }) : () -> ()
    } else {
    }
    %eq3A_55 = arith.constant 15 : i32
    %eq3A_56 = arith.cmpi eq, %arg1, %eq3A_55 : i32
    %convert_element_type3A_57 = arith.extui %eq3A_56 : i1 to i32
    %cond3A_58 = arith.constant 0 : i32
    %cond3A_59 = arith.cmpi ne, %convert_element_type3A_57, %cond3A_58 : i32
    scf.if %cond3A_59 {
      %mul3A_60 = arith.constant 10000 : i32
      %mul3A_61 = arith.muli %arg0, %mul3A_60 : i32
      %add3A_62 = arith.constant 9360 : i32
      %add3A_63 = arith.addi %mul3A_61, %add3A_62 : i32
      "tpu.region"() ({
        %run_scoped3A = tpu.sem_alloc : memref<!tpu.dma_semaphore, #tpu.memory_space<semaphore_mem>>
        %dma_start3A = arith.constant 0 : i32
        %dma_start3A_64 = tpu.memref_slice %arg6[%add3A_63, %dma_start3A] : memref<20000x128xf32, #tpu.memory_space<hbm>> -> memref<640x128xf32, #tpu.memory_space<hbm>>
        %dma_start3A_65 = arith.constant 9360 : i32
        %dma_start3A_66 = arith.constant 0 : i32
        %dma_start3A_67 = tpu.memref_slice %arg39[%dma_start3A_65, %dma_start3A_66] : memref<10008x128xf32, #tpu.memory_space<vmem_shared>> -> memref<640x128xf32, #tpu.memory_space<vmem_shared>>
        tpu.enqueue_dma source(%dma_start3A_67 : memref<640x128xf32, #tpu.memory_space<vmem_shared>>) target(%dma_start3A_64 : memref<640x128xf32, #tpu.memory_space<hbm>>) target_semaphore(%run_scoped3A : memref<!tpu.dma_semaphore, #tpu.memory_space<semaphore_mem>>)
        %dma_wait3A_68 = arith.constant 0 : i32
        %dma_wait3A_69 = tpu.memref_slice %arg6[%add3A_63, %dma_wait3A_68] : memref<20000x128xf32, #tpu.memory_space<hbm>> -> memref<640x128xf32, #tpu.memory_space<hbm>>
        %dma_wait3A_70 = arith.constant 9360 : i32
        %dma_wait3A_71 = arith.constant 0 : i32
        %dma_wait3A_72 = tpu.memref_slice %arg39[%dma_wait3A_70, %dma_wait3A_71] : memref<10008x128xf32, #tpu.memory_space<vmem_shared>> -> memref<640x128xf32, #tpu.memory_space<vmem_shared>>
        tpu.wait_dma2 semaphore(%run_scoped3A : memref<!tpu.dma_semaphore, #tpu.memory_space<semaphore_mem>>) src(%dma_wait3A_72 : memref<640x128xf32, #tpu.memory_space<vmem_shared>>) dst(%dma_wait3A_69 : memref<640x128xf32, #tpu.memory_space<hbm>>)
        tpu.yield
      }) : () -> ()
    } else {
    }
    return
  }
}

module attributes {stable_mosaic.version = 14 : i64} {
  func.func @_k1_body(%arg0: i32, %arg1: memref<1000x128xf32, #tpu.memory_space<vmem>>, %arg2: memref<128x256xf32, #tpu.memory_space<vmem>>, %arg3: memref<2x1000x128xf32, #tpu.memory_space<vmem>>, %arg4: memref<2x1000x128xf32, #tpu.memory_space<vmem>>) attributes {dimension_semantics = [#tpu.dimension_semantics<arbitrary>], iteration_bounds = array<i64: 10>, scalar_prefetch = 0 : i64, scratch_operands = 0 : i64, tpu.core_type = #tpu.core_type<tc>, window_params = [{transform_indices = @transform_0, window_bounds = array<i64: 1000, 128>}, {pipeline_mode = #tpu.pipeline_mode<synchronous>, transform_indices = @transform_1, window_bounds = array<i64: 128, 256>}, {transform_indices = @transform_2, window_bounds = array<i64: 2, 1000, 128>}, {transform_indices = @transform_3, window_bounds = array<i64: 2, 1000, 128>}]} {
    %get3A = arith.constant 0 : index
    %get3A_0 = arith.constant 0 : index
    %get3A_1 = arith.constant 0 : index
    %get3A_2 = vector.load %arg3[%get3A, %get3A_0, %get3A_1] : memref<2x1000x128xf32, #tpu.memory_space<vmem>>, vector<2x1000x128xf32>
    %slice3A = vector.extract_strided_slice %get3A_2 {offsets = [0, 0, 0], sizes = [1, 1000, 1], strides = [1, 1, 1]} : vector<2x1000x128xf32> to vector<1x1000x1xf32>
    %squeeze3A = vector.shape_cast %slice3A : vector<1x1000x1xf32> to vector<1000x1xf32>
    %get3A_3 = arith.constant 0 : index
    %get3A_4 = arith.constant 0 : index
    %get3A_5 = arith.constant 0 : index
    %get3A_6 = vector.load %arg3[%get3A_3, %get3A_4, %get3A_5] : memref<2x1000x128xf32, #tpu.memory_space<vmem>>, vector<2x1000x128xf32>
    %slice3A_7 = vector.extract_strided_slice %get3A_6 {offsets = [1, 0, 0], sizes = [1, 1000, 1], strides = [1, 1, 1]} : vector<2x1000x128xf32> to vector<1x1000x1xf32>
    %squeeze3A_8 = vector.shape_cast %slice3A_7 : vector<1x1000x1xf32> to vector<1000x1xf32>
    %add3A = arith.addf %squeeze3A, %squeeze3A_8 : vector<1000x1xf32>
    %add3A_9 = arith.constant 1.000000e+00 : f32
    %add3A_10 = vector.broadcast %add3A_9 : f32 to vector<1000x1xf32>
    %add3A_11 = arith.addf %add3A, %add3A_10 : vector<1000x1xf32>
    %rsqrt3A = math.rsqrt %add3A_11 : vector<1000x1xf32>
    %get3A_12 = arith.constant 0 : index
    %get3A_13 = arith.constant 0 : index
    %get3A_14 = vector.load %arg1[%get3A_12, %get3A_13] : memref<1000x128xf32, #tpu.memory_space<vmem>>, vector<1000x128xf32>
    %get3A_15 = arith.constant 0 : index
    %get3A_16 = arith.constant 0 : index
    %get3A_17 = vector.load %arg2[%get3A_15, %get3A_16] : memref<128x256xf32, #tpu.memory_space<vmem>>, vector<128x256xf32>
    %dot_general3A = arith.constant dense<0.000000e+00> : vector<1000x256xf32>
    %dot_general3A_18 = tpu.matmul %get3A_14, %get3A_17, %dot_general3A {dimension_numbers = #tpu.dot_dimension_numbers<[1], [0], [0], [1], [0, 0, 1, 1], [], []>, transpose_lhs_hint = false} : vector<1000x128xf32>, vector<128x256xf32>, vector<1000x256xf32> -> vector<1000x256xf32>
    %mul3A = vector.broadcast %rsqrt3A : vector<1000x1xf32> to vector<1000x256xf32>
    %mul3A_19 = arith.mulf %dot_general3A_18, %mul3A : vector<1000x256xf32>
    %slice3A_20 = vector.extract_strided_slice %mul3A_19 {offsets = [0, 0], sizes = [1000, 128], strides = [1, 1]} : vector<1000x256xf32> to vector<1000x128xf32>
    %slice3A_21 = vector.extract_strided_slice %mul3A_19 {offsets = [0, 128], sizes = [1000, 128], strides = [1, 1]} : vector<1000x256xf32> to vector<1000x128xf32>
    %stack3A = vector.shape_cast %slice3A_20 : vector<1000x128xf32> to vector<1x1000x128xf32>
    %stack3A_22 = vector.shape_cast %slice3A_21 : vector<1000x128xf32> to vector<1x1000x128xf32>
    %stack3A_23 = tpu.concatenate %stack3A, %stack3A_22 in 0 : vector<1x1000x128xf32>, vector<1x1000x128xf32> -> vector<2x1000x128xf32>
    %swap3A = arith.constant 0 : index
    %swap3A_24 = arith.constant 0 : index
    %swap3A_25 = arith.constant 0 : index
    %swap3A_26 = vector.load %arg4[%swap3A, %swap3A_24, %swap3A_25] : memref<2x1000x128xf32, #tpu.memory_space<vmem>>, vector<2x1000x128xf32>
    tpu.vector_store %arg4[%swap3A, %swap3A_24, %swap3A_25], %stack3A_23 {strides = array<i32>} : memref<2x1000x128xf32, #tpu.memory_space<vmem>>, vector<2x1000x128xf32>,
    return
  }
  func.func @transform_0(%arg0: i32) -> (i32, i32) {
    %c0_i32 = arith.constant 0 : i32
    %c0_i32_0 = arith.constant 0 : i32
    return %arg0, %c0_i32 : i32, i32
  }
  func.func @transform_1(%arg0: i32) -> (i32, i32) {
    %c0_i32 = arith.constant 0 : i32
    %c0_i32_0 = arith.constant 0 : i32
    %c0_i32_1 = arith.constant 0 : i32
    return %c0_i32, %c0_i32_0 : i32, i32
  }
  func.func @transform_2(%arg0: i32) -> (i32, i32, i32) {
    %c0_i32 = arith.constant 0 : i32
    %c0_i32_0 = arith.constant 0 : i32
    %c0_i32_1 = arith.constant 0 : i32
    return %c0_i32, %arg0, %c0_i32_0 : i32, i32, i32
  }
  func.func @transform_3(%arg0: i32) -> (i32, i32, i32) {
    %c0_i32 = arith.constant 0 : i32
    %c0_i32_0 = arith.constant 0 : i32
    %c0_i32_1 = arith.constant 0 : i32
    return %c0_i32, %arg0, %c0_i32_0 : i32, i32, i32
  }
}

module attributes {stable_mosaic.version = 14 : i64} {
  func.func @_k2_body(%arg0: i32, %arg1: memref<2x1000x128xf32, #tpu.memory_space<vmem>>, %arg2: memref<2x1000x128xf32, #tpu.memory_space<vmem>>, %arg3: memref<2x1000x128xf32, #tpu.memory_space<vmem>>, %arg4: memref<8x256xf32, #tpu.memory_space<vmem>>, %arg5: memref<256x256xf32, #tpu.memory_space<vmem>>, %arg6: memref<2x1000x128xf32, #tpu.memory_space<vmem>>) attributes {dimension_semantics = [#tpu.dimension_semantics<arbitrary>], iteration_bounds = array<i64: 10>, scalar_prefetch = 0 : i64, scratch_operands = 0 : i64, tpu.core_type = #tpu.core_type<tc>, window_params = [{transform_indices = @transform_0, window_bounds = array<i64: 2, 1000, 128>}, {transform_indices = @transform_1, window_bounds = array<i64: 2, 1000, 128>}, {transform_indices = @transform_2, window_bounds = array<i64: 2, 1000, 128>}, {pipeline_mode = #tpu.pipeline_mode<synchronous>, transform_indices = @transform_3, window_bounds = array<i64: 8, 256>}, {pipeline_mode = #tpu.pipeline_mode<synchronous>, transform_indices = @transform_4, window_bounds = array<i64: 256, 256>}, {transform_indices = @transform_5, window_bounds = array<i64: 2, 1000, 128>}]} {
    %get3A = arith.constant 0 : index
    %get3A_0 = arith.constant 0 : index
    %get3A_1 = arith.constant 0 : index
    %get3A_2 = vector.load %arg3[%get3A, %get3A_0, %get3A_1] : memref<2x1000x128xf32, #tpu.memory_space<vmem>>, vector<2x1000x128xf32>
    %slice3A = vector.extract_strided_slice %get3A_2 {offsets = [0, 0, 0], sizes = [1, 1000, 1], strides = [1, 1, 1]} : vector<2x1000x128xf32> to vector<1x1000x1xf32>
    %squeeze3A = vector.shape_cast %slice3A : vector<1x1000x1xf32> to vector<1000x1xf32>
    %get3A_3 = arith.constant 0 : index
    %get3A_4 = arith.constant 0 : index
    %get3A_5 = arith.constant 0 : index
    %get3A_6 = vector.load %arg3[%get3A_3, %get3A_4, %get3A_5] : memref<2x1000x128xf32, #tpu.memory_space<vmem>>, vector<2x1000x128xf32>
    %slice3A_7 = vector.extract_strided_slice %get3A_6 {offsets = [1, 0, 0], sizes = [1, 1000, 1], strides = [1, 1, 1]} : vector<2x1000x128xf32> to vector<1x1000x1xf32>
    %squeeze3A_8 = vector.shape_cast %slice3A_7 : vector<1x1000x1xf32> to vector<1000x1xf32>
    %add3A = arith.addf %squeeze3A, %squeeze3A_8 : vector<1000x1xf32>
    %add3A_9 = arith.constant 1.000000e+00 : f32
    %add3A_10 = vector.broadcast %add3A_9 : f32 to vector<1000x1xf32>
    %add3A_11 = arith.addf %add3A, %add3A_10 : vector<1000x1xf32>
    %rsqrt3A = math.rsqrt %add3A_11 : vector<1000x1xf32>
    %get3A_12 = arith.constant 0 : index
    %get3A_13 = arith.constant 0 : index
    %get3A_14 = arith.constant 0 : index
    %get3A_15 = vector.load %arg1[%get3A_12, %get3A_13, %get3A_14] : memref<2x1000x128xf32, #tpu.memory_space<vmem>>, vector<2x1000x128xf32>
    %get3A_16 = arith.constant 0 : index
    %get3A_17 = arith.constant 0 : index
    %get3A_18 = arith.constant 0 : index
    %get3A_19 = vector.load %arg2[%get3A_16, %get3A_17, %get3A_18] : memref<2x1000x128xf32, #tpu.memory_space<vmem>>, vector<2x1000x128xf32>
    %add3A_20 = arith.addf %get3A_15, %get3A_19 : vector<2x1000x128xf32>
    %slice3A_21 = vector.extract_strided_slice %add3A_20 {offsets = [0, 0, 0], sizes = [1, 1000, 128], strides = [1, 1, 1]} : vector<2x1000x128xf32> to vector<1x1000x128xf32>
    %squeeze3A_22 = vector.shape_cast %slice3A_21 : vector<1x1000x128xf32> to vector<1000x128xf32>
    %slice3A_23 = vector.extract_strided_slice %add3A_20 {offsets = [1, 0, 0], sizes = [1, 1000, 128], strides = [1, 1, 1]} : vector<2x1000x128xf32> to vector<1x1000x128xf32>
    %squeeze3A_24 = vector.shape_cast %slice3A_23 : vector<1x1000x128xf32> to vector<1000x128xf32>
    %concatenate3A = tpu.concatenate %squeeze3A_22, %squeeze3A_24 in 1 : vector<1000x128xf32>, vector<1000x128xf32> -> vector<1000x256xf32>
    %mul3A = vector.broadcast %rsqrt3A : vector<1000x1xf32> to vector<1000x256xf32>
    %mul3A_25 = arith.mulf %concatenate3A, %mul3A : vector<1000x256xf32>
    %get3A_26 = arith.constant 0 : index
    %get3A_27 = arith.constant 0 : index
    %get3A_28 = vector.load %arg4[%get3A_26, %get3A_27] : memref<8x256xf32, #tpu.memory_space<vmem>>, vector<8x256xf32>
    %slice3A_29 = vector.extract_strided_slice %get3A_28 {offsets = [0, 0], sizes = [1, 256], strides = [1, 1]} : vector<8x256xf32> to vector<1x256xf32>
    %add3A_30 = vector.broadcast %slice3A_29 : vector<1x256xf32> to vector<1000x256xf32>
    %add3A_31 = arith.addf %mul3A_25, %add3A_30 : vector<1000x256xf32>
    %max3A = arith.constant 0.000000e+00 : f32
    %max3A_32 = vector.broadcast %max3A : f32 to vector<1000x256xf32>
    %max3A_33 = arith.maximumf %add3A_31, %max3A_32 : vector<1000x256xf32>
    %get3A_34 = arith.constant 0 : index
    %get3A_35 = arith.constant 0 : index
    %get3A_36 = vector.load %arg5[%get3A_34, %get3A_35] : memref<256x256xf32, #tpu.memory_space<vmem>>, vector<256x256xf32>
    %dot_general3A = arith.constant dense<0.000000e+00> : vector<1000x256xf32>
    %dot_general3A_37 = tpu.matmul %max3A_33, %get3A_36, %dot_general3A {dimension_numbers = #tpu.dot_dimension_numbers<[1], [0], [0], [1], [0, 0, 1, 1], [], []>, transpose_lhs_hint = false} : vector<1000x256xf32>, vector<256x256xf32>, vector<1000x256xf32> -> vector<1000x256xf32>
    %mul3A_38 = vector.broadcast %rsqrt3A : vector<1000x1xf32> to vector<1000x256xf32>
    %mul3A_39 = arith.mulf %dot_general3A_37, %mul3A_38 : vector<1000x256xf32>
    %slice3A_40 = vector.extract_strided_slice %mul3A_39 {offsets = [0, 0], sizes = [1000, 128], strides = [1, 1]} : vector<1000x256xf32> to vector<1000x128xf32>
    %slice3A_41 = vector.extract_strided_slice %mul3A_39 {offsets = [0, 128], sizes = [1000, 128], strides = [1, 1]} : vector<1000x256xf32> to vector<1000x128xf32>
    %stack3A = vector.shape_cast %slice3A_40 : vector<1000x128xf32> to vector<1x1000x128xf32>
    %stack3A_42 = vector.shape_cast %slice3A_41 : vector<1000x128xf32> to vector<1x1000x128xf32>
    %stack3A_43 = tpu.concatenate %stack3A, %stack3A_42 in 0 : vector<1x1000x128xf32>, vector<1x1000x128xf32> -> vector<2x1000x128xf32>
    %swap3A = arith.constant 0 : index
    %swap3A_44 = arith.constant 0 : index
    %swap3A_45 = arith.constant 0 : index
    %swap3A_46 = vector.load %arg6[%swap3A, %swap3A_44, %swap3A_45] : memref<2x1000x128xf32, #tpu.memory_space<vmem>>, vector<2x1000x128xf32>
    tpu.vector_store %arg6[%swap3A, %swap3A_44, %swap3A_45], %stack3A_43 {strides = array<i32>} : memref<2x1000x128xf32, #tpu.memory_space<vmem>>, vector<2x1000x128xf32>,
    return
  }
  func.func @transform_0(%arg0: i32) -> (i32, i32, i32) {
    %c0_i32 = arith.constant 0 : i32
    %c0_i32_0 = arith.constant 0 : i32
    %c0_i32_1 = arith.constant 0 : i32
    return %c0_i32, %arg0, %c0_i32_0 : i32, i32, i32
  }
  func.func @transform_1(%arg0: i32) -> (i32, i32, i32) {
    %c0_i32 = arith.constant 0 : i32
    %c0_i32_0 = arith.constant 0 : i32
    %c0_i32_1 = arith.constant 0 : i32
    return %c0_i32, %arg0, %c0_i32_0 : i32, i32, i32
  }
  func.func @transform_2(%arg0: i32) -> (i32, i32, i32) {
    %c0_i32 = arith.constant 0 : i32
    %c0_i32_0 = arith.constant 0 : i32
    %c0_i32_1 = arith.constant 0 : i32
    return %c0_i32, %arg0, %c0_i32_0 : i32, i32, i32
  }
  func.func @transform_3(%arg0: i32) -> (i32, i32) {
    %c0_i32 = arith.constant 0 : i32
    %c0_i32_0 = arith.constant 0 : i32
    %c0_i32_1 = arith.constant 0 : i32
    return %c0_i32, %c0_i32_0 : i32, i32
  }
  func.func @transform_4(%arg0: i32) -> (i32, i32) {
    %c0_i32 = arith.constant 0 : i32
    %c0_i32_0 = arith.constant 0 : i32
    %c0_i32_1 = arith.constant 0 : i32
    return %c0_i32, %c0_i32_0 : i32, i32
  }
  func.func @transform_5(%arg0: i32) -> (i32, i32, i32) {
    %c0_i32 = arith.constant 0 : i32
    %c0_i32_0 = arith.constant 0 : i32
    %c0_i32_1 = arith.constant 0 : i32
    return %c0_i32, %arg0, %c0_i32_0 : i32, i32, i32
  }
}

module attributes {stable_mosaic.version = 14 : i64} {
  func.func @_k3_body(%arg0: i32, %arg1: memref<2x1000x128xf32, #tpu.memory_space<vmem>>, %arg2: memref<2x1000x128xf32, #tpu.memory_space<vmem>>, %arg3: memref<2x1000x128xf32, #tpu.memory_space<vmem>>, %arg4: memref<8x256xf32, #tpu.memory_space<vmem>>, %arg5: memref<1000x128xi32, #tpu.memory_space<vmem>>, %arg6: memref<64x256xf32, #tpu.memory_space<vmem>>, %arg7: memref<64x128xf32, #tpu.memory_space<vmem>>) attributes {dimension_semantics = [#tpu.dimension_semantics<arbitrary>], iteration_bounds = array<i64: 10>, scalar_prefetch = 0 : i64, scratch_operands = 0 : i64, tpu.core_type = #tpu.core_type<tc>, window_params = [{transform_indices = @transform_0, window_bounds = array<i64: 2, 1000, 128>}, {transform_indices = @transform_1, window_bounds = array<i64: 2, 1000, 128>}, {transform_indices = @transform_2, window_bounds = array<i64: 2, 1000, 128>}, {pipeline_mode = #tpu.pipeline_mode<synchronous>, transform_indices = @transform_3, window_bounds = array<i64: 8, 256>}, {transform_indices = @transform_4, window_bounds = array<i64: 1000, 128>}, {pipeline_mode = #tpu.pipeline_mode<synchronous>, transform_indices = @transform_5, window_bounds = array<i64: 64, 256>}, {pipeline_mode = #tpu.pipeline_mode<synchronous>, transform_indices = @transform_6, window_bounds = array<i64: 64, 128>}]} {
    %get3A = arith.constant 0 : index
    %get3A_0 = arith.constant 0 : index
    %get3A_1 = arith.constant 0 : index
    %get3A_2 = vector.load %arg3[%get3A, %get3A_0, %get3A_1] : memref<2x1000x128xf32, #tpu.memory_space<vmem>>, vector<2x1000x128xf32>
    %slice3A = vector.extract_strided_slice %get3A_2 {offsets = [0, 0, 0], sizes = [1, 1000, 1], strides = [1, 1, 1]} : vector<2x1000x128xf32> to vector<1x1000x1xf32>
    %squeeze3A = vector.shape_cast %slice3A : vector<1x1000x1xf32> to vector<1000x1xf32>
    %get3A_3 = arith.constant 0 : index
    %get3A_4 = arith.constant 0 : index
    %get3A_5 = arith.constant 0 : index
    %get3A_6 = vector.load %arg3[%get3A_3, %get3A_4, %get3A_5] : memref<2x1000x128xf32, #tpu.memory_space<vmem>>, vector<2x1000x128xf32>
    %slice3A_7 = vector.extract_strided_slice %get3A_6 {offsets = [1, 0, 0], sizes = [1, 1000, 1], strides = [1, 1, 1]} : vector<2x1000x128xf32> to vector<1x1000x1xf32>
    %squeeze3A_8 = vector.shape_cast %slice3A_7 : vector<1x1000x1xf32> to vector<1000x1xf32>
    %add3A = arith.addf %squeeze3A, %squeeze3A_8 : vector<1000x1xf32>
    %add3A_9 = arith.constant 1.000000e+00 : f32
    %add3A_10 = vector.broadcast %add3A_9 : f32 to vector<1000x1xf32>
    %add3A_11 = arith.addf %add3A, %add3A_10 : vector<1000x1xf32>
    %rsqrt3A = math.rsqrt %add3A_11 : vector<1000x1xf32>
    %get3A_12 = arith.constant 0 : index
    %get3A_13 = arith.constant 0 : index
    %get3A_14 = arith.constant 0 : index
    %get3A_15 = vector.load %arg1[%get3A_12, %get3A_13, %get3A_14] : memref<2x1000x128xf32, #tpu.memory_space<vmem>>, vector<2x1000x128xf32>
    %get3A_16 = arith.constant 0 : index
    %get3A_17 = arith.constant 0 : index
    %get3A_18 = arith.constant 0 : index
    %get3A_19 = vector.load %arg2[%get3A_16, %get3A_17, %get3A_18] : memref<2x1000x128xf32, #tpu.memory_space<vmem>>, vector<2x1000x128xf32>
    %add3A_20 = arith.addf %get3A_15, %get3A_19 : vector<2x1000x128xf32>
    %slice3A_21 = vector.extract_strided_slice %add3A_20 {offsets = [0, 0, 0], sizes = [1, 1000, 128], strides = [1, 1, 1]} : vector<2x1000x128xf32> to vector<1x1000x128xf32>
    %squeeze3A_22 = vector.shape_cast %slice3A_21 : vector<1x1000x128xf32> to vector<1000x128xf32>
    %slice3A_23 = vector.extract_strided_slice %add3A_20 {offsets = [1, 0, 0], sizes = [1, 1000, 128], strides = [1, 1, 1]} : vector<2x1000x128xf32> to vector<1x1000x128xf32>
    %squeeze3A_24 = vector.shape_cast %slice3A_23 : vector<1x1000x128xf32> to vector<1000x128xf32>
    %concatenate3A = tpu.concatenate %squeeze3A_22, %squeeze3A_24 in 1 : vector<1000x128xf32>, vector<1000x128xf32> -> vector<1000x256xf32>
    %mul3A = vector.broadcast %rsqrt3A : vector<1000x1xf32> to vector<1000x256xf32>
    %mul3A_25 = arith.mulf %concatenate3A, %mul3A : vector<1000x256xf32>
    %get3A_26 = arith.constant 0 : index
    %get3A_27 = arith.constant 0 : index
    %get3A_28 = vector.load %arg4[%get3A_26, %get3A_27] : memref<8x256xf32, #tpu.memory_space<vmem>>, vector<8x256xf32>
    %slice3A_29 = vector.extract_strided_slice %get3A_28 {offsets = [0, 0], sizes = [1, 256], strides = [1, 1]} : vector<8x256xf32> to vector<1x256xf32>
    %add3A_30 = vector.broadcast %slice3A_29 : vector<1x256xf32> to vector<1000x256xf32>
    %add3A_31 = arith.addf %mul3A_25, %add3A_30 : vector<1000x256xf32>
    %get3A_32 = arith.constant 0 : index
    %get3A_33 = arith.constant 0 : index
    %get3A_34 = vector.load %arg5[%get3A_32, %get3A_33] : memref<1000x128xi32, #tpu.memory_space<vmem>>, vector<1000x128xi32>
    %slice3A_35 = vector.extract_strided_slice %get3A_34 {offsets = [0, 0], sizes = [1000, 1], strides = [1, 1]} : vector<1000x128xi32> to vector<1000x1xi32>
    %iota3A = tpu.iota {dimensions = array<i32: 1>} : vector<1000x64xi32>
    %eq3A = vector.broadcast %slice3A_35 : vector<1000x1xi32> to vector<1000x64xi32>
    %eq3A_36 = arith.cmpi eq, %eq3A, %iota3A : vector<1000x64xi32>
    %convert_element_type3A = arith.extui %eq3A_36 : vector<1000x64xi1> to vector<1000x64xi32>
    %convert_element_type3A_37 = arith.sitofp %convert_element_type3A : vector<1000x64xi32> to vector<1000x64xf32>
    %dot_general3A = arith.constant dense<0.000000e+00> : vector<64x256xf32>
    %dot_general3A_38 = tpu.matmul %convert_element_type3A_37, %add3A_31, %dot_general3A {dimension_numbers = #tpu.dot_dimension_numbers<[0], [0], [1], [1], [0, 1, 1, 1], [], []>, transpose_lhs_hint = false} : vector<1000x64xf32>, vector<1000x256xf32>, vector<64x256xf32> -> vector<64x256xf32>
    %reduce_sum3A = arith.constant dense<0.000000e+00> : vector<64xf32>
    %reduce_sum3A_39 = vector.multi_reduction <add>, %convert_element_type3A_37, %reduce_sum3A [0] : vector<1000x64xf32> to vector<64xf32>
    %broadcast_in_dim3A = vector.shape_cast %reduce_sum3A_39 : vector<64xf32> to vector<64x1xf32>
    %broadcast_in_dim3A_40 = vector.shape_cast %broadcast_in_dim3A : vector<64x1xf32> to vector<64x1xf32>
    %broadcast_in_dim3A_41 = vector.broadcast %broadcast_in_dim3A_40 : vector<64x1xf32> to vector<64x128xf32>
    %eq3A_42 = arith.constant 0 : i32
    %eq3A_43 = arith.cmpi eq, %arg0, %eq3A_42 : i32
    %convert_element_type3A_44 = arith.extui %eq3A_43 : i1 to i32
    %cond3A = arith.constant 0 : i32
    %cond3A_45 = arith.cmpi ne, %convert_element_type3A_44, %cond3A : i32
    scf.if %cond3A_45 {
      %swap3A = arith.constant 0 : index
      %swap3A_50 = arith.constant 0 : index
      %swap3A_51 = vector.load %arg6[%swap3A, %swap3A_50] : memref<64x256xf32, #tpu.memory_space<vmem>>, vector<64x256xf32>
      tpu.vector_store %arg6[%swap3A, %swap3A_50], %dot_general3A_38 {strides = array<i32>} : memref<64x256xf32, #tpu.memory_space<vmem>>, vector<64x256xf32>,
      %swap3A_52 = arith.constant 0 : index
      %swap3A_53 = arith.constant 0 : index
      %swap3A_54 = vector.load %arg7[%swap3A_52, %swap3A_53] : memref<64x128xf32, #tpu.memory_space<vmem>>, vector<64x128xf32>
      tpu.vector_store %arg7[%swap3A_52, %swap3A_53], %broadcast_in_dim3A_41 {strides = array<i32>} : memref<64x128xf32, #tpu.memory_space<vmem>>, vector<64x128xf32>,
    } else {
    }
    %gt3A = arith.constant 0 : i32
    %gt3A_46 = arith.cmpi sgt, %arg0, %gt3A : i32
    %convert_element_type3A_47 = arith.extui %gt3A_46 : i1 to i32
    %cond3A_48 = arith.constant 0 : i32
    %cond3A_49 = arith.cmpi ne, %convert_element_type3A_47, %cond3A_48 : i32
    scf.if %cond3A_49 {
      %get3A_50 = arith.constant 0 : index
      %get3A_51 = arith.constant 0 : index
      %get3A_52 = vector.load %arg6[%get3A_50, %get3A_51] : memref<64x256xf32, #tpu.memory_space<vmem>>, vector<64x256xf32>
      %add3A_53 = arith.addf %get3A_52, %dot_general3A_38 : vector<64x256xf32>
      %swap3A = arith.constant 0 : index
      %swap3A_54 = arith.constant 0 : index
      %swap3A_55 = vector.load %arg6[%swap3A, %swap3A_54] : memref<64x256xf32, #tpu.memory_space<vmem>>, vector<64x256xf32>
      tpu.vector_store %arg6[%swap3A, %swap3A_54], %add3A_53 {strides = array<i32>} : memref<64x256xf32, #tpu.memory_space<vmem>>, vector<64x256xf32>,
      %get3A_56 = arith.constant 0 : index
      %get3A_57 = arith.constant 0 : index
      %get3A_58 = vector.load %arg7[%get3A_56, %get3A_57] : memref<64x128xf32, #tpu.memory_space<vmem>>, vector<64x128xf32>
      %add3A_59 = arith.addf %get3A_58, %broadcast_in_dim3A_41 : vector<64x128xf32>
      %swap3A_60 = arith.constant 0 : index
      %swap3A_61 = arith.constant 0 : index
      %swap3A_62 = vector.load %arg7[%swap3A_60, %swap3A_61] : memref<64x128xf32, #tpu.memory_space<vmem>>, vector<64x128xf32>
      tpu.vector_store %arg7[%swap3A_60, %swap3A_61], %add3A_59 {strides = array<i32>} : memref<64x128xf32, #tpu.memory_space<vmem>>, vector<64x128xf32>,
    } else {
    }
    return
  }
  func.func @transform_0(%arg0: i32) -> (i32, i32, i32) {
    %c0_i32 = arith.constant 0 : i32
    %c0_i32_0 = arith.constant 0 : i32
    %c0_i32_1 = arith.constant 0 : i32
    return %c0_i32, %arg0, %c0_i32_0 : i32, i32, i32
  }
  func.func @transform_1(%arg0: i32) -> (i32, i32, i32) {
    %c0_i32 = arith.constant 0 : i32
    %c0_i32_0 = arith.constant 0 : i32
    %c0_i32_1 = arith.constant 0 : i32
    return %c0_i32, %arg0, %c0_i32_0 : i32, i32, i32
  }
  func.func @transform_2(%arg0: i32) -> (i32, i32, i32) {
    %c0_i32 = arith.constant 0 : i32
    %c0_i32_0 = arith.constant 0 : i32
    %c0_i32_1 = arith.constant 0 : i32
    return %c0_i32, %arg0, %c0_i32_0 : i32, i32, i32
  }
  func.func @transform_3(%arg0: i32) -> (i32, i32) {
    %c0_i32 = arith.constant 0 : i32
    %c0_i32_0 = arith.constant 0 : i32
    %c0_i32_1 = arith.constant 0 : i32
    return %c0_i32, %c0_i32_0 : i32, i32
  }
  func.func @transform_4(%arg0: i32) -> (i32, i32) {
    %c0_i32 = arith.constant 0 : i32
    %c0_i32_0 = arith.constant 0 : i32
    return %arg0, %c0_i32 : i32, i32
  }
  func.func @transform_5(%arg0: i32) -> (i32, i32) {
    %c0_i32 = arith.constant 0 : i32
    %c0_i32_0 = arith.constant 0 : i32
    %c0_i32_1 = arith.constant 0 : i32
    return %c0_i32, %c0_i32_0 : i32, i32
  }
  func.func @transform_6(%arg0: i32) -> (i32, i32) {
    %c0_i32 = arith.constant 0 : i32
    %c0_i32_0 = arith.constant 0 : i32
    %c0_i32_1 = arith.constant 0 : i32
    return %c0_i32, %c0_i32_0 : i32, i32
  }
}

module attributes {stable_mosaic.version = 14 : i64} {
  func.func @_k4_body(%arg0: i32, %arg1: memref<64x256xf32, #tpu.memory_space<vmem>>, %arg2: memref<64x128xf32, #tpu.memory_space<vmem>>, %arg3: memref<256x128xf32, #tpu.memory_space<vmem>>, %arg4: memref<8x128xf32, #tpu.memory_space<vmem>>, %arg5: memref<64x128xf32, #tpu.memory_space<vmem>>) attributes {dimension_semantics = [#tpu.dimension_semantics<arbitrary>], iteration_bounds = array<i64: 1>, scalar_prefetch = 0 : i64, scratch_operands = 0 : i64, tpu.core_type = #tpu.core_type<tc>, window_params = [{pipeline_mode = #tpu.pipeline_mode<synchronous>, transform_indices = @transform_0, window_bounds = array<i64: 64, 256>}, {pipeline_mode = #tpu.pipeline_mode<synchronous>, transform_indices = @transform_1, window_bounds = array<i64: 64, 128>}, {pipeline_mode = #tpu.pipeline_mode<synchronous>, transform_indices = @transform_2, window_bounds = array<i64: 256, 128>}, {pipeline_mode = #tpu.pipeline_mode<synchronous>, transform_indices = @transform_3, window_bounds = array<i64: 8, 128>}, {pipeline_mode = #tpu.pipeline_mode<synchronous>, transform_indices = @transform_4, window_bounds = array<i64: 64, 128>}]} {
    %get3A = arith.constant 0 : index
    %get3A_0 = arith.constant 0 : index
    %get3A_1 = vector.load %arg1[%get3A, %get3A_0] : memref<64x256xf32, #tpu.memory_space<vmem>>, vector<64x256xf32>
    %get3A_2 = arith.constant 0 : index
    %get3A_3 = arith.constant 0 : index
    %get3A_4 = vector.load %arg2[%get3A_2, %get3A_3] : memref<64x128xf32, #tpu.memory_space<vmem>>, vector<64x128xf32>
    %slice3A = vector.extract_strided_slice %get3A_4 {offsets = [0, 0], sizes = [64, 1], strides = [1, 1]} : vector<64x128xf32> to vector<64x1xf32>
    %div3A = vector.broadcast %slice3A : vector<64x1xf32> to vector<64x256xf32>
    %div3A_5 = arith.divf %get3A_1, %div3A : vector<64x256xf32>
    %get3A_6 = arith.constant 0 : index
    %get3A_7 = arith.constant 0 : index
    %get3A_8 = vector.load %arg3[%get3A_6, %get3A_7] : memref<256x128xf32, #tpu.memory_space<vmem>>, vector<256x128xf32>
    %dot_general3A = arith.constant dense<0.000000e+00> : vector<64x128xf32>
    %dot_general3A_9 = tpu.matmul %div3A_5, %get3A_8, %dot_general3A {dimension_numbers = #tpu.dot_dimension_numbers<[1], [0], [0], [1], [0, 0, 1, 1], [], []>, transpose_lhs_hint = false} : vector<64x256xf32>, vector<256x128xf32>, vector<64x128xf32> -> vector<64x128xf32>
    %get3A_10 = arith.constant 0 : index
    %get3A_11 = arith.constant 0 : index
    %get3A_12 = vector.load %arg4[%get3A_10, %get3A_11] : memref<8x128xf32, #tpu.memory_space<vmem>>, vector<8x128xf32>
    %slice3A_13 = vector.extract_strided_slice %get3A_12 {offsets = [0, 0], sizes = [1, 1], strides = [1, 1]} : vector<8x128xf32> to vector<1x1xf32>
    %add3A = vector.broadcast %slice3A_13 : vector<1x1xf32> to vector<64x128xf32>
    %add3A_14 = arith.addf %dot_general3A_9, %add3A : vector<64x128xf32>
    %logistic3A = arith.negf %add3A_14 : vector<64x128xf32>
    %logistic3A_15 = math.exp %logistic3A : vector<64x128xf32>
    %logistic3A_16 = arith.constant 1.000000e+00 : f32
    %logistic3A_17 = vector.broadcast %logistic3A_16 : f32 to vector<64x128xf32>
    %logistic3A_18 = arith.addf %logistic3A_17, %logistic3A_15 : vector<64x128xf32>
    %logistic3A_19 = arith.divf %logistic3A_17, %logistic3A_18 : vector<64x128xf32>
    %swap3A = arith.constant 0 : index
    %swap3A_20 = arith.constant 0 : index
    %swap3A_21 = vector.load %arg5[%swap3A, %swap3A_20] : memref<64x128xf32, #tpu.memory_space<vmem>>, vector<64x128xf32>
    tpu.vector_store %arg5[%swap3A, %swap3A_20], %logistic3A_19 {strides = array<i32>} : memref<64x128xf32, #tpu.memory_space<vmem>>, vector<64x128xf32>,
    return
  }
  func.func @transform_0(%arg0: i32) -> (i32, i32) {
    %c0_i32 = arith.constant 0 : i32
    %c0_i32_0 = arith.constant 0 : i32
    %c0_i32_1 = arith.constant 0 : i32
    return %c0_i32, %c0_i32_0 : i32, i32
  }
  func.func @transform_1(%arg0: i32) -> (i32, i32) {
    %c0_i32 = arith.constant 0 : i32
    %c0_i32_0 = arith.constant 0 : i32
    %c0_i32_1 = arith.constant 0 : i32
    return %c0_i32, %c0_i32_0 : i32, i32
  }
  func.func @transform_2(%arg0: i32) -> (i32, i32) {
    %c0_i32 = arith.constant 0 : i32
    %c0_i32_0 = arith.constant 0 : i32
    %c0_i32_1 = arith.constant 0 : i32
    return %c0_i32, %c0_i32_0 : i32, i32
  }
  func.func @transform_3(%arg0: i32) -> (i32, i32) {
    %c0_i32 = arith.constant 0 : i32
    %c0_i32_0 = arith.constant 0 : i32
    %c0_i32_1 = arith.constant 0 : i32
    return %c0_i32, %c0_i32_0 : i32, i32
  }
  func.func @transform_4(%arg0: i32) -> (i32, i32) {
    %c0_i32 = arith.constant 0 : i32
    %c0_i32_0 = arith.constant 0 : i32
    %c0_i32_1 = arith.constant 0 : i32
    return %c0_i32, %c0_i32_0 : i32, i32
  }
}

</mosaic_0001>

<sc_bundles>
// kernel: kernel.12.cloned.1.call-start
scs
__scs_entry_jumppad:
0x0: {  	(pc) =	sbr.rel $0x88, $3  }
0x1: {  	(tag) =	ssettag $0x0;
	lr =	simm.s32 $0x1  }
0x2: {  	[smem:$0x3F98] =	sst lr;
	_ =	strace $0xD0000000  }
0x3: {  	_ = 	snop  }
0x4: {  	_ = 	snop  }
0x5: {  	_ = 	snop  }
0x6: {  	_ = 	snop  }
0x7: {  	_ = 	snop  }
__scs_overlays_trampoline_lowered:
0x8: {  	[smem:$0x3FA7] =	sst s0  }
0x9: {  	[smem:$0x3FA8] =	sst s1  }
0xa: {  	[smem:$0x3FA9] =	sst s2  }
0xb: {  	[smem:$0x3FAA] =	sst s3  }
0xc: {  	[smem:$0x3FAB] =	sst s4  }
0xd: {  	[smem:$0x3FAC] =	sst s5  }
0xe: {  	[smem:$0x3FAD] =	sst s6  }
0xf: {  	[smem:$0x3FAE] =	sst s7  }
0x10: {  	[smem:$0x3FAF] =	sst s8  }
0x11: {  	[smem:$0x3FB0] =	sst s9;
	s0 =	simm.s32 @!p0 $0x0  }
0x12: {  	s1 =	sld [smem:$0x3F96];
	s0 =	simm.s32 @p0 $0x1  }
0x13: {  	[smem:$0x3FB1] =	sst s0;
	s0 =	simm.s32 @!p1 $0x0  }
0x14: {  	s2 =	sld [smem:$0x3F95];
	s0 =	simm.s32 @p1 $0x1  }
0x15: {  	[smem:$0x3FB2] =	sst s0;
	s0 =	simm.s32 @!p2 $0x0  }
0x16: {  	s3 =	sld [smem:$0x3FDB];
	s0 =	simm.s32 @p2 $0x1  }
0x17: {  	s4 =	simm.s32 $0x1BF5;
	[smem:$0x3FB4] =	sst s0  }
0x18: {  	s0 =	sld [smem:$0x3F97];
	_ =	swait.ge [sflag:s4], $0x0  }
0x19: {  	s7 =	sld [smem:$0x3F98]  }
0x1a: {  	s8 =	sadd.s32 $0xFFFFE003, lr  }
0x1b: {  	s9 =	sadd.s32 $0xFFFFFEF7, lr;
	s5 =	simm.s32 $0xFFFFFFFF;
	p2 =	slt.u32 s8, $0xFFFFF086  }
0x1c: {  	p1 =	slt.u32 s9, $0xF7A;
	s5 =	simm.s32 @!p2 $0x0  }
0x1d: {  	s5 =	simm.s32 @p1 $0x1;
	p0 =	seq.s32 s7, s2  }
0x1e: {  	s7 =	smul.u32 @!p0 $0xF7A, s2;
	p2 =	seq.s32 @!p0 s5, $0x0  }
0x1f: {  	s9 =	smul.u32 $0xF7A, s1;
	s8 =	simm.s32 @!p0 $0x1BF5;
	p2 =	por !p2, p0  }
0x20: {  	[sflag:s8] =	ssyncset.s32 @!p0 $0xFFFFF086;
	s6 =	sadd.s32 @!p0 s3, s7;
	s7 =	simm.s32 @!p0 $0x108  }
0x21: {  	s3 =	sadd.s32 s3, s9;
	s6 =	sadd.s32 @!p0 $0x88, s6;
	s7 =	simm.s32 @p2 $0x1082  }
0x22: {  	[simem:s7], [sflag:s8] =	dma.local @!p0 [hbm:s6], $0xF7A  }
0x23: {  	s9 =	sor.u32 $0xD0000000, s2;
	s6 =	simm.s32 $0x108;
	_ =	swait.ge @!p0 [sflag:s8], $0x0  }
0x24: {  	s3 =	sadd.s32 $0x88, s3;
	s6 =	simm.s32 @!p1 $0x1082;
	[sflag:s4] =	ssyncset.s32 $0xFFFFF086  }
0x25: {  	[simem:s6], [sflag:s4] =	dma.local [hbm:s3], $0xF7A  }
0x26: {  	[smem:$0x3F98] =	sst s1;
	(tag) =	ssettag s2;
	_ =	strace s9  }
0x27: {  	s1 =	sld [smem:$0x3FA8]  }
0x28: {  	s2 =	sld [smem:$0x3FA9]  }
0x29: {  	s4 =	sld [smem:$0x3FAB]  }
0x2a: {  	p0 =	seq.s32 s5, $0x0;
	s5 =	sld [smem:$0x3FAC]  }
0x2b: {  	s6 =	sld [smem:$0x3FAD]  }
0x2c: {  	s7 =	sld [smem:$0x3FAE]  }
0x2d: {  	s3 =	simm.s32 $0x108;
	s8 =	sld [smem:$0x3FAF]  }
0x2e: {  	s3 =	simm.s32 @!p0 $0x1082;
	s9 =	sld [smem:$0x3FB0]  }
0x2f: {  	lr =	sadd.s32 s0, s3;
	s0 =	sld [smem:$0x3FA7]  }
0x30: {  	s3 =	sld [smem:$0x3FAA]  }
0x31: {  	[smem:$0x3FB3] =	sst s10  }
0x32: {  	s10 =	sld [smem:$0x3FB1];
	_ =	sdelay $0x3  }
0x33: {  	p0 =	seq.s32 s10, $0x1;
	s10 =	sld [smem:$0x3FB3];
	_ =	sdelay $0x3  }
0x34: {  	[smem:$0x3FB3] =	sst s10  }
0x35: {  	s10 =	sld [smem:$0x3FB2];
	_ =	sdelay $0x3  }
0x36: {  	p1 =	seq.s32 s10, $0x1;
	s10 =	sld [smem:$0x3FB3];
	_ =	sdelay $0x3  }
0x37: {  	[smem:$0x3FB3] =	sst s10  }
0x38: {  	s10 =	sld [smem:$0x3FB4]  }
0x39: {  	_ = 	snop;
	(pc) =	sbr.ind lr, $3  }
0x3a: {  	_ = 	snop  }
0x3b: {  	_ = 	snop  }
0x3c: {  	p2 =	seq.s32 s10, $0x1;
	s10 =	sld [smem:$0x3FB3]  }
0x3d: {  	_ =	shalt  }
0x3e: {  	_ =	shalt  }
0x3f: {  	_ =	shalt  }
0x40: {  	_ =	shalt  }
0x41: {  	_ =	shalt  }
0x42: {  	_ =	shalt  }
0x43: {  	_ =	shalt  }
0x44: {  	_ =	shalt  }
0x45: {  	_ =	shalt  }
0x46: {  	_ =	shalt  }
0x47: {  	_ =	shalt  }
0x48: {  	_ =	shalt  }
0x49: {  	_ =	shalt  }
0x4a: {  	_ =	shalt  }
0x4b: {  	_ =	shalt  }
0x4c: {  	_ =	shalt  }
0x4d: {  	_ =	shalt  }
0x4e: {  	_ =	shalt  }
0x4f: {  	_ =	shalt  }
0x50: {  	_ =	shalt  }
0x51: {  	_ =	shalt  }
0x52: {  	_ =	shalt  }
0x53: {  	_ =	shalt  }
0x54: {  	_ =	shalt  }
0x55: {  	_ =	shalt  }
0x56: {  	_ =	shalt  }
0x57: {  	_ =	shalt  }
0x58: {  	_ =	shalt  }
0x59: {  	_ =	shalt  }
0x5a: {  	_ =	shalt  }
0x5b: {  	_ =	shalt  }
0x5c: {  	_ =	shalt  }
0x5d: {  	_ =	shalt  }
0x5e: {  	_ =	shalt  }
0x5f: {  	_ =	shalt  }
0x60: {  	_ =	shalt  }
0x61: {  	_ =	shalt  }
0x62: {  	_ =	shalt  }
0x63: {  	_ =	shalt  }
0x64: {  	_ =	shalt  }
0x65: {  	_ =	shalt  }
0x66: {  	_ =	shalt  }
0x67: {  	_ =	shalt  }
0x68: {  	_ =	shalt  }
0x69: {  	_ =	shalt  }
0x6a: {  	_ =	shalt  }
0x6b: {  	_ =	shalt  }
0x6c: {  	_ =	shalt  }
0x6d: {  	_ =	shalt  }
0x6e: {  	_ =	shalt  }
0x6f: {  	_ =	shalt  }
0x70: {  	_ =	shalt  }
0x71: {  	_ =	shalt  }
0x72: {  	_ =	shalt  }
0x73: {  	_ =	shalt  }
0x74: {  	_ =	shalt  }
0x75: {  	_ =	shalt  }
0x76: {  	_ =	shalt  }
0x77: {  	_ =	shalt  }
0x78: {  	_ =	shalt  }
0x79: {  	_ =	shalt  }
0x7a: {  	_ =	shalt  }
0x7b: {  	_ =	shalt  }
0x7c: {  	_ =	shalt  }
0x7d: {  	_ =	shalt  }
0x7e: {  	_ =	shalt  }
0x7f: {  	_ =	shalt  }
0x80: {  	_ =	shalt  }
0x81: {  	_ =	shalt  }
0x82: {  	_ =	shalt  }
0x83: {  	_ =	shalt  }
0x84: {  	_ =	shalt  }
0x85: {  	_ =	shalt  }
0x86: {  	_ =	shalt  }
0x87: {  	_ =	shalt  }
.Lfunc_end0:
.L_simem_size_0:
called_computation.1_lowered:
.L_overlay_start_0:
0x88: {  	s2 =	sld [smem:$0x3FD9]  }
0x89: {  	s3 =	sld [smem:$0x3FFE];
	_ =	sdelay $0x1  }
0x8a: {  	s1 =	srdreg.scid  }
0x8b: {  	s0 =	sand.u32 $0x1, s1  }
0x8c: {  	s16 =	sshll.u32 s0, $0xA;
	s2 =	sadd.s32 s3, s2  }
0x8d: {  	s2 =	sadd.s32 s2, s16  }
0x8e: {  	[smem:$0x3FBF] =	sst s2  }
0x8f: {  	_ = 	snop  }
0x90: {  	(tm) =	ssettm $0x1  }
0x91: {  	s17 =	sld [smem:$0x3FFB];
	_ =	sdelay $0x3  }
0x92: {  	_ =	strace s17  }
0x93: {  	s2 =	sld [smem:$0x3FFC];
	_ =	sdelay $0x3  }
0x94: {  	_ =	strace s2  }
0x95: {  	s2 =	sld [smem:$0x3FFD];
	_ =	sdelay $0x3  }
0x96: {  	_ =	strace s2  }
0x97: {  	_ =	strace $0x8FFFFFFF  }
0x98: {  	s18 =	sld [smem:$0x3FDB];
	_ =	sdelay $0x1  }
0x99: {  	s19 =	simm.s32 $_scs_section_size  }
0x9a: {  	s4 =	simm.s32 $_size__tile_overlayer_lowered;
	s5 =	simm.s32 $_tile_overlayer_lowered  }
0x9b: {  	s22 =	simm.s32 $0x1BFF;
	s21 =	sshll.u32 s5, $0x1;
	s2 =	sadd.s32 s19, s18  }
0x9c: {  	s6 =	simm.s32 $0x0;
	s20 =	sshll.u32 s4, $0x1;
	s4 =	sadd.s32 s21, s2  }
0x9d: {  	[timem:s6], [sflag:s22] =	dma.local [hbm:s4], s20  }
0x9e: {  	_ =	swait.ge [sflag:s22], s20  }
0x9f: {  	s3 =	ssub.s32 $0x0, s20;
	[sflag:s22] =	ssyncset.done $0x0  }
0xa0: {  	[sflag:s22] =	ssyncadd.s32 s3;
	_ =	sdelay $0x1  }
0xa1: {  	s23 =	simm.s32 $0x1B8B  }
0xa2: {  	_ =	swait.ge [sflag:s23], $0x1  }
0xa3: {  	[sflag:s23] =	ssyncset.done $0x0  }
0xa4: {  	s25 =	simm.s32 $0x1B8E;
	s24 =	sld [smem:$0x3FFE];
	[sflag:s23] =	ssyncadd.s32 $0xFFFFFFFF  }
0xa5: {  	s26 =	simm.s32 $execute0_lowered;
	[smem:$0x3FD2] =	sst s25  }
0xa6: {  	s4 =	sshll.u32 s26, $0x1;
	_ =	strace $0x80000049;
	[dreg:$0x1] =	wrdreg $0xFFFFFFFF  }
0xa7: {  	s28 =	simm.s32 $_size_execute0_lowered;
	s2 =	sadd.s32 s2, s4;
	[dreg:$0x0] =	wrdreg $0x0  }
0xa8: {  	s4 =	sshll.u32 s28, $0x1;
	[dreg:$0x2] =	wrdreg s2  }
0xa9: {  	[dreg:$0x3] =	wrdreg s4  }
0xaa: {  	[dreg:$0x4] =	wrdreg $0xC0  }
0xab: {  	_ =	task [dreg:s6], $0x5FFFF  }
0xac: {  	[dreg:$0x1] =	wrdreg $0xFFFFFFFF  }
0xad: {  	[dreg:$0x0] =	wrdreg $0x60  }
0xae: {  	[dreg:$0x2] =	wrdreg s24  }
0xaf: {  	[dreg:$0x3] =	wrdreg $0xA8000  }
0xb0: {  	[dreg:$0x4] =	wrdreg $0x9  }
0xb1: {  	_ =	task.clear_ibuf [dreg:s6], $0x5FFFF;
	_ =	strace $0x90000049  }
0xb2: {  	s29 =	simm.s32 $0x9;
	_ =	strace $0x8000004B  }
0xb3: {  	_ =	swait.ge [sflag:s29], $0x1  }
0xb4: {  	[sflag:s29] =	ssyncadd.s32 $0xFFFFFFFF  }
0xb5: {  	_ =	strace $0x9000004B  }
0xb6: {  	_ =	sfence  }
0xb7: {  	s30 =	sld [smem:$0x0];
	_ =	sdelay $0x2  }
0xb8: {  	s31 =	sshll.u32 s1, $0xD;
	s1 =	sshrl.u32 s1, $0x2  }
0xb9: {  	s3 =	sand.u32 $0x4000, s31;
	s1 =	sadd.s32 s1, s30  }
0xba: {  	s0 =	sor.u32 s3, s0;
	s1 =	sshll.u32 s1, $0x11  }
0xbb: {  	s0 =	sor.u32 s1, s0  }
0xbc: {  	s0 =	sadd.s32 $0x8F2B, s0  }
0xbd: {  	[sflag:s0] =	ssyncadd.remote.s32 $0x1  }
0xbe: {  	_ =	sfence.sel $0xFFFF  }
0xbf: {  	[dreg:$0x0] =	wrdreg $0xFFFFFFFF;
	(pc) =	sbr.abs _section_cstart, $3  }
0xc0: {  	[dreg:$0x1] =	wrdreg $0xFFFFFFFF  }
0xc1: {  	_ =	task.clear_ibuf [dreg:s6], $0x2FFFF;
	_ =	strace $0x9FFFFFFF  }
0xc2: {  	(tm) =	ssettm $0x7FFFFFFF  }
0xc3: {  	_ =	shalt  }
tec
execute0_lowered:
.L_overlay_start_1:
0x0: {  	(tag) =	ssettag $0x1  }
0x1: {  	s2 =	rddreg [dreg:$0x0]  }
0x2: {  	s1 =	rddreg [dreg:$0x1];
	s3 =	simm.s32 $0x0;
	s0 =	srdreg.scid  }
0x3: {  	s12 =	stileid.u32;
	s31 =	simm.s32 $0x50;
	[smem:$0x7FF] =	sst s3  }
0x4: {  	s5 =	sand.u32 $0x1, s0;
	s6 =	smul.u32 $0x4E000, s12;
	s0 =	sadd.s32 $0x5D400, s2  }
0x5: {  	s7 =	sadd.s32 $0x2200, s2;
	s4 =	sadd.s32 $0x71400, s2;
	s10 =	smul.u32 $0x5000, s12  }
0x6: {  	s11 =	sadd.s32 $0xC200, s2;
	s2 =	sadd.s32 $0xBF600, s2;
	s25 =	smul.u32 $0x2700, s12  }
0x7: {  	s19 =	sadd.s32 $0x124800, s1;
	s17 =	smul.u32 $0xA00, s12;
	p0 =	seq.s32 s12, $0xF  }
0x8: {  	_ =	strace $0x8000004A;
	s8 =	smul.u32 $0x50000, s5;
	[dreg:$0xb] =	wrdreg s11  }
0x9: {  	s9 =	ssub.s32 $0x2, s5;
	[dreg:$0xd] =	wrdreg s19;
	s23 =	smul.u32 $0x27100, s5  }
0xa: {  	s5 =	smul.u32 $0x138800, s5;
	s18 =	sshrl.u32 s9, $0x1;
	s6 =	sshrl.u32 s6, $0x2  }
0xb: {  	s22 =	sshrl.u32 s10, $0x3;
	s9 =	ssub.s32 s9, s18;
	s8 =	sadd.s32 s10, s8  }
0xc: {  	s6 =	sadd.s32 s6, s1;
	s13 =	sadd.s32 s7, s22;
	s5 =	sshrl.u32 s5, $0x3  }
0xd: {  	[dreg:$0xc] =	wrdreg s6;
	s20 =	sshrl.u32 s8, $0x3;
	s14 =	sadd.s32 $0xA, s13  }
0xe: {  	s28 =	sadd.s32 $0x14, s13;
	[dreg:$0xf] =	wrdreg s13;
	s29 =	sadd.s32 $0x1E, s13  }
0xf: {  	s6 =	sadd.s32 s25, s23;
	s30 =	sor.u32 $0x280, s8;
	s15 =	smax.u32 s9, $0x1  }
0x10: {  	s18 =	sor.u32 $0x320, s8;
	s25 =	sor.u32 $0x1E0, s8;
	[dreg:$0x11] =	wrdreg s14  }
0x11: {  	s9 =	simm.s32 $0x2;
	s21 =	sadd.s32 s0, s20;
	[dreg:$0x13] =	wrdreg s28  }
0x12: {  	[dreg:$0x15] =	wrdreg s29;
	s6 =	sadd.s32 s2, s6;
	s2 =	sadd.s32 s2, s5  }
0x13: {  	s14 =	sor.u32 $0x2D0, s8;
	[dreg:$0x18] =	wrdreg s15;
	s19 =	sshrl.u32 s18, $0x3  }
0x14: {  	s20 =	sor.u32 $0x370, s8;
	s28 =	sor.u32 $0x190, s8;
	s18 =	simm.s32 $0x1  }
0x15: {  	s5 =	simm.s32 $0x0;
	s24 =	sadd.s32 $0xA, s21;
	[dreg:$0xe] =	wrdreg s21  }
0x16: {  	s26 =	sadd.s32 $0x14, s21;
	s11 =	sadd.s32 $0x1E, s21;
	[dreg:$0x16] =	wrdreg s6  }
0x17: {  	s2 =	sadd.s32 $0x24900, s2;
	s16 =	sshrl.u32 s14, $0x3;
	[dreg:$0x10] =	wrdreg s24  }
0x18: {  	s6 =	sshrl.u32 s20, $0x3;
	s21 =	sor.u32 $0x230, s8;
	[dreg:$0x12] =	wrdreg s26  }
0x19: {  	s8 =	sor.u32 $0x140, s8;
	[dreg:$0x14] =	wrdreg s11;
	s11 =	sshrl.u32 s30, $0x3  }
0x1a: {  	[dreg:$0x17] =	wrdreg s2;
	s2 =	sadd.s32 s16, s0;
	s22 =	sadd.s32 s6, s0  }
0x1b: {  	s23 =	sshrl.u32 s21, $0x3;
	s26 =	sshrl.u32 s25, $0x3;
	[dreg:$0x4] =	wrdreg s2  }
0x1c: {  	s6 =	sshrl.u32 s28, $0x3;
	s13 =	sadd.s32 s11, s0;
	[dreg:$0x6] =	wrdreg s22  }
0x1d: {  	s30 =	sshrl.u32 s8, $0x3;
	s2 =	sadd.s32 s19, s0;
	[dreg:$0x3] =	wrdreg s13  }
0x1e: {  	s16 =	simm.s32 $0x5;
	s24 =	sadd.s32 s23, s0;
	[dreg:$0x5] =	wrdreg s2  }
0x1f: {  	s21 =	simm.s32 $0x3;
	s29 =	sadd.s32 s6, s0;
	[dreg:$0x7] =	wrdreg s24  }
0x20: {  	s19 =	sadd.s32 s17, s7;
	s2 =	sadd.s32 s26, s0;
	[dreg:$0x9] =	wrdreg s29  }
0x21: {  	s17 =	simm.s32 $0xA;
	s0 =	sadd.s32 s30, s0;
	[dreg:$0x8] =	wrdreg s2  }
0x22: {  	s23 =	simm.s32 $0x4;
	[dreg:$0xa] =	wrdreg s0;
	s0 =	simm.s32 $0x800  }
.LBB2_1:
0x23: {  	[dreg:$0x19] =	wrdreg s5  }
0x24: {  	s2 =	rddreg [dreg:$0xd]  }
0x25: {  	s14 =	rddreg [dreg:$0xb];
	s2 =	sshrl.u32 @p0 s2, $0x3  }
0x26: {  	s6 =	simm.s32 @p0 $0x1FC9;
	[dreg:$0x1a] =	wrdreg s2  }
0x27: {  	[spmem:s2], [sflag:s6] =	dma.local @p0 [hbm:s14], $0x2800  }
0x28: {  	s6 =	simm.s32 @p0 $0x9;
	s2 =	stileid.u32  }
0x29: {  	_ =	swait.ge @p0 [sflag:s6], $0x2800;
	s11 =	sshll.u32 @!p0 s2, $0x6  }
0x2a: {  	s5 =	sor.u32 @!p0 $0x1C09, s11;
	s2 =	rddreg [dreg:$0xc]  }
0x2b: {  	[sflag:s6] =	ssyncset.done @p0 $0x0;
	s2 =	sshrl.u32 @!p0 s2, $0x3;
	[dreg:$0x1b] =	wrdreg s5  }
0x2c: {  	[sflag:s6] =	ssyncadd.s32 @p0 $0xFFFFD800;
	s6 =	simm.s32 @!p0 $0x9;
	[dreg:$0x1c] =	wrdreg s2  }
0x2d: {  	[spmem:s2], [sflag:s5] =	dma.local @!p0 [hbm:s14], $0x2700  }
0x2e: {  	_ =	swait.ge @!p0 [sflag:s6], $0x2700  }
0x2f: {  	[sflag:s6] =	ssyncset.done @!p0 $0x0  }
0x30: {  	[sflag:s6] =	ssyncadd.s32 @!p0 $0xFFFFD900  }
0x31: {  	[bflag:$0x0] =	sbarrier.arrive $0xFFFF  }
0x32: {  	s7 =	simm.s32 $0x9;
	s8 =	rddreg [dreg:$0xe]  }
0x33: {  	[tilespmem:s3], [sflag:$0x9] =	stream.linear.gather [hbm4b:s8+s3], $0x50, $0x38;
	[tilespmem:$0x1E0C0] =	vst v63  }
0x34: {  	_ =	swait.ge [sflag:s7], $0x50  }
0x35: {  	[sflag:s7] =	ssyncset.done $0x0  }
0x36: {  	s29 =	simm.s32 $0x400;
	s10 =	rddreg [dreg:$0xf];
	[sflag:s7] =	ssyncadd.s32 $0xFFFFFFB0  }
0x37: {  	[tilespmem:s29], [sflag:$0x9] =	stream.linear.gather [hbm4b:s10+s3], $0x50, $0x38;
	[tilespmem:$0x1E0C0] =	vst v63  }
0x38: {  	_ =	swait.ge [sflag:s7], $0x50  }
0x39: {  	[sflag:s7] =	ssyncset.done $0x0  }
0x3a: {  	s28 =	simm.s32 $0x80;
	s11 =	rddreg [dreg:$0x10];
	[sflag:s7] =	ssyncadd.s32 $0xFFFFFFB0  }
0x3b: {  	[tilespmem:s28], [sflag:$0x9] =	stream.linear.gather [hbm4b:s11+s3], $0x50, $0x38;
	[tilespmem:$0x1E0C0] =	vst v63  }
0x3c: {  	_ =	swait.ge [sflag:s7], $0x50  }
0x3d: {  	[sflag:s7] =	ssyncset.done $0x0  }
0x3e: {  	s13 =	simm.s32 $0x480;
	s12 =	rddreg [dreg:$0x11];
	[sflag:s7] =	ssyncadd.s32 $0xFFFFFFB0  }
0x3f: {  	[tilespmem:s13], [sflag:$0x9] =	stream.linear.gather [hbm4b:s12+s3], $0x50, $0x38;
	[tilespmem:$0x1E0C0] =	vst v63  }
0x40: {  	_ =	swait.ge [sflag:s7], $0x50  }
0x41: {  	[sflag:s7] =	ssyncset.done $0x0  }
0x42: {  	s30 =	simm.s32 $0x100;
	s14 =	rddreg [dreg:$0x12];
	[sflag:s7] =	ssyncadd.s32 $0xFFFFFFB0  }
0x43: {  	[tilespmem:s30], [sflag:$0x9] =	stream.linear.gather [hbm4b:s14+s3], $0x50, $0x38;
	[tilespmem:$0x1E0C0] =	vst v63  }
0x44: {  	_ =	swait.ge [sflag:s7], $0x50  }
0x45: {  	[sflag:s7] =	ssyncset.done $0x0  }
0x46: {  	s20 =	simm.s32 $0x500;
	s15 =	rddreg [dreg:$0x13];
	[sflag:s7] =	ssyncadd.s32 $0xFFFFFFB0  }
0x47: {  	[tilespmem:s20], [sflag:$0x9] =	stream.linear.gather [hbm4b:s15+s3], $0x50, $0x38;
	[tilespmem:$0x1E0C0] =	vst v63  }
0x48: {  	_ =	swait.ge [sflag:s7], $0x50  }
0x49: {  	[sflag:s7] =	ssyncset.done $0x0  }
0x4a: {  	s14 =	simm.s32 $0x180;
	s22 =	rddreg [dreg:$0x14];
	[sflag:s7] =	ssyncadd.s32 $0xFFFFFFB0  }
0x4b: {  	[tilespmem:s14], [sflag:$0x9] =	stream.linear.gather [hbm4b:s22+s3], $0x50, $0x38;
	[tilespmem:$0x1E0C0] =	vst v63  }
0x4c: {  	_ =	swait.ge [sflag:s7], $0x50  }
0x4d: {  	[sflag:s7] =	ssyncset.done $0x0  }
0x4e: {  	s22 =	simm.s32 $0x580;
	s24 =	rddreg [dreg:$0x15];
	[sflag:s7] =	ssyncadd.s32 $0xFFFFFFB0  }
0x4f: {  	[tilespmem:s22], [sflag:$0x9] =	stream.linear.gather [hbm4b:s24+s3], $0x50, $0x38;
	[tilespmem:$0x1E0C0] =	vst v63  }
0x50: {  	_ =	swait.ge [sflag:s7], $0x50  }
0x51: {  	p1 =	por $0x1, $0x1;
	[sflag:s7] =	ssyncset.done $0x0  }
0x52: {  	s6 =	simm.s32 @!p1 $0x1;
	[sflag:s7] =	ssyncadd.s32 $0xFFFFFFB0  }
0x53: {  	_ =	swait.ge @!p1 [sflag:s6], $0x50  }
0x54: {  	[sflag:s6] =	ssyncset.done @!p1 $0x0  }
0x55: {  	[sflag:s6] =	ssyncadd.s32 @!p1 $0xFFFFFFB0  }
0x56: {  	_ =	swait.ge @!p1 [sflag:s6], $0x50  }
0x57: {  	s2 =	simm.s32 $0x200;
	s25 =	rddreg [dreg:$0xa];
	[sflag:s6] =	ssyncset.done @!p1 $0x0  }
0x58: {  	[sflag:s6] =	ssyncadd.s32 @!p1 $0xFFFFFFB0;
	s6 =	sadd.s32 $0x0, s19;
	s11 =	sadd.s32 $0x0, s25  }
0x59: {  	[tilespmem:s2], [sflag:$0x1] =	stream.linear.gather [hbm4b:s11+s3], $0x50, $0x38;
	[tilespmem:$0x1E0C0] =	vst v63  }
0x5a: {  	s10 =	simm.s32 $0x600;
	s26 =	sadd.s32 $0x28, s6  }
0x5b: {  	[tilespmem:s10], [sflag:$0x1] =	stream.linear.gather [hbm4b:s26+s3], $0x50, $0x38;
	[tilespmem:$0x1E0C0] =	vst v63  }
0x5c: {  	s11 =	simm.s32 @!p1 $0x6  }
0x5d: {  	[tilespmem:s0], [sflag:$0x5] =	stream.indirect.gather [hbm4b:s4+s31], $0x80, s3, s31, $0xb8;
	[tilespmem:$0x1E0C0] =	vst v63  }
0x5e: {  	_ =	swait.ge @!p1 [sflag:s11], $0x2800  }
0x5f: {  	s24 =	simm.s32 @!p1 $0x3000;
	s25 =	simm.s32 @!p1 $0xA;
	[sflag:s11] =	ssyncset.done @!p1 $0x0  }
0x60: {  	s26 =	simm.s32 @!p1 $0x50;
	[sflag:s11] =	ssyncadd.s32 @!p1 $0xFFFFD800;
	s11 =	simm.s32 @!p1 $0x680  }
0x61: {  	[spmem:s1] =	stream.indirect.scatter.add.f32 @!p1 [tilespmem:s24], [sflag:$0xA], $0x80, s11, s26, $0xb8;
	[tilespmem:$0x1E0C0] =	vst v63  }
0x62: {  	_ =	swait.ge @!p1 [sflag:s25], $0x2800  }
0x63: {  	[sflag:s25] =	ssyncset.done @!p1 $0x0  }
0x64: {  	s11 =	simm.s32 @!p1 $0x2;
	[sflag:s25] =	ssyncadd.s32 @!p1 $0xFFFFD800  }
0x65: {  	_ =	swait.ge @!p1 [sflag:s11], $0x50  }
0x66: {  	[sflag:s11] =	ssyncset.done @!p1 $0x0  }
0x67: {  	[sflag:s11] =	ssyncadd.s32 @!p1 $0xFFFFFFB0  }
0x68: {  	_ =	swait.ge @!p1 [sflag:s11], $0x50  }
0x69: {  	s5 =	rddreg [dreg:$0x9];
	[sflag:s11] =	ssyncset.done @!p1 $0x0  }
0x6a: {  	s13 =	simm.s32 $0x280;
	[sflag:s11] =	ssyncadd.s32 @!p1 $0xFFFFFFB0;
	s8 =	sadd.s32 $0x0, s5  }
0x6b: {  	[tilespmem:s13], [sflag:$0x2] =	stream.linear.gather [hbm4b:s8+s3], $0x50, $0x38;
	[tilespmem:$0x1E0C0] =	vst v63  }
0x6c: {  	s20 =	simm.s32 $0x680;
	s12 =	sadd.s32 $0x32, s6  }
0x6d: {  	[tilespmem:s20], [sflag:$0x2] =	stream.linear.gather [hbm4b:s12+s3], $0x50, $0x38;
	[tilespmem:$0x1E0C0] =	vst v63  }
0x6e: {  	s11 =	simm.s32 @!p1 $0x7;
	s12 =	simm.s32 $0x3000  }
0x6f: {  	[tilespmem:s12], [sflag:$0x6] =	stream.indirect.gather [hbm4b:s4+s31], $0x80, s28, s31, $0xb8;
	[tilespmem:$0x1E0C0] =	vst v63  }
0x70: {  	_ =	swait.ge @!p1 [sflag:s11], $0x2800  }
0x71: {  	[sflag:s11] =	ssyncset.done @!p1 $0x0  }
0x72: {  	s24 =	simm.s32 @!p1 $0x700;
	[sflag:s11] =	ssyncadd.s32 @!p1 $0xFFFFD800;
	s11 =	simm.s32 @!p1 $0x5800  }
0x73: {  	[spmem:s1] =	stream.indirect.scatter.add.f32 @!p1 [tilespmem:s11], [sflag:$0xA], $0x80, s24, s26, $0xb8;
	[tilespmem:$0x1E0C0] =	vst v63  }
0x74: {  	_ =	swait.ge @!p1 [sflag:s25], $0x2800  }
0x75: {  	[sflag:s25] =	ssyncset.done @!p1 $0x0  }
0x76: {  	s11 =	simm.s32 @!p1 $0x3;
	[sflag:s25] =	ssyncadd.s32 @!p1 $0xFFFFD800  }
0x77: {  	_ =	swait.ge @!p1 [sflag:s11], $0x50  }
0x78: {  	[sflag:s11] =	ssyncset.done @!p1 $0x0  }
0x79: {  	[sflag:s11] =	ssyncadd.s32 @!p1 $0xFFFFFFB0  }
0x7a: {  	_ =	swait.ge @!p1 [sflag:s11], $0x50  }
0x7b: {  	s15 =	rddreg [dreg:$0x8];
	[sflag:s11] =	ssyncset.done @!p1 $0x0  }
0x7c: {  	[sflag:s11] =	ssyncadd.s32 @!p1 $0xFFFFFFB0;
	s20 =	sadd.s32 $0x0, s15;
	s15 =	simm.s32 $0x300  }
0x7d: {  	[tilespmem:s15], [sflag:$0x3] =	stream.linear.gather [hbm4b:s20+s3], $0x50, $0x38;
	[tilespmem:$0x1E0C0] =	vst v63  }
0x7e: {  	s28 =	simm.s32 $0x700;
	s24 =	sadd.s32 $0x3C, s6  }
0x7f: {  	[tilespmem:s28], [sflag:$0x3] =	stream.linear.gather [hbm4b:s24+s3], $0x50, $0x38;
	[tilespmem:$0x1E0C0] =	vst v63  }
0x80: {  	s8 =	simm.s32 $0x5800;
	s11 =	simm.s32 @!p1 $0x8  }
0x81: {  	[tilespmem:s8], [sflag:$0x7] =	stream.indirect.gather [hbm4b:s4+s31], $0x80, s30, s31, $0xb8;
	[tilespmem:$0x1E0C0] =	vst v63  }
0x82: {  	_ =	swait.ge @!p1 [sflag:s11], $0x2800  }
0x83: {  	[sflag:s11] =	ssyncset.done @!p1 $0x0  }
0x84: {  	s24 =	simm.s32 @!p1 $0x780;
	[sflag:s11] =	ssyncadd.s32 @!p1 $0xFFFFD800;
	s11 =	simm.s32 @!p1 $0x8000  }
0x85: {  	[spmem:s1] =	stream.indirect.scatter.add.f32 @!p1 [tilespmem:s11], [sflag:$0xA], $0x80, s24, s26, $0xb8;
	[tilespmem:$0x1E0C0] =	vst v63  }
0x86: {  	_ =	swait.ge @!p1 [sflag:s25], $0x2800  }
0x87: {  	[sflag:s25] =	ssyncset.done @!p1 $0x0  }
0x88: {  	s11 =	simm.s32 @!p1 $0x4;
	[sflag:s25] =	ssyncadd.s32 @!p1 $0xFFFFD800  }
0x89: {  	_ =	swait.ge @!p1 [sflag:s11], $0x50  }
0x8a: {  	[sflag:s11] =	ssyncset.done @!p1 $0x0  }
0x8b: {  	[sflag:s11] =	ssyncadd.s32 @!p1 $0xFFFFFFB0  }
0x8c: {  	_ =	swait.ge @!p1 [sflag:s11], $0x50  }
0x8d: {  	s5 =	rddreg [dreg:$0x7];
	[sflag:s11] =	ssyncset.done @!p1 $0x0  }
0x8e: {  	[sflag:s11] =	ssyncadd.s32 @!p1 $0xFFFFFFB0;
	s20 =	sadd.s32 $0x0, s5;
	s5 =	simm.s32 $0x380  }
0x8f: {  	[tilespmem:s5], [sflag:$0x4] =	stream.linear.gather [hbm4b:s20+s3], $0x50, $0x38;
	[tilespmem:$0x1E0C0] =	vst v63  }
0x90: {  	s6 =	sadd.s32 $0x46, s6;
	s24 =	simm.s32 $0x780  }
0x91: {  	[tilespmem:s24], [sflag:$0x4] =	stream.linear.gather [hbm4b:s6+s3], $0x50, $0x38;
	[tilespmem:$0x1E0C0] =	vst v63  }
0x92: {  	s20 =	simm.s32 $0x8000  }
0x93: {  	[tilespmem:s20], [sflag:$0x8] =	stream.indirect.gather [hbm4b:s4+s31], $0x80, s14, s31, $0xb8;
	[tilespmem:$0x1E0C0] =	vst v63  }
0x94: {  	_ =	swait.ge [sflag:s16], $0x2800  }
0x95: {  	[sflag:s16] =	ssyncset.done $0x0  }
0x96: {  	[sflag:s16] =	ssyncadd.s32 $0xFFFFD800  }
0x97: {  	[spmem:s1] =	stream.indirect.scatter.add.f32 [tilespmem:s0], [sflag:$0xA], $0x80, s29, s31, $0xb8;
	[tilespmem:$0x1E0C0] =	vst v63  }
0x98: {  	_ =	swait.ge [sflag:s17], $0x2800  }
0x99: {  	[sflag:s17] =	ssyncset.done $0x0  }
0x9a: {  	[sflag:s17] =	ssyncadd.s32 $0xFFFFD800  }
0x9b: {  	_ =	swait.ge [sflag:s18], $0x50  }
0x9c: {  	[sflag:s18] =	ssyncset.done $0x0  }
0x9d: {  	[sflag:s18] =	ssyncadd.s32 $0xFFFFFFB0  }
0x9e: {  	p1 =	por $0x0, $0x0;
	_ =	swait.ge [sflag:s18], $0x50  }
0x9f: {  	s11 =	sadd.s32 @!p1 $0x0, s19;
	s24 =	rddreg [dreg:$0x3];
	[sflag:s18] =	ssyncset.done $0x0  }
0xa0: {  	s6 =	simm.s32 @!p1 $0x0;
	[sflag:s18] =	ssyncadd.s32 $0xFFFFFFB0;
	s24 =	sadd.s32 @!p1 $0x0, s24  }
0xa1: {  	[tilespmem:s6], [sflag:$0x1] =	stream.linear.gather @!p1 [hbm4b:s24+s6], $0x50, $0x38;
	[tilespmem:$0x1E0C0] =	vst v63  }
0xa2: {  	s25 =	simm.s32 @!p1 $0x400;
	s24 =	sadd.s32 @!p1 $0x50, s11  }
0xa3: {  	[tilespmem:s25], [sflag:$0x1] =	stream.linear.gather @!p1 [hbm4b:s24+s6], $0x50, $0x38;
	[tilespmem:$0x1E0C0] =	vst v63  }
0xa4: {  	s25 =	simm.s32 $0x6  }
0xa5: {  	[tilespmem:s0], [sflag:$0x5] =	stream.indirect.gather [hbm4b:s4+s31], $0x80, s2, s31, $0xb8;
	[tilespmem:$0x1E0C0] =	vst v63  }
0xa6: {  	_ =	swait.ge [sflag:s25], $0x2800  }
0xa7: {  	[sflag:s25] =	ssyncset.done $0x0  }
0xa8: {  	s26 =	simm.s32 $0x480;
	[sflag:s25] =	ssyncadd.s32 $0xFFFFD800  }
0xa9: {  	[spmem:s1] =	stream.indirect.scatter.add.f32 [tilespmem:s12], [sflag:$0xA], $0x80, s26, s31, $0xb8;
	[tilespmem:$0x1E0C0] =	vst v63  }
0xaa: {  	_ =	swait.ge [sflag:s17], $0x2800  }
0xab: {  	[sflag:s17] =	ssyncset.done $0x0  }
0xac: {  	[sflag:s17] =	ssyncadd.s32 $0xFFFFD800  }
0xad: {  	_ =	swait.ge [sflag:s9], $0x50  }
0xae: {  	[sflag:s9] =	ssyncset.done $0x0  }
0xaf: {  	[sflag:s9] =	ssyncadd.s32 $0xFFFFFFB0  }
0xb0: {  	_ =	swait.ge [sflag:s9], $0x50  }
0xb1: {  	s24 =	rddreg [dreg:$0x4];
	[sflag:s9] =	ssyncset.done $0x0  }
0xb2: {  	s25 =	simm.s32 @!p1 $0x80;
	[sflag:s9] =	ssyncadd.s32 $0xFFFFFFB0;
	s24 =	sadd.s32 @!p1 $0x0, s24  }
0xb3: {  	[tilespmem:s25], [sflag:$0x2] =	stream.linear.gather @!p1 [hbm4b:s24+s6], $0x50, $0x38;
	[tilespmem:$0x1E0C0] =	vst v63  }
0xb4: {  	s24 =	sadd.s32 @!p1 $0x5A, s11;
	s25 =	simm.s32 @!p1 $0x480  }
0xb5: {  	[tilespmem:s25], [sflag:$0x2] =	stream.linear.gather @!p1 [hbm4b:s24+s6], $0x50, $0x38;
	[tilespmem:$0x1E0C0] =	vst v63  }
0xb6: {  	s28 =	simm.s32 $0x7  }
0xb7: {  	[tilespmem:s12], [sflag:$0x6] =	stream.indirect.gather [hbm4b:s4+s31], $0x80, s13, s31, $0xb8;
	[tilespmem:$0x1E0C0] =	vst v63  }
0xb8: {  	_ =	swait.ge [sflag:s28], $0x2800  }
0xb9: {  	[sflag:s28] =	ssyncset.done $0x0  }
0xba: {  	s29 =	simm.s32 $0x500;
	[sflag:s28] =	ssyncadd.s32 $0xFFFFD800  }
0xbb: {  	[spmem:s1] =	stream.indirect.scatter.add.f32 [tilespmem:s8], [sflag:$0xA], $0x80, s29, s31, $0xb8;
	[tilespmem:$0x1E0C0] =	vst v63  }
0xbc: {  	_ =	swait.ge [sflag:s17], $0x2800  }
0xbd: {  	[sflag:s17] =	ssyncset.done $0x0  }
0xbe: {  	[sflag:s17] =	ssyncadd.s32 $0xFFFFD800  }
0xbf: {  	_ =	swait.ge [sflag:s21], $0x50  }
0xc0: {  	[sflag:s21] =	ssyncset.done $0x0  }
0xc1: {  	[sflag:s21] =	ssyncadd.s32 $0xFFFFFFB0  }
0xc2: {  	_ =	swait.ge [sflag:s21], $0x50  }
0xc3: {  	s24 =	rddreg [dreg:$0x5];
	[sflag:s21] =	ssyncset.done $0x0  }
0xc4: {  	s25 =	simm.s32 @!p1 $0x100;
	[sflag:s21] =	ssyncadd.s32 $0xFFFFFFB0;
	s24 =	sadd.s32 @!p1 $0x0, s24  }
0xc5: {  	[tilespmem:s25], [sflag:$0x3] =	stream.linear.gather @!p1 [hbm4b:s24+s6], $0x50, $0x38;
	[tilespmem:$0x1E0C0] =	vst v63  }
0xc6: {  	s24 =	sadd.s32 @!p1 $0x64, s11;
	s25 =	simm.s32 @!p1 $0x500  }
0xc7: {  	[tilespmem:s25], [sflag:$0x3] =	stream.linear.gather @!p1 [hbm4b:s24+s6], $0x50, $0x38;
	[tilespmem:$0x1E0C0] =	vst v63  }
0xc8: {  	s30 =	simm.s32 $0x8  }
0xc9: {  	[tilespmem:s8], [sflag:$0x7] =	stream.indirect.gather [hbm4b:s4+s31], $0x80, s15, s31, $0xb8;
	[tilespmem:$0x1E0C0] =	vst v63  }
0xca: {  	_ =	swait.ge [sflag:s30], $0x2800  }
0xcb: {  	[sflag:s30] =	ssyncset.done $0x0  }
0xcc: {  	[sflag:s30] =	ssyncadd.s32 $0xFFFFD800  }
0xcd: {  	[spmem:s1] =	stream.indirect.scatter.add.f32 [tilespmem:s20], [sflag:$0xA], $0x80, s22, s31, $0xb8;
	[tilespmem:$0x1E0C0] =	vst v63  }
0xce: {  	_ =	swait.ge [sflag:s17], $0x2800  }
0xcf: {  	[sflag:s17] =	ssyncset.done $0x0  }
0xd0: {  	[sflag:s17] =	ssyncadd.s32 $0xFFFFD800  }
0xd1: {  	_ =	swait.ge [sflag:s23], $0x50  }
0xd2: {  	[sflag:s23] =	ssyncset.done $0x0  }
0xd3: {  	[sflag:s23] =	ssyncadd.s32 $0xFFFFFFB0  }
0xd4: {  	_ =	swait.ge [sflag:s23], $0x50  }
0xd5: {  	s24 =	rddreg [dreg:$0x6];
	[sflag:s23] =	ssyncset.done $0x0  }
0xd6: {  	s25 =	simm.s32 @!p1 $0x180;
	[sflag:s23] =	ssyncadd.s32 $0xFFFFFFB0;
	s24 =	sadd.s32 @!p1 $0x0, s24  }
0xd7: {  	[tilespmem:s25], [sflag:$0x4] =	stream.linear.gather @!p1 [hbm4b:s24+s6], $0x50, $0x38;
	[tilespmem:$0x1E0C0] =	vst v63  }
0xd8: {  	s11 =	sadd.s32 @!p1 $0x6E, s11;
	s24 =	simm.s32 @!p1 $0x580  }
0xd9: {  	[tilespmem:s24], [sflag:$0x4] =	stream.linear.gather @!p1 [hbm4b:s11+s6], $0x50, $0x38;
	[tilespmem:$0x1E0C0] =	vst v63  }
0xda: {  	_ = 	snop  }
0xdb: {  	[tilespmem:s20], [sflag:$0x8] =	stream.indirect.gather [hbm4b:s4+s31], $0x80, s5, s31, $0xb8;
	[tilespmem:$0x1E0C0] =	vst v63  }
0xdc: {  	_ =	swait.ge [sflag:s16], $0x2800  }
0xdd: {  	[sflag:s16] =	ssyncset.done $0x0  }
0xde: {  	p2 =	por $0x0, $0x0;
	[sflag:s16] =	ssyncadd.s32 $0xFFFFD800  }
0xdf: {  	[spmem:s1] =	stream.indirect.scatter.add.f32 [tilespmem:s0], [sflag:$0x9], $0x80, s10, s31, $0xb8;
	[tilespmem:$0x1E0C0] =	vst v63  }
0xe0: {  	s25 =	simm.s32 $0xA0;
	s24 =	simm.s32 $0x50;
	_ =	swait.ge [sflag:s7], $0x2800  }
.LBB2_2:
0xe1: {  	s7 =	simm.s32 $0x9  }
0xe2: {  	[sflag:s7] =	ssyncset.done $0x0  }
0xe3: {  	s6 =	simm.s32 @!p2 $0x1;
	[sflag:s7] =	ssyncadd.s32 $0xFFFFD800  }
0xe4: {  	_ =	swait.ge @!p2 [sflag:s6], $0x50  }
0xe5: {  	[sflag:s6] =	ssyncset.done @!p2 $0x0  }
0xe6: {  	[sflag:s6] =	ssyncadd.s32 @!p2 $0xFFFFFFB0  }
0xe7: {  	_ =	swait.ge @!p2 [sflag:s6], $0x50  }
0xe8: {  	s28 =	sadd.s32 s24, s19;
	s11 =	rddreg [dreg:$0xa];
	[sflag:s6] =	ssyncset.done @!p2 $0x0  }
0xe9: {  	s10 =	simm.s32 $0x200;
	[sflag:s6] =	ssyncadd.s32 @!p2 $0xFFFFFFB0;
	s14 =	sadd.s32 s24, s11  }
0xea: {  	[tilespmem:s10], [sflag:$0x1] =	stream.linear.gather [hbm4b:s14+s3], $0x50, $0x38;
	[tilespmem:$0x1E0C0] =	vst v63  }
0xeb: {  	s13 =	simm.s32 $0x600;
	s15 =	sadd.s32 $0x28, s28  }
0xec: {  	[tilespmem:s13], [sflag:$0x1] =	stream.linear.gather [hbm4b:s15+s3], $0x50, $0x38;
	[tilespmem:$0x1E0C0] =	vst v63  }
0xed: {  	s14 =	simm.s32 @!p2 $0x6  }
0xee: {  	[tilespmem:s0], [sflag:$0x5] =	stream.indirect.gather [hbm4b:s4+s31], $0x80, s3, s31, $0xb8;
	[tilespmem:$0x1E0C0] =	vst v63  }
0xef: {  	_ =	swait.ge @!p2 [sflag:s14], $0x2800  }
0xf0: {  	s29 =	simm.s32 @!p2 $0x3000;
	s30 =	simm.s32 @!p2 $0x680;
	[sflag:s14] =	ssyncset.done @!p2 $0x0  }
0xf1: {  	s6 =	simm.s32 @!p2 $0xA;
	s11 =	simm.s32 @!p2 $0x50;
	[sflag:s14] =	ssyncadd.s32 @!p2 $0xFFFFD800  }
0xf2: {  	[spmem:s1] =	stream.indirect.scatter.add.f32 @!p2 [tilespmem:s29], [sflag:$0xA], $0x80, s30, s11, $0xb8;
	[tilespmem:$0x1E0C0] =	vst v63  }
0xf3: {  	_ =	swait.ge @!p2 [sflag:s6], $0x2800  }
0xf4: {  	[sflag:s6] =	ssyncset.done @!p2 $0x0  }
0xf5: {  	s14 =	simm.s32 @!p2 $0x2;
	[sflag:s6] =	ssyncadd.s32 @!p2 $0xFFFFD800  }
0xf6: {  	_ =	swait.ge @!p2 [sflag:s14], $0x50  }
0xf7: {  	[sflag:s14] =	ssyncset.done @!p2 $0x0  }
0xf8: {  	[sflag:s14] =	ssyncadd.s32 @!p2 $0xFFFFFFB0  }
0xf9: {  	_ =	swait.ge @!p2 [sflag:s14], $0x50  }
0xfa: {  	s20 =	rddreg [dreg:$0x9];
	[sflag:s14] =	ssyncset.done @!p2 $0x0  }
0xfb: {  	[sflag:s14] =	ssyncadd.s32 @!p2 $0xFFFFFFB0;
	s22 =	sadd.s32 s24, s20;
	s20 =	simm.s32 $0x280  }
0xfc: {  	[tilespmem:s20], [sflag:$0x2] =	stream.linear.gather [hbm4b:s22+s3], $0x50, $0x38;
	[tilespmem:$0x1E0C0] =	vst v63  }
0xfd: {  	s2 =	simm.s32 $0x680;
	s29 =	sadd.s32 $0x32, s28  }
0xfe: {  	[tilespmem:s2], [sflag:$0x2] =	stream.linear.gather [hbm4b:s29+s3], $0x50, $0x38;
	[tilespmem:$0x1E0C0] =	vst v63  }
0xff: {  	s12 =	simm.s32 $0x3000;
	s30 =	simm.s32 $0x80;
	s14 =	simm.s32 @!p2 $0x7  }
0x100: {  	[tilespmem:s12], [sflag:$0x6] =	stream.indirect.gather [hbm4b:s4+s31], $0x80, s30, s31, $0xb8;
	[tilespmem:$0x1E0C0] =	vst v63  }
0x101: {  	_ =	swait.ge @!p2 [sflag:s14], $0x2800  }
0x102: {  	[sflag:s14] =	ssyncset.done @!p2 $0x0  }
0x103: {  	s29 =	simm.s32 @!p2 $0x700;
	s30 =	simm.s32 @!p2 $0x5800;
	[sflag:s14] =	ssyncadd.s32 @!p2 $0xFFFFD800  }
0x104: {  	[spmem:s1] =	stream.indirect.scatter.add.f32 @!p2 [tilespmem:s30], [sflag:$0xA], $0x80, s29, s11, $0xb8;
	[tilespmem:$0x1E0C0] =	vst v63  }
0x105: {  	_ =	swait.ge @!p2 [sflag:s6], $0x2800  }
0x106: {  	[sflag:s6] =	ssyncset.done @!p2 $0x0  }
0x107: {  	s14 =	simm.s32 @!p2 $0x3;
	[sflag:s6] =	ssyncadd.s32 @!p2 $0xFFFFD800  }
0x108: {  	_ =	swait.ge @!p2 [sflag:s14], $0x50  }
0x109: {  	[sflag:s14] =	ssyncset.done @!p2 $0x0  }
0x10a: {  	[sflag:s14] =	ssyncadd.s32 @!p2 $0xFFFFFFB0  }
0x10b: {  	_ =	swait.ge @!p2 [sflag:s14], $0x50  }
0x10c: {  	s5 =	rddreg [dreg:$0x8];
	[sflag:s14] =	ssyncset.done @!p2 $0x0  }
0x10d: {  	s15 =	simm.s32 $0x300;
	[sflag:s14] =	ssyncadd.s32 @!p2 $0xFFFFFFB0;
	s8 =	sadd.s32 s24, s5  }
0x10e: {  	[tilespmem:s15], [sflag:$0x3] =	stream.linear.gather [hbm4b:s8+s3], $0x50, $0x38;
	[tilespmem:$0x1E0C0] =	vst v63  }
0x10f: {  	s22 =	sadd.s32 $0x3C, s28;
	s29 =	simm.s32 $0x700  }
0x110: {  	[tilespmem:s29], [sflag:$0x3] =	stream.linear.gather [hbm4b:s22+s3], $0x50, $0x38;
	[tilespmem:$0x1E0C0] =	vst v63  }
0x111: {  	s30 =	simm.s32 $0x100;
	s14 =	simm.s32 @!p2 $0x8;
	s8 =	simm.s32 $0x5800  }
0x112: {  	[tilespmem:s8], [sflag:$0x7] =	stream.indirect.gather [hbm4b:s4+s31], $0x80, s30, s31, $0xb8;
	[tilespmem:$0x1E0C0] =	vst v63  }
0x113: {  	_ =	swait.ge @!p2 [sflag:s14], $0x2800  }
0x114: {  	[sflag:s14] =	ssyncset.done @!p2 $0x0  }
0x115: {  	s29 =	simm.s32 @!p2 $0x780;
	s30 =	simm.s32 @!p2 $0x8000;
	[sflag:s14] =	ssyncadd.s32 @!p2 $0xFFFFD800  }
0x116: {  	[spmem:s1] =	stream.indirect.scatter.add.f32 @!p2 [tilespmem:s30], [sflag:$0xA], $0x80, s29, s11, $0xb8;
	[tilespmem:$0x1E0C0] =	vst v63  }
0x117: {  	_ =	swait.ge @!p2 [sflag:s6], $0x2800  }
0x118: {  	[sflag:s6] =	ssyncset.done @!p2 $0x0  }
0x119: {  	s11 =	simm.s32 @!p2 $0x4;
	[sflag:s6] =	ssyncadd.s32 @!p2 $0xFFFFD800  }
0x11a: {  	_ =	swait.ge @!p2 [sflag:s11], $0x50  }
0x11b: {  	[sflag:s11] =	ssyncset.done @!p2 $0x0  }
0x11c: {  	[sflag:s11] =	ssyncadd.s32 @!p2 $0xFFFFFFB0  }
0x11d: {  	_ =	swait.ge @!p2 [sflag:s11], $0x50  }
0x11e: {  	s5 =	rddreg [dreg:$0x7];
	[sflag:s11] =	ssyncset.done @!p2 $0x0  }
0x11f: {  	[sflag:s11] =	ssyncadd.s32 @!p2 $0xFFFFFFB0;
	s6 =	sadd.s32 s24, s5;
	s5 =	simm.s32 $0x380  }
0x120: {  	[tilespmem:s5], [sflag:$0x4] =	stream.linear.gather [hbm4b:s6+s3], $0x50, $0x38;
	[tilespmem:$0x1E0C0] =	vst v63  }
0x121: {  	s22 =	simm.s32 $0x780;
	s14 =	sadd.s32 $0x46, s28  }
0x122: {  	[tilespmem:s22], [sflag:$0x4] =	stream.linear.gather [hbm4b:s14+s3], $0x50, $0x38;
	[tilespmem:$0x1E0C0] =	vst v63  }
0x123: {  	s28 =	simm.s32 $0x180;
	s22 =	simm.s32 $0x8000  }
0x124: {  	[tilespmem:s22], [sflag:$0x8] =	stream.indirect.gather [hbm4b:s4+s31], $0x80, s28, s31, $0xb8;
	[tilespmem:$0x1E0C0] =	vst v63  }
0x125: {  	_ =	swait.ge [sflag:s16], $0x2800  }
0x126: {  	[sflag:s16] =	ssyncset.done $0x0  }
0x127: {  	s29 =	simm.s32 $0x400;
	[sflag:s16] =	ssyncadd.s32 $0xFFFFD800  }
0x128: {  	[spmem:s1] =	stream.indirect.scatter.add.f32 [tilespmem:s0], [sflag:$0xA], $0x80, s29, s31, $0xb8;
	[tilespmem:$0x1E0C0] =	vst v63  }
0x129: {  	_ =	swait.ge [sflag:s17], $0x2800  }
0x12a: {  	[sflag:s17] =	ssyncset.done $0x0  }
0x12b: {  	[sflag:s17] =	ssyncadd.s32 $0xFFFFD800  }
0x12c: {  	_ =	swait.ge [sflag:s18], $0x50  }
0x12d: {  	[sflag:s18] =	ssyncset.done $0x0  }
0x12e: {  	[sflag:s18] =	ssyncadd.s32 $0xFFFFFFB0  }
0x12f: {  	p2 =	seq.s32 s24, $0x9B0;
	_ =	swait.ge [sflag:s18], $0x50  }
0x130: {  	s14 =	sadd.s32 @!p2 s24, s19;
	s6 =	rddreg [dreg:$0x3];
	[sflag:s18] =	ssyncset.done $0x0  }
0x131: {  	s28 =	simm.s32 @!p2 $0x0;
	[sflag:s18] =	ssyncadd.s32 $0xFFFFFFB0;
	s6 =	sadd.s32 @!p2 s24, s6  }
0x132: {  	[tilespmem:s28], [sflag:$0x1] =	stream.linear.gather @!p2 [hbm4b:s6+s28], $0x50, $0x38;
	[tilespmem:$0x1E0C0] =	vst v63  }
0x133: {  	s30 =	simm.s32 @!p2 $0x400;
	s29 =	sadd.s32 @!p2 $0x50, s14  }
0x134: {  	[tilespmem:s30], [sflag:$0x1] =	stream.linear.gather @!p2 [hbm4b:s29+s28], $0x50, $0x38;
	[tilespmem:$0x1E0C0] =	vst v63  }
0x135: {  	s30 =	simm.s32 $0x6  }
0x136: {  	[tilespmem:s0], [sflag:$0x5] =	stream.indirect.gather [hbm4b:s4+s31], $0x80, s10, s31, $0xb8;
	[tilespmem:$0x1E0C0] =	vst v63  }
0x137: {  	_ =	swait.ge [sflag:s30], $0x2800  }
0x138: {  	[sflag:s30] =	ssyncset.done $0x0  }
0x139: {  	s10 =	simm.s32 $0x480;
	[sflag:s30] =	ssyncadd.s32 $0xFFFFD800  }
0x13a: {  	[spmem:s1] =	stream.indirect.scatter.add.f32 [tilespmem:s12], [sflag:$0xA], $0x80, s10, s31, $0xb8;
	[tilespmem:$0x1E0C0] =	vst v63  }
0x13b: {  	_ =	swait.ge [sflag:s17], $0x2800  }
0x13c: {  	[sflag:s17] =	ssyncset.done $0x0  }
0x13d: {  	[sflag:s17] =	ssyncadd.s32 $0xFFFFD800  }
0x13e: {  	_ =	swait.ge [sflag:s9], $0x50  }
0x13f: {  	[sflag:s9] =	ssyncset.done $0x0  }
0x140: {  	[sflag:s9] =	ssyncadd.s32 $0xFFFFFFB0  }
0x141: {  	s2 =	sadd.s32 @!p2 $0x5A, s14;
	s11 =	sadd.s32 @!p2 $0x64, s14;
	_ =	swait.ge [sflag:s9], $0x50  }
0x142: {  	s6 =	sadd.s32 @!p2 $0x6E, s14;
	s14 =	rddreg [dreg:$0x4];
	[sflag:s9] =	ssyncset.done $0x0  }
0x143: {  	s29 =	simm.s32 @!p2 $0x80;
	[sflag:s9] =	ssyncadd.s32 $0xFFFFFFB0;
	s14 =	sadd.s32 @!p2 s24, s14  }
0x144: {  	[tilespmem:s29], [sflag:$0x2] =	stream.linear.gather @!p2 [hbm4b:s14+s28], $0x50, $0x38;
	[tilespmem:$0x1E0C0] =	vst v63  }
0x145: {  	s30 =	simm.s32 @!p2 $0x480  }
0x146: {  	[tilespmem:s30], [sflag:$0x2] =	stream.linear.gather @!p2 [hbm4b:s2+s28], $0x50, $0x38;
	[tilespmem:$0x1E0C0] =	vst v63  }
0x147: {  	s14 =	simm.s32 $0x7  }
0x148: {  	[tilespmem:s12], [sflag:$0x6] =	stream.indirect.gather [hbm4b:s4+s31], $0x80, s20, s31, $0xb8;
	[tilespmem:$0x1E0C0] =	vst v63  }
0x149: {  	_ =	swait.ge [sflag:s14], $0x2800  }
0x14a: {  	[sflag:s14] =	ssyncset.done $0x0  }
0x14b: {  	s20 =	simm.s32 $0x500;
	[sflag:s14] =	ssyncadd.s32 $0xFFFFD800  }
0x14c: {  	[spmem:s1] =	stream.indirect.scatter.add.f32 [tilespmem:s8], [sflag:$0xA], $0x80, s20, s31, $0xb8;
	[tilespmem:$0x1E0C0] =	vst v63  }
0x14d: {  	_ =	swait.ge [sflag:s17], $0x2800  }
0x14e: {  	[sflag:s17] =	ssyncset.done $0x0  }
0x14f: {  	[sflag:s17] =	ssyncadd.s32 $0xFFFFD800  }
0x150: {  	_ =	swait.ge [sflag:s21], $0x50  }
0x151: {  	[sflag:s21] =	ssyncset.done $0x0  }
0x152: {  	[sflag:s21] =	ssyncadd.s32 $0xFFFFFFB0  }
0x153: {  	_ =	swait.ge [sflag:s21], $0x50  }
0x154: {  	s2 =	rddreg [dreg:$0x5];
	[sflag:s21] =	ssyncset.done $0x0  }
0x155: {  	s14 =	simm.s32 @!p2 $0x100;
	[sflag:s21] =	ssyncadd.s32 $0xFFFFFFB0;
	s2 =	sadd.s32 @!p2 s24, s2  }
0x156: {  	[tilespmem:s14], [sflag:$0x3] =	stream.linear.gather @!p2 [hbm4b:s2+s28], $0x50, $0x38;
	[tilespmem:$0x1E0C0] =	vst v63  }
0x157: {  	s29 =	simm.s32 @!p2 $0x500  }
0x158: {  	[tilespmem:s29], [sflag:$0x3] =	stream.linear.gather @!p2 [hbm4b:s11+s28], $0x50, $0x38;
	[tilespmem:$0x1E0C0] =	vst v63  }
0x159: {  	s29 =	simm.s32 $0x8  }
0x15a: {  	[tilespmem:s8], [sflag:$0x7] =	stream.indirect.gather [hbm4b:s4+s31], $0x80, s15, s31, $0xb8;
	[tilespmem:$0x1E0C0] =	vst v63  }
0x15b: {  	_ =	swait.ge [sflag:s29], $0x2800  }
0x15c: {  	[sflag:s29] =	ssyncset.done $0x0  }
0x15d: {  	s30 =	simm.s32 $0x580;
	[sflag:s29] =	ssyncadd.s32 $0xFFFFD800  }
0x15e: {  	[spmem:s1] =	stream.indirect.scatter.add.f32 [tilespmem:s22], [sflag:$0xA], $0x80, s30, s31, $0xb8;
	[tilespmem:$0x1E0C0] =	vst v63  }
0x15f: {  	_ =	swait.ge [sflag:s17], $0x2800  }
0x160: {  	[sflag:s17] =	ssyncset.done $0x0  }
0x161: {  	[sflag:s17] =	ssyncadd.s32 $0xFFFFD800  }
0x162: {  	_ =	swait.ge [sflag:s23], $0x50  }
0x163: {  	[sflag:s23] =	ssyncset.done $0x0  }
0x164: {  	[sflag:s23] =	ssyncadd.s32 $0xFFFFFFB0  }
0x165: {  	_ =	swait.ge [sflag:s23], $0x50  }
0x166: {  	s2 =	rddreg [dreg:$0x6];
	[sflag:s23] =	ssyncset.done $0x0  }
0x167: {  	s11 =	simm.s32 @!p2 $0x180;
	[sflag:s23] =	ssyncadd.s32 $0xFFFFFFB0;
	s2 =	sadd.s32 @!p2 s24, s2  }
0x168: {  	[tilespmem:s11], [sflag:$0x4] =	stream.linear.gather @!p2 [hbm4b:s2+s28], $0x50, $0x38;
	[tilespmem:$0x1E0C0] =	vst v63  }
0x169: {  	s26 =	smov.u32 s25;
	s25 =	sadd.s32 $0x50, s25;
	s14 =	simm.s32 @!p2 $0x580  }
0x16a: {  	[tilespmem:s14], [sflag:$0x4] =	stream.linear.gather @!p2 [hbm4b:s6+s28], $0x50, $0x38;
	[tilespmem:$0x1E0C0] =	vst v63  }
0x16b: {  	p1 =	sne.s32 s25, $0xA00  }
0x16c: {  	[tilespmem:s22], [sflag:$0x8] =	stream.indirect.gather [hbm4b:s4+s31], $0x80, s5, s31, $0xb8;
	[tilespmem:$0x1E0C0] =	vst v63  }
.Ltmp0:
0x16d: {  	_ =	swait.ge [sflag:s16], $0x2800;
	(pc) =	sbr.rel @p1 .LBB2_2-.Ltmp0, $4  }
0x16e: {  	[sflag:s16] =	ssyncset.done $0x0  }
0x16f: {  	s24 =	smov.u32 s26;
	[sflag:s16] =	ssyncadd.s32 $0xFFFFD800  }
0x170: {  	[spmem:s1] =	stream.indirect.scatter.add.f32 [tilespmem:s0], [sflag:$0x9], $0x80, s13, s31, $0xb8;
	[tilespmem:$0x1E0C0] =	vst v63  }
0x171: {  	p2 =	seq.s32 s24, $0x0;
	_ =	swait.ge [sflag:s7], $0x2800  }
0x172: {  	s7 =	simm.s32 $0x9  }
0x173: {  	[sflag:s7] =	ssyncset.done $0x0  }
0x174: {  	s2 =	simm.s32 @!p2 $0x1;
	[sflag:s7] =	ssyncadd.s32 $0xFFFFD800  }
0x175: {  	_ =	swait.ge @!p2 [sflag:s2], $0x50  }
0x176: {  	[sflag:s2] =	ssyncset.done @!p2 $0x0  }
0x177: {  	[sflag:s2] =	ssyncadd.s32 @!p2 $0xFFFFFFB0  }
0x178: {  	_ =	swait.ge @!p2 [sflag:s2], $0x50  }
0x179: {  	s6 =	sadd.s32 s24, s19;
	s11 =	rddreg [dreg:$0xa];
	[sflag:s2] =	ssyncset.done @!p2 $0x0  }
0x17a: {  	s10 =	simm.s32 $0x200;
	[sflag:s2] =	ssyncadd.s32 @!p2 $0xFFFFFFB0;
	s22 =	sadd.s32 s24, s11  }
0x17b: {  	[tilespmem:s10], [sflag:$0x1] =	stream.linear.gather [hbm4b:s22+s3], $0x50, $0x38;
	[tilespmem:$0x1E0C0] =	vst v63  }
0x17c: {  	s13 =	simm.s32 $0x600;
	s25 =	sadd.s32 $0x28, s6  }
0x17d: {  	[tilespmem:s13], [sflag:$0x1] =	stream.linear.gather [hbm4b:s25+s3], $0x50, $0x38;
	[tilespmem:$0x1E0C0] =	vst v63  }
0x17e: {  	s2 =	simm.s32 @!p2 $0x6  }
0x17f: {  	[tilespmem:s0], [sflag:$0x5] =	stream.indirect.gather [hbm4b:s4+s31], $0x80, s3, s31, $0xb8;
	[tilespmem:$0x1E0C0] =	vst v63  }
0x180: {  	_ =	swait.ge @!p2 [sflag:s2], $0x2800  }
0x181: {  	s14 =	simm.s32 @!p2 $0xA;
	s11 =	simm.s32 @!p2 $0x3000;
	[sflag:s2] =	ssyncset.done @!p2 $0x0  }
0x182: {  	s25 =	simm.s32 @!p2 $0x50;
	[sflag:s2] =	ssyncadd.s32 @!p2 $0xFFFFD800;
	s2 =	simm.s32 @!p2 $0x680  }
0x183: {  	[spmem:s1] =	stream.indirect.scatter.add.f32 @!p2 [tilespmem:s11], [sflag:$0xA], $0x80, s2, s25, $0xb8;
	[tilespmem:$0x1E0C0] =	vst v63  }
0x184: {  	_ =	swait.ge @!p2 [sflag:s14], $0x2800  }
0x185: {  	[sflag:s14] =	ssyncset.done @!p2 $0x0  }
0x186: {  	s2 =	simm.s32 @!p2 $0x2;
	[sflag:s14] =	ssyncadd.s32 @!p2 $0xFFFFD800  }
0x187: {  	_ =	swait.ge @!p2 [sflag:s2], $0x50  }
0x188: {  	[sflag:s2] =	ssyncset.done @!p2 $0x0  }
0x189: {  	[sflag:s2] =	ssyncadd.s32 @!p2 $0xFFFFFFB0  }
0x18a: {  	_ =	swait.ge @!p2 [sflag:s2], $0x50  }
0x18b: {  	s26 =	rddreg [dreg:$0x9];
	[sflag:s2] =	ssyncset.done @!p2 $0x0  }
0x18c: {  	s20 =	simm.s32 $0x280;
	[sflag:s2] =	ssyncadd.s32 @!p2 $0xFFFFFFB0;
	s28 =	sadd.s32 s24, s26  }
0x18d: {  	[tilespmem:s20], [sflag:$0x2] =	stream.linear.gather [hbm4b:s28+s3], $0x50, $0x38;
	[tilespmem:$0x1E0C0] =	vst v63  }
0x18e: {  	s29 =	sadd.s32 $0x32, s6;
	s26 =	simm.s32 $0x680  }
0x18f: {  	[tilespmem:s26], [sflag:$0x2] =	stream.linear.gather [hbm4b:s29+s3], $0x50, $0x38;
	[tilespmem:$0x1E0C0] =	vst v63  }
0x190: {  	s30 =	simm.s32 $0x80;
	s12 =	simm.s32 $0x3000;
	s2 =	simm.s32 @!p2 $0x7  }
0x191: {  	[tilespmem:s12], [sflag:$0x6] =	stream.indirect.gather [hbm4b:s4+s31], $0x80, s30, s31, $0xb8;
	[tilespmem:$0x1E0C0] =	vst v63  }
0x192: {  	_ =	swait.ge @!p2 [sflag:s2], $0x2800  }
0x193: {  	[sflag:s2] =	ssyncset.done @!p2 $0x0  }
0x194: {  	s11 =	simm.s32 @!p2 $0x700;
	[sflag:s2] =	ssyncadd.s32 @!p2 $0xFFFFD800;
	s2 =	simm.s32 @!p2 $0x5800  }
0x195: {  	[spmem:s1] =	stream.indirect.scatter.add.f32 @!p2 [tilespmem:s2], [sflag:$0xA], $0x80, s11, s25, $0xb8;
	[tilespmem:$0x1E0C0] =	vst v63  }
0x196: {  	_ =	swait.ge @!p2 [sflag:s14], $0x2800  }
0x197: {  	[sflag:s14] =	ssyncset.done @!p2 $0x0  }
0x198: {  	s2 =	simm.s32 @!p2 $0x3;
	[sflag:s14] =	ssyncadd.s32 @!p2 $0xFFFFD800  }
0x199: {  	_ =	swait.ge @!p2 [sflag:s2], $0x50  }
0x19a: {  	[sflag:s2] =	ssyncset.done @!p2 $0x0  }
0x19b: {  	[sflag:s2] =	ssyncadd.s32 @!p2 $0xFFFFFFB0  }
0x19c: {  	_ =	swait.ge @!p2 [sflag:s2], $0x50  }
0x19d: {  	s5 =	rddreg [dreg:$0x8];
	[sflag:s2] =	ssyncset.done @!p2 $0x0  }
0x19e: {  	s15 =	simm.s32 $0x300;
	[sflag:s2] =	ssyncadd.s32 @!p2 $0xFFFFFFB0;
	s8 =	sadd.s32 s24, s5  }
0x19f: {  	[tilespmem:s15], [sflag:$0x3] =	stream.linear.gather [hbm4b:s8+s3], $0x50, $0x38;
	[tilespmem:$0x1E0C0] =	vst v63  }
0x1a0: {  	s28 =	simm.s32 $0x700;
	s11 =	sadd.s32 $0x3C, s6  }
0x1a1: {  	[tilespmem:s28], [sflag:$0x3] =	stream.linear.gather [hbm4b:s11+s3], $0x50, $0x38;
	[tilespmem:$0x1E0C0] =	vst v63  }
0x1a2: {  	s22 =	simm.s32 $0x100;
	s2 =	simm.s32 @!p2 $0x8;
	s8 =	simm.s32 $0x5800  }
0x1a3: {  	[tilespmem:s8], [sflag:$0x7] =	stream.indirect.gather [hbm4b:s4+s31], $0x80, s22, s31, $0xb8;
	[tilespmem:$0x1E0C0] =	vst v63  }
0x1a4: {  	_ =	swait.ge @!p2 [sflag:s2], $0x2800  }
0x1a5: {  	[sflag:s2] =	ssyncset.done @!p2 $0x0  }
0x1a6: {  	s11 =	simm.s32 @!p2 $0x780;
	[sflag:s2] =	ssyncadd.s32 @!p2 $0xFFFFD800;
	s2 =	simm.s32 @!p2 $0x8000  }
0x1a7: {  	[spmem:s1] =	stream.indirect.scatter.add.f32 @!p2 [tilespmem:s2], [sflag:$0xA], $0x80, s11, s25, $0xb8;
	[tilespmem:$0x1E0C0] =	vst v63  }
0x1a8: {  	_ =	swait.ge @!p2 [sflag:s14], $0x2800  }
0x1a9: {  	[sflag:s14] =	ssyncset.done @!p2 $0x0  }
0x1aa: {  	s2 =	simm.s32 @!p2 $0x4;
	[sflag:s14] =	ssyncadd.s32 @!p2 $0xFFFFD800  }
0x1ab: {  	_ =	swait.ge @!p2 [sflag:s2], $0x50  }
0x1ac: {  	[sflag:s2] =	ssyncset.done @!p2 $0x0  }
0x1ad: {  	[sflag:s2] =	ssyncadd.s32 @!p2 $0xFFFFFFB0  }
0x1ae: {  	_ =	swait.ge @!p2 [sflag:s2], $0x50  }
0x1af: {  	s25 =	rddreg [dreg:$0x7];
	[sflag:s2] =	ssyncset.done @!p2 $0x0  }
0x1b0: {  	s5 =	simm.s32 $0x380;
	[sflag:s2] =	ssyncadd.s32 @!p2 $0xFFFFFFB0;
	s29 =	sadd.s32 s24, s25  }
0x1b1: {  	[tilespmem:s5], [sflag:$0x4] =	stream.linear.gather [hbm4b:s29+s3], $0x50, $0x38;
	[tilespmem:$0x1E0C0] =	vst v63  }
0x1b2: {  	s30 =	sadd.s32 $0x46, s6;
	s25 =	simm.s32 $0x780  }
0x1b3: {  	[tilespmem:s25], [sflag:$0x4] =	stream.linear.gather [hbm4b:s30+s3], $0x50, $0x38;
	[tilespmem:$0x1E0C0] =	vst v63  }
0x1b4: {  	s6 =	simm.s32 $0x180;
	s22 =	simm.s32 $0x8000  }
0x1b5: {  	[tilespmem:s22], [sflag:$0x8] =	stream.indirect.gather [hbm4b:s4+s31], $0x80, s6, s31, $0xb8;
	[tilespmem:$0x1E0C0] =	vst v63  }
0x1b6: {  	_ =	swait.ge [sflag:s16], $0x2800  }
0x1b7: {  	[sflag:s16] =	ssyncset.done $0x0  }
0x1b8: {  	s11 =	simm.s32 $0x400;
	[sflag:s16] =	ssyncadd.s32 $0xFFFFD800  }
0x1b9: {  	[spmem:s1] =	stream.indirect.scatter.add.f32 [tilespmem:s0], [sflag:$0xA], $0x80, s11, s31, $0xb8;
	[tilespmem:$0x1E0C0] =	vst v63  }
0x1ba: {  	_ =	swait.ge [sflag:s17], $0x2800  }
0x1bb: {  	[sflag:s17] =	ssyncset.done $0x0  }
0x1bc: {  	[sflag:s17] =	ssyncadd.s32 $0xFFFFD800  }
0x1bd: {  	_ =	swait.ge [sflag:s18], $0x50  }
0x1be: {  	[sflag:s18] =	ssyncset.done $0x0  }
0x1bf: {  	[sflag:s18] =	ssyncadd.s32 $0xFFFFFFB0  }
0x1c0: {  	p1 =	seq.s32 s24, $0x9B0;
	_ =	swait.ge [sflag:s18], $0x50  }
0x1c1: {  	s6 =	simm.s32 @!p1 $0x0;
	s2 =	rddreg [dreg:$0x3];
	[sflag:s18] =	ssyncset.done $0x0  }
0x1c2: {  	s11 =	sadd.s32 @!p1 s24, s19;
	[sflag:s18] =	ssyncadd.s32 $0xFFFFFFB0;
	s2 =	sadd.s32 @!p1 s24, s2  }
0x1c3: {  	[tilespmem:s6], [sflag:$0x1] =	stream.linear.gather @!p1 [hbm4b:s2+s6], $0x50, $0x38;
	[tilespmem:$0x1E0C0] =	vst v63  }
0x1c4: {  	s14 =	simm.s32 @!p1 $0x400;
	s2 =	sadd.s32 @!p1 $0x50, s11  }
0x1c5: {  	[tilespmem:s14], [sflag:$0x1] =	stream.linear.gather @!p1 [hbm4b:s2+s6], $0x50, $0x38;
	[tilespmem:$0x1E0C0] =	vst v63  }
0x1c6: {  	_ = 	snop  }
0x1c7: {  	[tilespmem:s0], [sflag:$0x5] =	stream.indirect.gather [hbm4b:s4+s31], $0x80, s10, s31, $0xb8;
	[tilespmem:$0x1E0C0] =	vst v63  }
0x1c8: {  	s10 =	simm.s32 $0x6  }
0x1c9: {  	_ =	swait.ge [sflag:s10], $0x2800  }
0x1ca: {  	[sflag:s10] =	ssyncset.done $0x0  }
0x1cb: {  	s14 =	simm.s32 $0x480;
	[sflag:s10] =	ssyncadd.s32 $0xFFFFD800  }
0x1cc: {  	[spmem:s1] =	stream.indirect.scatter.add.f32 [tilespmem:s12], [sflag:$0xA], $0x80, s14, s31, $0xb8;
	[tilespmem:$0x1E0C0] =	vst v63  }
0x1cd: {  	_ =	swait.ge [sflag:s17], $0x2800  }
0x1ce: {  	[sflag:s17] =	ssyncset.done $0x0  }
0x1cf: {  	[sflag:s17] =	ssyncadd.s32 $0xFFFFD800  }
0x1d0: {  	_ =	swait.ge [sflag:s9], $0x50  }
0x1d1: {  	[sflag:s9] =	ssyncset.done $0x0  }
0x1d2: {  	[sflag:s9] =	ssyncadd.s32 $0xFFFFFFB0  }
0x1d3: {  	_ =	swait.ge [sflag:s9], $0x50  }
0x1d4: {  	s2 =	rddreg [dreg:$0x4];
	[sflag:s9] =	ssyncset.done $0x0  }
0x1d5: {  	s14 =	simm.s32 @!p1 $0x80;
	[sflag:s9] =	ssyncadd.s32 $0xFFFFFFB0;
	s2 =	sadd.s32 @!p1 s24, s2  }
0x1d6: {  	[tilespmem:s14], [sflag:$0x2] =	stream.linear.gather @!p1 [hbm4b:s2+s6], $0x50, $0x38;
	[tilespmem:$0x1E0C0] =	vst v63  }
0x1d7: {  	s2 =	sadd.s32 @!p1 $0x5A, s11;
	s14 =	simm.s32 @!p1 $0x480  }
0x1d8: {  	[tilespmem:s14], [sflag:$0x2] =	stream.linear.gather @!p1 [hbm4b:s2+s6], $0x50, $0x38;
	[tilespmem:$0x1E0C0] =	vst v63  }
0x1d9: {  	_ = 	snop  }
0x1da: {  	[tilespmem:s12], [sflag:$0x6] =	stream.indirect.gather [hbm4b:s4+s31], $0x80, s20, s31, $0xb8;
	[tilespmem:$0x1E0C0] =	vst v63  }
0x1db: {  	s20 =	simm.s32 $0x7  }
0x1dc: {  	_ =	swait.ge [sflag:s20], $0x2800  }
0x1dd: {  	[sflag:s20] =	ssyncset.done $0x0  }
0x1de: {  	s29 =	simm.s32 $0x500;
	[sflag:s20] =	ssyncadd.s32 $0xFFFFD800  }
0x1df: {  	[spmem:s1] =	stream.indirect.scatter.add.f32 [tilespmem:s8], [sflag:$0xA], $0x80, s29, s31, $0xb8;
	[tilespmem:$0x1E0C0] =	vst v63  }
0x1e0: {  	_ =	swait.ge [sflag:s17], $0x2800  }
0x1e1: {  	[sflag:s17] =	ssyncset.done $0x0  }
0x1e2: {  	[sflag:s17] =	ssyncadd.s32 $0xFFFFD800  }
0x1e3: {  	_ =	swait.ge [sflag:s21], $0x50  }
0x1e4: {  	[sflag:s21] =	ssyncset.done $0x0  }
0x1e5: {  	[sflag:s21] =	ssyncadd.s32 $0xFFFFFFB0  }
0x1e6: {  	_ =	swait.ge [sflag:s21], $0x50  }
0x1e7: {  	s2 =	rddreg [dreg:$0x5];
	[sflag:s21] =	ssyncset.done $0x0  }
0x1e8: {  	s14 =	simm.s32 @!p1 $0x100;
	[sflag:s21] =	ssyncadd.s32 $0xFFFFFFB0;
	s2 =	sadd.s32 @!p1 s24, s2  }
0x1e9: {  	[tilespmem:s14], [sflag:$0x3] =	stream.linear.gather @!p1 [hbm4b:s2+s6], $0x50, $0x38;
	[tilespmem:$0x1E0C0] =	vst v63  }
0x1ea: {  	s2 =	sadd.s32 @!p1 $0x64, s11;
	s14 =	simm.s32 @!p1 $0x500  }
0x1eb: {  	[tilespmem:s14], [sflag:$0x3] =	stream.linear.gather @!p1 [hbm4b:s2+s6], $0x50, $0x38;
	[tilespmem:$0x1E0C0] =	vst v63  }
0x1ec: {  	s30 =	simm.s32 $0x8  }
0x1ed: {  	[tilespmem:s8], [sflag:$0x7] =	stream.indirect.gather [hbm4b:s4+s31], $0x80, s15, s31, $0xb8;
	[tilespmem:$0x1E0C0] =	vst v63  }
0x1ee: {  	_ =	swait.ge [sflag:s30], $0x2800  }
0x1ef: {  	[sflag:s30] =	ssyncset.done $0x0  }
0x1f0: {  	s14 =	simm.s32 $0x580;
	[sflag:s30] =	ssyncadd.s32 $0xFFFFD800  }
0x1f1: {  	[spmem:s1] =	stream.indirect.scatter.add.f32 [tilespmem:s22], [sflag:$0xA], $0x80, s14, s31, $0xb8;
	[tilespmem:$0x1E0C0] =	vst v63  }
0x1f2: {  	_ =	swait.ge [sflag:s17], $0x2800  }
0x1f3: {  	[sflag:s17] =	ssyncset.done $0x0  }
0x1f4: {  	[sflag:s17] =	ssyncadd.s32 $0xFFFFD800  }
0x1f5: {  	_ =	swait.ge [sflag:s23], $0x50  }
0x1f6: {  	[sflag:s23] =	ssyncset.done $0x0  }
0x1f7: {  	[sflag:s23] =	ssyncadd.s32 $0xFFFFFFB0  }
0x1f8: {  	_ =	swait.ge [sflag:s23], $0x50  }
0x1f9: {  	s2 =	rddreg [dreg:$0x6];
	[sflag:s23] =	ssyncset.done $0x0  }
0x1fa: {  	s14 =	simm.s32 @!p1 $0x180;
	[sflag:s23] =	ssyncadd.s32 $0xFFFFFFB0;
	s2 =	sadd.s32 @!p1 s24, s2  }
0x1fb: {  	[tilespmem:s14], [sflag:$0x4] =	stream.linear.gather @!p1 [hbm4b:s2+s6], $0x50, $0x38;
	[tilespmem:$0x1E0C0] =	vst v63  }
0x1fc: {  	s2 =	sadd.s32 @!p1 $0x6E, s11;
	s11 =	simm.s32 @!p1 $0x580  }
0x1fd: {  	[tilespmem:s11], [sflag:$0x4] =	stream.linear.gather @!p1 [hbm4b:s2+s6], $0x50, $0x38;
	[tilespmem:$0x1E0C0] =	vst v63  }
0x1fe: {  	_ = 	snop  }
0x1ff: {  	[tilespmem:s22], [sflag:$0x8] =	stream.indirect.gather [hbm4b:s4+s31], $0x80, s5, s31, $0xb8;
	[tilespmem:$0x1E0C0] =	vst v63  }
0x200: {  	_ =	swait.ge [sflag:s16], $0x2800  }
0x201: {  	[sflag:s16] =	ssyncset.done $0x0  }
0x202: {  	[sflag:s16] =	ssyncadd.s32 $0xFFFFD800  }
0x203: {  	[spmem:s1] =	stream.indirect.scatter.add.f32 [tilespmem:s0], [sflag:$0x9], $0x80, s13, s31, $0xb8;
	[tilespmem:$0x1E0C0] =	vst v63  }
0x204: {  	_ =	swait.ge [sflag:s7], $0x2800  }
0x205: {  	[sflag:s7] =	ssyncset.done $0x0  }
0x206: {  	[sflag:s7] =	ssyncadd.s32 $0xFFFFD800  }
0x207: {  	_ =	swait.ge [sflag:s10], $0x2800  }
0x208: {  	[sflag:s10] =	ssyncset.done $0x0  }
0x209: {  	[sflag:s10] =	ssyncadd.s32 $0xFFFFD800  }
0x20a: {  	[spmem:s1] =	stream.indirect.scatter.add.f32 [tilespmem:s12], [sflag:$0x9], $0x80, s26, s31, $0xb8;
	[tilespmem:$0x1E0C0] =	vst v63  }
0x20b: {  	_ =	swait.ge [sflag:s7], $0x2800  }
0x20c: {  	[sflag:s7] =	ssyncset.done $0x0  }
0x20d: {  	[sflag:s7] =	ssyncadd.s32 $0xFFFFD800  }
0x20e: {  	_ =	swait.ge [sflag:s20], $0x2800  }
0x20f: {  	[sflag:s20] =	ssyncset.done $0x0  }
0x210: {  	[sflag:s20] =	ssyncadd.s32 $0xFFFFD800  }
0x211: {  	[spmem:s1] =	stream.indirect.scatter.add.f32 [tilespmem:s8], [sflag:$0x9], $0x80, s28, s31, $0xb8;
	[tilespmem:$0x1E0C0] =	vst v63  }
0x212: {  	_ =	swait.ge [sflag:s7], $0x2800  }
0x213: {  	[sflag:s7] =	ssyncset.done $0x0  }
0x214: {  	[sflag:s7] =	ssyncadd.s32 $0xFFFFD800  }
0x215: {  	_ =	swait.ge [sflag:s30], $0x2800  }
0x216: {  	[sflag:s30] =	ssyncset.done $0x0  }
0x217: {  	[sflag:s30] =	ssyncadd.s32 $0xFFFFD800  }
0x218: {  	[spmem:s1] =	stream.indirect.scatter.add.f32 [tilespmem:s22], [sflag:$0x9], $0x80, s25, s31, $0xb8;
	[tilespmem:$0x1E0C0] =	vst v63  }
0x219: {  	_ =	swait.ge [sflag:s7], $0x2800  }
0x21a: {  	[sflag:s7] =	ssyncset.done $0x0  }
0x21b: {  	[sflag:s7] =	ssyncadd.s32 $0xFFFFD800  }
0x21c: {  	[bflag:$0x0] =	sbarrier.arrive $0xFFFF  }
0x21d: {  	s6 =	rddreg [dreg:$0x17]  }
0x21e: {  	s2 =	simm.s32 @p0 $0x1FC9;
	s5 =	rddreg [dreg:$0x1a]  }
0x21f: {  	[hbm:s6], [sflag:s2] =	dma.local @p0 [spmem:s5], $0x2800  }
0x220: {  	s2 =	simm.s32 @p0 $0x9  }
0x221: {  	_ =	swait.ge @p0 [sflag:s2], $0x2800  }
0x222: {  	s5 =	rddreg [dreg:$0x1b]  }
0x223: {  	[sflag:s2] =	ssyncset.done @p0 $0x0;
	s6 =	rddreg [dreg:$0x1c]  }
0x224: {  	[sflag:s2] =	ssyncadd.s32 @p0 $0xFFFFD800;
	s2 =	rddreg [dreg:$0x16]  }
0x225: {  	[hbm:s2], [sflag:s5] =	dma.local @!p0 [spmem:s6], $0x2700  }
0x226: {  	s2 =	simm.s32 @!p0 $0x9  }
0x227: {  	_ =	swait.ge @!p0 [sflag:s2], $0x2700  }
0x228: {  	s29 =	rddreg [dreg:$0x19]  }
0x229: {  	s30 =	rddreg [dreg:$0x18];
	s5 =	sadd.s32 $0x1, s29  }
0x22a: {  	p1 =	sne.s32 s5, s30  }
.Ltmp1:
0x22b: {  	_ = 	snop;
	(pc) =	sbr.rel @p1 .LBB2_1-.Ltmp1, $3  }
0x22c: {  	_ =	sdelay $0x1  }
0x22d: {  	[sflag:s2] =	ssyncset.done @!p0 $0x0  }
0x22e: {  	[sflag:s2] =	ssyncadd.s32 @!p0 $0xFFFFD900  }
0x22f: {  	_ =	sfence.sel $0x180000  }
0x230: {  	[bflag:$0x0] =	sbarrier.arrive $0xFFFF  }
0x231: {  	_ =	strace $0x9000004A  }
0x232: {  	s0 =	stileid.u32;
	[bflag:$0x2] =	sbarrier.arrive $0xFFFF  }
0x233: {  	p0 =	sne.s32 s0, $0x0;
	s0 =	rddreg [dreg:$0x2]  }
0x234: {  	s0 =	sadd.s32 @!p0 $0x100000, s0  }
0x235: {  	[sflag:s0] =	ssyncadd.tile.s32 @!p0 $0x1;
	_ =	shalt  }
.Lfunc_end2:
_tile_overlayer_lowered:
.L_overlay_start_2:
0x236: {  	(tag) =	ssettag $0x2  }
0x237: {  	s0 =	rddreg [dreg:$0x0];
	s2 =	stileid.u32  }
0x238: {  	s1 =	rddreg [dreg:$0x1];
	p0 =	sne.s32 s2, $0x0  }
0x239: {  	s3 =	rddreg [dreg:$0x2];
	[bflag:$0x3] =	sbarrier.arrive $0xFFFF;
	s2 =	simm.s32 @!p0 $0x1C09  }
0x23a: {  	[timem:s3], [sflag:s2] =	dma.local @!p0 [hbm:s0], s1  }
0x23b: {  	s0 =	simm.s32 @!p0 $0x9  }
0x23c: {  	_ =	swait.ge @!p0 [sflag:s0], s1  }
0x23d: {  	s1 =	ssub.s32 @!p0 $0x0, s1;
	[sflag:s0] =	ssyncset.done @!p0 $0x0  }
0x23e: {  	[sflag:s0] =	ssyncadd.s32 @!p0 s1  }
0x23f: {  	[bflag:$0x3] =	sbarrier.arrive $0xFFFF  }
0x240: {  	_ =	shalt  }

// kernel: kernel.15.cloned.1.call-start
scs
__scs_entry_jumppad:
0x0: {  	(pc) =	sbr.rel $0x88, $3  }
0x1: {  	(tag) =	ssettag $0x0;
	lr =	simm.s32 $0x1  }
0x2: {  	[smem:$0x3F98] =	sst lr;
	_ =	strace $0xD0000000  }
0x3: {  	_ = 	snop  }
0x4: {  	_ = 	snop  }
0x5: {  	_ = 	snop  }
0x6: {  	_ = 	snop  }
0x7: {  	_ = 	snop  }
__scs_overlays_trampoline_lowered:
0x8: {  	[smem:$0x3FA7] =	sst s0  }
0x9: {  	[smem:$0x3FA8] =	sst s1  }
0xa: {  	[smem:$0x3FA9] =	sst s2  }
0xb: {  	[smem:$0x3FAA] =	sst s3  }
0xc: {  	[smem:$0x3FAB] =	sst s4  }
0xd: {  	[smem:$0x3FAC] =	sst s5  }
0xe: {  	[smem:$0x3FAD] =	sst s6  }
0xf: {  	[smem:$0x3FAE] =	sst s7  }
0x10: {  	[smem:$0x3FAF] =	sst s8  }
0x11: {  	[smem:$0x3FB0] =	sst s9;
	s0 =	simm.s32 @!p0 $0x0  }
0x12: {  	s1 =	sld [smem:$0x3F96];
	s0 =	simm.s32 @p0 $0x1  }
0x13: {  	[smem:$0x3FB1] =	sst s0;
	s0 =	simm.s32 @!p1 $0x0  }
0x14: {  	s2 =	sld [smem:$0x3F95];
	s0 =	simm.s32 @p1 $0x1  }
0x15: {  	[smem:$0x3FB2] =	sst s0;
	s0 =	simm.s32 @!p2 $0x0  }
0x16: {  	s3 =	sld [smem:$0x3FDB];
	s0 =	simm.s32 @p2 $0x1  }
0x17: {  	s4 =	simm.s32 $0x1BF5;
	[smem:$0x3FB4] =	sst s0  }
0x18: {  	s0 =	sld [smem:$0x3F97];
	_ =	swait.ge [sflag:s4], $0x0  }
0x19: {  	s7 =	sld [smem:$0x3F98]  }
0x1a: {  	s8 =	sadd.s32 $0xFFFFE003, lr  }
0x1b: {  	s9 =	sadd.s32 $0xFFFFFEF7, lr;
	s5 =	simm.s32 $0xFFFFFFFF;
	p2 =	slt.u32 s8, $0xFFFFF086  }
0x1c: {  	p1 =	slt.u32 s9, $0xF7A;
	s5 =	simm.s32 @!p2 $0x0  }
0x1d: {  	s5 =	simm.s32 @p1 $0x1;
	p0 =	seq.s32 s7, s2  }
0x1e: {  	s7 =	smul.u32 @!p0 $0xF7A, s2;
	p2 =	seq.s32 @!p0 s5, $0x0  }
0x1f: {  	s9 =	smul.u32 $0xF7A, s1;
	s8 =	simm.s32 @!p0 $0x1BF5;
	p2 =	por !p2, p0  }
0x20: {  	[sflag:s8] =	ssyncset.s32 @!p0 $0xFFFFF086;
	s6 =	sadd.s32 @!p0 s3, s7;
	s7 =	simm.s32 @!p0 $0x108  }
0x21: {  	s3 =	sadd.s32 s3, s9;
	s6 =	sadd.s32 @!p0 $0x88, s6;
	s7 =	simm.s32 @p2 $0x1082  }
0x22: {  	[simem:s7], [sflag:s8] =	dma.local @!p0 [hbm:s6], $0xF7A  }
0x23: {  	s9 =	sor.u32 $0xD0000000, s2;
	s6 =	simm.s32 $0x108;
	_ =	swait.ge @!p0 [sflag:s8], $0x0  }
0x24: {  	s3 =	sadd.s32 $0x88, s3;
	s6 =	simm.s32 @!p1 $0x1082;
	[sflag:s4] =	ssyncset.s32 $0xFFFFF086  }
0x25: {  	[simem:s6], [sflag:s4] =	dma.local [hbm:s3], $0xF7A  }
0x26: {  	[smem:$0x3F98] =	sst s1;
	(tag) =	ssettag s2;
	_ =	strace s9  }
0x27: {  	s1 =	sld [smem:$0x3FA8]  }
0x28: {  	s2 =	sld [smem:$0x3FA9]  }
0x29: {  	s4 =	sld [smem:$0x3FAB]  }
0x2a: {  	p0 =	seq.s32 s5, $0x0;
	s5 =	sld [smem:$0x3FAC]  }
0x2b: {  	s6 =	sld [smem:$0x3FAD]  }
0x2c: {  	s7 =	sld [smem:$0x3FAE]  }
0x2d: {  	s3 =	simm.s32 $0x108;
	s8 =	sld [smem:$0x3FAF]  }
0x2e: {  	s3 =	simm.s32 @!p0 $0x1082;
	s9 =	sld [smem:$0x3FB0]  }
0x2f: {  	lr =	sadd.s32 s0, s3;
	s0 =	sld [smem:$0x3FA7]  }
0x30: {  	s3 =	sld [smem:$0x3FAA]  }
0x31: {  	[smem:$0x3FB3] =	sst s10  }
0x32: {  	s10 =	sld [smem:$0x3FB1];
	_ =	sdelay $0x3  }
0x33: {  	p0 =	seq.s32 s10, $0x1;
	s10 =	sld [smem:$0x3FB3];
	_ =	sdelay $0x3  }
0x34: {  	[smem:$0x3FB3] =	sst s10  }
0x35: {  	s10 =	sld [smem:$0x3FB2];
	_ =	sdelay $0x3  }
0x36: {  	p1 =	seq.s32 s10, $0x1;
	s10 =	sld [smem:$0x3FB3];
	_ =	sdelay $0x3  }
0x37: {  	[smem:$0x3FB3] =	sst s10  }
0x38: {  	s10 =	sld [smem:$0x3FB4]  }
0x39: {  	_ = 	snop;
	(pc) =	sbr.ind lr, $3  }
0x3a: {  	_ = 	snop  }
0x3b: {  	_ = 	snop  }
0x3c: {  	p2 =	seq.s32 s10, $0x1;
	s10 =	sld [smem:$0x3FB3]  }
0x3d: {  	_ =	shalt  }
0x3e: {  	_ =	shalt  }
0x3f: {  	_ =	shalt  }
0x40: {  	_ =	shalt  }
0x41: {  	_ =	shalt  }
0x42: {  	_ =	shalt  }
0x43: {  	_ =	shalt  }
0x44: {  	_ =	shalt  }
0x45: {  	_ =	shalt  }
0x46: {  	_ =	shalt  }
0x47: {  	_ =	shalt  }
0x48: {  	_ =	shalt  }
0x49: {  	_ =	shalt  }
0x4a: {  	_ =	shalt  }
0x4b: {  	_ =	shalt  }
0x4c: {  	_ =	shalt  }
0x4d: {  	_ =	shalt  }
0x4e: {  	_ =	shalt  }
0x4f: {  	_ =	shalt  }
0x50: {  	_ =	shalt  }
0x51: {  	_ =	shalt  }
0x52: {  	_ =	shalt  }
0x53: {  	_ =	shalt  }
0x54: {  	_ =	shalt  }
0x55: {  	_ =	shalt  }
0x56: {  	_ =	shalt  }
0x57: {  	_ =	shalt  }
0x58: {  	_ =	shalt  }
0x59: {  	_ =	shalt  }
0x5a: {  	_ =	shalt  }
0x5b: {  	_ =	shalt  }
0x5c: {  	_ =	shalt  }
0x5d: {  	_ =	shalt  }
0x5e: {  	_ =	shalt  }
0x5f: {  	_ =	shalt  }
0x60: {  	_ =	shalt  }
0x61: {  	_ =	shalt  }
0x62: {  	_ =	shalt  }
0x63: {  	_ =	shalt  }
0x64: {  	_ =	shalt  }
0x65: {  	_ =	shalt  }
0x66: {  	_ =	shalt  }
0x67: {  	_ =	shalt  }
0x68: {  	_ =	shalt  }
0x69: {  	_ =	shalt  }
0x6a: {  	_ =	shalt  }
0x6b: {  	_ =	shalt  }
0x6c: {  	_ =	shalt  }
0x6d: {  	_ =	shalt  }
0x6e: {  	_ =	shalt  }
0x6f: {  	_ =	shalt  }
0x70: {  	_ =	shalt  }
0x71: {  	_ =	shalt  }
0x72: {  	_ =	shalt  }
0x73: {  	_ =	shalt  }
0x74: {  	_ =	shalt  }
0x75: {  	_ =	shalt  }
0x76: {  	_ =	shalt  }
0x77: {  	_ =	shalt  }
0x78: {  	_ =	shalt  }
0x79: {  	_ =	shalt  }
0x7a: {  	_ =	shalt  }
0x7b: {  	_ =	shalt  }
0x7c: {  	_ =	shalt  }
0x7d: {  	_ =	shalt  }
0x7e: {  	_ =	shalt  }
0x7f: {  	_ =	shalt  }
0x80: {  	_ =	shalt  }
0x81: {  	_ =	shalt  }
0x82: {  	_ =	shalt  }
0x83: {  	_ =	shalt  }
0x84: {  	_ =	shalt  }
0x85: {  	_ =	shalt  }
0x86: {  	_ =	shalt  }
0x87: {  	_ =	shalt  }
.Lfunc_end0:
.L_simem_size_0:
called_computation.2_lowered:
.L_overlay_start_0:
0x88: {  	s2 =	sld [smem:$0x3FD9]  }
0x89: {  	s3 =	sld [smem:$0x3FFE];
	_ =	sdelay $0x1  }
0x8a: {  	s1 =	srdreg.scid  }
0x8b: {  	s0 =	sand.u32 $0x1, s1  }
0x8c: {  	s16 =	sshll.u32 s0, $0xA;
	s2 =	sadd.s32 s3, s2  }
0x8d: {  	s2 =	sadd.s32 s2, s16  }
0x8e: {  	[smem:$0x3FBF] =	sst s2  }
0x8f: {  	_ = 	snop  }
0x90: {  	(tm) =	ssettm $0x1  }
0x91: {  	s17 =	sld [smem:$0x3FFB];
	_ =	sdelay $0x3  }
0x92: {  	_ =	strace s17  }
0x93: {  	s2 =	sld [smem:$0x3FFC];
	_ =	sdelay $0x3  }
0x94: {  	_ =	strace s2  }
0x95: {  	s2 =	sld [smem:$0x3FFD];
	_ =	sdelay $0x3  }
0x96: {  	_ =	strace s2  }
0x97: {  	_ =	strace $0x8FFFFFFF  }
0x98: {  	s18 =	sld [smem:$0x3FDB];
	_ =	sdelay $0x1  }
0x99: {  	s19 =	simm.s32 $_scs_section_size  }
0x9a: {  	s4 =	simm.s32 $_size__tile_overlayer_lowered;
	s5 =	simm.s32 $_tile_overlayer_lowered  }
0x9b: {  	s22 =	simm.s32 $0x1BFF;
	s21 =	sshll.u32 s5, $0x1;
	s2 =	sadd.s32 s19, s18  }
0x9c: {  	s6 =	simm.s32 $0x0;
	s20 =	sshll.u32 s4, $0x1;
	s4 =	sadd.s32 s21, s2  }
0x9d: {  	[timem:s6], [sflag:s22] =	dma.local [hbm:s4], s20  }
0x9e: {  	_ =	swait.ge [sflag:s22], s20  }
0x9f: {  	s3 =	ssub.s32 $0x0, s20;
	[sflag:s22] =	ssyncset.done $0x0  }
0xa0: {  	[sflag:s22] =	ssyncadd.s32 s3;
	_ =	sdelay $0x1  }
0xa1: {  	s23 =	simm.s32 $0x1B8B  }
0xa2: {  	_ =	swait.ge [sflag:s23], $0x1  }
0xa3: {  	[sflag:s23] =	ssyncset.done $0x0  }
0xa4: {  	s25 =	simm.s32 $0x1B8E;
	s24 =	sld [smem:$0x3FFE];
	[sflag:s23] =	ssyncadd.s32 $0xFFFFFFFF  }
0xa5: {  	s26 =	simm.s32 $execute0_lowered;
	[smem:$0x3FD2] =	sst s25  }
0xa6: {  	s4 =	sshll.u32 s26, $0x1;
	_ =	strace $0x8000004C;
	[dreg:$0x1] =	wrdreg $0xFFFFFFFF  }
0xa7: {  	s28 =	simm.s32 $_size_execute0_lowered;
	s2 =	sadd.s32 s2, s4;
	[dreg:$0x0] =	wrdreg $0x0  }
0xa8: {  	s4 =	sshll.u32 s28, $0x1;
	[dreg:$0x2] =	wrdreg s2  }
0xa9: {  	[dreg:$0x3] =	wrdreg s4  }
0xaa: {  	[dreg:$0x4] =	wrdreg $0xC0  }
0xab: {  	_ =	task [dreg:s6], $0x5FFFF  }
0xac: {  	[dreg:$0x1] =	wrdreg $0xFFFFFFFF  }
0xad: {  	[dreg:$0x0] =	wrdreg $0x60  }
0xae: {  	[dreg:$0x2] =	wrdreg s24  }
0xaf: {  	[dreg:$0x3] =	wrdreg $0xA8000  }
0xb0: {  	[dreg:$0x4] =	wrdreg $0x9  }
0xb1: {  	_ =	task.clear_ibuf [dreg:s6], $0x5FFFF;
	_ =	strace $0x9000004C  }
0xb2: {  	s29 =	simm.s32 $0x9;
	_ =	strace $0x8000004E  }
0xb3: {  	_ =	swait.ge [sflag:s29], $0x1  }
0xb4: {  	[sflag:s29] =	ssyncadd.s32 $0xFFFFFFFF  }
0xb5: {  	_ =	strace $0x9000004E  }
0xb6: {  	_ =	sfence  }
0xb7: {  	s30 =	sld [smem:$0x0];
	_ =	sdelay $0x2  }
0xb8: {  	s31 =	sshll.u32 s1, $0xD;
	s1 =	sshrl.u32 s1, $0x2  }
0xb9: {  	s3 =	sand.u32 $0x4000, s31;
	s1 =	sadd.s32 s1, s30  }
0xba: {  	s0 =	sor.u32 s3, s0;
	s1 =	sshll.u32 s1, $0x11  }
0xbb: {  	s0 =	sor.u32 s1, s0  }
0xbc: {  	s0 =	sadd.s32 $0x8F2B, s0  }
0xbd: {  	[sflag:s0] =	ssyncadd.remote.s32 $0x1  }
0xbe: {  	_ =	sfence.sel $0xFFFF  }
0xbf: {  	[dreg:$0x0] =	wrdreg $0xFFFFFFFF;
	(pc) =	sbr.abs _section_cstart, $3  }
0xc0: {  	[dreg:$0x1] =	wrdreg $0xFFFFFFFF  }
0xc1: {  	_ =	task.clear_ibuf [dreg:s6], $0x2FFFF;
	_ =	strace $0x9FFFFFFF  }
0xc2: {  	(tm) =	ssettm $0x7FFFFFFF  }
0xc3: {  	_ =	shalt  }
tec
execute0_lowered:
.L_overlay_start_1:
0x0: {  	(tag) =	ssettag $0x1  }
0x1: {  	s2 =	rddreg [dreg:$0x0]  }
0x2: {  	s1 =	rddreg [dreg:$0x1];
	s3 =	simm.s32 $0x0;
	s0 =	srdreg.scid  }
0x3: {  	s12 =	stileid.u32;
	s31 =	simm.s32 $0x50;
	[smem:$0x7FF] =	sst s3  }
0x4: {  	s5 =	sand.u32 $0x1, s0;
	s6 =	smul.u32 $0x4E000, s12;
	s0 =	sadd.s32 $0x5D400, s2  }
0x5: {  	s7 =	sadd.s32 $0x2200, s2;
	s4 =	sadd.s32 $0x71400, s2;
	s10 =	smul.u32 $0x5000, s12  }
0x6: {  	s11 =	sadd.s32 $0xC200, s2;
	s2 =	sadd.s32 $0xBF600, s2;
	s25 =	smul.u32 $0x2700, s12  }
0x7: {  	s19 =	sadd.s32 $0x124800, s1;
	s17 =	smul.u32 $0xA00, s12;
	p0 =	seq.s32 s12, $0xF  }
0x8: {  	_ =	strace $0x8000004D;
	s8 =	smul.u32 $0x50000, s5;
	[dreg:$0xb] =	wrdreg s11  }
0x9: {  	s9 =	ssub.s32 $0x2, s5;
	[dreg:$0xd] =	wrdreg s19;
	s23 =	smul.u32 $0x27100, s5  }
0xa: {  	s5 =	smul.u32 $0x138800, s5;
	s18 =	sshrl.u32 s9, $0x1;
	s6 =	sshrl.u32 s6, $0x2  }
0xb: {  	s22 =	sshrl.u32 s10, $0x3;
	s9 =	ssub.s32 s9, s18;
	s8 =	sadd.s32 s10, s8  }
0xc: {  	s6 =	sadd.s32 s6, s1;
	s13 =	sadd.s32 s7, s22;
	s5 =	sshrl.u32 s5, $0x3  }
0xd: {  	[dreg:$0xc] =	wrdreg s6;
	s20 =	sshrl.u32 s8, $0x3;
	s14 =	sadd.s32 $0xA, s13  }
0xe: {  	s28 =	sadd.s32 $0x14, s13;
	[dreg:$0xf] =	wrdreg s13;
	s29 =	sadd.s32 $0x1E, s13  }
0xf: {  	s6 =	sadd.s32 s25, s23;
	s30 =	sor.u32 $0x280, s8;
	s15 =	smax.u32 s9, $0x1  }
0x10: {  	s18 =	sor.u32 $0x320, s8;
	s25 =	sor.u32 $0x1E0, s8;
	[dreg:$0x11] =	wrdreg s14  }
0x11: {  	s9 =	simm.s32 $0x2;
	s21 =	sadd.s32 s0, s20;
	[dreg:$0x13] =	wrdreg s28  }
0x12: {  	[dreg:$0x15] =	wrdreg s29;
	s6 =	sadd.s32 s2, s6;
	s2 =	sadd.s32 s2, s5  }
0x13: {  	s14 =	sor.u32 $0x2D0, s8;
	[dreg:$0x18] =	wrdreg s15;
	s19 =	sshrl.u32 s18, $0x3  }
0x14: {  	s20 =	sor.u32 $0x370, s8;
	s28 =	sor.u32 $0x190, s8;
	s18 =	simm.s32 $0x1  }
0x15: {  	s5 =	simm.s32 $0x0;
	s24 =	sadd.s32 $0xA, s21;
	[dreg:$0xe] =	wrdreg s21  }
0x16: {  	s26 =	sadd.s32 $0x14, s21;
	s11 =	sadd.s32 $0x1E, s21;
	[dreg:$0x16] =	wrdreg s6  }
0x17: {  	s2 =	sadd.s32 $0x24900, s2;
	s16 =	sshrl.u32 s14, $0x3;
	[dreg:$0x10] =	wrdreg s24  }
0x18: {  	s6 =	sshrl.u32 s20, $0x3;
	s21 =	sor.u32 $0x230, s8;
	[dreg:$0x12] =	wrdreg s26  }
0x19: {  	s8 =	sor.u32 $0x140, s8;
	[dreg:$0x14] =	wrdreg s11;
	s11 =	sshrl.u32 s30, $0x3  }
0x1a: {  	[dreg:$0x17] =	wrdreg s2;
	s2 =	sadd.s32 s16, s0;
	s22 =	sadd.s32 s6, s0  }
0x1b: {  	s23 =	sshrl.u32 s21, $0x3;
	s26 =	sshrl.u32 s25, $0x3;
	[dreg:$0x4] =	wrdreg s2  }
0x1c: {  	s6 =	sshrl.u32 s28, $0x3;
	s13 =	sadd.s32 s11, s0;
	[dreg:$0x6] =	wrdreg s22  }
0x1d: {  	s30 =	sshrl.u32 s8, $0x3;
	s2 =	sadd.s32 s19, s0;
	[dreg:$0x3] =	wrdreg s13  }
0x1e: {  	s16 =	simm.s32 $0x5;
	s24 =	sadd.s32 s23, s0;
	[dreg:$0x5] =	wrdreg s2  }
0x1f: {  	s21 =	simm.s32 $0x3;
	s29 =	sadd.s32 s6, s0;
	[dreg:$0x7] =	wrdreg s24  }
0x20: {  	s19 =	sadd.s32 s17, s7;
	s2 =	sadd.s32 s26, s0;
	[dreg:$0x9] =	wrdreg s29  }
0x21: {  	s17 =	simm.s32 $0xA;
	s0 =	sadd.s32 s30, s0;
	[dreg:$0x8] =	wrdreg s2  }
0x22: {  	s23 =	simm.s32 $0x4;
	[dreg:$0xa] =	wrdreg s0;
	s0 =	simm.s32 $0x800  }
.LBB2_1:
0x23: {  	[dreg:$0x19] =	wrdreg s5  }
0x24: {  	s2 =	rddreg [dreg:$0xd]  }
0x25: {  	s14 =	rddreg [dreg:$0xb];
	s2 =	sshrl.u32 @p0 s2, $0x3  }
0x26: {  	s6 =	simm.s32 @p0 $0x1FC9;
	[dreg:$0x1a] =	wrdreg s2  }
0x27: {  	[spmem:s2], [sflag:s6] =	dma.local @p0 [hbm:s14], $0x2800  }
0x28: {  	s6 =	simm.s32 @p0 $0x9;
	s2 =	stileid.u32  }
0x29: {  	_ =	swait.ge @p0 [sflag:s6], $0x2800;
	s11 =	sshll.u32 @!p0 s2, $0x6  }
0x2a: {  	s5 =	sor.u32 @!p0 $0x1C09, s11;
	s2 =	rddreg [dreg:$0xc]  }
0x2b: {  	[sflag:s6] =	ssyncset.done @p0 $0x0;
	s2 =	sshrl.u32 @!p0 s2, $0x3;
	[dreg:$0x1b] =	wrdreg s5  }
0x2c: {  	[sflag:s6] =	ssyncadd.s32 @p0 $0xFFFFD800;
	s6 =	simm.s32 @!p0 $0x9;
	[dreg:$0x1c] =	wrdreg s2  }
0x2d: {  	[spmem:s2], [sflag:s5] =	dma.local @!p0 [hbm:s14], $0x2700  }
0x2e: {  	_ =	swait.ge @!p0 [sflag:s6], $0x2700  }
0x2f: {  	[sflag:s6] =	ssyncset.done @!p0 $0x0  }
0x30: {  	[sflag:s6] =	ssyncadd.s32 @!p0 $0xFFFFD900  }
0x31: {  	[bflag:$0x0] =	sbarrier.arrive $0xFFFF  }
0x32: {  	s7 =	simm.s32 $0x9;
	s8 =	rddreg [dreg:$0xe]  }
0x33: {  	[tilespmem:s3], [sflag:$0x9] =	stream.linear.gather [hbm4b:s8+s3], $0x50, $0x38;
	[tilespmem:$0x1E0C0] =	vst v63  }
0x34: {  	_ =	swait.ge [sflag:s7], $0x50  }
0x35: {  	[sflag:s7] =	ssyncset.done $0x0  }
0x36: {  	s29 =	simm.s32 $0x400;
	s10 =	rddreg [dreg:$0xf];
	[sflag:s7] =	ssyncadd.s32 $0xFFFFFFB0  }
0x37: {  	[tilespmem:s29], [sflag:$0x9] =	stream.linear.gather [hbm4b:s10+s3], $0x50, $0x38;
	[tilespmem:$0x1E0C0] =	vst v63  }
0x38: {  	_ =	swait.ge [sflag:s7], $0x50  }
0x39: {  	[sflag:s7] =	ssyncset.done $0x0  }
0x3a: {  	s28 =	simm.s32 $0x80;
	s11 =	rddreg [dreg:$0x10];
	[sflag:s7] =	ssyncadd.s32 $0xFFFFFFB0  }
0x3b: {  	[tilespmem:s28], [sflag:$0x9] =	stream.linear.gather [hbm4b:s11+s3], $0x50, $0x38;
	[tilespmem:$0x1E0C0] =	vst v63  }
0x3c: {  	_ =	swait.ge [sflag:s7], $0x50  }
0x3d: {  	[sflag:s7] =	ssyncset.done $0x0  }
0x3e: {  	s13 =	simm.s32 $0x480;
	s12 =	rddreg [dreg:$0x11];
	[sflag:s7] =	ssyncadd.s32 $0xFFFFFFB0  }
0x3f: {  	[tilespmem:s13], [sflag:$0x9] =	stream.linear.gather [hbm4b:s12+s3], $0x50, $0x38;
	[tilespmem:$0x1E0C0] =	vst v63  }
0x40: {  	_ =	swait.ge [sflag:s7], $0x50  }
0x41: {  	[sflag:s7] =	ssyncset.done $0x0  }
0x42: {  	s30 =	simm.s32 $0x100;
	s14 =	rddreg [dreg:$0x12];
	[sflag:s7] =	ssyncadd.s32 $0xFFFFFFB0  }
0x43: {  	[tilespmem:s30], [sflag:$0x9] =	stream.linear.gather [hbm4b:s14+s3], $0x50, $0x38;
	[tilespmem:$0x1E0C0] =	vst v63  }
0x44: {  	_ =	swait.ge [sflag:s7], $0x50  }
0x45: {  	[sflag:s7] =	ssyncset.done $0x0  }
0x46: {  	s20 =	simm.s32 $0x500;
	s15 =	rddreg [dreg:$0x13];
	[sflag:s7] =	ssyncadd.s32 $0xFFFFFFB0  }
0x47: {  	[tilespmem:s20], [sflag:$0x9] =	stream.linear.gather [hbm4b:s15+s3], $0x50, $0x38;
	[tilespmem:$0x1E0C0] =	vst v63  }
0x48: {  	_ =	swait.ge [sflag:s7], $0x50  }
0x49: {  	[sflag:s7] =	ssyncset.done $0x0  }
0x4a: {  	s14 =	simm.s32 $0x180;
	s22 =	rddreg [dreg:$0x14];
	[sflag:s7] =	ssyncadd.s32 $0xFFFFFFB0  }
0x4b: {  	[tilespmem:s14], [sflag:$0x9] =	stream.linear.gather [hbm4b:s22+s3], $0x50, $0x38;
	[tilespmem:$0x1E0C0] =	vst v63  }
0x4c: {  	_ =	swait.ge [sflag:s7], $0x50  }
0x4d: {  	[sflag:s7] =	ssyncset.done $0x0  }
0x4e: {  	s22 =	simm.s32 $0x580;
	s24 =	rddreg [dreg:$0x15];
	[sflag:s7] =	ssyncadd.s32 $0xFFFFFFB0  }
0x4f: {  	[tilespmem:s22], [sflag:$0x9] =	stream.linear.gather [hbm4b:s24+s3], $0x50, $0x38;
	[tilespmem:$0x1E0C0] =	vst v63  }
0x50: {  	_ =	swait.ge [sflag:s7], $0x50  }
0x51: {  	p1 =	por $0x1, $0x1;
	[sflag:s7] =	ssyncset.done $0x0  }
0x52: {  	s6 =	simm.s32 @!p1 $0x1;
	[sflag:s7] =	ssyncadd.s32 $0xFFFFFFB0  }
0x53: {  	_ =	swait.ge @!p1 [sflag:s6], $0x50  }
0x54: {  	[sflag:s6] =	ssyncset.done @!p1 $0x0  }
0x55: {  	[sflag:s6] =	ssyncadd.s32 @!p1 $0xFFFFFFB0  }
0x56: {  	_ =	swait.ge @!p1 [sflag:s6], $0x50  }
0x57: {  	s2 =	simm.s32 $0x200;
	s25 =	rddreg [dreg:$0xa];
	[sflag:s6] =	ssyncset.done @!p1 $0x0  }
0x58: {  	[sflag:s6] =	ssyncadd.s32 @!p1 $0xFFFFFFB0;
	s6 =	sadd.s32 $0x0, s19;
	s11 =	sadd.s32 $0x0, s25  }
0x59: {  	[tilespmem:s2], [sflag:$0x1] =	stream.linear.gather [hbm4b:s11+s3], $0x50, $0x38;
	[tilespmem:$0x1E0C0] =	vst v63  }
0x5a: {  	s10 =	simm.s32 $0x600;
	s26 =	sadd.s32 $0x28, s6  }
0x5b: {  	[tilespmem:s10], [sflag:$0x1] =	stream.linear.gather [hbm4b:s26+s3], $0x50, $0x38;
	[tilespmem:$0x1E0C0] =	vst v63  }
0x5c: {  	s11 =	simm.s32 @!p1 $0x6  }
0x5d: {  	[tilespmem:s0], [sflag:$0x5] =	stream.indirect.gather [hbm4b:s4+s31], $0x80, s3, s31, $0xb8;
	[tilespmem:$0x1E0C0] =	vst v63  }
0x5e: {  	_ =	swait.ge @!p1 [sflag:s11], $0x2800  }
0x5f: {  	s24 =	simm.s32 @!p1 $0x3000;
	s25 =	simm.s32 @!p1 $0xA;
	[sflag:s11] =	ssyncset.done @!p1 $0x0  }
0x60: {  	s26 =	simm.s32 @!p1 $0x50;
	[sflag:s11] =	ssyncadd.s32 @!p1 $0xFFFFD800;
	s11 =	simm.s32 @!p1 $0x680  }
0x61: {  	[spmem:s1] =	stream.indirect.scatter.add.f32 @!p1 [tilespmem:s24], [sflag:$0xA], $0x80, s11, s26, $0xb8;
	[tilespmem:$0x1E0C0] =	vst v63  }
0x62: {  	_ =	swait.ge @!p1 [sflag:s25], $0x2800  }
0x63: {  	[sflag:s25] =	ssyncset.done @!p1 $0x0  }
0x64: {  	s11 =	simm.s32 @!p1 $0x2;
	[sflag:s25] =	ssyncadd.s32 @!p1 $0xFFFFD800  }
0x65: {  	_ =	swait.ge @!p1 [sflag:s11], $0x50  }
0x66: {  	[sflag:s11] =	ssyncset.done @!p1 $0x0  }
0x67: {  	[sflag:s11] =	ssyncadd.s32 @!p1 $0xFFFFFFB0  }
0x68: {  	_ =	swait.ge @!p1 [sflag:s11], $0x50  }
0x69: {  	s5 =	rddreg [dreg:$0x9];
	[sflag:s11] =	ssyncset.done @!p1 $0x0  }
0x6a: {  	s13 =	simm.s32 $0x280;
	[sflag:s11] =	ssyncadd.s32 @!p1 $0xFFFFFFB0;
	s8 =	sadd.s32 $0x0, s5  }
0x6b: {  	[tilespmem:s13], [sflag:$0x2] =	stream.linear.gather [hbm4b:s8+s3], $0x50, $0x38;
	[tilespmem:$0x1E0C0] =	vst v63  }
0x6c: {  	s20 =	simm.s32 $0x680;
	s12 =	sadd.s32 $0x32, s6  }
0x6d: {  	[tilespmem:s20], [sflag:$0x2] =	stream.linear.gather [hbm4b:s12+s3], $0x50, $0x38;
	[tilespmem:$0x1E0C0] =	vst v63  }
0x6e: {  	s11 =	simm.s32 @!p1 $0x7;
	s12 =	simm.s32 $0x3000  }
0x6f: {  	[tilespmem:s12], [sflag:$0x6] =	stream.indirect.gather [hbm4b:s4+s31], $0x80, s28, s31, $0xb8;
	[tilespmem:$0x1E0C0] =	vst v63  }
0x70: {  	_ =	swait.ge @!p1 [sflag:s11], $0x2800  }
0x71: {  	[sflag:s11] =	ssyncset.done @!p1 $0x0  }
0x72: {  	s24 =	simm.s32 @!p1 $0x700;
	[sflag:s11] =	ssyncadd.s32 @!p1 $0xFFFFD800;
	s11 =	simm.s32 @!p1 $0x5800  }
0x73: {  	[spmem:s1] =	stream.indirect.scatter.add.f32 @!p1 [tilespmem:s11], [sflag:$0xA], $0x80, s24, s26, $0xb8;
	[tilespmem:$0x1E0C0] =	vst v63  }
0x74: {  	_ =	swait.ge @!p1 [sflag:s25], $0x2800  }
0x75: {  	[sflag:s25] =	ssyncset.done @!p1 $0x0  }
0x76: {  	s11 =	simm.s32 @!p1 $0x3;
	[sflag:s25] =	ssyncadd.s32 @!p1 $0xFFFFD800  }
0x77: {  	_ =	swait.ge @!p1 [sflag:s11], $0x50  }
0x78: {  	[sflag:s11] =	ssyncset.done @!p1 $0x0  }
0x79: {  	[sflag:s11] =	ssyncadd.s32 @!p1 $0xFFFFFFB0  }
0x7a: {  	_ =	swait.ge @!p1 [sflag:s11], $0x50  }
0x7b: {  	s15 =	rddreg [dreg:$0x8];
	[sflag:s11] =	ssyncset.done @!p1 $0x0  }
0x7c: {  	[sflag:s11] =	ssyncadd.s32 @!p1 $0xFFFFFFB0;
	s20 =	sadd.s32 $0x0, s15;
	s15 =	simm.s32 $0x300  }
0x7d: {  	[tilespmem:s15], [sflag:$0x3] =	stream.linear.gather [hbm4b:s20+s3], $0x50, $0x38;
	[tilespmem:$0x1E0C0] =	vst v63  }
0x7e: {  	s28 =	simm.s32 $0x700;
	s24 =	sadd.s32 $0x3C, s6  }
0x7f: {  	[tilespmem:s28], [sflag:$0x3] =	stream.linear.gather [hbm4b:s24+s3], $0x50, $0x38;
	[tilespmem:$0x1E0C0] =	vst v63  }
0x80: {  	s8 =	simm.s32 $0x5800;
	s11 =	simm.s32 @!p1 $0x8  }
0x81: {  	[tilespmem:s8], [sflag:$0x7] =	stream.indirect.gather [hbm4b:s4+s31], $0x80, s30, s31, $0xb8;
	[tilespmem:$0x1E0C0] =	vst v63  }
0x82: {  	_ =	swait.ge @!p1 [sflag:s11], $0x2800  }
0x83: {  	[sflag:s11] =	ssyncset.done @!p1 $0x0  }
0x84: {  	s24 =	simm.s32 @!p1 $0x780;
	[sflag:s11] =	ssyncadd.s32 @!p1 $0xFFFFD800;
	s11 =	simm.s32 @!p1 $0x8000  }
0x85: {  	[spmem:s1] =	stream.indirect.scatter.add.f32 @!p1 [tilespmem:s11], [sflag:$0xA], $0x80, s24, s26, $0xb8;
	[tilespmem:$0x1E0C0] =	vst v63  }
0x86: {  	_ =	swait.ge @!p1 [sflag:s25], $0x2800  }
0x87: {  	[sflag:s25] =	ssyncset.done @!p1 $0x0  }
0x88: {  	s11 =	simm.s32 @!p1 $0x4;
	[sflag:s25] =	ssyncadd.s32 @!p1 $0xFFFFD800  }
0x89: {  	_ =	swait.ge @!p1 [sflag:s11], $0x50  }
0x8a: {  	[sflag:s11] =	ssyncset.done @!p1 $0x0  }
0x8b: {  	[sflag:s11] =	ssyncadd.s32 @!p1 $0xFFFFFFB0  }
0x8c: {  	_ =	swait.ge @!p1 [sflag:s11], $0x50  }
0x8d: {  	s5 =	rddreg [dreg:$0x7];
	[sflag:s11] =	ssyncset.done @!p1 $0x0  }
0x8e: {  	[sflag:s11] =	ssyncadd.s32 @!p1 $0xFFFFFFB0;
	s20 =	sadd.s32 $0x0, s5;
	s5 =	simm.s32 $0x380  }
0x8f: {  	[tilespmem:s5], [sflag:$0x4] =	stream.linear.gather [hbm4b:s20+s3], $0x50, $0x38;
	[tilespmem:$0x1E0C0] =	vst v63  }
0x90: {  	s6 =	sadd.s32 $0x46, s6;
	s24 =	simm.s32 $0x780  }
0x91: {  	[tilespmem:s24], [sflag:$0x4] =	stream.linear.gather [hbm4b:s6+s3], $0x50, $0x38;
	[tilespmem:$0x1E0C0] =	vst v63  }
0x92: {  	s20 =	simm.s32 $0x8000  }
0x93: {  	[tilespmem:s20], [sflag:$0x8] =	stream.indirect.gather [hbm4b:s4+s31], $0x80, s14, s31, $0xb8;
	[tilespmem:$0x1E0C0] =	vst v63  }
0x94: {  	_ =	swait.ge [sflag:s16], $0x2800  }
0x95: {  	[sflag:s16] =	ssyncset.done $0x0  }
0x96: {  	[sflag:s16] =	ssyncadd.s32 $0xFFFFD800  }
0x97: {  	[spmem:s1] =	stream.indirect.scatter.add.f32 [tilespmem:s0], [sflag:$0xA], $0x80, s29, s31, $0xb8;
	[tilespmem:$0x1E0C0] =	vst v63  }
0x98: {  	_ =	swait.ge [sflag:s17], $0x2800  }
0x99: {  	[sflag:s17] =	ssyncset.done $0x0  }
0x9a: {  	[sflag:s17] =	ssyncadd.s32 $0xFFFFD800  }
0x9b: {  	_ =	swait.ge [sflag:s18], $0x50  }
0x9c: {  	[sflag:s18] =	ssyncset.done $0x0  }
0x9d: {  	[sflag:s18] =	ssyncadd.s32 $0xFFFFFFB0  }
0x9e: {  	p1 =	por $0x0, $0x0;
	_ =	swait.ge [sflag:s18], $0x50  }
0x9f: {  	s11 =	sadd.s32 @!p1 $0x0, s19;
	s24 =	rddreg [dreg:$0x3];
	[sflag:s18] =	ssyncset.done $0x0  }
0xa0: {  	s6 =	simm.s32 @!p1 $0x0;
	[sflag:s18] =	ssyncadd.s32 $0xFFFFFFB0;
	s24 =	sadd.s32 @!p1 $0x0, s24  }
0xa1: {  	[tilespmem:s6], [sflag:$0x1] =	stream.linear.gather @!p1 [hbm4b:s24+s6], $0x50, $0x38;
	[tilespmem:$0x1E0C0] =	vst v63  }
0xa2: {  	s25 =	simm.s32 @!p1 $0x400;
	s24 =	sadd.s32 @!p1 $0x50, s11  }
0xa3: {  	[tilespmem:s25], [sflag:$0x1] =	stream.linear.gather @!p1 [hbm4b:s24+s6], $0x50, $0x38;
	[tilespmem:$0x1E0C0] =	vst v63  }
0xa4: {  	s25 =	simm.s32 $0x6  }
0xa5: {  	[tilespmem:s0], [sflag:$0x5] =	stream.indirect.gather [hbm4b:s4+s31], $0x80, s2, s31, $0xb8;
	[tilespmem:$0x1E0C0] =	vst v63  }
0xa6: {  	_ =	swait.ge [sflag:s25], $0x2800  }
0xa7: {  	[sflag:s25] =	ssyncset.done $0x0  }
0xa8: {  	s26 =	simm.s32 $0x480;
	[sflag:s25] =	ssyncadd.s32 $0xFFFFD800  }
0xa9: {  	[spmem:s1] =	stream.indirect.scatter.add.f32 [tilespmem:s12], [sflag:$0xA], $0x80, s26, s31, $0xb8;
	[tilespmem:$0x1E0C0] =	vst v63  }
0xaa: {  	_ =	swait.ge [sflag:s17], $0x2800  }
0xab: {  	[sflag:s17] =	ssyncset.done $0x0  }
0xac: {  	[sflag:s17] =	ssyncadd.s32 $0xFFFFD800  }
0xad: {  	_ =	swait.ge [sflag:s9], $0x50  }
0xae: {  	[sflag:s9] =	ssyncset.done $0x0  }
0xaf: {  	[sflag:s9] =	ssyncadd.s32 $0xFFFFFFB0  }
0xb0: {  	_ =	swait.ge [sflag:s9], $0x50  }
0xb1: {  	s24 =	rddreg [dreg:$0x4];
	[sflag:s9] =	ssyncset.done $0x0  }
0xb2: {  	s25 =	simm.s32 @!p1 $0x80;
	[sflag:s9] =	ssyncadd.s32 $0xFFFFFFB0;
	s24 =	sadd.s32 @!p1 $0x0, s24  }
0xb3: {  	[tilespmem:s25], [sflag:$0x2] =	stream.linear.gather @!p1 [hbm4b:s24+s6], $0x50, $0x38;
	[tilespmem:$0x1E0C0] =	vst v63  }
0xb4: {  	s24 =	sadd.s32 @!p1 $0x5A, s11;
	s25 =	simm.s32 @!p1 $0x480  }
0xb5: {  	[tilespmem:s25], [sflag:$0x2] =	stream.linear.gather @!p1 [hbm4b:s24+s6], $0x50, $0x38;
	[tilespmem:$0x1E0C0] =	vst v63  }
0xb6: {  	s28 =	simm.s32 $0x7  }
0xb7: {  	[tilespmem:s12], [sflag:$0x6] =	stream.indirect.gather [hbm4b:s4+s31], $0x80, s13, s31, $0xb8;
	[tilespmem:$0x1E0C0] =	vst v63  }
0xb8: {  	_ =	swait.ge [sflag:s28], $0x2800  }
0xb9: {  	[sflag:s28] =	ssyncset.done $0x0  }
0xba: {  	s29 =	simm.s32 $0x500;
	[sflag:s28] =	ssyncadd.s32 $0xFFFFD800  }
0xbb: {  	[spmem:s1] =	stream.indirect.scatter.add.f32 [tilespmem:s8], [sflag:$0xA], $0x80, s29, s31, $0xb8;
	[tilespmem:$0x1E0C0] =	vst v63  }
0xbc: {  	_ =	swait.ge [sflag:s17], $0x2800  }
0xbd: {  	[sflag:s17] =	ssyncset.done $0x0  }
0xbe: {  	[sflag:s17] =	ssyncadd.s32 $0xFFFFD800  }
0xbf: {  	_ =	swait.ge [sflag:s21], $0x50  }
0xc0: {  	[sflag:s21] =	ssyncset.done $0x0  }
0xc1: {  	[sflag:s21] =	ssyncadd.s32 $0xFFFFFFB0  }
0xc2: {  	_ =	swait.ge [sflag:s21], $0x50  }
0xc3: {  	s24 =	rddreg [dreg:$0x5];
	[sflag:s21] =	ssyncset.done $0x0  }
0xc4: {  	s25 =	simm.s32 @!p1 $0x100;
	[sflag:s21] =	ssyncadd.s32 $0xFFFFFFB0;
	s24 =	sadd.s32 @!p1 $0x0, s24  }
0xc5: {  	[tilespmem:s25], [sflag:$0x3] =	stream.linear.gather @!p1 [hbm4b:s24+s6], $0x50, $0x38;
	[tilespmem:$0x1E0C0] =	vst v63  }
0xc6: {  	s24 =	sadd.s32 @!p1 $0x64, s11;
	s25 =	simm.s32 @!p1 $0x500  }
0xc7: {  	[tilespmem:s25], [sflag:$0x3] =	stream.linear.gather @!p1 [hbm4b:s24+s6], $0x50, $0x38;
	[tilespmem:$0x1E0C0] =	vst v63  }
0xc8: {  	s30 =	simm.s32 $0x8  }
0xc9: {  	[tilespmem:s8], [sflag:$0x7] =	stream.indirect.gather [hbm4b:s4+s31], $0x80, s15, s31, $0xb8;
	[tilespmem:$0x1E0C0] =	vst v63  }
0xca: {  	_ =	swait.ge [sflag:s30], $0x2800  }
0xcb: {  	[sflag:s30] =	ssyncset.done $0x0  }
0xcc: {  	[sflag:s30] =	ssyncadd.s32 $0xFFFFD800  }
0xcd: {  	[spmem:s1] =	stream.indirect.scatter.add.f32 [tilespmem:s20], [sflag:$0xA], $0x80, s22, s31, $0xb8;
	[tilespmem:$0x1E0C0] =	vst v63  }
0xce: {  	_ =	swait.ge [sflag:s17], $0x2800  }
0xcf: {  	[sflag:s17] =	ssyncset.done $0x0  }
0xd0: {  	[sflag:s17] =	ssyncadd.s32 $0xFFFFD800  }
0xd1: {  	_ =	swait.ge [sflag:s23], $0x50  }
0xd2: {  	[sflag:s23] =	ssyncset.done $0x0  }
0xd3: {  	[sflag:s23] =	ssyncadd.s32 $0xFFFFFFB0  }
0xd4: {  	_ =	swait.ge [sflag:s23], $0x50  }
0xd5: {  	s24 =	rddreg [dreg:$0x6];
	[sflag:s23] =	ssyncset.done $0x0  }
0xd6: {  	s25 =	simm.s32 @!p1 $0x180;
	[sflag:s23] =	ssyncadd.s32 $0xFFFFFFB0;
	s24 =	sadd.s32 @!p1 $0x0, s24  }
0xd7: {  	[tilespmem:s25], [sflag:$0x4] =	stream.linear.gather @!p1 [hbm4b:s24+s6], $0x50, $0x38;
	[tilespmem:$0x1E0C0] =	vst v63  }
0xd8: {  	s11 =	sadd.s32 @!p1 $0x6E, s11;
	s24 =	simm.s32 @!p1 $0x580  }
0xd9: {  	[tilespmem:s24], [sflag:$0x4] =	stream.linear.gather @!p1 [hbm4b:s11+s6], $0x50, $0x38;
	[tilespmem:$0x1E0C0] =	vst v63  }
0xda: {  	_ = 	snop  }
0xdb: {  	[tilespmem:s20], [sflag:$0x8] =	stream.indirect.gather [hbm4b:s4+s31], $0x80, s5, s31, $0xb8;
	[tilespmem:$0x1E0C0] =	vst v63  }
0xdc: {  	_ =	swait.ge [sflag:s16], $0x2800  }
0xdd: {  	[sflag:s16] =	ssyncset.done $0x0  }
0xde: {  	p2 =	por $0x0, $0x0;
	[sflag:s16] =	ssyncadd.s32 $0xFFFFD800  }
0xdf: {  	[spmem:s1] =	stream.indirect.scatter.add.f32 [tilespmem:s0], [sflag:$0x9], $0x80, s10, s31, $0xb8;
	[tilespmem:$0x1E0C0] =	vst v63  }
0xe0: {  	s25 =	simm.s32 $0xA0;
	s24 =	simm.s32 $0x50;
	_ =	swait.ge [sflag:s7], $0x2800  }
.LBB2_2:
0xe1: {  	s7 =	simm.s32 $0x9  }
0xe2: {  	[sflag:s7] =	ssyncset.done $0x0  }
0xe3: {  	s6 =	simm.s32 @!p2 $0x1;
	[sflag:s7] =	ssyncadd.s32 $0xFFFFD800  }
0xe4: {  	_ =	swait.ge @!p2 [sflag:s6], $0x50  }
0xe5: {  	[sflag:s6] =	ssyncset.done @!p2 $0x0  }
0xe6: {  	[sflag:s6] =	ssyncadd.s32 @!p2 $0xFFFFFFB0  }
0xe7: {  	_ =	swait.ge @!p2 [sflag:s6], $0x50  }
0xe8: {  	s28 =	sadd.s32 s24, s19;
	s11 =	rddreg [dreg:$0xa];
	[sflag:s6] =	ssyncset.done @!p2 $0x0  }
0xe9: {  	s10 =	simm.s32 $0x200;
	[sflag:s6] =	ssyncadd.s32 @!p2 $0xFFFFFFB0;
	s14 =	sadd.s32 s24, s11  }
0xea: {  	[tilespmem:s10], [sflag:$0x1] =	stream.linear.gather [hbm4b:s14+s3], $0x50, $0x38;
	[tilespmem:$0x1E0C0] =	vst v63  }
0xeb: {  	s13 =	simm.s32 $0x600;
	s15 =	sadd.s32 $0x28, s28  }
0xec: {  	[tilespmem:s13], [sflag:$0x1] =	stream.linear.gather [hbm4b:s15+s3], $0x50, $0x38;
	[tilespmem:$0x1E0C0] =	vst v63  }
0xed: {  	s14 =	simm.s32 @!p2 $0x6  }
0xee: {  	[tilespmem:s0], [sflag:$0x5] =	stream.indirect.gather [hbm4b:s4+s31], $0x80, s3, s31, $0xb8;
	[tilespmem:$0x1E0C0] =	vst v63  }
0xef: {  	_ =	swait.ge @!p2 [sflag:s14], $0x2800  }
0xf0: {  	s29 =	simm.s32 @!p2 $0x3000;
	s30 =	simm.s32 @!p2 $0x680;
	[sflag:s14] =	ssyncset.done @!p2 $0x0  }
0xf1: {  	s6 =	simm.s32 @!p2 $0xA;
	s11 =	simm.s32 @!p2 $0x50;
	[sflag:s14] =	ssyncadd.s32 @!p2 $0xFFFFD800  }
0xf2: {  	[spmem:s1] =	stream.indirect.scatter.add.f32 @!p2 [tilespmem:s29], [sflag:$0xA], $0x80, s30, s11, $0xb8;
	[tilespmem:$0x1E0C0] =	vst v63  }
0xf3: {  	_ =	swait.ge @!p2 [sflag:s6], $0x2800  }
0xf4: {  	[sflag:s6] =	ssyncset.done @!p2 $0x0  }
0xf5: {  	s14 =	simm.s32 @!p2 $0x2;
	[sflag:s6] =	ssyncadd.s32 @!p2 $0xFFFFD800  }
0xf6: {  	_ =	swait.ge @!p2 [sflag:s14], $0x50  }
0xf7: {  	[sflag:s14] =	ssyncset.done @!p2 $0x0  }
0xf8: {  	[sflag:s14] =	ssyncadd.s32 @!p2 $0xFFFFFFB0  }
0xf9: {  	_ =	swait.ge @!p2 [sflag:s14], $0x50  }
0xfa: {  	s20 =	rddreg [dreg:$0x9];
	[sflag:s14] =	ssyncset.done @!p2 $0x0  }
0xfb: {  	[sflag:s14] =	ssyncadd.s32 @!p2 $0xFFFFFFB0;
	s22 =	sadd.s32 s24, s20;
	s20 =	simm.s32 $0x280  }
0xfc: {  	[tilespmem:s20], [sflag:$0x2] =	stream.linear.gather [hbm4b:s22+s3], $0x50, $0x38;
	[tilespmem:$0x1E0C0] =	vst v63  }
0xfd: {  	s2 =	simm.s32 $0x680;
	s29 =	sadd.s32 $0x32, s28  }
0xfe: {  	[tilespmem:s2], [sflag:$0x2] =	stream.linear.gather [hbm4b:s29+s3], $0x50, $0x38;
	[tilespmem:$0x1E0C0] =	vst v63  }
0xff: {  	s12 =	simm.s32 $0x3000;
	s30 =	simm.s32 $0x80;
	s14 =	simm.s32 @!p2 $0x7  }
0x100: {  	[tilespmem:s12], [sflag:$0x6] =	stream.indirect.gather [hbm4b:s4+s31], $0x80, s30, s31, $0xb8;
	[tilespmem:$0x1E0C0] =	vst v63  }
0x101: {  	_ =	swait.ge @!p2 [sflag:s14], $0x2800  }
0x102: {  	[sflag:s14] =	ssyncset.done @!p2 $0x0  }
0x103: {  	s29 =	simm.s32 @!p2 $0x700;
	s30 =	simm.s32 @!p2 $0x5800;
	[sflag:s14] =	ssyncadd.s32 @!p2 $0xFFFFD800  }
0x104: {  	[spmem:s1] =	stream.indirect.scatter.add.f32 @!p2 [tilespmem:s30], [sflag:$0xA], $0x80, s29, s11, $0xb8;
	[tilespmem:$0x1E0C0] =	vst v63  }
0x105: {  	_ =	swait.ge @!p2 [sflag:s6], $0x2800  }
0x106: {  	[sflag:s6] =	ssyncset.done @!p2 $0x0  }
0x107: {  	s14 =	simm.s32 @!p2 $0x3;
	[sflag:s6] =	ssyncadd.s32 @!p2 $0xFFFFD800  }
0x108: {  	_ =	swait.ge @!p2 [sflag:s14], $0x50  }
0x109: {  	[sflag:s14] =	ssyncset.done @!p2 $0x0  }
0x10a: {  	[sflag:s14] =	ssyncadd.s32 @!p2 $0xFFFFFFB0  }
0x10b: {  	_ =	swait.ge @!p2 [sflag:s14], $0x50  }
0x10c: {  	s5 =	rddreg [dreg:$0x8];
	[sflag:s14] =	ssyncset.done @!p2 $0x0  }
0x10d: {  	s15 =	simm.s32 $0x300;
	[sflag:s14] =	ssyncadd.s32 @!p2 $0xFFFFFFB0;
	s8 =	sadd.s32 s24, s5  }
0x10e: {  	[tilespmem:s15], [sflag:$0x3] =	stream.linear.gather [hbm4b:s8+s3], $0x50, $0x38;
	[tilespmem:$0x1E0C0] =	vst v63  }
0x10f: {  	s22 =	sadd.s32 $0x3C, s28;
	s29 =	simm.s32 $0x700  }
0x110: {  	[tilespmem:s29], [sflag:$0x3] =	stream.linear.gather [hbm4b:s22+s3], $0x50, $0x38;
	[tilespmem:$0x1E0C0] =	vst v63  }
0x111: {  	s30 =	simm.s32 $0x100;
	s14 =	simm.s32 @!p2 $0x8;
	s8 =	simm.s32 $0x5800  }
0x112: {  	[tilespmem:s8], [sflag:$0x7] =	stream.indirect.gather [hbm4b:s4+s31], $0x80, s30, s31, $0xb8;
	[tilespmem:$0x1E0C0] =	vst v63  }
0x113: {  	_ =	swait.ge @!p2 [sflag:s14], $0x2800  }
0x114: {  	[sflag:s14] =	ssyncset.done @!p2 $0x0  }
0x115: {  	s29 =	simm.s32 @!p2 $0x780;
	s30 =	simm.s32 @!p2 $0x8000;
	[sflag:s14] =	ssyncadd.s32 @!p2 $0xFFFFD800  }
0x116: {  	[spmem:s1] =	stream.indirect.scatter.add.f32 @!p2 [tilespmem:s30], [sflag:$0xA], $0x80, s29, s11, $0xb8;
	[tilespmem:$0x1E0C0] =	vst v63  }
0x117: {  	_ =	swait.ge @!p2 [sflag:s6], $0x2800  }
0x118: {  	[sflag:s6] =	ssyncset.done @!p2 $0x0  }
0x119: {  	s11 =	simm.s32 @!p2 $0x4;
	[sflag:s6] =	ssyncadd.s32 @!p2 $0xFFFFD800  }
0x11a: {  	_ =	swait.ge @!p2 [sflag:s11], $0x50  }
0x11b: {  	[sflag:s11] =	ssyncset.done @!p2 $0x0  }
0x11c: {  	[sflag:s11] =	ssyncadd.s32 @!p2 $0xFFFFFFB0  }
0x11d: {  	_ =	swait.ge @!p2 [sflag:s11], $0x50  }
0x11e: {  	s5 =	rddreg [dreg:$0x7];
	[sflag:s11] =	ssyncset.done @!p2 $0x0  }
0x11f: {  	[sflag:s11] =	ssyncadd.s32 @!p2 $0xFFFFFFB0;
	s6 =	sadd.s32 s24, s5;
	s5 =	simm.s32 $0x380  }
0x120: {  	[tilespmem:s5], [sflag:$0x4] =	stream.linear.gather [hbm4b:s6+s3], $0x50, $0x38;
	[tilespmem:$0x1E0C0] =	vst v63  }
0x121: {  	s22 =	simm.s32 $0x780;
	s14 =	sadd.s32 $0x46, s28  }
0x122: {  	[tilespmem:s22], [sflag:$0x4] =	stream.linear.gather [hbm4b:s14+s3], $0x50, $0x38;
	[tilespmem:$0x1E0C0] =	vst v63  }
0x123: {  	s28 =	simm.s32 $0x180;
	s22 =	simm.s32 $0x8000  }
0x124: {  	[tilespmem:s22], [sflag:$0x8] =	stream.indirect.gather [hbm4b:s4+s31], $0x80, s28, s31, $0xb8;
	[tilespmem:$0x1E0C0] =	vst v63  }
0x125: {  	_ =	swait.ge [sflag:s16], $0x2800  }
0x126: {  	[sflag:s16] =	ssyncset.done $0x0  }
0x127: {  	s29 =	simm.s32 $0x400;
	[sflag:s16] =	ssyncadd.s32 $0xFFFFD800  }
0x128: {  	[spmem:s1] =	stream.indirect.scatter.add.f32 [tilespmem:s0], [sflag:$0xA], $0x80, s29, s31, $0xb8;
	[tilespmem:$0x1E0C0] =	vst v63  }
0x129: {  	_ =	swait.ge [sflag:s17], $0x2800  }
0x12a: {  	[sflag:s17] =	ssyncset.done $0x0  }
0x12b: {  	[sflag:s17] =	ssyncadd.s32 $0xFFFFD800  }
0x12c: {  	_ =	swait.ge [sflag:s18], $0x50  }
0x12d: {  	[sflag:s18] =	ssyncset.done $0x0  }
0x12e: {  	[sflag:s18] =	ssyncadd.s32 $0xFFFFFFB0  }
0x12f: {  	p2 =	seq.s32 s24, $0x9B0;
	_ =	swait.ge [sflag:s18], $0x50  }
0x130: {  	s14 =	sadd.s32 @!p2 s24, s19;
	s6 =	rddreg [dreg:$0x3];
	[sflag:s18] =	ssyncset.done $0x0  }
0x131: {  	s28 =	simm.s32 @!p2 $0x0;
	[sflag:s18] =	ssyncadd.s32 $0xFFFFFFB0;
	s6 =	sadd.s32 @!p2 s24, s6  }
0x132: {  	[tilespmem:s28], [sflag:$0x1] =	stream.linear.gather @!p2 [hbm4b:s6+s28], $0x50, $0x38;
	[tilespmem:$0x1E0C0] =	vst v63  }
0x133: {  	s30 =	simm.s32 @!p2 $0x400;
	s29 =	sadd.s32 @!p2 $0x50, s14  }
0x134: {  	[tilespmem:s30], [sflag:$0x1] =	stream.linear.gather @!p2 [hbm4b:s29+s28], $0x50, $0x38;
	[tilespmem:$0x1E0C0] =	vst v63  }
0x135: {  	s30 =	simm.s32 $0x6  }
0x136: {  	[tilespmem:s0], [sflag:$0x5] =	stream.indirect.gather [hbm4b:s4+s31], $0x80, s10, s31, $0xb8;
	[tilespmem:$0x1E0C0] =	vst v63  }
0x137: {  	_ =	swait.ge [sflag:s30], $0x2800  }
0x138: {  	[sflag:s30] =	ssyncset.done $0x0  }
0x139: {  	s10 =	simm.s32 $0x480;
	[sflag:s30] =	ssyncadd.s32 $0xFFFFD800  }
0x13a: {  	[spmem:s1] =	stream.indirect.scatter.add.f32 [tilespmem:s12], [sflag:$0xA], $0x80, s10, s31, $0xb8;
	[tilespmem:$0x1E0C0] =	vst v63  }
0x13b: {  	_ =	swait.ge [sflag:s17], $0x2800  }
0x13c: {  	[sflag:s17] =	ssyncset.done $0x0  }
0x13d: {  	[sflag:s17] =	ssyncadd.s32 $0xFFFFD800  }
0x13e: {  	_ =	swait.ge [sflag:s9], $0x50  }
0x13f: {  	[sflag:s9] =	ssyncset.done $0x0  }
0x140: {  	[sflag:s9] =	ssyncadd.s32 $0xFFFFFFB0  }
0x141: {  	s2 =	sadd.s32 @!p2 $0x5A, s14;
	s11 =	sadd.s32 @!p2 $0x64, s14;
	_ =	swait.ge [sflag:s9], $0x50  }
0x142: {  	s6 =	sadd.s32 @!p2 $0x6E, s14;
	s14 =	rddreg [dreg:$0x4];
	[sflag:s9] =	ssyncset.done $0x0  }
0x143: {  	s29 =	simm.s32 @!p2 $0x80;
	[sflag:s9] =	ssyncadd.s32 $0xFFFFFFB0;
	s14 =	sadd.s32 @!p2 s24, s14  }
0x144: {  	[tilespmem:s29], [sflag:$0x2] =	stream.linear.gather @!p2 [hbm4b:s14+s28], $0x50, $0x38;
	[tilespmem:$0x1E0C0] =	vst v63  }
0x145: {  	s30 =	simm.s32 @!p2 $0x480  }
0x146: {  	[tilespmem:s30], [sflag:$0x2] =	stream.linear.gather @!p2 [hbm4b:s2+s28], $0x50, $0x38;
	[tilespmem:$0x1E0C0] =	vst v63  }
0x147: {  	s14 =	simm.s32 $0x7  }
0x148: {  	[tilespmem:s12], [sflag:$0x6] =	stream.indirect.gather [hbm4b:s4+s31], $0x80, s20, s31, $0xb8;
	[tilespmem:$0x1E0C0] =	vst v63  }
0x149: {  	_ =	swait.ge [sflag:s14], $0x2800  }
0x14a: {  	[sflag:s14] =	ssyncset.done $0x0  }
0x14b: {  	s20 =	simm.s32 $0x500;
	[sflag:s14] =	ssyncadd.s32 $0xFFFFD800  }
0x14c: {  	[spmem:s1] =	stream.indirect.scatter.add.f32 [tilespmem:s8], [sflag:$0xA], $0x80, s20, s31, $0xb8;
	[tilespmem:$0x1E0C0] =	vst v63  }
0x14d: {  	_ =	swait.ge [sflag:s17], $0x2800  }
0x14e: {  	[sflag:s17] =	ssyncset.done $0x0  }
0x14f: {  	[sflag:s17] =	ssyncadd.s32 $0xFFFFD800  }
0x150: {  	_ =	swait.ge [sflag:s21], $0x50  }
0x151: {  	[sflag:s21] =	ssyncset.done $0x0  }
0x152: {  	[sflag:s21] =	ssyncadd.s32 $0xFFFFFFB0  }
0x153: {  	_ =	swait.ge [sflag:s21], $0x50  }
0x154: {  	s2 =	rddreg [dreg:$0x5];
	[sflag:s21] =	ssyncset.done $0x0  }
0x155: {  	s14 =	simm.s32 @!p2 $0x100;
	[sflag:s21] =	ssyncadd.s32 $0xFFFFFFB0;
	s2 =	sadd.s32 @!p2 s24, s2  }
0x156: {  	[tilespmem:s14], [sflag:$0x3] =	stream.linear.gather @!p2 [hbm4b:s2+s28], $0x50, $0x38;
	[tilespmem:$0x1E0C0] =	vst v63  }
0x157: {  	s29 =	simm.s32 @!p2 $0x500  }
0x158: {  	[tilespmem:s29], [sflag:$0x3] =	stream.linear.gather @!p2 [hbm4b:s11+s28], $0x50, $0x38;
	[tilespmem:$0x1E0C0] =	vst v63  }
0x159: {  	s29 =	simm.s32 $0x8  }
0x15a: {  	[tilespmem:s8], [sflag:$0x7] =	stream.indirect.gather [hbm4b:s4+s31], $0x80, s15, s31, $0xb8;
	[tilespmem:$0x1E0C0] =	vst v63  }
0x15b: {  	_ =	swait.ge [sflag:s29], $0x2800  }
0x15c: {  	[sflag:s29] =	ssyncset.done $0x0  }
0x15d: {  	s30 =	simm.s32 $0x580;
	[sflag:s29] =	ssyncadd.s32 $0xFFFFD800  }
0x15e: {  	[spmem:s1] =	stream.indirect.scatter.add.f32 [tilespmem:s22], [sflag:$0xA], $0x80, s30, s31, $0xb8;
	[tilespmem:$0x1E0C0] =	vst v63  }
0x15f: {  	_ =	swait.ge [sflag:s17], $0x2800  }
0x160: {  	[sflag:s17] =	ssyncset.done $0x0  }
0x161: {  	[sflag:s17] =	ssyncadd.s32 $0xFFFFD800  }
0x162: {  	_ =	swait.ge [sflag:s23], $0x50  }
0x163: {  	[sflag:s23] =	ssyncset.done $0x0  }
0x164: {  	[sflag:s23] =	ssyncadd.s32 $0xFFFFFFB0  }
0x165: {  	_ =	swait.ge [sflag:s23], $0x50  }
0x166: {  	s2 =	rddreg [dreg:$0x6];
	[sflag:s23] =	ssyncset.done $0x0  }
0x167: {  	s11 =	simm.s32 @!p2 $0x180;
	[sflag:s23] =	ssyncadd.s32 $0xFFFFFFB0;
	s2 =	sadd.s32 @!p2 s24, s2  }
0x168: {  	[tilespmem:s11], [sflag:$0x4] =	stream.linear.gather @!p2 [hbm4b:s2+s28], $0x50, $0x38;
	[tilespmem:$0x1E0C0] =	vst v63  }
0x169: {  	s26 =	smov.u32 s25;
	s25 =	sadd.s32 $0x50, s25;
	s14 =	simm.s32 @!p2 $0x580  }
0x16a: {  	[tilespmem:s14], [sflag:$0x4] =	stream.linear.gather @!p2 [hbm4b:s6+s28], $0x50, $0x38;
	[tilespmem:$0x1E0C0] =	vst v63  }
0x16b: {  	p1 =	sne.s32 s25, $0xA00  }
0x16c: {  	[tilespmem:s22], [sflag:$0x8] =	stream.indirect.gather [hbm4b:s4+s31], $0x80, s5, s31, $0xb8;
	[tilespmem:$0x1E0C0] =	vst v63  }
.Ltmp0:
0x16d: {  	_ =	swait.ge [sflag:s16], $0x2800;
	(pc) =	sbr.rel @p1 .LBB2_2-.Ltmp0, $4  }
0x16e: {  	[sflag:s16] =	ssyncset.done $0x0  }
0x16f: {  	s24 =	smov.u32 s26;
	[sflag:s16] =	ssyncadd.s32 $0xFFFFD800  }
0x170: {  	[spmem:s1] =	stream.indirect.scatter.add.f32 [tilespmem:s0], [sflag:$0x9], $0x80, s13, s31, $0xb8;
	[tilespmem:$0x1E0C0] =	vst v63  }
0x171: {  	p2 =	seq.s32 s24, $0x0;
	_ =	swait.ge [sflag:s7], $0x2800  }
0x172: {  	s7 =	simm.s32 $0x9  }
0x173: {  	[sflag:s7] =	ssyncset.done $0x0  }
0x174: {  	s2 =	simm.s32 @!p2 $0x1;
	[sflag:s7] =	ssyncadd.s32 $0xFFFFD800  }
0x175: {  	_ =	swait.ge @!p2 [sflag:s2], $0x50  }
0x176: {  	[sflag:s2] =	ssyncset.done @!p2 $0x0  }
0x177: {  	[sflag:s2] =	ssyncadd.s32 @!p2 $0xFFFFFFB0  }
0x178: {  	_ =	swait.ge @!p2 [sflag:s2], $0x50  }
0x179: {  	s6 =	sadd.s32 s24, s19;
	s11 =	rddreg [dreg:$0xa];
	[sflag:s2] =	ssyncset.done @!p2 $0x0  }
0x17a: {  	s10 =	simm.s32 $0x200;
	[sflag:s2] =	ssyncadd.s32 @!p2 $0xFFFFFFB0;
	s22 =	sadd.s32 s24, s11  }
0x17b: {  	[tilespmem:s10], [sflag:$0x1] =	stream.linear.gather [hbm4b:s22+s3], $0x50, $0x38;
	[tilespmem:$0x1E0C0] =	vst v63  }
0x17c: {  	s13 =	simm.s32 $0x600;
	s25 =	sadd.s32 $0x28, s6  }
0x17d: {  	[tilespmem:s13], [sflag:$0x1] =	stream.linear.gather [hbm4b:s25+s3], $0x50, $0x38;
	[tilespmem:$0x1E0C0] =	vst v63  }
0x17e: {  	s2 =	simm.s32 @!p2 $0x6  }
0x17f: {  	[tilespmem:s0], [sflag:$0x5] =	stream.indirect.gather [hbm4b:s4+s31], $0x80, s3, s31, $0xb8;
	[tilespmem:$0x1E0C0] =	vst v63  }
0x180: {  	_ =	swait.ge @!p2 [sflag:s2], $0x2800  }
0x181: {  	s14 =	simm.s32 @!p2 $0xA;
	s11 =	simm.s32 @!p2 $0x3000;
	[sflag:s2] =	ssyncset.done @!p2 $0x0  }
0x182: {  	s25 =	simm.s32 @!p2 $0x50;
	[sflag:s2] =	ssyncadd.s32 @!p2 $0xFFFFD800;
	s2 =	simm.s32 @!p2 $0x680  }
0x183: {  	[spmem:s1] =	stream.indirect.scatter.add.f32 @!p2 [tilespmem:s11], [sflag:$0xA], $0x80, s2, s25, $0xb8;
	[tilespmem:$0x1E0C0] =	vst v63  }
0x184: {  	_ =	swait.ge @!p2 [sflag:s14], $0x2800  }
0x185: {  	[sflag:s14] =	ssyncset.done @!p2 $0x0  }
0x186: {  	s2 =	simm.s32 @!p2 $0x2;
	[sflag:s14] =	ssyncadd.s32 @!p2 $0xFFFFD800  }
0x187: {  	_ =	swait.ge @!p2 [sflag:s2], $0x50  }
0x188: {  	[sflag:s2] =	ssyncset.done @!p2 $0x0  }
0x189: {  	[sflag:s2] =	ssyncadd.s32 @!p2 $0xFFFFFFB0  }
0x18a: {  	_ =	swait.ge @!p2 [sflag:s2], $0x50  }
0x18b: {  	s26 =	rddreg [dreg:$0x9];
	[sflag:s2] =	ssyncset.done @!p2 $0x0  }
0x18c: {  	s20 =	simm.s32 $0x280;
	[sflag:s2] =	ssyncadd.s32 @!p2 $0xFFFFFFB0;
	s28 =	sadd.s32 s24, s26  }
0x18d: {  	[tilespmem:s20], [sflag:$0x2] =	stream.linear.gather [hbm4b:s28+s3], $0x50, $0x38;
	[tilespmem:$0x1E0C0] =	vst v63  }
0x18e: {  	s29 =	sadd.s32 $0x32, s6;
	s26 =	simm.s32 $0x680  }
0x18f: {  	[tilespmem:s26], [sflag:$0x2] =	stream.linear.gather [hbm4b:s29+s3], $0x50, $0x38;
	[tilespmem:$0x1E0C0] =	vst v63  }
0x190: {  	s30 =	simm.s32 $0x80;
	s12 =	simm.s32 $0x3000;
	s2 =	simm.s32 @!p2 $0x7  }
0x191: {  	[tilespmem:s12], [sflag:$0x6] =	stream.indirect.gather [hbm4b:s4+s31], $0x80, s30, s31, $0xb8;
	[tilespmem:$0x1E0C0] =	vst v63  }
0x192: {  	_ =	swait.ge @!p2 [sflag:s2], $0x2800  }
0x193: {  	[sflag:s2] =	ssyncset.done @!p2 $0x0  }
0x194: {  	s11 =	simm.s32 @!p2 $0x700;
	[sflag:s2] =	ssyncadd.s32 @!p2 $0xFFFFD800;
	s2 =	simm.s32 @!p2 $0x5800  }
0x195: {  	[spmem:s1] =	stream.indirect.scatter.add.f32 @!p2 [tilespmem:s2], [sflag:$0xA], $0x80, s11, s25, $0xb8;
	[tilespmem:$0x1E0C0] =	vst v63  }
0x196: {  	_ =	swait.ge @!p2 [sflag:s14], $0x2800  }
0x197: {  	[sflag:s14] =	ssyncset.done @!p2 $0x0  }
0x198: {  	s2 =	simm.s32 @!p2 $0x3;
	[sflag:s14] =	ssyncadd.s32 @!p2 $0xFFFFD800  }
0x199: {  	_ =	swait.ge @!p2 [sflag:s2], $0x50  }
0x19a: {  	[sflag:s2] =	ssyncset.done @!p2 $0x0  }
0x19b: {  	[sflag:s2] =	ssyncadd.s32 @!p2 $0xFFFFFFB0  }
0x19c: {  	_ =	swait.ge @!p2 [sflag:s2], $0x50  }
0x19d: {  	s5 =	rddreg [dreg:$0x8];
	[sflag:s2] =	ssyncset.done @!p2 $0x0  }
0x19e: {  	s15 =	simm.s32 $0x300;
	[sflag:s2] =	ssyncadd.s32 @!p2 $0xFFFFFFB0;
	s8 =	sadd.s32 s24, s5  }
0x19f: {  	[tilespmem:s15], [sflag:$0x3] =	stream.linear.gather [hbm4b:s8+s3], $0x50, $0x38;
	[tilespmem:$0x1E0C0] =	vst v63  }
0x1a0: {  	s28 =	simm.s32 $0x700;
	s11 =	sadd.s32 $0x3C, s6  }
0x1a1: {  	[tilespmem:s28], [sflag:$0x3] =	stream.linear.gather [hbm4b:s11+s3], $0x50, $0x38;
	[tilespmem:$0x1E0C0] =	vst v63  }
0x1a2: {  	s22 =	simm.s32 $0x100;
	s2 =	simm.s32 @!p2 $0x8;
	s8 =	simm.s32 $0x5800  }
0x1a3: {  	[tilespmem:s8], [sflag:$0x7] =	stream.indirect.gather [hbm4b:s4+s31], $0x80, s22, s31, $0xb8;
	[tilespmem:$0x1E0C0] =	vst v63  }
0x1a4: {  	_ =	swait.ge @!p2 [sflag:s2], $0x2800  }
0x1a5: {  	[sflag:s2] =	ssyncset.done @!p2 $0x0  }
0x1a6: {  	s11 =	simm.s32 @!p2 $0x780;
	[sflag:s2] =	ssyncadd.s32 @!p2 $0xFFFFD800;
	s2 =	simm.s32 @!p2 $0x8000  }
0x1a7: {  	[spmem:s1] =	stream.indirect.scatter.add.f32 @!p2 [tilespmem:s2], [sflag:$0xA], $0x80, s11, s25, $0xb8;
	[tilespmem:$0x1E0C0] =	vst v63  }
0x1a8: {  	_ =	swait.ge @!p2 [sflag:s14], $0x2800  }
0x1a9: {  	[sflag:s14] =	ssyncset.done @!p2 $0x0  }
0x1aa: {  	s2 =	simm.s32 @!p2 $0x4;
	[sflag:s14] =	ssyncadd.s32 @!p2 $0xFFFFD800  }
0x1ab: {  	_ =	swait.ge @!p2 [sflag:s2], $0x50  }
0x1ac: {  	[sflag:s2] =	ssyncset.done @!p2 $0x0  }
0x1ad: {  	[sflag:s2] =	ssyncadd.s32 @!p2 $0xFFFFFFB0  }
0x1ae: {  	_ =	swait.ge @!p2 [sflag:s2], $0x50  }
0x1af: {  	s25 =	rddreg [dreg:$0x7];
	[sflag:s2] =	ssyncset.done @!p2 $0x0  }
0x1b0: {  	s5 =	simm.s32 $0x380;
	[sflag:s2] =	ssyncadd.s32 @!p2 $0xFFFFFFB0;
	s29 =	sadd.s32 s24, s25  }
0x1b1: {  	[tilespmem:s5], [sflag:$0x4] =	stream.linear.gather [hbm4b:s29+s3], $0x50, $0x38;
	[tilespmem:$0x1E0C0] =	vst v63  }
0x1b2: {  	s30 =	sadd.s32 $0x46, s6;
	s25 =	simm.s32 $0x780  }
0x1b3: {  	[tilespmem:s25], [sflag:$0x4] =	stream.linear.gather [hbm4b:s30+s3], $0x50, $0x38;
	[tilespmem:$0x1E0C0] =	vst v63  }
0x1b4: {  	s6 =	simm.s32 $0x180;
	s22 =	simm.s32 $0x8000  }
0x1b5: {  	[tilespmem:s22], [sflag:$0x8] =	stream.indirect.gather [hbm4b:s4+s31], $0x80, s6, s31, $0xb8;
	[tilespmem:$0x1E0C0] =	vst v63  }
0x1b6: {  	_ =	swait.ge [sflag:s16], $0x2800  }
0x1b7: {  	[sflag:s16] =	ssyncset.done $0x0  }
0x1b8: {  	s11 =	simm.s32 $0x400;
	[sflag:s16] =	ssyncadd.s32 $0xFFFFD800  }
0x1b9: {  	[spmem:s1] =	stream.indirect.scatter.add.f32 [tilespmem:s0], [sflag:$0xA], $0x80, s11, s31, $0xb8;
	[tilespmem:$0x1E0C0] =	vst v63  }
0x1ba: {  	_ =	swait.ge [sflag:s17], $0x2800  }
0x1bb: {  	[sflag:s17] =	ssyncset.done $0x0  }
0x1bc: {  	[sflag:s17] =	ssyncadd.s32 $0xFFFFD800  }
0x1bd: {  	_ =	swait.ge [sflag:s18], $0x50  }
0x1be: {  	[sflag:s18] =	ssyncset.done $0x0  }
0x1bf: {  	[sflag:s18] =	ssyncadd.s32 $0xFFFFFFB0  }
0x1c0: {  	p1 =	seq.s32 s24, $0x9B0;
	_ =	swait.ge [sflag:s18], $0x50  }
0x1c1: {  	s6 =	simm.s32 @!p1 $0x0;
	s2 =	rddreg [dreg:$0x3];
	[sflag:s18] =	ssyncset.done $0x0  }
0x1c2: {  	s11 =	sadd.s32 @!p1 s24, s19;
	[sflag:s18] =	ssyncadd.s32 $0xFFFFFFB0;
	s2 =	sadd.s32 @!p1 s24, s2  }
0x1c3: {  	[tilespmem:s6], [sflag:$0x1] =	stream.linear.gather @!p1 [hbm4b:s2+s6], $0x50, $0x38;
	[tilespmem:$0x1E0C0] =	vst v63  }
0x1c4: {  	s14 =	simm.s32 @!p1 $0x400;
	s2 =	sadd.s32 @!p1 $0x50, s11  }
0x1c5: {  	[tilespmem:s14], [sflag:$0x1] =	stream.linear.gather @!p1 [hbm4b:s2+s6], $0x50, $0x38;
	[tilespmem:$0x1E0C0] =	vst v63  }
0x1c6: {  	_ = 	snop  }
0x1c7: {  	[tilespmem:s0], [sflag:$0x5] =	stream.indirect.gather [hbm4b:s4+s31], $0x80, s10, s31, $0xb8;
	[tilespmem:$0x1E0C0] =	vst v63  }
0x1c8: {  	s10 =	simm.s32 $0x6  }
0x1c9: {  	_ =	swait.ge [sflag:s10], $0x2800  }
0x1ca: {  	[sflag:s10] =	ssyncset.done $0x0  }
0x1cb: {  	s14 =	simm.s32 $0x480;
	[sflag:s10] =	ssyncadd.s32 $0xFFFFD800  }
0x1cc: {  	[spmem:s1] =	stream.indirect.scatter.add.f32 [tilespmem:s12], [sflag:$0xA], $0x80, s14, s31, $0xb8;
	[tilespmem:$0x1E0C0] =	vst v63  }
0x1cd: {  	_ =	swait.ge [sflag:s17], $0x2800  }
0x1ce: {  	[sflag:s17] =	ssyncset.done $0x0  }
0x1cf: {  	[sflag:s17] =	ssyncadd.s32 $0xFFFFD800  }
0x1d0: {  	_ =	swait.ge [sflag:s9], $0x50  }
0x1d1: {  	[sflag:s9] =	ssyncset.done $0x0  }
0x1d2: {  	[sflag:s9] =	ssyncadd.s32 $0xFFFFFFB0  }
0x1d3: {  	_ =	swait.ge [sflag:s9], $0x50  }
0x1d4: {  	s2 =	rddreg [dreg:$0x4];
	[sflag:s9] =	ssyncset.done $0x0  }
0x1d5: {  	s14 =	simm.s32 @!p1 $0x80;
	[sflag:s9] =	ssyncadd.s32 $0xFFFFFFB0;
	s2 =	sadd.s32 @!p1 s24, s2  }
0x1d6: {  	[tilespmem:s14], [sflag:$0x2] =	stream.linear.gather @!p1 [hbm4b:s2+s6], $0x50, $0x38;
	[tilespmem:$0x1E0C0] =	vst v63  }
0x1d7: {  	s2 =	sadd.s32 @!p1 $0x5A, s11;
	s14 =	simm.s32 @!p1 $0x480  }
0x1d8: {  	[tilespmem:s14], [sflag:$0x2] =	stream.linear.gather @!p1 [hbm4b:s2+s6], $0x50, $0x38;
	[tilespmem:$0x1E0C0] =	vst v63  }
0x1d9: {  	_ = 	snop  }
0x1da: {  	[tilespmem:s12], [sflag:$0x6] =	stream.indirect.gather [hbm4b:s4+s31], $0x80, s20, s31, $0xb8;
	[tilespmem:$0x1E0C0] =	vst v63  }
0x1db: {  	s20 =	simm.s32 $0x7  }
0x1dc: {  	_ =	swait.ge [sflag:s20], $0x2800  }
0x1dd: {  	[sflag:s20] =	ssyncset.done $0x0  }
0x1de: {  	s29 =	simm.s32 $0x500;
	[sflag:s20] =	ssyncadd.s32 $0xFFFFD800  }
0x1df: {  	[spmem:s1] =	stream.indirect.scatter.add.f32 [tilespmem:s8], [sflag:$0xA], $0x80, s29, s31, $0xb8;
	[tilespmem:$0x1E0C0] =	vst v63  }
0x1e0: {  	_ =	swait.ge [sflag:s17], $0x2800  }
0x1e1: {  	[sflag:s17] =	ssyncset.done $0x0  }
0x1e2: {  	[sflag:s17] =	ssyncadd.s32 $0xFFFFD800  }
0x1e3: {  	_ =	swait.ge [sflag:s21], $0x50  }
0x1e4: {  	[sflag:s21] =	ssyncset.done $0x0  }
0x1e5: {  	[sflag:s21] =	ssyncadd.s32 $0xFFFFFFB0  }
0x1e6: {  	_ =	swait.ge [sflag:s21], $0x50  }
0x1e7: {  	s2 =	rddreg [dreg:$0x5];
	[sflag:s21] =	ssyncset.done $0x0  }
0x1e8: {  	s14 =	simm.s32 @!p1 $0x100;
	[sflag:s21] =	ssyncadd.s32 $0xFFFFFFB0;
	s2 =	sadd.s32 @!p1 s24, s2  }
0x1e9: {  	[tilespmem:s14], [sflag:$0x3] =	stream.linear.gather @!p1 [hbm4b:s2+s6], $0x50, $0x38;
	[tilespmem:$0x1E0C0] =	vst v63  }
0x1ea: {  	s2 =	sadd.s32 @!p1 $0x64, s11;
	s14 =	simm.s32 @!p1 $0x500  }
0x1eb: {  	[tilespmem:s14], [sflag:$0x3] =	stream.linear.gather @!p1 [hbm4b:s2+s6], $0x50, $0x38;
	[tilespmem:$0x1E0C0] =	vst v63  }
0x1ec: {  	s30 =	simm.s32 $0x8  }
0x1ed: {  	[tilespmem:s8], [sflag:$0x7] =	stream.indirect.gather [hbm4b:s4+s31], $0x80, s15, s31, $0xb8;
	[tilespmem:$0x1E0C0] =	vst v63  }
0x1ee: {  	_ =	swait.ge [sflag:s30], $0x2800  }
0x1ef: {  	[sflag:s30] =	ssyncset.done $0x0  }
0x1f0: {  	s14 =	simm.s32 $0x580;
	[sflag:s30] =	ssyncadd.s32 $0xFFFFD800  }
0x1f1: {  	[spmem:s1] =	stream.indirect.scatter.add.f32 [tilespmem:s22], [sflag:$0xA], $0x80, s14, s31, $0xb8;
	[tilespmem:$0x1E0C0] =	vst v63  }
0x1f2: {  	_ =	swait.ge [sflag:s17], $0x2800  }
0x1f3: {  	[sflag:s17] =	ssyncset.done $0x0  }
0x1f4: {  	[sflag:s17] =	ssyncadd.s32 $0xFFFFD800  }
0x1f5: {  	_ =	swait.ge [sflag:s23], $0x50  }
0x1f6: {  	[sflag:s23] =	ssyncset.done $0x0  }
0x1f7: {  	[sflag:s23] =	ssyncadd.s32 $0xFFFFFFB0  }
0x1f8: {  	_ =	swait.ge [sflag:s23], $0x50  }
0x1f9: {  	s2 =	rddreg [dreg:$0x6];
	[sflag:s23] =	ssyncset.done $0x0  }
0x1fa: {  	s14 =	simm.s32 @!p1 $0x180;
	[sflag:s23] =	ssyncadd.s32 $0xFFFFFFB0;
	s2 =	sadd.s32 @!p1 s24, s2  }
0x1fb: {  	[tilespmem:s14], [sflag:$0x4] =	stream.linear.gather @!p1 [hbm4b:s2+s6], $0x50, $0x38;
	[tilespmem:$0x1E0C0] =	vst v63  }
0x1fc: {  	s2 =	sadd.s32 @!p1 $0x6E, s11;
	s11 =	simm.s32 @!p1 $0x580  }
0x1fd: {  	[tilespmem:s11], [sflag:$0x4] =	stream.linear.gather @!p1 [hbm4b:s2+s6], $0x50, $0x38;
	[tilespmem:$0x1E0C0] =	vst v63  }
0x1fe: {  	_ = 	snop  }
0x1ff: {  	[tilespmem:s22], [sflag:$0x8] =	stream.indirect.gather [hbm4b:s4+s31], $0x80, s5, s31, $0xb8;
	[tilespmem:$0x1E0C0] =	vst v63  }
0x200: {  	_ =	swait.ge [sflag:s16], $0x2800  }
0x201: {  	[sflag:s16] =	ssyncset.done $0x0  }
0x202: {  	[sflag:s16] =	ssyncadd.s32 $0xFFFFD800  }
0x203: {  	[spmem:s1] =	stream.indirect.scatter.add.f32 [tilespmem:s0], [sflag:$0x9], $0x80, s13, s31, $0xb8;
	[tilespmem:$0x1E0C0] =	vst v63  }
0x204: {  	_ =	swait.ge [sflag:s7], $0x2800  }
0x205: {  	[sflag:s7] =	ssyncset.done $0x0  }
0x206: {  	[sflag:s7] =	ssyncadd.s32 $0xFFFFD800  }
0x207: {  	_ =	swait.ge [sflag:s10], $0x2800  }
0x208: {  	[sflag:s10] =	ssyncset.done $0x0  }
0x209: {  	[sflag:s10] =	ssyncadd.s32 $0xFFFFD800  }
0x20a: {  	[spmem:s1] =	stream.indirect.scatter.add.f32 [tilespmem:s12], [sflag:$0x9], $0x80, s26, s31, $0xb8;
	[tilespmem:$0x1E0C0] =	vst v63  }
0x20b: {  	_ =	swait.ge [sflag:s7], $0x2800  }
0x20c: {  	[sflag:s7] =	ssyncset.done $0x0  }
0x20d: {  	[sflag:s7] =	ssyncadd.s32 $0xFFFFD800  }
0x20e: {  	_ =	swait.ge [sflag:s20], $0x2800  }
0x20f: {  	[sflag:s20] =	ssyncset.done $0x0  }
0x210: {  	[sflag:s20] =	ssyncadd.s32 $0xFFFFD800  }
0x211: {  	[spmem:s1] =	stream.indirect.scatter.add.f32 [tilespmem:s8], [sflag:$0x9], $0x80, s28, s31, $0xb8;
	[tilespmem:$0x1E0C0] =	vst v63  }
0x212: {  	_ =	swait.ge [sflag:s7], $0x2800  }
0x213: {  	[sflag:s7] =	ssyncset.done $0x0  }
0x214: {  	[sflag:s7] =	ssyncadd.s32 $0xFFFFD800  }
0x215: {  	_ =	swait.ge [sflag:s30], $0x2800  }
0x216: {  	[sflag:s30] =	ssyncset.done $0x0  }
0x217: {  	[sflag:s30] =	ssyncadd.s32 $0xFFFFD800  }
0x218: {  	[spmem:s1] =	stream.indirect.scatter.add.f32 [tilespmem:s22], [sflag:$0x9], $0x80, s25, s31, $0xb8;
	[tilespmem:$0x1E0C0] =	vst v63  }
0x219: {  	_ =	swait.ge [sflag:s7], $0x2800  }
0x21a: {  	[sflag:s7] =	ssyncset.done $0x0  }
0x21b: {  	[sflag:s7] =	ssyncadd.s32 $0xFFFFD800  }
0x21c: {  	[bflag:$0x0] =	sbarrier.arrive $0xFFFF  }
0x21d: {  	s6 =	rddreg [dreg:$0x17]  }
0x21e: {  	s2 =	simm.s32 @p0 $0x1FC9;
	s5 =	rddreg [dreg:$0x1a]  }
0x21f: {  	[hbm:s6], [sflag:s2] =	dma.local @p0 [spmem:s5], $0x2800  }
0x220: {  	s2 =	simm.s32 @p0 $0x9  }
0x221: {  	_ =	swait.ge @p0 [sflag:s2], $0x2800  }
0x222: {  	s5 =	rddreg [dreg:$0x1b]  }
0x223: {  	[sflag:s2] =	ssyncset.done @p0 $0x0;
	s6 =	rddreg [dreg:$0x1c]  }
0x224: {  	[sflag:s2] =	ssyncadd.s32 @p0 $0xFFFFD800;
	s2 =	rddreg [dreg:$0x16]  }
0x225: {  	[hbm:s2], [sflag:s5] =	dma.local @!p0 [spmem:s6], $0x2700  }
0x226: {  	s2 =	simm.s32 @!p0 $0x9  }
0x227: {  	_ =	swait.ge @!p0 [sflag:s2], $0x2700  }
0x228: {  	s29 =	rddreg [dreg:$0x19]  }
0x229: {  	s30 =	rddreg [dreg:$0x18];
	s5 =	sadd.s32 $0x1, s29  }
0x22a: {  	p1 =	sne.s32 s5, s30  }
.Ltmp1:
0x22b: {  	_ = 	snop;
	(pc) =	sbr.rel @p1 .LBB2_1-.Ltmp1, $3  }
0x22c: {  	_ =	sdelay $0x1  }
0x22d: {  	[sflag:s2] =	ssyncset.done @!p0 $0x0  }
0x22e: {  	[sflag:s2] =	ssyncadd.s32 @!p0 $0xFFFFD900  }
0x22f: {  	_ =	sfence.sel $0x180000  }
0x230: {  	[bflag:$0x0] =	sbarrier.arrive $0xFFFF  }
0x231: {  	_ =	strace $0x9000004D  }
0x232: {  	s0 =	stileid.u32;
	[bflag:$0x2] =	sbarrier.arrive $0xFFFF  }
0x233: {  	p0 =	sne.s32 s0, $0x0;
	s0 =	rddreg [dreg:$0x2]  }
0x234: {  	s0 =	sadd.s32 @!p0 $0x100000, s0  }
0x235: {  	[sflag:s0] =	ssyncadd.tile.s32 @!p0 $0x1;
	_ =	shalt  }
.Lfunc_end2:
_tile_overlayer_lowered:
.L_overlay_start_2:
0x236: {  	(tag) =	ssettag $0x2  }
0x237: {  	s0 =	rddreg [dreg:$0x0];
	s2 =	stileid.u32  }
0x238: {  	s1 =	rddreg [dreg:$0x1];
	p0 =	sne.s32 s2, $0x0  }
0x239: {  	s3 =	rddreg [dreg:$0x2];
	[bflag:$0x3] =	sbarrier.arrive $0xFFFF;
	s2 =	simm.s32 @!p0 $0x1C09  }
0x23a: {  	[timem:s3], [sflag:s2] =	dma.local @!p0 [hbm:s0], s1  }
0x23b: {  	s0 =	simm.s32 @!p0 $0x9  }
0x23c: {  	_ =	swait.ge @!p0 [sflag:s0], s1  }
0x23d: {  	s1 =	ssub.s32 @!p0 $0x0, s1;
	[sflag:s0] =	ssyncset.done @!p0 $0x0  }
0x23e: {  	[sflag:s0] =	ssyncadd.s32 @!p0 s1  }
0x23f: {  	[bflag:$0x3] =	sbarrier.arrive $0xFFFF  }
0x240: {  	_ =	shalt  }

// kernel: kernel.9.cloned.1.call-start
scs
__scs_entry_jumppad:
0x0: {  	(pc) =	sbr.rel $0x88, $3  }
0x1: {  	(tag) =	ssettag $0x0;
	lr =	simm.s32 $0x1  }
0x2: {  	[smem:$0x3F98] =	sst lr;
	_ =	strace $0xD0000000  }
0x3: {  	_ = 	snop  }
0x4: {  	_ = 	snop  }
0x5: {  	_ = 	snop  }
0x6: {  	_ = 	snop  }
0x7: {  	_ = 	snop  }
__scs_overlays_trampoline_lowered:
0x8: {  	[smem:$0x3FA7] =	sst s0  }
0x9: {  	[smem:$0x3FA8] =	sst s1  }
0xa: {  	[smem:$0x3FA9] =	sst s2  }
0xb: {  	[smem:$0x3FAA] =	sst s3  }
0xc: {  	[smem:$0x3FAB] =	sst s4  }
0xd: {  	[smem:$0x3FAC] =	sst s5  }
0xe: {  	[smem:$0x3FAD] =	sst s6  }
0xf: {  	[smem:$0x3FAE] =	sst s7  }
0x10: {  	[smem:$0x3FAF] =	sst s8  }
0x11: {  	[smem:$0x3FB0] =	sst s9;
	s0 =	simm.s32 @!p0 $0x0  }
0x12: {  	s1 =	sld [smem:$0x3F96];
	s0 =	simm.s32 @p0 $0x1  }
0x13: {  	[smem:$0x3FB1] =	sst s0;
	s0 =	simm.s32 @!p1 $0x0  }
0x14: {  	s2 =	sld [smem:$0x3F95];
	s0 =	simm.s32 @p1 $0x1  }
0x15: {  	[smem:$0x3FB2] =	sst s0;
	s0 =	simm.s32 @!p2 $0x0  }
0x16: {  	s3 =	sld [smem:$0x3FDB];
	s0 =	simm.s32 @p2 $0x1  }
0x17: {  	s4 =	simm.s32 $0x1BF5;
	[smem:$0x3FB4] =	sst s0  }
0x18: {  	s0 =	sld [smem:$0x3F97];
	_ =	swait.ge [sflag:s4], $0x0  }
0x19: {  	s7 =	sld [smem:$0x3F98]  }
0x1a: {  	s8 =	sadd.s32 $0xFFFFE003, lr  }
0x1b: {  	s9 =	sadd.s32 $0xFFFFFEF7, lr;
	s5 =	simm.s32 $0xFFFFFFFF;
	p2 =	slt.u32 s8, $0xFFFFF086  }
0x1c: {  	p1 =	slt.u32 s9, $0xF7A;
	s5 =	simm.s32 @!p2 $0x0  }
0x1d: {  	s5 =	simm.s32 @p1 $0x1;
	p0 =	seq.s32 s7, s2  }
0x1e: {  	s7 =	smul.u32 @!p0 $0xF7A, s2;
	p2 =	seq.s32 @!p0 s5, $0x0  }
0x1f: {  	s9 =	smul.u32 $0xF7A, s1;
	s8 =	simm.s32 @!p0 $0x1BF5;
	p2 =	por !p2, p0  }
0x20: {  	[sflag:s8] =	ssyncset.s32 @!p0 $0xFFFFF086;
	s6 =	sadd.s32 @!p0 s3, s7;
	s7 =	simm.s32 @!p0 $0x108  }
0x21: {  	s3 =	sadd.s32 s3, s9;
	s6 =	sadd.s32 @!p0 $0x88, s6;
	s7 =	simm.s32 @p2 $0x1082  }
0x22: {  	[simem:s7], [sflag:s8] =	dma.local @!p0 [hbm:s6], $0xF7A  }
0x23: {  	s9 =	sor.u32 $0xD0000000, s2;
	s6 =	simm.s32 $0x108;
	_ =	swait.ge @!p0 [sflag:s8], $0x0  }
0x24: {  	s3 =	sadd.s32 $0x88, s3;
	s6 =	simm.s32 @!p1 $0x1082;
	[sflag:s4] =	ssyncset.s32 $0xFFFFF086  }
0x25: {  	[simem:s6], [sflag:s4] =	dma.local [hbm:s3], $0xF7A  }
0x26: {  	[smem:$0x3F98] =	sst s1;
	(tag) =	ssettag s2;
	_ =	strace s9  }
0x27: {  	s1 =	sld [smem:$0x3FA8]  }
0x28: {  	s2 =	sld [smem:$0x3FA9]  }
0x29: {  	s4 =	sld [smem:$0x3FAB]  }
0x2a: {  	p0 =	seq.s32 s5, $0x0;
	s5 =	sld [smem:$0x3FAC]  }
0x2b: {  	s6 =	sld [smem:$0x3FAD]  }
0x2c: {  	s7 =	sld [smem:$0x3FAE]  }
0x2d: {  	s3 =	simm.s32 $0x108;
	s8 =	sld [smem:$0x3FAF]  }
0x2e: {  	s3 =	simm.s32 @!p0 $0x1082;
	s9 =	sld [smem:$0x3FB0]  }
0x2f: {  	lr =	sadd.s32 s0, s3;
	s0 =	sld [smem:$0x3FA7]  }
0x30: {  	s3 =	sld [smem:$0x3FAA]  }
0x31: {  	[smem:$0x3FB3] =	sst s10  }
0x32: {  	s10 =	sld [smem:$0x3FB1];
	_ =	sdelay $0x3  }
0x33: {  	p0 =	seq.s32 s10, $0x1;
	s10 =	sld [smem:$0x3FB3];
	_ =	sdelay $0x3  }
0x34: {  	[smem:$0x3FB3] =	sst s10  }
0x35: {  	s10 =	sld [smem:$0x3FB2];
	_ =	sdelay $0x3  }
0x36: {  	p1 =	seq.s32 s10, $0x1;
	s10 =	sld [smem:$0x3FB3];
	_ =	sdelay $0x3  }
0x37: {  	[smem:$0x3FB3] =	sst s10  }
0x38: {  	s10 =	sld [smem:$0x3FB4]  }
0x39: {  	_ = 	snop;
	(pc) =	sbr.ind lr, $3  }
0x3a: {  	_ = 	snop  }
0x3b: {  	_ = 	snop  }
0x3c: {  	p2 =	seq.s32 s10, $0x1;
	s10 =	sld [smem:$0x3FB3]  }
0x3d: {  	_ =	shalt  }
0x3e: {  	_ =	shalt  }
0x3f: {  	_ =	shalt  }
0x40: {  	_ =	shalt  }
0x41: {  	_ =	shalt  }
0x42: {  	_ =	shalt  }
0x43: {  	_ =	shalt  }
0x44: {  	_ =	shalt  }
0x45: {  	_ =	shalt  }
0x46: {  	_ =	shalt  }
0x47: {  	_ =	shalt  }
0x48: {  	_ =	shalt  }
0x49: {  	_ =	shalt  }
0x4a: {  	_ =	shalt  }
0x4b: {  	_ =	shalt  }
0x4c: {  	_ =	shalt  }
0x4d: {  	_ =	shalt  }
0x4e: {  	_ =	shalt  }
0x4f: {  	_ =	shalt  }
0x50: {  	_ =	shalt  }
0x51: {  	_ =	shalt  }
0x52: {  	_ =	shalt  }
0x53: {  	_ =	shalt  }
0x54: {  	_ =	shalt  }
0x55: {  	_ =	shalt  }
0x56: {  	_ =	shalt  }
0x57: {  	_ =	shalt  }
0x58: {  	_ =	shalt  }
0x59: {  	_ =	shalt  }
0x5a: {  	_ =	shalt  }
0x5b: {  	_ =	shalt  }
0x5c: {  	_ =	shalt  }
0x5d: {  	_ =	shalt  }
0x5e: {  	_ =	shalt  }
0x5f: {  	_ =	shalt  }
0x60: {  	_ =	shalt  }
0x61: {  	_ =	shalt  }
0x62: {  	_ =	shalt  }
0x63: {  	_ =	shalt  }
0x64: {  	_ =	shalt  }
0x65: {  	_ =	shalt  }
0x66: {  	_ =	shalt  }
0x67: {  	_ =	shalt  }
0x68: {  	_ =	shalt  }
0x69: {  	_ =	shalt  }
0x6a: {  	_ =	shalt  }
0x6b: {  	_ =	shalt  }
0x6c: {  	_ =	shalt  }
0x6d: {  	_ =	shalt  }
0x6e: {  	_ =	shalt  }
0x6f: {  	_ =	shalt  }
0x70: {  	_ =	shalt  }
0x71: {  	_ =	shalt  }
0x72: {  	_ =	shalt  }
0x73: {  	_ =	shalt  }
0x74: {  	_ =	shalt  }
0x75: {  	_ =	shalt  }
0x76: {  	_ =	shalt  }
0x77: {  	_ =	shalt  }
0x78: {  	_ =	shalt  }
0x79: {  	_ =	shalt  }
0x7a: {  	_ =	shalt  }
0x7b: {  	_ =	shalt  }
0x7c: {  	_ =	shalt  }
0x7d: {  	_ =	shalt  }
0x7e: {  	_ =	shalt  }
0x7f: {  	_ =	shalt  }
0x80: {  	_ =	shalt  }
0x81: {  	_ =	shalt  }
0x82: {  	_ =	shalt  }
0x83: {  	_ =	shalt  }
0x84: {  	_ =	shalt  }
0x85: {  	_ =	shalt  }
0x86: {  	_ =	shalt  }
0x87: {  	_ =	shalt  }
.Lfunc_end0:
.L_simem_size_0:
called_computation_lowered:
.L_overlay_start_0:
0x88: {  	s2 =	sld [smem:$0x3FD9]  }
0x89: {  	s3 =	sld [smem:$0x3FFE];
	_ =	sdelay $0x1  }
0x8a: {  	s1 =	srdreg.scid  }
0x8b: {  	s0 =	sand.u32 $0x1, s1  }
0x8c: {  	s16 =	sshll.u32 s0, $0xA;
	s2 =	sadd.s32 s3, s2  }
0x8d: {  	s2 =	sadd.s32 s2, s16  }
0x8e: {  	[smem:$0x3FBF] =	sst s2  }
0x8f: {  	_ = 	snop  }
0x90: {  	(tm) =	ssettm $0x1  }
0x91: {  	s17 =	sld [smem:$0x3FFB];
	_ =	sdelay $0x3  }
0x92: {  	_ =	strace s17  }
0x93: {  	s2 =	sld [smem:$0x3FFC];
	_ =	sdelay $0x3  }
0x94: {  	_ =	strace s2  }
0x95: {  	s2 =	sld [smem:$0x3FFD];
	_ =	sdelay $0x3  }
0x96: {  	_ =	strace s2  }
0x97: {  	_ =	strace $0x8FFFFFFF  }
0x98: {  	s18 =	sld [smem:$0x3FDB];
	_ =	sdelay $0x1  }
0x99: {  	s19 =	simm.s32 $_scs_section_size  }
0x9a: {  	s4 =	simm.s32 $_size__tile_overlayer_lowered;
	s5 =	simm.s32 $_tile_overlayer_lowered  }
0x9b: {  	s22 =	simm.s32 $0x1BFF;
	s21 =	sshll.u32 s5, $0x1;
	s2 =	sadd.s32 s19, s18  }
0x9c: {  	s6 =	simm.s32 $0x0;
	s20 =	sshll.u32 s4, $0x1;
	s4 =	sadd.s32 s21, s2  }
0x9d: {  	[timem:s6], [sflag:s22] =	dma.local [hbm:s4], s20  }
0x9e: {  	_ =	swait.ge [sflag:s22], s20  }
0x9f: {  	s3 =	ssub.s32 $0x0, s20;
	[sflag:s22] =	ssyncset.done $0x0  }
0xa0: {  	[sflag:s22] =	ssyncadd.s32 s3;
	_ =	sdelay $0x1  }
0xa1: {  	s23 =	simm.s32 $0x1B8B  }
0xa2: {  	_ =	swait.ge [sflag:s23], $0x1  }
0xa3: {  	[sflag:s23] =	ssyncset.done $0x0  }
0xa4: {  	s25 =	simm.s32 $0x1B8E;
	s24 =	sld [smem:$0x3FFE];
	[sflag:s23] =	ssyncadd.s32 $0xFFFFFFFF  }
0xa5: {  	s26 =	simm.s32 $execute0_lowered;
	[smem:$0x3FD2] =	sst s25  }
0xa6: {  	s4 =	sshll.u32 s26, $0x1;
	_ =	strace $0x80000046;
	[dreg:$0x1] =	wrdreg $0xFFFFFFFF  }
0xa7: {  	s28 =	simm.s32 $_size_execute0_lowered;
	s2 =	sadd.s32 s2, s4;
	[dreg:$0x0] =	wrdreg $0x0  }
0xa8: {  	s4 =	sshll.u32 s28, $0x1;
	[dreg:$0x2] =	wrdreg s2  }
0xa9: {  	[dreg:$0x3] =	wrdreg s4  }
0xaa: {  	[dreg:$0x4] =	wrdreg $0xC0  }
0xab: {  	_ =	task [dreg:s6], $0x5FFFF  }
0xac: {  	[dreg:$0x1] =	wrdreg $0xFFFFFFFF  }
0xad: {  	[dreg:$0x0] =	wrdreg $0x60  }
0xae: {  	[dreg:$0x2] =	wrdreg s24  }
0xaf: {  	[dreg:$0x3] =	wrdreg $0x40800  }
0xb0: {  	[dreg:$0x4] =	wrdreg $0x9  }
0xb1: {  	_ =	task.clear_ibuf [dreg:s6], $0x5FFFF;
	_ =	strace $0x90000046  }
0xb2: {  	s29 =	simm.s32 $0x9;
	_ =	strace $0x80000048  }
0xb3: {  	_ =	swait.ge [sflag:s29], $0x1  }
0xb4: {  	[sflag:s29] =	ssyncadd.s32 $0xFFFFFFFF  }
0xb5: {  	_ =	strace $0x90000048  }
0xb6: {  	_ =	sfence  }
0xb7: {  	s30 =	sld [smem:$0x0];
	_ =	sdelay $0x2  }
0xb8: {  	s31 =	sshll.u32 s1, $0xD;
	s1 =	sshrl.u32 s1, $0x2  }
0xb9: {  	s3 =	sand.u32 $0x4000, s31;
	s1 =	sadd.s32 s1, s30  }
0xba: {  	s0 =	sor.u32 s3, s0;
	s1 =	sshll.u32 s1, $0x11  }
0xbb: {  	s0 =	sor.u32 s1, s0  }
0xbc: {  	s0 =	sadd.s32 $0x8F2B, s0  }
0xbd: {  	[sflag:s0] =	ssyncadd.remote.s32 $0x1  }
0xbe: {  	_ =	sfence.sel $0xFFFF  }
0xbf: {  	[dreg:$0x0] =	wrdreg $0xFFFFFFFF;
	(pc) =	sbr.abs _section_cstart, $3  }
0xc0: {  	[dreg:$0x1] =	wrdreg $0xFFFFFFFF  }
0xc1: {  	_ =	task.clear_ibuf [dreg:s6], $0x2FFFF;
	_ =	strace $0x9FFFFFFF  }
0xc2: {  	(tm) =	ssettm $0x7FFFFFFF  }
0xc3: {  	_ =	shalt  }
tec
execute0_lowered:
.L_overlay_start_1:
0x0: {  	(tag) =	ssettag $0x1  }
0x1: {  	s6 =	rddreg [dreg:$0x0];
	s3 =	srdreg.scid  }
0x2: {  	s1 =	rddreg [dreg:$0x1];
	s7 =	sand.u32 $0x1, s3  }
0x3: {  	s3 =	stileid.u32;
	s4 =	smul.u32 $0x5000, s7  }
0x4: {  	s0 =	rddreg [dreg:$0x2];
	s8 =	smul.u32 $0x4E000, s3  }
0x5: {  	s2 =	simm.s32 $0x0;
	s15 =	simm.s32 $0x0;
	s10 =	smul.u32 $0x27100, s7  }
0x6: {  	[smem:$0x7FF] =	sst s2;
	s5 =	sadd.s32 $0xC200, s6;
	s12 =	smul.u32 $0x2700, s3  }
0x7: {  	s14 =	sadd.s32 $0xF200, s6;
	s11 =	ssub.s32 $0x2, s7;
	s7 =	smul.u32 $0x138800, s7  }
0x8: {  	_ =	strace $0x80000047;
	s31 =	smul.u32 $0x500, s3;
	p0 =	seq.s32 s3, $0xF  }
0x9: {  	s13 =	sshrl.u32 s11, $0x1;
	s9 =	sadd.s32 s4, s6;
	s4 =	sadd.s32 $0xEA00, s6  }
0xa: {  	s8 =	sshrl.u32 s8, $0x2;
	s11 =	ssub.s32 s11, s13;
	s30 =	sadd.s32 s12, s10  }
0xb: {  	s7 =	sshrl.u32 s7, $0x3;
	s10 =	sadd.s32 $0x124800, s1;
	s13 =	sadd.s32 s8, s1  }
0xc: {  	s6 =	sadd.s32 s14, s30;
	s7 =	sadd.s32 s14, s7;
	s9 =	sadd.s32 s31, s9  }
0xd: {  	s8 =	smax.u32 s11, $0x1;
	s11 =	sshll.u32 @!p0 s3, $0x6;
	s10 =	sshrl.u32 @p0 s10, $0x3  }
0xe: {  	s14 =	simm.s32 $0x1;
	s7 =	sadd.s32 $0x24900, s7;
	s9 =	sadd.s32 $0x2200, s9  }
0xf: {  	s11 =	sor.u32 @!p0 $0x1C01, s11;
	s12 =	sshrl.u32 @!p0 s13, $0x3;
	s13 =	simm.s32 $0x80  }
.LBB2_1:
0x10: {  	s16 =	simm.s32 @p0 $0x1FC1  }
0x11: {  	[spmem:s10], [sflag:s16] =	dma.local @p0 [hbm:s5], $0x2800  }
0x12: {  	s16 =	simm.s32 @p0 $0x1  }
0x13: {  	_ =	swait.ge @p0 [sflag:s16], $0x2800  }
0x14: {  	[sflag:s16] =	ssyncset.done @p0 $0x0  }
0x15: {  	[sflag:s16] =	ssyncadd.s32 @p0 $0xFFFFD800;
	s16 =	simm.s32 @!p0 $0x1  }
0x16: {  	[spmem:s12], [sflag:s11] =	dma.local @!p0 [hbm:s5], $0x2700  }
0x17: {  	_ =	swait.ge @!p0 [sflag:s16], $0x2700  }
0x18: {  	[sflag:s16] =	ssyncset.done @!p0 $0x0  }
0x19: {  	[sflag:s16] =	ssyncadd.s32 @!p0 $0xFFFFD900  }
0x1a: {  	[tilespmem:s13], [sflag:$0x1] =	stream.linear.gather [hbm4b:s4+s2], $0x4000, $0x38;
	[tilespmem:$0x17940] =	vst v63  }
0x1b: {  	_ =	swait.ge [sflag:s14], $0x4000  }
0x1c: {  	[sflag:s14] =	ssyncset.done $0x0  }
0x1d: {  	[sflag:s14] =	ssyncadd.s32 $0xFFFFC000  }
0x1e: {  	s31 =	sadd.s32 $0x0, s9;
	[bflag:$0x0] =	sbarrier.arrive $0xFFFF  }
0x1f: {  	[tilespmem:s2], [sflag:$0x1] =	stream.linear.gather [hbm4b:s31+s2], $0x80, $0x38;
	[tilespmem:$0x17940] =	vst v63  }
0x20: {  	_ =	swait.ge [sflag:s14], $0x80  }
0x21: {  	[sflag:s14] =	ssyncset.done $0x0  }
0x22: {  	[sflag:s14] =	ssyncadd.s32 $0xFFFFFF80  }
0x23: {  	[spmem:s1] =	stream.indirect.scatter.add.f32 [tilespmem:s13], [sflag:$0x1], $0x80, s2, s13, $0xb8;
	[tilespmem:$0x17940] =	vst v63  }
0x24: {  	_ =	swait.ge [sflag:s14], $0x4000  }
0x25: {  	s17 =	simm.s32 $0x20;
	s16 =	simm.s32 $0x10;
	[sflag:s14] =	ssyncset.done $0x0  }
.LBB2_2:
0x26: {  	s18 =	sadd.s32 s16, s9  }
0x27: {  	[sflag:s14] =	ssyncadd.s32 $0xFFFFC000;
	s16 =	smov.u32 s17;
	s19 =	sadd.s32 $0x10, s17  }
0x28: {  	[tilespmem:s2], [sflag:$0x1] =	stream.linear.gather [hbm4b:s18+s2], $0x80, $0x38;
	[tilespmem:$0x17940] =	vst v63  }
0x29: {  	p1 =	sne.s32 s17, $0x4F0;
	_ =	swait.ge [sflag:s14], $0x80  }
.Ltmp0:
0x2a: {  	[sflag:s14] =	ssyncset.done $0x0;
	(pc) =	sbr.rel @p1 .LBB2_2-.Ltmp0, $4  }
0x2b: {  	[sflag:s14] =	ssyncadd.s32 $0xFFFFFF80  }
0x2c: {  	[spmem:s1] =	stream.indirect.scatter.add.f32 [tilespmem:s13], [sflag:$0x1], $0x80, s2, s13, $0xb8;
	[tilespmem:$0x17940] =	vst v63  }
0x2d: {  	_ =	swait.ge [sflag:s14], $0x4000  }
0x2e: {  	s17 =	smov.u32 s19;
	[sflag:s14] =	ssyncset.done $0x0  }
0x2f: {  	s16 =	sadd.s32 s16, s9;
	[sflag:s14] =	ssyncadd.s32 $0xFFFFC000  }
0x30: {  	[tilespmem:s2], [sflag:$0x1] =	stream.linear.gather [hbm4b:s16+s2], $0x80, $0x38;
	[tilespmem:$0x17940] =	vst v63  }
0x31: {  	_ =	swait.ge [sflag:s14], $0x80  }
0x32: {  	[sflag:s14] =	ssyncset.done $0x0  }
0x33: {  	[sflag:s14] =	ssyncadd.s32 $0xFFFFFF80  }
0x34: {  	[spmem:s1] =	stream.indirect.scatter.add.f32 [tilespmem:s13], [sflag:$0x1], $0x80, s2, s13, $0xb8;
	[tilespmem:$0x17940] =	vst v63  }
0x35: {  	_ =	swait.ge [sflag:s14], $0x4000  }
0x36: {  	[sflag:s14] =	ssyncset.done $0x0  }
0x37: {  	[sflag:s14] =	ssyncadd.s32 $0xFFFFC000  }
0x38: {  	s16 =	simm.s32 @p0 $0x1FC1;
	[bflag:$0x0] =	sbarrier.arrive $0xFFFF  }
0x39: {  	[hbm:s7], [sflag:s16] =	dma.local @p0 [spmem:s10], $0x2800  }
0x3a: {  	s16 =	simm.s32 @p0 $0x1  }
0x3b: {  	s15 =	sadd.s32 $0x1, s15;
	_ =	swait.ge @p0 [sflag:s16], $0x2800  }
0x3c: {  	p1 =	sne.s32 s15, s8;
	[sflag:s16] =	ssyncset.done @p0 $0x0  }
.Ltmp1:
0x3d: {  	[sflag:s16] =	ssyncadd.s32 @p0 $0xFFFFD800;
	s16 =	simm.s32 @!p0 $0x1;
	(pc) =	sbr.rel @p1 .LBB2_1-.Ltmp1, $4  }
0x3e: {  	[hbm:s6], [sflag:s11] =	dma.local @!p0 [spmem:s12], $0x2700  }
0x3f: {  	_ =	swait.ge @!p0 [sflag:s16], $0x2700  }
0x40: {  	[sflag:s16] =	ssyncset.done @!p0 $0x0  }
0x41: {  	[sflag:s16] =	ssyncadd.s32 @!p0 $0xFFFFD900  }
0x42: {  	_ =	sfence.sel $0x180000  }
0x43: {  	[bflag:$0x0] =	sbarrier.arrive $0xFFFF  }
0x44: {  	p0 =	sne.s32 s3, $0x0;
	_ =	strace $0x90000047  }
0x45: {  	s0 =	sadd.s32 @!p0 $0x100000, s0;
	[bflag:$0x2] =	sbarrier.arrive $0xFFFF  }
0x46: {  	[sflag:s0] =	ssyncadd.tile.s32 @!p0 $0x1;
	_ =	shalt  }
.Lfunc_end2:
_tile_overlayer_lowered:
.L_overlay_start_2:
0x47: {  	(tag) =	ssettag $0x2  }
0x48: {  	s0 =	rddreg [dreg:$0x0];
	s2 =	stileid.u32  }
0x49: {  	s1 =	rddreg [dreg:$0x1];
	p0 =	sne.s32 s2, $0x0  }
0x4a: {  	s3 =	rddreg [dreg:$0x2];
	[bflag:$0x3] =	sbarrier.arrive $0xFFFF;
	s2 =	simm.s32 @!p0 $0x1C01  }
0x4b: {  	[timem:s3], [sflag:s2] =	dma.local @!p0 [hbm:s0], s1  }
0x4c: {  	s0 =	simm.s32 @!p0 $0x1  }
0x4d: {  	_ =	swait.ge @!p0 [sflag:s0], s1  }
0x4e: {  	s1 =	ssub.s32 @!p0 $0x0, s1;
	[sflag:s0] =	ssyncset.done @!p0 $0x0  }
0x4f: {  	[sflag:s0] =	ssyncadd.s32 @!p0 s1  }
0x50: {  	[bflag:$0x3] =	sbarrier.arrive $0xFFFF  }
0x51: {  	_ =	shalt  }

</sc_bundles>
